<compile_context>
chip_gen: v7x
topology: tpu7x:2x2x1
jax: 0.10.2.dev20260603
libtpu: 0.0.44.dev20260713+nightly
codegen_flags: <defaults>
</compile_context>

<pallas_src>
import functools

import jax
import jax.numpy as jnp
from jax import lax
from jax.experimental import pallas as pl
from jax.experimental.pallas import tpu as pltpu
from jax.experimental.pallas import tpu_sc as plsc

N, L, K, D = 8, 1024, 48, 128
NL = N * L
NLK = NL * K
LBLK = 256
CBLK = 128
NWORKERS = 32
CH = 128

_dot = functools.partial(
    jnp.dot, precision=lax.Precision.HIGHEST, preferred_element_type=jnp.float32
)


def _knn_body(ca_i_ref, caT_ref, seq_ref, ws_ref, wab_ref,
              idx_ref, rbf_ref, h0_ref, p_ref, g_ref):
    b = pl.program_id(0)
    n_off = (b // (L // LBLK)) * L
    d2 = jnp.zeros((LBLK, L), jnp.float32)
    for c in range(3):
        xi = ca_i_ref[:, c : c + 1]
        xj = caT_ref[0, c : c + 1, :]
        diff = xi - xj
        d2 = d2 + diff * diff
    jidx = lax.broadcasted_iota(jnp.int32, (LBLK, L), 1)
    keys = (lax.bitcast_convert_type(d2, jnp.int32) & jnp.int32(~1023)) | jidx
    idx_cols = []
    d_cols = []
    for _ in range(K):
        m = jnp.min(keys, axis=1, keepdims=True)
        idx_cols.append(m & 1023)
        d_cols.append(lax.bitcast_convert_type(m & jnp.int32(~1023), jnp.float32))
        keys = jnp.where(keys == m, jnp.int32(2**31 - 1), keys)
    idxs = jnp.concatenate(idx_cols, axis=1)
    dsel = jnp.sqrt(jnp.concatenate(d_cols, axis=1) + 1e-6)
    idx_ref[...] = idxs + n_off
    mu = 2.0 + (20.0 / 15.0) * lax.broadcasted_iota(
        jnp.int32, (LBLK, K, 16), 2
    ).astype(jnp.float32)
    z = (dsel[:, :, None] - mu) * (1.0 / 1.25)
    rbf_ref[...] = jnp.exp(-(z * z))
    s = seq_ref[...]
    oh = jnp.where(
        s == lax.broadcasted_iota(jnp.int32, (LBLK, 32), 1),
        jnp.float32(1.0),
        jnp.float32(0.0),
    )
    h0 = _dot(oh, ws_ref[...])
    h0_ref[...] = h0
    wab = wab_ref[0]
    p_ref[...] = _dot(h0, wab[:D])
    g_ref[...] = _dot(h0, wab[D:])


def _combine_body(has_next, gj_ref, rbf_ref, p_ref, h_ref, we_ref, w1c_ref,
                  w2_ref, *rest):
    if has_next:
        wabn_ref, out_ref, pn_ref, gn_ref = rest
    else:
        (out_ref,) = rest
    u = _dot(we_ref[...], w1c_ref[0])
    r = rbf_ref[...].reshape(CBLK * K, 16)
    f = jnp.dot(
        r.astype(jnp.bfloat16),
        u.astype(jnp.bfloat16),
        preferred_element_type=jnp.float32,
    )
    a = (gj_ref[...].astype(jnp.float32) + f).reshape(CBLK, K, D) + p_ref[...][:, None, :]
    s = jnp.maximum(a, 0.0).sum(axis=1) * (1.0 / K)
    x = h_ref[...] + _dot(s, w2_ref[0])
    m = jnp.mean(x, axis=1, keepdims=True)
    xc = x - m
    var = jnp.mean(xc * xc, axis=1, keepdims=True)
    hn = xc / jnp.sqrt(var + 1e-5)
    out_ref[...] = hn
    if has_next:
        wab = wabn_ref[0]
        pn_ref[...] = _dot(hn, wab[:D])
        gn_ref[...] = _dot(hn, wab[D:])


def _out_body(tok_ref, h_ref, wout_ref, out_ref):
    n = pl.program_id(0)
    row = h_ref[0, pl.ds(tok_ref[n], 1), :]
    logits = _dot(row, wout_ref[...])
    lane = lax.broadcasted_iota(jnp.int32, (1, D), 1)
    logits = jnp.where(lane < 20, logits, jnp.float32(-3.0e38))
    mx = jnp.max(logits, axis=1, keepdims=True)
    e = jnp.exp(logits - mx)
    out_ref[0] = e / jnp.sum(e, axis=1, keepdims=True)


def _sc_gather(idx_flat, table, half):
    nrows = NLK // 2
    per_w = nrows // NWORKERS
    mesh = plsc.VectorSubcoreMesh(core_axis_name="c", subcore_axis_name="s")

    @functools.partial(
        pl.kernel,
        out_type=jax.ShapeDtypeStruct((nrows, D), jnp.float32),
        mesh=mesh,
        scratch_types=[
            pltpu.VMEM((2, CH), jnp.int32),
            pltpu.VMEM((2, CH, D), jnp.float32),
            pltpu.SemaphoreType.DMA,
            pltpu.SemaphoreType.DMA,
            pltpu.SemaphoreType.DMA,
            pltpu.SemaphoreType.DMA,
            pltpu.SemaphoreType.DMA,
            pltpu.SemaphoreType.DMA,
        ],
    )
    def gather_k(idx_hbm, tab_hbm, out_hbm, idx_v, rows_v, semi0, semi1,
                 semg0, semg1, semo0, semo1):
        wid = lax.axis_index("s") * 2 + lax.axis_index("c")
        base = wid * per_w
        ibase = half * nrows + base
        semi = (semi0, semi1)
        semg = (semg0, semg1)
        semo = (semo0, semo1)
        nch = per_w // CH

        def idx_cp(j, b):
            return pltpu.make_async_copy(
                idx_hbm.at[pl.ds(ibase + j * CH, CH)], idx_v.at[b], semi[b]
            )

        def gat_cp(b):
            return pltpu.make_async_copy(
                tab_hbm.at[idx_v.at[b]], rows_v.at[b], semg[b]
            )

        def out_cp(j, b):
            return pltpu.make_async_copy(
                rows_v.at[b], out_hbm.at[pl.ds(base + j * CH, CH)], semo[b]
            )

        idx_cp(0, 0).start()

        def body(i, carry):
            j0 = 2 * i
            idx_cp(j0, 0).wait()
            idx_cp(j0 + 1, 1).start()

            @pl.when(i > 0)
            def _():
                out_cp(j0 - 2, 0).wait()

            gat_cp(0).start()
            gat_cp(0).wait()
            out_cp(j0, 0).start()

            idx_cp(j0 + 1, 1).wait()

            @pl.when(i < nch // 2 - 1)
            def _():
                idx_cp(j0 + 2, 0).start()

            @pl.when(i > 0)
            def _():
                out_cp(j0 - 1, 1).wait()

            gat_cp(1).start()
            gat_cp(1).wait()
            out_cp(j0 + 1, 1).start()
            return carry

        lax.fori_loop(0, nch // 2, body, 0)
        out_cp(nch - 2, 0).wait()
        out_cp(nch - 1, 1).wait()

    return gather_k(idx_flat, table)


def kernel(struct, seq, token_to_decode, W_e, W_s, W1, W2, W_out):
    ca = struct[:, :, 1, :]
    ca_flat = ca.reshape(NL, 3)
    caT = jnp.transpose(ca, (0, 2, 1))
    seq_col = seq.reshape(NL, 1).astype(jnp.int32)
    ws_pad = jnp.zeros((32, D), jnp.float32).at[:21].set(W_s)
    wout_pad = jnp.zeros((D, D), jnp.float32).at[:, :21].set(W_out)

    idx, rbf, h, p, g = pl.pallas_call(
        _knn_body,
        grid=(NL // LBLK,),
        in_specs=[
            pl.BlockSpec((LBLK, 3), lambda b: (b, 0)),
            pl.BlockSpec((1, 3, L), lambda b: (b // (L // LBLK), 0, 0)),
            pl.BlockSpec((LBLK, 1), lambda b: (b, 0)),
            pl.BlockSpec((32, D), lambda b: (0, 0)),
            pl.BlockSpec((1, 2 * D, D), lambda b: (0, 0, 0)),
        ],
        out_specs=[
            pl.BlockSpec((LBLK, K), lambda b: (b, 0)),
            pl.BlockSpec((LBLK, K, 16), lambda b: (b, 0, 0)),
            pl.BlockSpec((LBLK, D), lambda b: (b, 0)),
            pl.BlockSpec((LBLK, D), lambda b: (b, 0)),
            pl.BlockSpec((LBLK, D), lambda b: (b, 0)),
        ],
        out_shape=[
            jax.ShapeDtypeStruct((NL, K), jnp.int32),
            jax.ShapeDtypeStruct((NL, K, 16), jnp.float32),
            jax.ShapeDtypeStruct((NL, D), jnp.float32),
            jax.ShapeDtypeStruct((NL, D), jnp.float32),
            jax.ShapeDtypeStruct((NL, D), jnp.float32),
        ],
    )(ca_flat, caT, seq_col, ws_pad, W1)
    idx_flat = idx.reshape(NLK)

    NLH = NL // 2
    h = (h, h)
    p = (p, p)

    def combine_half(l, half, gj, ph, hh, row_off):
        has_next = l < 2
        rbf_off = half * (NLH // CBLK)
        in_specs = [
            pl.BlockSpec((CBLK * K, D), lambda b: (b, 0)),
            pl.BlockSpec((CBLK, K, 16), lambda b, _o=rbf_off: (b + _o, 0, 0)),
            pl.BlockSpec((CBLK, D), lambda b, _o=row_off: (b + _o, 0)),
            pl.BlockSpec((CBLK, D), lambda b, _o=row_off: (b + _o, 0)),
            pl.BlockSpec((16, D), lambda b: (0, 0)),
            pl.BlockSpec((1, D, D), lambda b, _l=l: (_l, 2, 0)),
            pl.BlockSpec((1, D, D), lambda b, _l=l: (_l, 0, 0)),
        ]
        operands = [gj, rbf, ph, hh, W_e, W1, W2]
        out_specs = [pl.BlockSpec((CBLK, D), lambda b: (b, 0))]
        out_shape = [jax.ShapeDtypeStruct((NLH, D), jnp.float32)]
        if has_next:
            in_specs.append(
                pl.BlockSpec((1, 2 * D, D), lambda b, _l=l: (_l + 1, 0, 0))
            )
            operands.append(W1)
            out_specs += [pl.BlockSpec((CBLK, D), lambda b: (b, 0))] * 2
            out_shape += [jax.ShapeDtypeStruct((NLH, D), jnp.float32)] * 2
        res = pl.pallas_call(
            functools.partial(_combine_body, has_next),
            grid=(NLH // CBLK,),
            in_specs=in_specs,
            out_specs=out_specs,
            out_shape=out_shape,
        )(*operands)
        return res if has_next else (res[0], None, None)

    for l in range(3):
        gj0 = _sc_gather(idx_flat, g, 0)
        gj1 = _sc_gather(idx_flat, g, 1)
        off0 = 0
        off1 = NLH // CBLK if l == 0 else 0
        h0, p0, g0 = combine_half(l, 0, gj0, p[0], h[0], off0)
        h1, p1, g1 = combine_half(l, 1, gj1, p[1], h[1], off1)
        h, p = (h0, h1), (p0, p1)
        if l < 2:
            g = jnp.concatenate([g0, g1], axis=0)
    h = jnp.concatenate([h[0], h[1]], axis=0)

    out = pl.pallas_call(
        _out_body,
        grid_spec=pltpu.PrefetchScalarGridSpec(
            num_scalar_prefetch=1,
            grid=(N,),
            in_specs=[
                pl.BlockSpec((1, L, D), lambda n, tok: (n, 0, 0)),
                pl.BlockSpec((D, D), lambda n, tok: (0, 0)),
            ],
            out_specs=pl.BlockSpec((1, 1, D), lambda n, tok: (n, 0, 0)),
        ),
        out_shape=jax.ShapeDtypeStruct((N, 1, D), jnp.float32),
    )(token_to_decode.astype(jnp.int32), h.reshape(N, L, D), wout_pad)
    return out.reshape(N, D)[:, :20]

# --- scband reference (transcript-rebuilt; emitter-appended) ---
"""Pipeline reference for scband-bayes-design-38534446580233 (READ-ONLY COPY).

The authoritative reference and input builder live on the scoring server;
editing this copy changes nothing except your own understanding.
"""

import jax, jax.numpy as jnp
import numpy as np

N, L, K, D, V, NLAYERS = 8, 1024, 48, 128, 21, 3

def setup_inputs(seed: int = 0):
    key = jax.random.key(seed)
    ks = jax.random.split(key, 8)
    struct = jax.random.normal(ks[0], (N, L, 4, 3), dtype=jnp.float32) * 10.0
    seq = jax.random.randint(ks[1], (N, L), 0, V)
    token_to_decode = jax.random.randint(ks[2], (N,), 0, L)
    W_e = jax.random.normal(ks[3], (16, D), dtype=jnp.float32) * 0.1
    W_s = jax.random.normal(ks[4], (V, D), dtype=jnp.float32) * 0.1
    W1 = jax.random.normal(ks[5], (NLAYERS, 3 * D, D), dtype=jnp.float32) * 0.05
    W2 = jax.random.normal(ks[6], (NLAYERS, D, D), dtype=jnp.float32) * 0.05
    W_out = jax.random.normal(ks[7], (D, V), dtype=jnp.float32) * 0.05
    return {"struct": struct, "seq": seq, "token_to_decode": token_to_decode,
            "W_e": W_e, "W_s": W_s, "W1": W1, "W2": W2, "W_out": W_out}

def _layer_norm(x):
    mu = jnp.mean(x, axis=-1, keepdims=True)
    var = jnp.var(x, axis=-1, keepdims=True)
    return (x - mu) / jnp.sqrt(var + 1e-5)

def reference(struct, seq, token_to_decode, W_e, W_s, W1, W2, W_out):
    # ProteinMPNN-style structure-conditioned model core (p(seq|struct)).
    ca = struct[:, :, 1, :]                                   # CA atoms [N,L,3]
    d2 = jnp.sum((ca[:, :, None, :] - ca[:, None, :, :]) ** 2, axis=-1)
    Dmat = jnp.sqrt(d2 + 1e-6)                                # [N,L,L]
    neg_top, idx = jax.lax.top_k(-Dmat, K)                    # kNN graph, idx [N,L,K]
    d_nb = -neg_top
    mu = jnp.linspace(2.0, 22.0, 16)
    sigma = (22.0 - 2.0) / 16.0
    rbf = jnp.exp(-(((d_nb[..., None] - mu) / sigma) ** 2))   # [N,L,K,16]
    E = rbf @ W_e                                             # edge features [N,L,K,D]
    h = jnp.take(W_s, seq, axis=0)                            # sequence embedding gather [N,L,D]
    b = jnp.arange(N)[:, None, None]
    for l in range(NLAYERS):
        h_j = h[b, idx]                                       # neighbor gather [N,L,K,D]
        h_i = jnp.broadcast_to(h[:, :, None, :], h_j.shape)
        m = jnp.concatenate([h_i, h_j, E], axis=-1)           # [N,L,K,3D]
        m = jax.nn.relu(m @ W1[l]) @ W2[l]                    # edge MLP
        h = _layer_norm(h + jnp.mean(m, axis=2))              # aggregate messages
    logits = h @ W_out                                        # [N,L,21]
    probs = jax.nn.softmax(logits, axis=-1)
    probs = probs[:, :, :-1]                                  # drop 'X' token
    probs = probs / jnp.sum(probs, axis=-1, keepdims=True)
    return probs[jnp.arange(N), token_to_decode]              # [N,20]

if __name__ == "__main__":
    import jax
    _d = setup_inputs()
    print(jax.jit(kernel)(*tuple(_d.values())))

</pallas_src>

<mosaic_0001>
#map = affine_map<(d0, d1) -> (0)>
#map1 = affine_map<(d0, d1) -> (0, 0)>
module attributes {stable_mosaic.version = 14 : i64} {
  func.func @gather_k(%arg0: i32, %arg1: i32, %arg2: memref<393216xi32, #tpu.memory_space<hbm>>, %arg3: memref<8192x128xf32, #tpu.memory_space<hbm>>, %arg4: memref<196608x128xf32, #tpu.memory_space<hbm>>, %arg5: memref<2x128xi32, #tpu.memory_space<vmem>>, %arg6: memref<2x128x128xf32, #tpu.memory_space<vmem>>, %arg7: memref<!tpu.dma_semaphore, #tpu.memory_space<semaphore_mem>>, %arg8: memref<!tpu.dma_semaphore, #tpu.memory_space<semaphore_mem>>, %arg9: memref<!tpu.dma_semaphore, #tpu.memory_space<semaphore_mem>>, %arg10: memref<!tpu.dma_semaphore, #tpu.memory_space<semaphore_mem>>, %arg11: memref<!tpu.dma_semaphore, #tpu.memory_space<semaphore_mem>>, %arg12: memref<!tpu.dma_semaphore, #tpu.memory_space<semaphore_mem>>) attributes {dimension_semantics = [#tpu.dimension_semantics<core_parallel>, #tpu.dimension_semantics<subcore_parallel>], iteration_bounds = array<i64: 2, 16>, scalar_prefetch = 0 : i64, scratch_operands = 8 : i64, tpu.core_type = #tpu.core_type<sc_vector_subcore>, window_params = [{transform_indices = #map}, {transform_indices = #map1}, {transform_indices = #map1}]} {
    %mul3A = arith.constant 2 : i32
    %mul3A_0 = arith.muli %arg1, %mul3A : i32
    %add3A = arith.addi %mul3A_0, %arg0 : i32
    %mul3A_1 = arith.constant 6144 : i32
    %mul3A_2 = arith.muli %add3A, %mul3A_1 : i32
    %add3A_3 = arith.constant 0 : i32
    %add3A_4 = arith.addi %add3A_3, %mul3A_2 : i32
    %add3A_5 = arith.constant 0 : i32
    %add3A_6 = arith.addi %add3A_4, %add3A_5 : i32
    %dma_start3A = arith.constant 0 : i32
    %dma_start3A_7 = arith.constant 0 : i32
    %dma_start3A_8 = tpu.memref_slice %arg5[%dma_start3A, %dma_start3A_7] : memref<2x128xi32, #tpu.memory_space<vmem>> -> memref<1x128xi32, #tpu.memory_space<vmem>>
    %dma_start3A_9 = tpu.memref_squeeze %dma_start3A_8 : memref<1x128xi32, #tpu.memory_space<vmem>> -> memref<128xi32, #tpu.memory_space<vmem>>
    %dma_start3A_10 = tpu.memref_slice %arg2[%add3A_6] : memref<393216xi32, #tpu.memory_space<hbm>> -> memref<128xi32, #tpu.memory_space<hbm>>
    %dma_start3A_11 = arith.constant 0 : i32
    %dma_start3A_12 = tpu.memref_slice %arg5[%dma_start3A, %dma_start3A_11] : memref<2x128xi32, #tpu.memory_space<vmem>> -> memref<1x128xi32, #tpu.memory_space<vmem>>
    %dma_start3A_13 = tpu.memref_squeeze %dma_start3A_12 : memref<1x128xi32, #tpu.memory_space<vmem>> -> memref<128xi32, #tpu.memory_space<vmem>>
    %dma_start3A_14 = tpu.memref_slice %arg2[%add3A_6] : memref<393216xi32, #tpu.memory_space<hbm>> -> memref<128xi32, #tpu.memory_space<hbm>>
    tpu.enqueue_dma source(%dma_start3A_14 : memref<128xi32, #tpu.memory_space<hbm>>) target(%dma_start3A_13 : memref<128xi32, #tpu.memory_space<vmem>>) target_semaphore(%arg7 : memref<!tpu.dma_semaphore, #tpu.memory_space<semaphore_mem>>)
    %scan3A = arith.constant 0 : i32
    %scan3A_15 = arith.constant 0 : i32
    %scan3A_16 = arith.constant 24 : i32
    %scan3A_17 = arith.addi %scan3A_15, %scan3A_16 : i32
    %scan3A_18 = arith.constant 1 : i32
    scf.for %scan3A_49 = %scan3A_15 to %scan3A_17 step %scan3A_18  : i32 {
      %mul3A_50 = arith.constant 2 : i32
      %mul3A_51 = arith.muli %mul3A_50, %scan3A_49 : i32
      %mul3A_52 = arith.constant 128 : i32
      %mul3A_53 = arith.muli %mul3A_51, %mul3A_52 : i32
      %add3A_54 = arith.addi %add3A_4, %mul3A_53 : i32
      %dma_wait3A_55 = arith.constant 0 : i32
      %dma_wait3A_56 = arith.constant 0 : i32
      %dma_wait3A_57 = tpu.memref_slice %arg5[%dma_wait3A_55, %dma_wait3A_56] : memref<2x128xi32, #tpu.memory_space<vmem>> -> memref<1x128xi32, #tpu.memory_space<vmem>>
      %dma_wait3A_58 = tpu.memref_squeeze %dma_wait3A_57 : memref<1x128xi32, #tpu.memory_space<vmem>> -> memref<128xi32, #tpu.memory_space<vmem>>
      %dma_wait3A_59 = tpu.memref_slice %arg2[%add3A_54] : memref<393216xi32, #tpu.memory_space<hbm>> -> memref<128xi32, #tpu.memory_space<hbm>>
      %dma_wait3A_60 = arith.constant 0 : i32
      %dma_wait3A_61 = tpu.memref_slice %arg5[%dma_wait3A_55, %dma_wait3A_60] : memref<2x128xi32, #tpu.memory_space<vmem>> -> memref<1x128xi32, #tpu.memory_space<vmem>>
      %dma_wait3A_62 = tpu.memref_squeeze %dma_wait3A_61 : memref<1x128xi32, #tpu.memory_space<vmem>> -> memref<128xi32, #tpu.memory_space<vmem>>
      %dma_wait3A_63 = tpu.memref_slice %arg2[%add3A_54] : memref<393216xi32, #tpu.memory_space<hbm>> -> memref<128xi32, #tpu.memory_space<hbm>>
      tpu.wait_dma2 semaphore(%arg7 : memref<!tpu.dma_semaphore, #tpu.memory_space<semaphore_mem>>) src(%dma_wait3A_63 : memref<128xi32, #tpu.memory_space<hbm>>) dst(%dma_wait3A_62 : memref<128xi32, #tpu.memory_space<vmem>>)
      %add3A_64 = arith.constant 1 : i32
      %add3A_65 = arith.addi %mul3A_51, %add3A_64 : i32
      %mul3A_66 = arith.constant 128 : i32
      %mul3A_67 = arith.muli %add3A_65, %mul3A_66 : i32
      %add3A_68 = arith.addi %add3A_4, %mul3A_67 : i32
      %dma_start3A_69 = arith.constant 1 : i32
      %dma_start3A_70 = arith.constant 0 : i32
      %dma_start3A_71 = tpu.memref_slice %arg5[%dma_start3A_69, %dma_start3A_70] : memref<2x128xi32, #tpu.memory_space<vmem>> -> memref<1x128xi32, #tpu.memory_space<vmem>>
      %dma_start3A_72 = tpu.memref_squeeze %dma_start3A_71 : memref<1x128xi32, #tpu.memory_space<vmem>> -> memref<128xi32, #tpu.memory_space<vmem>>
      %dma_start3A_73 = tpu.memref_slice %arg2[%add3A_68] : memref<393216xi32, #tpu.memory_space<hbm>> -> memref<128xi32, #tpu.memory_space<hbm>>
      %dma_start3A_74 = arith.constant 0 : i32
      %dma_start3A_75 = tpu.memref_slice %arg5[%dma_start3A_69, %dma_start3A_74] : memref<2x128xi32, #tpu.memory_space<vmem>> -> memref<1x128xi32, #tpu.memory_space<vmem>>
      %dma_start3A_76 = tpu.memref_squeeze %dma_start3A_75 : memref<1x128xi32, #tpu.memory_space<vmem>> -> memref<128xi32, #tpu.memory_space<vmem>>
      %dma_start3A_77 = tpu.memref_slice %arg2[%add3A_68] : memref<393216xi32, #tpu.memory_space<hbm>> -> memref<128xi32, #tpu.memory_space<hbm>>
      tpu.enqueue_dma source(%dma_start3A_77 : memref<128xi32, #tpu.memory_space<hbm>>) target(%dma_start3A_76 : memref<128xi32, #tpu.memory_space<vmem>>) target_semaphore(%arg8 : memref<!tpu.dma_semaphore, #tpu.memory_space<semaphore_mem>>)
      %gt3A = arith.constant 0 : i32
      %gt3A_78 = arith.cmpi sgt, %scan3A_49, %gt3A : i32
      %convert_element_type3A = arith.extui %gt3A_78 : i1 to i32
      %cond3A = arith.constant 0 : i32
      %cond3A_79 = arith.cmpi ne, %convert_element_type3A, %cond3A : i32
      scf.if %cond3A_79 {
        %sub3A = arith.constant 2 : i32
        %sub3A_185 = arith.subi %mul3A_51, %sub3A : i32
        %mul3A_186 = arith.constant 128 : i32
        %mul3A_187 = arith.muli %sub3A_185, %mul3A_186 : i32
        %add3A_188 = arith.addi %mul3A_2, %mul3A_187 : i32
        %dma_wait3A_189 = arith.constant 0 : i32
        %dma_wait3A_190 = arith.constant 0 : i32
        %dma_wait3A_191 = arith.constant 0 : i32
        %dma_wait3A_192 = tpu.memref_slice %arg6[%dma_wait3A_189, %dma_wait3A_190, %dma_wait3A_191] : memref<2x128x128xf32, #tpu.memory_space<vmem>> -> memref<1x128x128xf32, #tpu.memory_space<vmem>>
        %dma_wait3A_193 = tpu.memref_squeeze %dma_wait3A_192 : memref<1x128x128xf32, #tpu.memory_space<vmem>> -> memref<128x128xf32, #tpu.memory_space<vmem>>
        %dma_wait3A_194 = arith.constant 0 : i32
        %dma_wait3A_195 = tpu.memref_slice %arg4[%add3A_188, %dma_wait3A_194] : memref<196608x128xf32, #tpu.memory_space<hbm>> -> memref<128x128xf32, #tpu.memory_space<hbm>>
        %dma_wait3A_196 = arith.constant 0 : i32
        %dma_wait3A_197 = tpu.memref_slice %arg4[%add3A_188, %dma_wait3A_196] : memref<196608x128xf32, #tpu.memory_space<hbm>> -> memref<128x128xf32, #tpu.memory_space<hbm>>
        %dma_wait3A_198 = arith.constant 0 : i32
        %dma_wait3A_199 = arith.constant 0 : i32
        %dma_wait3A_200 = tpu.memref_slice %arg6[%dma_wait3A_189, %dma_wait3A_198, %dma_wait3A_199] : memref<2x128x128xf32, #tpu.memory_space<vmem>> -> memref<1x128x128xf32, #tpu.memory_space<vmem>>
        %dma_wait3A_201 = tpu.memref_squeeze %dma_wait3A_200 : memref<1x128x128xf32, #tpu.memory_space<vmem>> -> memref<128x128xf32, #tpu.memory_space<vmem>>
        tpu.wait_dma2 semaphore(%arg11 : memref<!tpu.dma_semaphore, #tpu.memory_space<semaphore_mem>>) src(%dma_wait3A_201 : memref<128x128xf32, #tpu.memory_space<vmem>>) dst(%dma_wait3A_197 : memref<128x128xf32, #tpu.memory_space<hbm>>)
      } else {
      }
      %dma_start3A_80 = arith.constant 0 : i32
      %dma_start3A_81 = arith.constant 0 : i32
      %dma_start3A_82 = arith.constant 0 : i32
      %dma_start3A_83 = arith.constant 0 : i32
      %dma_start3A_84 = tpu.memref_slice %arg6[%dma_start3A_81, %dma_start3A_82, %dma_start3A_83] : memref<2x128x128xf32, #tpu.memory_space<vmem>> -> memref<1x128x128xf32, #tpu.memory_space<vmem>>
      %dma_start3A_85 = tpu.memref_squeeze %dma_start3A_84 : memref<1x128x128xf32, #tpu.memory_space<vmem>> -> memref<128x128xf32, #tpu.memory_space<vmem>>
      %dma_start3A_86 = arith.constant 0 : i32
      %dma_start3A_87 = tpu.memref_slice %arg5[%dma_start3A_80, %dma_start3A_86] : memref<2x128xi32, #tpu.memory_space<vmem>> -> memref<1x128xi32, #tpu.memory_space<vmem>>
      %dma_start3A_88 = tpu.memref_squeeze %dma_start3A_87 : memref<1x128xi32, #tpu.memory_space<vmem>> -> memref<128xi32, #tpu.memory_space<vmem>>
      %dma_start3A_89 = arith.constant 0 : i32
      %dma_start3A_90 = arith.constant 0 : i32
      %dma_start3A_91 = tpu.memref_slice %arg3[%dma_start3A_89, %dma_start3A_90] : memref<8192x128xf32, #tpu.memory_space<hbm>> -> memref<8192x128xf32, #tpu.memory_space<hbm>>
      tpu.enqueue_indirect_dma source(%dma_start3A_91 : memref<8192x128xf32, #tpu.memory_space<hbm>>) target(%dma_start3A_85 : memref<128x128xf32, #tpu.memory_space<vmem>>) offsets(%dma_start3A_88 : memref<128xi32, #tpu.memory_space<vmem>>) semaphore(%arg9 : memref<!tpu.dma_semaphore, #tpu.memory_space<semaphore_mem>>)
      %dma_wait3A_92 = arith.constant 0 : i32
      %dma_wait3A_93 = arith.constant 0 : i32
      %dma_wait3A_94 = arith.constant 0 : i32
      %dma_wait3A_95 = arith.constant 0 : i32
      %dma_wait3A_96 = tpu.memref_slice %arg6[%dma_wait3A_93, %dma_wait3A_94, %dma_wait3A_95] : memref<2x128x128xf32, #tpu.memory_space<vmem>> -> memref<1x128x128xf32, #tpu.memory_space<vmem>>
      %dma_wait3A_97 = tpu.memref_squeeze %dma_wait3A_96 : memref<1x128x128xf32, #tpu.memory_space<vmem>> -> memref<128x128xf32, #tpu.memory_space<vmem>>
      %dma_wait3A_98 = arith.constant 0 : i32
      %dma_wait3A_99 = tpu.memref_slice %arg5[%dma_wait3A_92, %dma_wait3A_98] : memref<2x128xi32, #tpu.memory_space<vmem>> -> memref<1x128xi32, #tpu.memory_space<vmem>>
      %dma_wait3A_100 = tpu.memref_squeeze %dma_wait3A_99 : memref<1x128xi32, #tpu.memory_space<vmem>> -> memref<128xi32, #tpu.memory_space<vmem>>
      %dma_wait3A_101 = arith.constant 0 : i32
      %dma_wait3A_102 = arith.constant 0 : i32
      %dma_wait3A_103 = tpu.memref_slice %arg3[%dma_wait3A_101, %dma_wait3A_102] : memref<8192x128xf32, #tpu.memory_space<hbm>> -> memref<8192x128xf32, #tpu.memory_space<hbm>>
      tpu.wait_indirect_dma semaphore(%arg9 : memref<!tpu.dma_semaphore, #tpu.memory_space<semaphore_mem>>) src(%dma_wait3A_103 : memref<8192x128xf32, #tpu.memory_space<hbm>>) dst(%dma_wait3A_97 : memref<128x128xf32, #tpu.memory_space<vmem>>)
      %mul3A_104 = arith.constant 128 : i32
      %mul3A_105 = arith.muli %mul3A_51, %mul3A_104 : i32
      %add3A_106 = arith.addi %mul3A_2, %mul3A_105 : i32
      %dma_start3A_107 = arith.constant 0 : i32
      %dma_start3A_108 = arith.constant 0 : i32
      %dma_start3A_109 = arith.constant 0 : i32
      %dma_start3A_110 = tpu.memref_slice %arg6[%dma_start3A_107, %dma_start3A_108, %dma_start3A_109] : memref<2x128x128xf32, #tpu.memory_space<vmem>> -> memref<1x128x128xf32, #tpu.memory_space<vmem>>
      %dma_start3A_111 = tpu.memref_squeeze %dma_start3A_110 : memref<1x128x128xf32, #tpu.memory_space<vmem>> -> memref<128x128xf32, #tpu.memory_space<vmem>>
      %dma_start3A_112 = arith.constant 0 : i32
      %dma_start3A_113 = tpu.memref_slice %arg4[%add3A_106, %dma_start3A_112] : memref<196608x128xf32, #tpu.memory_space<hbm>> -> memref<128x128xf32, #tpu.memory_space<hbm>>
      %dma_start3A_114 = arith.constant 0 : i32
      %dma_start3A_115 = tpu.memref_slice %arg4[%add3A_106, %dma_start3A_114] : memref<196608x128xf32, #tpu.memory_space<hbm>> -> memref<128x128xf32, #tpu.memory_space<hbm>>
      %dma_start3A_116 = arith.constant 0 : i32
      %dma_start3A_117 = arith.constant 0 : i32
      %dma_start3A_118 = tpu.memref_slice %arg6[%dma_start3A_107, %dma_start3A_116, %dma_start3A_117] : memref<2x128x128xf32, #tpu.memory_space<vmem>> -> memref<1x128x128xf32, #tpu.memory_space<vmem>>
      %dma_start3A_119 = tpu.memref_squeeze %dma_start3A_118 : memref<1x128x128xf32, #tpu.memory_space<vmem>> -> memref<128x128xf32, #tpu.memory_space<vmem>>
      tpu.enqueue_dma source(%dma_start3A_119 : memref<128x128xf32, #tpu.memory_space<vmem>>) target(%dma_start3A_115 : memref<128x128xf32, #tpu.memory_space<hbm>>) target_semaphore(%arg11 : memref<!tpu.dma_semaphore, #tpu.memory_space<semaphore_mem>>)
      %add3A_120 = arith.constant 1 : i32
      %add3A_121 = arith.addi %mul3A_51, %add3A_120 : i32
      %mul3A_122 = arith.constant 128 : i32
      %mul3A_123 = arith.muli %add3A_121, %mul3A_122 : i32
      %add3A_124 = arith.addi %add3A_4, %mul3A_123 : i32
      %dma_wait3A_125 = arith.constant 1 : i32
      %dma_wait3A_126 = arith.constant 0 : i32
      %dma_wait3A_127 = tpu.memref_slice %arg5[%dma_wait3A_125, %dma_wait3A_126] : memref<2x128xi32, #tpu.memory_space<vmem>> -> memref<1x128xi32, #tpu.memory_space<vmem>>
      %dma_wait3A_128 = tpu.memref_squeeze %dma_wait3A_127 : memref<1x128xi32, #tpu.memory_space<vmem>> -> memref<128xi32, #tpu.memory_space<vmem>>
      %dma_wait3A_129 = tpu.memref_slice %arg2[%add3A_124] : memref<393216xi32, #tpu.memory_space<hbm>> -> memref<128xi32, #tpu.memory_space<hbm>>
      %dma_wait3A_130 = arith.constant 0 : i32
      %dma_wait3A_131 = tpu.memref_slice %arg5[%dma_wait3A_125, %dma_wait3A_130] : memref<2x128xi32, #tpu.memory_space<vmem>> -> memref<1x128xi32, #tpu.memory_space<vmem>>
      %dma_wait3A_132 = tpu.memref_squeeze %dma_wait3A_131 : memref<1x128xi32, #tpu.memory_space<vmem>> -> memref<128xi32, #tpu.memory_space<vmem>>
      %dma_wait3A_133 = tpu.memref_slice %arg2[%add3A_124] : memref<393216xi32, #tpu.memory_space<hbm>> -> memref<128xi32, #tpu.memory_space<hbm>>
      tpu.wait_dma2 semaphore(%arg8 : memref<!tpu.dma_semaphore, #tpu.memory_space<semaphore_mem>>) src(%dma_wait3A_133 : memref<128xi32, #tpu.memory_space<hbm>>) dst(%dma_wait3A_132 : memref<128xi32, #tpu.memory_space<vmem>>)
      %lt3A = arith.constant 23 : i32
      %lt3A_134 = arith.cmpi slt, %scan3A_49, %lt3A : i32
      %convert_element_type3A_135 = arith.extui %lt3A_134 : i1 to i32
      %cond3A_136 = arith.constant 0 : i32
      %cond3A_137 = arith.cmpi ne, %convert_element_type3A_135, %cond3A_136 : i32
      scf.if %cond3A_137 {
        %add3A_185 = arith.constant 2 : i32
        %add3A_186 = arith.addi %mul3A_51, %add3A_185 : i32
        %mul3A_187 = arith.constant 128 : i32
        %mul3A_188 = arith.muli %add3A_186, %mul3A_187 : i32
        %add3A_189 = arith.addi %add3A_4, %mul3A_188 : i32
        %dma_start3A_190 = arith.constant 0 : i32
        %dma_start3A_191 = arith.constant 0 : i32
        %dma_start3A_192 = tpu.memref_slice %arg5[%dma_start3A_190, %dma_start3A_191] : memref<2x128xi32, #tpu.memory_space<vmem>> -> memref<1x128xi32, #tpu.memory_space<vmem>>
        %dma_start3A_193 = tpu.memref_squeeze %dma_start3A_192 : memref<1x128xi32, #tpu.memory_space<vmem>> -> memref<128xi32, #tpu.memory_space<vmem>>
        %dma_start3A_194 = tpu.memref_slice %arg2[%add3A_189] : memref<393216xi32, #tpu.memory_space<hbm>> -> memref<128xi32, #tpu.memory_space<hbm>>
        %dma_start3A_195 = arith.constant 0 : i32
        %dma_start3A_196 = tpu.memref_slice %arg5[%dma_start3A_190, %dma_start3A_195] : memref<2x128xi32, #tpu.memory_space<vmem>> -> memref<1x128xi32, #tpu.memory_space<vmem>>
        %dma_start3A_197 = tpu.memref_squeeze %dma_start3A_196 : memref<1x128xi32, #tpu.memory_space<vmem>> -> memref<128xi32, #tpu.memory_space<vmem>>
        %dma_start3A_198 = tpu.memref_slice %arg2[%add3A_189] : memref<393216xi32, #tpu.memory_space<hbm>> -> memref<128xi32, #tpu.memory_space<hbm>>
        tpu.enqueue_dma source(%dma_start3A_198 : memref<128xi32, #tpu.memory_space<hbm>>) target(%dma_start3A_197 : memref<128xi32, #tpu.memory_space<vmem>>) target_semaphore(%arg7 : memref<!tpu.dma_semaphore, #tpu.memory_space<semaphore_mem>>)
      } else {
      }
      %gt3A_138 = arith.constant 0 : i32
      %gt3A_139 = arith.cmpi sgt, %scan3A_49, %gt3A_138 : i32
      %convert_element_type3A_140 = arith.extui %gt3A_139 : i1 to i32
      %cond3A_141 = arith.constant 0 : i32
      %cond3A_142 = arith.cmpi ne, %convert_element_type3A_140, %cond3A_141 : i32
      scf.if %cond3A_142 {
        %sub3A = arith.constant 1 : i32
        %sub3A_185 = arith.subi %mul3A_51, %sub3A : i32
        %mul3A_186 = arith.constant 128 : i32
        %mul3A_187 = arith.muli %sub3A_185, %mul3A_186 : i32
        %add3A_188 = arith.addi %mul3A_2, %mul3A_187 : i32
        %dma_wait3A_189 = arith.constant 1 : i32
        %dma_wait3A_190 = arith.constant 0 : i32
        %dma_wait3A_191 = arith.constant 0 : i32
        %dma_wait3A_192 = tpu.memref_slice %arg6[%dma_wait3A_189, %dma_wait3A_190, %dma_wait3A_191] : memref<2x128x128xf32, #tpu.memory_space<vmem>> -> memref<1x128x128xf32, #tpu.memory_space<vmem>>
        %dma_wait3A_193 = tpu.memref_squeeze %dma_wait3A_192 : memref<1x128x128xf32, #tpu.memory_space<vmem>> -> memref<128x128xf32, #tpu.memory_space<vmem>>
        %dma_wait3A_194 = arith.constant 0 : i32
        %dma_wait3A_195 = tpu.memref_slice %arg4[%add3A_188, %dma_wait3A_194] : memref<196608x128xf32, #tpu.memory_space<hbm>> -> memref<128x128xf32, #tpu.memory_space<hbm>>
        %dma_wait3A_196 = arith.constant 0 : i32
        %dma_wait3A_197 = tpu.memref_slice %arg4[%add3A_188, %dma_wait3A_196] : memref<196608x128xf32, #tpu.memory_space<hbm>> -> memref<128x128xf32, #tpu.memory_space<hbm>>
        %dma_wait3A_198 = arith.constant 0 : i32
        %dma_wait3A_199 = arith.constant 0 : i32
        %dma_wait3A_200 = tpu.memref_slice %arg6[%dma_wait3A_189, %dma_wait3A_198, %dma_wait3A_199] : memref<2x128x128xf32, #tpu.memory_space<vmem>> -> memref<1x128x128xf32, #tpu.memory_space<vmem>>
        %dma_wait3A_201 = tpu.memref_squeeze %dma_wait3A_200 : memref<1x128x128xf32, #tpu.memory_space<vmem>> -> memref<128x128xf32, #tpu.memory_space<vmem>>
        tpu.wait_dma2 semaphore(%arg12 : memref<!tpu.dma_semaphore, #tpu.memory_space<semaphore_mem>>) src(%dma_wait3A_201 : memref<128x128xf32, #tpu.memory_space<vmem>>) dst(%dma_wait3A_197 : memref<128x128xf32, #tpu.memory_space<hbm>>)
      } else {
      }
      %dma_start3A_143 = arith.constant 1 : i32
      %dma_start3A_144 = arith.constant 1 : i32
      %dma_start3A_145 = arith.constant 0 : i32
      %dma_start3A_146 = arith.constant 0 : i32
      %dma_start3A_147 = tpu.memref_slice %arg6[%dma_start3A_144, %dma_start3A_145, %dma_start3A_146] : memref<2x128x128xf32, #tpu.memory_space<vmem>> -> memref<1x128x128xf32, #tpu.memory_space<vmem>>
      %dma_start3A_148 = tpu.memref_squeeze %dma_start3A_147 : memref<1x128x128xf32, #tpu.memory_space<vmem>> -> memref<128x128xf32, #tpu.memory_space<vmem>>
      %dma_start3A_149 = arith.constant 0 : i32
      %dma_start3A_150 = tpu.memref_slice %arg5[%dma_start3A_143, %dma_start3A_149] : memref<2x128xi32, #tpu.memory_space<vmem>> -> memref<1x128xi32, #tpu.memory_space<vmem>>
      %dma_start3A_151 = tpu.memref_squeeze %dma_start3A_150 : memref<1x128xi32, #tpu.memory_space<vmem>> -> memref<128xi32, #tpu.memory_space<vmem>>
      %dma_start3A_152 = arith.constant 0 : i32
      %dma_start3A_153 = arith.constant 0 : i32
      %dma_start3A_154 = tpu.memref_slice %arg3[%dma_start3A_152, %dma_start3A_153] : memref<8192x128xf32, #tpu.memory_space<hbm>> -> memref<8192x128xf32, #tpu.memory_space<hbm>>
      tpu.enqueue_indirect_dma source(%dma_start3A_154 : memref<8192x128xf32, #tpu.memory_space<hbm>>) target(%dma_start3A_148 : memref<128x128xf32, #tpu.memory_space<vmem>>) offsets(%dma_start3A_151 : memref<128xi32, #tpu.memory_space<vmem>>) semaphore(%arg10 : memref<!tpu.dma_semaphore, #tpu.memory_space<semaphore_mem>>)
      %dma_wait3A_155 = arith.constant 1 : i32
      %dma_wait3A_156 = arith.constant 1 : i32
      %dma_wait3A_157 = arith.constant 0 : i32
      %dma_wait3A_158 = arith.constant 0 : i32
      %dma_wait3A_159 = tpu.memref_slice %arg6[%dma_wait3A_156, %dma_wait3A_157, %dma_wait3A_158] : memref<2x128x128xf32, #tpu.memory_space<vmem>> -> memref<1x128x128xf32, #tpu.memory_space<vmem>>
      %dma_wait3A_160 = tpu.memref_squeeze %dma_wait3A_159 : memref<1x128x128xf32, #tpu.memory_space<vmem>> -> memref<128x128xf32, #tpu.memory_space<vmem>>
      %dma_wait3A_161 = arith.constant 0 : i32
      %dma_wait3A_162 = tpu.memref_slice %arg5[%dma_wait3A_155, %dma_wait3A_161] : memref<2x128xi32, #tpu.memory_space<vmem>> -> memref<1x128xi32, #tpu.memory_space<vmem>>
      %dma_wait3A_163 = tpu.memref_squeeze %dma_wait3A_162 : memref<1x128xi32, #tpu.memory_space<vmem>> -> memref<128xi32, #tpu.memory_space<vmem>>
      %dma_wait3A_164 = arith.constant 0 : i32
      %dma_wait3A_165 = arith.constant 0 : i32
      %dma_wait3A_166 = tpu.memref_slice %arg3[%dma_wait3A_164, %dma_wait3A_165] : memref<8192x128xf32, #tpu.memory_space<hbm>> -> memref<8192x128xf32, #tpu.memory_space<hbm>>
      tpu.wait_indirect_dma semaphore(%arg10 : memref<!tpu.dma_semaphore, #tpu.memory_space<semaphore_mem>>) src(%dma_wait3A_166 : memref<8192x128xf32, #tpu.memory_space<hbm>>) dst(%dma_wait3A_160 : memref<128x128xf32, #tpu.memory_space<vmem>>)
      %add3A_167 = arith.constant 1 : i32
      %add3A_168 = arith.addi %mul3A_51, %add3A_167 : i32
      %mul3A_169 = arith.constant 128 : i32
      %mul3A_170 = arith.muli %add3A_168, %mul3A_169 : i32
      %add3A_171 = arith.addi %mul3A_2, %mul3A_170 : i32
      %dma_start3A_172 = arith.constant 1 : i32
      %dma_start3A_173 = arith.constant 0 : i32
      %dma_start3A_174 = arith.constant 0 : i32
      %dma_start3A_175 = tpu.memref_slice %arg6[%dma_start3A_172, %dma_start3A_173, %dma_start3A_174] : memref<2x128x128xf32, #tpu.memory_space<vmem>> -> memref<1x128x128xf32, #tpu.memory_space<vmem>>
      %dma_start3A_176 = tpu.memref_squeeze %dma_start3A_175 : memref<1x128x128xf32, #tpu.memory_space<vmem>> -> memref<128x128xf32, #tpu.memory_space<vmem>>
      %dma_start3A_177 = arith.constant 0 : i32
      %dma_start3A_178 = tpu.memref_slice %arg4[%add3A_171, %dma_start3A_177] : memref<196608x128xf32, #tpu.memory_space<hbm>> -> memref<128x128xf32, #tpu.memory_space<hbm>>
      %dma_start3A_179 = arith.constant 0 : i32
      %dma_start3A_180 = tpu.memref_slice %arg4[%add3A_171, %dma_start3A_179] : memref<196608x128xf32, #tpu.memory_space<hbm>> -> memref<128x128xf32, #tpu.memory_space<hbm>>
      %dma_start3A_181 = arith.constant 0 : i32
      %dma_start3A_182 = arith.constant 0 : i32
      %dma_start3A_183 = tpu.memref_slice %arg6[%dma_start3A_172, %dma_start3A_181, %dma_start3A_182] : memref<2x128x128xf32, #tpu.memory_space<vmem>> -> memref<1x128x128xf32, #tpu.memory_space<vmem>>
      %dma_start3A_184 = tpu.memref_squeeze %dma_start3A_183 : memref<1x128x128xf32, #tpu.memory_space<vmem>> -> memref<128x128xf32, #tpu.memory_space<vmem>>
      tpu.enqueue_dma source(%dma_start3A_184 : memref<128x128xf32, #tpu.memory_space<vmem>>) target(%dma_start3A_180 : memref<128x128xf32, #tpu.memory_space<hbm>>) target_semaphore(%arg12 : memref<!tpu.dma_semaphore, #tpu.memory_space<semaphore_mem>>)
    }
    %scan3A_19 = arith.constant 24 : i32
    %add3A_20 = arith.constant 5888 : i32
    %add3A_21 = arith.addi %mul3A_2, %add3A_20 : i32
    %dma_wait3A = arith.constant 0 : i32
    %dma_wait3A_22 = arith.constant 0 : i32
    %dma_wait3A_23 = arith.constant 0 : i32
    %dma_wait3A_24 = tpu.memref_slice %arg6[%dma_wait3A, %dma_wait3A_22, %dma_wait3A_23] : memref<2x128x128xf32, #tpu.memory_space<vmem>> -> memref<1x128x128xf32, #tpu.memory_space<vmem>>
    %dma_wait3A_25 = tpu.memref_squeeze %dma_wait3A_24 : memref<1x128x128xf32, #tpu.memory_space<vmem>> -> memref<128x128xf32, #tpu.memory_space<vmem>>
    %dma_wait3A_26 = arith.constant 0 : i32
    %dma_wait3A_27 = tpu.memref_slice %arg4[%add3A_21, %dma_wait3A_26] : memref<196608x128xf32, #tpu.memory_space<hbm>> -> memref<128x128xf32, #tpu.memory_space<hbm>>
    %dma_wait3A_28 = arith.constant 0 : i32
    %dma_wait3A_29 = tpu.memref_slice %arg4[%add3A_21, %dma_wait3A_28] : memref<196608x128xf32, #tpu.memory_space<hbm>> -> memref<128x128xf32, #tpu.memory_space<hbm>>
    %dma_wait3A_30 = arith.constant 0 : i32
    %dma_wait3A_31 = arith.constant 0 : i32
    %dma_wait3A_32 = tpu.memref_slice %arg6[%dma_wait3A, %dma_wait3A_30, %dma_wait3A_31] : memref<2x128x128xf32, #tpu.memory_space<vmem>> -> memref<1x128x128xf32, #tpu.memory_space<vmem>>
    %dma_wait3A_33 = tpu.memref_squeeze %dma_wait3A_32 : memref<1x128x128xf32, #tpu.memory_space<vmem>> -> memref<128x128xf32, #tpu.memory_space<vmem>>
    tpu.wait_dma2 semaphore(%arg11 : memref<!tpu.dma_semaphore, #tpu.memory_space<semaphore_mem>>) src(%dma_wait3A_33 : memref<128x128xf32, #tpu.memory_space<vmem>>) dst(%dma_wait3A_29 : memref<128x128xf32, #tpu.memory_space<hbm>>)
    %add3A_34 = arith.constant 6016 : i32
    %add3A_35 = arith.addi %mul3A_2, %add3A_34 : i32
    %dma_wait3A_36 = arith.constant 1 : i32
    %dma_wait3A_37 = arith.constant 0 : i32
    %dma_wait3A_38 = arith.constant 0 : i32
    %dma_wait3A_39 = tpu.memref_slice %arg6[%dma_wait3A_36, %dma_wait3A_37, %dma_wait3A_38] : memref<2x128x128xf32, #tpu.memory_space<vmem>> -> memref<1x128x128xf32, #tpu.memory_space<vmem>>
    %dma_wait3A_40 = tpu.memref_squeeze %dma_wait3A_39 : memref<1x128x128xf32, #tpu.memory_space<vmem>> -> memref<128x128xf32, #tpu.memory_space<vmem>>
    %dma_wait3A_41 = arith.constant 0 : i32
    %dma_wait3A_42 = tpu.memref_slice %arg4[%add3A_35, %dma_wait3A_41] : memref<196608x128xf32, #tpu.memory_space<hbm>> -> memref<128x128xf32, #tpu.memory_space<hbm>>
    %dma_wait3A_43 = arith.constant 0 : i32
    %dma_wait3A_44 = tpu.memref_slice %arg4[%add3A_35, %dma_wait3A_43] : memref<196608x128xf32, #tpu.memory_space<hbm>> -> memref<128x128xf32, #tpu.memory_space<hbm>>
    %dma_wait3A_45 = arith.constant 0 : i32
    %dma_wait3A_46 = arith.constant 0 : i32
    %dma_wait3A_47 = tpu.memref_slice %arg6[%dma_wait3A_36, %dma_wait3A_45, %dma_wait3A_46] : memref<2x128x128xf32, #tpu.memory_space<vmem>> -> memref<1x128x128xf32, #tpu.memory_space<vmem>>
    %dma_wait3A_48 = tpu.memref_squeeze %dma_wait3A_47 : memref<1x128x128xf32, #tpu.memory_space<vmem>> -> memref<128x128xf32, #tpu.memory_space<vmem>>
    tpu.wait_dma2 semaphore(%arg12 : memref<!tpu.dma_semaphore, #tpu.memory_space<semaphore_mem>>) src(%dma_wait3A_48 : memref<128x128xf32, #tpu.memory_space<vmem>>) dst(%dma_wait3A_44 : memref<128x128xf32, #tpu.memory_space<hbm>>)
    return
  }
}

#map = affine_map<(d0, d1) -> (0)>
#map1 = affine_map<(d0, d1) -> (0, 0)>
module attributes {stable_mosaic.version = 14 : i64} {
  func.func @gather_k(%arg0: i32, %arg1: i32, %arg2: memref<393216xi32, #tpu.memory_space<hbm>>, %arg3: memref<8192x128xf32, #tpu.memory_space<hbm>>, %arg4: memref<196608x128xf32, #tpu.memory_space<hbm>>, %arg5: memref<2x128xi32, #tpu.memory_space<vmem>>, %arg6: memref<2x128x128xf32, #tpu.memory_space<vmem>>, %arg7: memref<!tpu.dma_semaphore, #tpu.memory_space<semaphore_mem>>, %arg8: memref<!tpu.dma_semaphore, #tpu.memory_space<semaphore_mem>>, %arg9: memref<!tpu.dma_semaphore, #tpu.memory_space<semaphore_mem>>, %arg10: memref<!tpu.dma_semaphore, #tpu.memory_space<semaphore_mem>>, %arg11: memref<!tpu.dma_semaphore, #tpu.memory_space<semaphore_mem>>, %arg12: memref<!tpu.dma_semaphore, #tpu.memory_space<semaphore_mem>>) attributes {dimension_semantics = [#tpu.dimension_semantics<core_parallel>, #tpu.dimension_semantics<subcore_parallel>], iteration_bounds = array<i64: 2, 16>, scalar_prefetch = 0 : i64, scratch_operands = 8 : i64, tpu.core_type = #tpu.core_type<sc_vector_subcore>, window_params = [{transform_indices = #map}, {transform_indices = #map1}, {transform_indices = #map1}]} {
    %mul3A = arith.constant 2 : i32
    %mul3A_0 = arith.muli %arg1, %mul3A : i32
    %add3A = arith.addi %mul3A_0, %arg0 : i32
    %mul3A_1 = arith.constant 6144 : i32
    %mul3A_2 = arith.muli %add3A, %mul3A_1 : i32
    %add3A_3 = arith.constant 0 : i32
    %add3A_4 = arith.addi %add3A_3, %mul3A_2 : i32
    %add3A_5 = arith.constant 0 : i32
    %add3A_6 = arith.addi %add3A_4, %add3A_5 : i32
    %dma_start3A = arith.constant 0 : i32
    %dma_start3A_7 = arith.constant 0 : i32
    %dma_start3A_8 = tpu.memref_slice %arg5[%dma_start3A, %dma_start3A_7] : memref<2x128xi32, #tpu.memory_space<vmem>> -> memref<1x128xi32, #tpu.memory_space<vmem>>
    %dma_start3A_9 = tpu.memref_squeeze %dma_start3A_8 : memref<1x128xi32, #tpu.memory_space<vmem>> -> memref<128xi32, #tpu.memory_space<vmem>>
    %dma_start3A_10 = tpu.memref_slice %arg2[%add3A_6] : memref<393216xi32, #tpu.memory_space<hbm>> -> memref<128xi32, #tpu.memory_space<hbm>>
    %dma_start3A_11 = arith.constant 0 : i32
    %dma_start3A_12 = tpu.memref_slice %arg5[%dma_start3A, %dma_start3A_11] : memref<2x128xi32, #tpu.memory_space<vmem>> -> memref<1x128xi32, #tpu.memory_space<vmem>>
    %dma_start3A_13 = tpu.memref_squeeze %dma_start3A_12 : memref<1x128xi32, #tpu.memory_space<vmem>> -> memref<128xi32, #tpu.memory_space<vmem>>
    %dma_start3A_14 = tpu.memref_slice %arg2[%add3A_6] : memref<393216xi32, #tpu.memory_space<hbm>> -> memref<128xi32, #tpu.memory_space<hbm>>
    tpu.enqueue_dma source(%dma_start3A_14 : memref<128xi32, #tpu.memory_space<hbm>>) target(%dma_start3A_13 : memref<128xi32, #tpu.memory_space<vmem>>) target_semaphore(%arg7 : memref<!tpu.dma_semaphore, #tpu.memory_space<semaphore_mem>>)
    %scan3A = arith.constant 0 : i32
    %scan3A_15 = arith.constant 0 : i32
    %scan3A_16 = arith.constant 24 : i32
    %scan3A_17 = arith.addi %scan3A_15, %scan3A_16 : i32
    %scan3A_18 = arith.constant 1 : i32
    scf.for %scan3A_49 = %scan3A_15 to %scan3A_17 step %scan3A_18  : i32 {
      %mul3A_50 = arith.constant 2 : i32
      %mul3A_51 = arith.muli %mul3A_50, %scan3A_49 : i32
      %mul3A_52 = arith.constant 128 : i32
      %mul3A_53 = arith.muli %mul3A_51, %mul3A_52 : i32
      %add3A_54 = arith.addi %add3A_4, %mul3A_53 : i32
      %dma_wait3A_55 = arith.constant 0 : i32
      %dma_wait3A_56 = arith.constant 0 : i32
      %dma_wait3A_57 = tpu.memref_slice %arg5[%dma_wait3A_55, %dma_wait3A_56] : memref<2x128xi32, #tpu.memory_space<vmem>> -> memref<1x128xi32, #tpu.memory_space<vmem>>
      %dma_wait3A_58 = tpu.memref_squeeze %dma_wait3A_57 : memref<1x128xi32, #tpu.memory_space<vmem>> -> memref<128xi32, #tpu.memory_space<vmem>>
      %dma_wait3A_59 = tpu.memref_slice %arg2[%add3A_54] : memref<393216xi32, #tpu.memory_space<hbm>> -> memref<128xi32, #tpu.memory_space<hbm>>
      %dma_wait3A_60 = arith.constant 0 : i32
      %dma_wait3A_61 = tpu.memref_slice %arg5[%dma_wait3A_55, %dma_wait3A_60] : memref<2x128xi32, #tpu.memory_space<vmem>> -> memref<1x128xi32, #tpu.memory_space<vmem>>
      %dma_wait3A_62 = tpu.memref_squeeze %dma_wait3A_61 : memref<1x128xi32, #tpu.memory_space<vmem>> -> memref<128xi32, #tpu.memory_space<vmem>>
      %dma_wait3A_63 = tpu.memref_slice %arg2[%add3A_54] : memref<393216xi32, #tpu.memory_space<hbm>> -> memref<128xi32, #tpu.memory_space<hbm>>
      tpu.wait_dma2 semaphore(%arg7 : memref<!tpu.dma_semaphore, #tpu.memory_space<semaphore_mem>>) src(%dma_wait3A_63 : memref<128xi32, #tpu.memory_space<hbm>>) dst(%dma_wait3A_62 : memref<128xi32, #tpu.memory_space<vmem>>)
      %add3A_64 = arith.constant 1 : i32
      %add3A_65 = arith.addi %mul3A_51, %add3A_64 : i32
      %mul3A_66 = arith.constant 128 : i32
      %mul3A_67 = arith.muli %add3A_65, %mul3A_66 : i32
      %add3A_68 = arith.addi %add3A_4, %mul3A_67 : i32
      %dma_start3A_69 = arith.constant 1 : i32
      %dma_start3A_70 = arith.constant 0 : i32
      %dma_start3A_71 = tpu.memref_slice %arg5[%dma_start3A_69, %dma_start3A_70] : memref<2x128xi32, #tpu.memory_space<vmem>> -> memref<1x128xi32, #tpu.memory_space<vmem>>
      %dma_start3A_72 = tpu.memref_squeeze %dma_start3A_71 : memref<1x128xi32, #tpu.memory_space<vmem>> -> memref<128xi32, #tpu.memory_space<vmem>>
      %dma_start3A_73 = tpu.memref_slice %arg2[%add3A_68] : memref<393216xi32, #tpu.memory_space<hbm>> -> memref<128xi32, #tpu.memory_space<hbm>>
      %dma_start3A_74 = arith.constant 0 : i32
      %dma_start3A_75 = tpu.memref_slice %arg5[%dma_start3A_69, %dma_start3A_74] : memref<2x128xi32, #tpu.memory_space<vmem>> -> memref<1x128xi32, #tpu.memory_space<vmem>>
      %dma_start3A_76 = tpu.memref_squeeze %dma_start3A_75 : memref<1x128xi32, #tpu.memory_space<vmem>> -> memref<128xi32, #tpu.memory_space<vmem>>
      %dma_start3A_77 = tpu.memref_slice %arg2[%add3A_68] : memref<393216xi32, #tpu.memory_space<hbm>> -> memref<128xi32, #tpu.memory_space<hbm>>
      tpu.enqueue_dma source(%dma_start3A_77 : memref<128xi32, #tpu.memory_space<hbm>>) target(%dma_start3A_76 : memref<128xi32, #tpu.memory_space<vmem>>) target_semaphore(%arg8 : memref<!tpu.dma_semaphore, #tpu.memory_space<semaphore_mem>>)
      %gt3A = arith.constant 0 : i32
      %gt3A_78 = arith.cmpi sgt, %scan3A_49, %gt3A : i32
      %convert_element_type3A = arith.extui %gt3A_78 : i1 to i32
      %cond3A = arith.constant 0 : i32
      %cond3A_79 = arith.cmpi ne, %convert_element_type3A, %cond3A : i32
      scf.if %cond3A_79 {
        %sub3A = arith.constant 2 : i32
        %sub3A_185 = arith.subi %mul3A_51, %sub3A : i32
        %mul3A_186 = arith.constant 128 : i32
        %mul3A_187 = arith.muli %sub3A_185, %mul3A_186 : i32
        %add3A_188 = arith.addi %mul3A_2, %mul3A_187 : i32
        %dma_wait3A_189 = arith.constant 0 : i32
        %dma_wait3A_190 = arith.constant 0 : i32
        %dma_wait3A_191 = arith.constant 0 : i32
        %dma_wait3A_192 = tpu.memref_slice %arg6[%dma_wait3A_189, %dma_wait3A_190, %dma_wait3A_191] : memref<2x128x128xf32, #tpu.memory_space<vmem>> -> memref<1x128x128xf32, #tpu.memory_space<vmem>>
        %dma_wait3A_193 = tpu.memref_squeeze %dma_wait3A_192 : memref<1x128x128xf32, #tpu.memory_space<vmem>> -> memref<128x128xf32, #tpu.memory_space<vmem>>
        %dma_wait3A_194 = arith.constant 0 : i32
        %dma_wait3A_195 = tpu.memref_slice %arg4[%add3A_188, %dma_wait3A_194] : memref<196608x128xf32, #tpu.memory_space<hbm>> -> memref<128x128xf32, #tpu.memory_space<hbm>>
        %dma_wait3A_196 = arith.constant 0 : i32
        %dma_wait3A_197 = tpu.memref_slice %arg4[%add3A_188, %dma_wait3A_196] : memref<196608x128xf32, #tpu.memory_space<hbm>> -> memref<128x128xf32, #tpu.memory_space<hbm>>
        %dma_wait3A_198 = arith.constant 0 : i32
        %dma_wait3A_199 = arith.constant 0 : i32
        %dma_wait3A_200 = tpu.memref_slice %arg6[%dma_wait3A_189, %dma_wait3A_198, %dma_wait3A_199] : memref<2x128x128xf32, #tpu.memory_space<vmem>> -> memref<1x128x128xf32, #tpu.memory_space<vmem>>
        %dma_wait3A_201 = tpu.memref_squeeze %dma_wait3A_200 : memref<1x128x128xf32, #tpu.memory_space<vmem>> -> memref<128x128xf32, #tpu.memory_space<vmem>>
        tpu.wait_dma2 semaphore(%arg11 : memref<!tpu.dma_semaphore, #tpu.memory_space<semaphore_mem>>) src(%dma_wait3A_201 : memref<128x128xf32, #tpu.memory_space<vmem>>) dst(%dma_wait3A_197 : memref<128x128xf32, #tpu.memory_space<hbm>>)
      } else {
      }
      %dma_start3A_80 = arith.constant 0 : i32
      %dma_start3A_81 = arith.constant 0 : i32
      %dma_start3A_82 = arith.constant 0 : i32
      %dma_start3A_83 = arith.constant 0 : i32
      %dma_start3A_84 = tpu.memref_slice %arg6[%dma_start3A_81, %dma_start3A_82, %dma_start3A_83] : memref<2x128x128xf32, #tpu.memory_space<vmem>> -> memref<1x128x128xf32, #tpu.memory_space<vmem>>
      %dma_start3A_85 = tpu.memref_squeeze %dma_start3A_84 : memref<1x128x128xf32, #tpu.memory_space<vmem>> -> memref<128x128xf32, #tpu.memory_space<vmem>>
      %dma_start3A_86 = arith.constant 0 : i32
      %dma_start3A_87 = tpu.memref_slice %arg5[%dma_start3A_80, %dma_start3A_86] : memref<2x128xi32, #tpu.memory_space<vmem>> -> memref<1x128xi32, #tpu.memory_space<vmem>>
      %dma_start3A_88 = tpu.memref_squeeze %dma_start3A_87 : memref<1x128xi32, #tpu.memory_space<vmem>> -> memref<128xi32, #tpu.memory_space<vmem>>
      %dma_start3A_89 = arith.constant 0 : i32
      %dma_start3A_90 = arith.constant 0 : i32
      %dma_start3A_91 = tpu.memref_slice %arg3[%dma_start3A_89, %dma_start3A_90] : memref<8192x128xf32, #tpu.memory_space<hbm>> -> memref<8192x128xf32, #tpu.memory_space<hbm>>
      tpu.enqueue_indirect_dma source(%dma_start3A_91 : memref<8192x128xf32, #tpu.memory_space<hbm>>) target(%dma_start3A_85 : memref<128x128xf32, #tpu.memory_space<vmem>>) offsets(%dma_start3A_88 : memref<128xi32, #tpu.memory_space<vmem>>) semaphore(%arg9 : memref<!tpu.dma_semaphore, #tpu.memory_space<semaphore_mem>>)
      %dma_wait3A_92 = arith.constant 0 : i32
      %dma_wait3A_93 = arith.constant 0 : i32
      %dma_wait3A_94 = arith.constant 0 : i32
      %dma_wait3A_95 = arith.constant 0 : i32
      %dma_wait3A_96 = tpu.memref_slice %arg6[%dma_wait3A_93, %dma_wait3A_94, %dma_wait3A_95] : memref<2x128x128xf32, #tpu.memory_space<vmem>> -> memref<1x128x128xf32, #tpu.memory_space<vmem>>
      %dma_wait3A_97 = tpu.memref_squeeze %dma_wait3A_96 : memref<1x128x128xf32, #tpu.memory_space<vmem>> -> memref<128x128xf32, #tpu.memory_space<vmem>>
      %dma_wait3A_98 = arith.constant 0 : i32
      %dma_wait3A_99 = tpu.memref_slice %arg5[%dma_wait3A_92, %dma_wait3A_98] : memref<2x128xi32, #tpu.memory_space<vmem>> -> memref<1x128xi32, #tpu.memory_space<vmem>>
      %dma_wait3A_100 = tpu.memref_squeeze %dma_wait3A_99 : memref<1x128xi32, #tpu.memory_space<vmem>> -> memref<128xi32, #tpu.memory_space<vmem>>
      %dma_wait3A_101 = arith.constant 0 : i32
      %dma_wait3A_102 = arith.constant 0 : i32
      %dma_wait3A_103 = tpu.memref_slice %arg3[%dma_wait3A_101, %dma_wait3A_102] : memref<8192x128xf32, #tpu.memory_space<hbm>> -> memref<8192x128xf32, #tpu.memory_space<hbm>>
      tpu.wait_indirect_dma semaphore(%arg9 : memref<!tpu.dma_semaphore, #tpu.memory_space<semaphore_mem>>) src(%dma_wait3A_103 : memref<8192x128xf32, #tpu.memory_space<hbm>>) dst(%dma_wait3A_97 : memref<128x128xf32, #tpu.memory_space<vmem>>)
      %mul3A_104 = arith.constant 128 : i32
      %mul3A_105 = arith.muli %mul3A_51, %mul3A_104 : i32
      %add3A_106 = arith.addi %mul3A_2, %mul3A_105 : i32
      %dma_start3A_107 = arith.constant 0 : i32
      %dma_start3A_108 = arith.constant 0 : i32
      %dma_start3A_109 = arith.constant 0 : i32
      %dma_start3A_110 = tpu.memref_slice %arg6[%dma_start3A_107, %dma_start3A_108, %dma_start3A_109] : memref<2x128x128xf32, #tpu.memory_space<vmem>> -> memref<1x128x128xf32, #tpu.memory_space<vmem>>
      %dma_start3A_111 = tpu.memref_squeeze %dma_start3A_110 : memref<1x128x128xf32, #tpu.memory_space<vmem>> -> memref<128x128xf32, #tpu.memory_space<vmem>>
      %dma_start3A_112 = arith.constant 0 : i32
      %dma_start3A_113 = tpu.memref_slice %arg4[%add3A_106, %dma_start3A_112] : memref<196608x128xf32, #tpu.memory_space<hbm>> -> memref<128x128xf32, #tpu.memory_space<hbm>>
      %dma_start3A_114 = arith.constant 0 : i32
      %dma_start3A_115 = tpu.memref_slice %arg4[%add3A_106, %dma_start3A_114] : memref<196608x128xf32, #tpu.memory_space<hbm>> -> memref<128x128xf32, #tpu.memory_space<hbm>>
      %dma_start3A_116 = arith.constant 0 : i32
      %dma_start3A_117 = arith.constant 0 : i32
      %dma_start3A_118 = tpu.memref_slice %arg6[%dma_start3A_107, %dma_start3A_116, %dma_start3A_117] : memref<2x128x128xf32, #tpu.memory_space<vmem>> -> memref<1x128x128xf32, #tpu.memory_space<vmem>>
      %dma_start3A_119 = tpu.memref_squeeze %dma_start3A_118 : memref<1x128x128xf32, #tpu.memory_space<vmem>> -> memref<128x128xf32, #tpu.memory_space<vmem>>
      tpu.enqueue_dma source(%dma_start3A_119 : memref<128x128xf32, #tpu.memory_space<vmem>>) target(%dma_start3A_115 : memref<128x128xf32, #tpu.memory_space<hbm>>) target_semaphore(%arg11 : memref<!tpu.dma_semaphore, #tpu.memory_space<semaphore_mem>>)
      %add3A_120 = arith.constant 1 : i32
      %add3A_121 = arith.addi %mul3A_51, %add3A_120 : i32
      %mul3A_122 = arith.constant 128 : i32
      %mul3A_123 = arith.muli %add3A_121, %mul3A_122 : i32
      %add3A_124 = arith.addi %add3A_4, %mul3A_123 : i32
      %dma_wait3A_125 = arith.constant 1 : i32
      %dma_wait3A_126 = arith.constant 0 : i32
      %dma_wait3A_127 = tpu.memref_slice %arg5[%dma_wait3A_125, %dma_wait3A_126] : memref<2x128xi32, #tpu.memory_space<vmem>> -> memref<1x128xi32, #tpu.memory_space<vmem>>
      %dma_wait3A_128 = tpu.memref_squeeze %dma_wait3A_127 : memref<1x128xi32, #tpu.memory_space<vmem>> -> memref<128xi32, #tpu.memory_space<vmem>>
      %dma_wait3A_129 = tpu.memref_slice %arg2[%add3A_124] : memref<393216xi32, #tpu.memory_space<hbm>> -> memref<128xi32, #tpu.memory_space<hbm>>
      %dma_wait3A_130 = arith.constant 0 : i32
      %dma_wait3A_131 = tpu.memref_slice %arg5[%dma_wait3A_125, %dma_wait3A_130] : memref<2x128xi32, #tpu.memory_space<vmem>> -> memref<1x128xi32, #tpu.memory_space<vmem>>
      %dma_wait3A_132 = tpu.memref_squeeze %dma_wait3A_131 : memref<1x128xi32, #tpu.memory_space<vmem>> -> memref<128xi32, #tpu.memory_space<vmem>>
      %dma_wait3A_133 = tpu.memref_slice %arg2[%add3A_124] : memref<393216xi32, #tpu.memory_space<hbm>> -> memref<128xi32, #tpu.memory_space<hbm>>
      tpu.wait_dma2 semaphore(%arg8 : memref<!tpu.dma_semaphore, #tpu.memory_space<semaphore_mem>>) src(%dma_wait3A_133 : memref<128xi32, #tpu.memory_space<hbm>>) dst(%dma_wait3A_132 : memref<128xi32, #tpu.memory_space<vmem>>)
      %lt3A = arith.constant 23 : i32
      %lt3A_134 = arith.cmpi slt, %scan3A_49, %lt3A : i32
      %convert_element_type3A_135 = arith.extui %lt3A_134 : i1 to i32
      %cond3A_136 = arith.constant 0 : i32
      %cond3A_137 = arith.cmpi ne, %convert_element_type3A_135, %cond3A_136 : i32
      scf.if %cond3A_137 {
        %add3A_185 = arith.constant 2 : i32
        %add3A_186 = arith.addi %mul3A_51, %add3A_185 : i32
        %mul3A_187 = arith.constant 128 : i32
        %mul3A_188 = arith.muli %add3A_186, %mul3A_187 : i32
        %add3A_189 = arith.addi %add3A_4, %mul3A_188 : i32
        %dma_start3A_190 = arith.constant 0 : i32
        %dma_start3A_191 = arith.constant 0 : i32
        %dma_start3A_192 = tpu.memref_slice %arg5[%dma_start3A_190, %dma_start3A_191] : memref<2x128xi32, #tpu.memory_space<vmem>> -> memref<1x128xi32, #tpu.memory_space<vmem>>
        %dma_start3A_193 = tpu.memref_squeeze %dma_start3A_192 : memref<1x128xi32, #tpu.memory_space<vmem>> -> memref<128xi32, #tpu.memory_space<vmem>>
        %dma_start3A_194 = tpu.memref_slice %arg2[%add3A_189] : memref<393216xi32, #tpu.memory_space<hbm>> -> memref<128xi32, #tpu.memory_space<hbm>>
        %dma_start3A_195 = arith.constant 0 : i32
        %dma_start3A_196 = tpu.memref_slice %arg5[%dma_start3A_190, %dma_start3A_195] : memref<2x128xi32, #tpu.memory_space<vmem>> -> memref<1x128xi32, #tpu.memory_space<vmem>>
        %dma_start3A_197 = tpu.memref_squeeze %dma_start3A_196 : memref<1x128xi32, #tpu.memory_space<vmem>> -> memref<128xi32, #tpu.memory_space<vmem>>
        %dma_start3A_198 = tpu.memref_slice %arg2[%add3A_189] : memref<393216xi32, #tpu.memory_space<hbm>> -> memref<128xi32, #tpu.memory_space<hbm>>
        tpu.enqueue_dma source(%dma_start3A_198 : memref<128xi32, #tpu.memory_space<hbm>>) target(%dma_start3A_197 : memref<128xi32, #tpu.memory_space<vmem>>) target_semaphore(%arg7 : memref<!tpu.dma_semaphore, #tpu.memory_space<semaphore_mem>>)
      } else {
      }
      %gt3A_138 = arith.constant 0 : i32
      %gt3A_139 = arith.cmpi sgt, %scan3A_49, %gt3A_138 : i32
      %convert_element_type3A_140 = arith.extui %gt3A_139 : i1 to i32
      %cond3A_141 = arith.constant 0 : i32
      %cond3A_142 = arith.cmpi ne, %convert_element_type3A_140, %cond3A_141 : i32
      scf.if %cond3A_142 {
        %sub3A = arith.constant 1 : i32
        %sub3A_185 = arith.subi %mul3A_51, %sub3A : i32
        %mul3A_186 = arith.constant 128 : i32
        %mul3A_187 = arith.muli %sub3A_185, %mul3A_186 : i32
        %add3A_188 = arith.addi %mul3A_2, %mul3A_187 : i32
        %dma_wait3A_189 = arith.constant 1 : i32
        %dma_wait3A_190 = arith.constant 0 : i32
        %dma_wait3A_191 = arith.constant 0 : i32
        %dma_wait3A_192 = tpu.memref_slice %arg6[%dma_wait3A_189, %dma_wait3A_190, %dma_wait3A_191] : memref<2x128x128xf32, #tpu.memory_space<vmem>> -> memref<1x128x128xf32, #tpu.memory_space<vmem>>
        %dma_wait3A_193 = tpu.memref_squeeze %dma_wait3A_192 : memref<1x128x128xf32, #tpu.memory_space<vmem>> -> memref<128x128xf32, #tpu.memory_space<vmem>>
        %dma_wait3A_194 = arith.constant 0 : i32
        %dma_wait3A_195 = tpu.memref_slice %arg4[%add3A_188, %dma_wait3A_194] : memref<196608x128xf32, #tpu.memory_space<hbm>> -> memref<128x128xf32, #tpu.memory_space<hbm>>
        %dma_wait3A_196 = arith.constant 0 : i32
        %dma_wait3A_197 = tpu.memref_slice %arg4[%add3A_188, %dma_wait3A_196] : memref<196608x128xf32, #tpu.memory_space<hbm>> -> memref<128x128xf32, #tpu.memory_space<hbm>>
        %dma_wait3A_198 = arith.constant 0 : i32
        %dma_wait3A_199 = arith.constant 0 : i32
        %dma_wait3A_200 = tpu.memref_slice %arg6[%dma_wait3A_189, %dma_wait3A_198, %dma_wait3A_199] : memref<2x128x128xf32, #tpu.memory_space<vmem>> -> memref<1x128x128xf32, #tpu.memory_space<vmem>>
        %dma_wait3A_201 = tpu.memref_squeeze %dma_wait3A_200 : memref<1x128x128xf32, #tpu.memory_space<vmem>> -> memref<128x128xf32, #tpu.memory_space<vmem>>
        tpu.wait_dma2 semaphore(%arg12 : memref<!tpu.dma_semaphore, #tpu.memory_space<semaphore_mem>>) src(%dma_wait3A_201 : memref<128x128xf32, #tpu.memory_space<vmem>>) dst(%dma_wait3A_197 : memref<128x128xf32, #tpu.memory_space<hbm>>)
      } else {
      }
      %dma_start3A_143 = arith.constant 1 : i32
      %dma_start3A_144 = arith.constant 1 : i32
      %dma_start3A_145 = arith.constant 0 : i32
      %dma_start3A_146 = arith.constant 0 : i32
      %dma_start3A_147 = tpu.memref_slice %arg6[%dma_start3A_144, %dma_start3A_145, %dma_start3A_146] : memref<2x128x128xf32, #tpu.memory_space<vmem>> -> memref<1x128x128xf32, #tpu.memory_space<vmem>>
      %dma_start3A_148 = tpu.memref_squeeze %dma_start3A_147 : memref<1x128x128xf32, #tpu.memory_space<vmem>> -> memref<128x128xf32, #tpu.memory_space<vmem>>
      %dma_start3A_149 = arith.constant 0 : i32
      %dma_start3A_150 = tpu.memref_slice %arg5[%dma_start3A_143, %dma_start3A_149] : memref<2x128xi32, #tpu.memory_space<vmem>> -> memref<1x128xi32, #tpu.memory_space<vmem>>
      %dma_start3A_151 = tpu.memref_squeeze %dma_start3A_150 : memref<1x128xi32, #tpu.memory_space<vmem>> -> memref<128xi32, #tpu.memory_space<vmem>>
      %dma_start3A_152 = arith.constant 0 : i32
      %dma_start3A_153 = arith.constant 0 : i32
      %dma_start3A_154 = tpu.memref_slice %arg3[%dma_start3A_152, %dma_start3A_153] : memref<8192x128xf32, #tpu.memory_space<hbm>> -> memref<8192x128xf32, #tpu.memory_space<hbm>>
      tpu.enqueue_indirect_dma source(%dma_start3A_154 : memref<8192x128xf32, #tpu.memory_space<hbm>>) target(%dma_start3A_148 : memref<128x128xf32, #tpu.memory_space<vmem>>) offsets(%dma_start3A_151 : memref<128xi32, #tpu.memory_space<vmem>>) semaphore(%arg10 : memref<!tpu.dma_semaphore, #tpu.memory_space<semaphore_mem>>)
      %dma_wait3A_155 = arith.constant 1 : i32
      %dma_wait3A_156 = arith.constant 1 : i32
      %dma_wait3A_157 = arith.constant 0 : i32
      %dma_wait3A_158 = arith.constant 0 : i32
      %dma_wait3A_159 = tpu.memref_slice %arg6[%dma_wait3A_156, %dma_wait3A_157, %dma_wait3A_158] : memref<2x128x128xf32, #tpu.memory_space<vmem>> -> memref<1x128x128xf32, #tpu.memory_space<vmem>>
      %dma_wait3A_160 = tpu.memref_squeeze %dma_wait3A_159 : memref<1x128x128xf32, #tpu.memory_space<vmem>> -> memref<128x128xf32, #tpu.memory_space<vmem>>
      %dma_wait3A_161 = arith.constant 0 : i32
      %dma_wait3A_162 = tpu.memref_slice %arg5[%dma_wait3A_155, %dma_wait3A_161] : memref<2x128xi32, #tpu.memory_space<vmem>> -> memref<1x128xi32, #tpu.memory_space<vmem>>
      %dma_wait3A_163 = tpu.memref_squeeze %dma_wait3A_162 : memref<1x128xi32, #tpu.memory_space<vmem>> -> memref<128xi32, #tpu.memory_space<vmem>>
      %dma_wait3A_164 = arith.constant 0 : i32
      %dma_wait3A_165 = arith.constant 0 : i32
      %dma_wait3A_166 = tpu.memref_slice %arg3[%dma_wait3A_164, %dma_wait3A_165] : memref<8192x128xf32, #tpu.memory_space<hbm>> -> memref<8192x128xf32, #tpu.memory_space<hbm>>
      tpu.wait_indirect_dma semaphore(%arg10 : memref<!tpu.dma_semaphore, #tpu.memory_space<semaphore_mem>>) src(%dma_wait3A_166 : memref<8192x128xf32, #tpu.memory_space<hbm>>) dst(%dma_wait3A_160 : memref<128x128xf32, #tpu.memory_space<vmem>>)
      %add3A_167 = arith.constant 1 : i32
      %add3A_168 = arith.addi %mul3A_51, %add3A_167 : i32
      %mul3A_169 = arith.constant 128 : i32
      %mul3A_170 = arith.muli %add3A_168, %mul3A_169 : i32
      %add3A_171 = arith.addi %mul3A_2, %mul3A_170 : i32
      %dma_start3A_172 = arith.constant 1 : i32
      %dma_start3A_173 = arith.constant 0 : i32
      %dma_start3A_174 = arith.constant 0 : i32
      %dma_start3A_175 = tpu.memref_slice %arg6[%dma_start3A_172, %dma_start3A_173, %dma_start3A_174] : memref<2x128x128xf32, #tpu.memory_space<vmem>> -> memref<1x128x128xf32, #tpu.memory_space<vmem>>
      %dma_start3A_176 = tpu.memref_squeeze %dma_start3A_175 : memref<1x128x128xf32, #tpu.memory_space<vmem>> -> memref<128x128xf32, #tpu.memory_space<vmem>>
      %dma_start3A_177 = arith.constant 0 : i32
      %dma_start3A_178 = tpu.memref_slice %arg4[%add3A_171, %dma_start3A_177] : memref<196608x128xf32, #tpu.memory_space<hbm>> -> memref<128x128xf32, #tpu.memory_space<hbm>>
      %dma_start3A_179 = arith.constant 0 : i32
      %dma_start3A_180 = tpu.memref_slice %arg4[%add3A_171, %dma_start3A_179] : memref<196608x128xf32, #tpu.memory_space<hbm>> -> memref<128x128xf32, #tpu.memory_space<hbm>>
      %dma_start3A_181 = arith.constant 0 : i32
      %dma_start3A_182 = arith.constant 0 : i32
      %dma_start3A_183 = tpu.memref_slice %arg6[%dma_start3A_172, %dma_start3A_181, %dma_start3A_182] : memref<2x128x128xf32, #tpu.memory_space<vmem>> -> memref<1x128x128xf32, #tpu.memory_space<vmem>>
      %dma_start3A_184 = tpu.memref_squeeze %dma_start3A_183 : memref<1x128x128xf32, #tpu.memory_space<vmem>> -> memref<128x128xf32, #tpu.memory_space<vmem>>
      tpu.enqueue_dma source(%dma_start3A_184 : memref<128x128xf32, #tpu.memory_space<vmem>>) target(%dma_start3A_180 : memref<128x128xf32, #tpu.memory_space<hbm>>) target_semaphore(%arg12 : memref<!tpu.dma_semaphore, #tpu.memory_space<semaphore_mem>>)
    }
    %scan3A_19 = arith.constant 24 : i32
    %add3A_20 = arith.constant 5888 : i32
    %add3A_21 = arith.addi %mul3A_2, %add3A_20 : i32
    %dma_wait3A = arith.constant 0 : i32
    %dma_wait3A_22 = arith.constant 0 : i32
    %dma_wait3A_23 = arith.constant 0 : i32
    %dma_wait3A_24 = tpu.memref_slice %arg6[%dma_wait3A, %dma_wait3A_22, %dma_wait3A_23] : memref<2x128x128xf32, #tpu.memory_space<vmem>> -> memref<1x128x128xf32, #tpu.memory_space<vmem>>
    %dma_wait3A_25 = tpu.memref_squeeze %dma_wait3A_24 : memref<1x128x128xf32, #tpu.memory_space<vmem>> -> memref<128x128xf32, #tpu.memory_space<vmem>>
    %dma_wait3A_26 = arith.constant 0 : i32
    %dma_wait3A_27 = tpu.memref_slice %arg4[%add3A_21, %dma_wait3A_26] : memref<196608x128xf32, #tpu.memory_space<hbm>> -> memref<128x128xf32, #tpu.memory_space<hbm>>
    %dma_wait3A_28 = arith.constant 0 : i32
    %dma_wait3A_29 = tpu.memref_slice %arg4[%add3A_21, %dma_wait3A_28] : memref<196608x128xf32, #tpu.memory_space<hbm>> -> memref<128x128xf32, #tpu.memory_space<hbm>>
    %dma_wait3A_30 = arith.constant 0 : i32
    %dma_wait3A_31 = arith.constant 0 : i32
    %dma_wait3A_32 = tpu.memref_slice %arg6[%dma_wait3A, %dma_wait3A_30, %dma_wait3A_31] : memref<2x128x128xf32, #tpu.memory_space<vmem>> -> memref<1x128x128xf32, #tpu.memory_space<vmem>>
    %dma_wait3A_33 = tpu.memref_squeeze %dma_wait3A_32 : memref<1x128x128xf32, #tpu.memory_space<vmem>> -> memref<128x128xf32, #tpu.memory_space<vmem>>
    tpu.wait_dma2 semaphore(%arg11 : memref<!tpu.dma_semaphore, #tpu.memory_space<semaphore_mem>>) src(%dma_wait3A_33 : memref<128x128xf32, #tpu.memory_space<vmem>>) dst(%dma_wait3A_29 : memref<128x128xf32, #tpu.memory_space<hbm>>)
    %add3A_34 = arith.constant 6016 : i32
    %add3A_35 = arith.addi %mul3A_2, %add3A_34 : i32
    %dma_wait3A_36 = arith.constant 1 : i32
    %dma_wait3A_37 = arith.constant 0 : i32
    %dma_wait3A_38 = arith.constant 0 : i32
    %dma_wait3A_39 = tpu.memref_slice %arg6[%dma_wait3A_36, %dma_wait3A_37, %dma_wait3A_38] : memref<2x128x128xf32, #tpu.memory_space<vmem>> -> memref<1x128x128xf32, #tpu.memory_space<vmem>>
    %dma_wait3A_40 = tpu.memref_squeeze %dma_wait3A_39 : memref<1x128x128xf32, #tpu.memory_space<vmem>> -> memref<128x128xf32, #tpu.memory_space<vmem>>
    %dma_wait3A_41 = arith.constant 0 : i32
    %dma_wait3A_42 = tpu.memref_slice %arg4[%add3A_35, %dma_wait3A_41] : memref<196608x128xf32, #tpu.memory_space<hbm>> -> memref<128x128xf32, #tpu.memory_space<hbm>>
    %dma_wait3A_43 = arith.constant 0 : i32
    %dma_wait3A_44 = tpu.memref_slice %arg4[%add3A_35, %dma_wait3A_43] : memref<196608x128xf32, #tpu.memory_space<hbm>> -> memref<128x128xf32, #tpu.memory_space<hbm>>
    %dma_wait3A_45 = arith.constant 0 : i32
    %dma_wait3A_46 = arith.constant 0 : i32
    %dma_wait3A_47 = tpu.memref_slice %arg6[%dma_wait3A_36, %dma_wait3A_45, %dma_wait3A_46] : memref<2x128x128xf32, #tpu.memory_space<vmem>> -> memref<1x128x128xf32, #tpu.memory_space<vmem>>
    %dma_wait3A_48 = tpu.memref_squeeze %dma_wait3A_47 : memref<1x128x128xf32, #tpu.memory_space<vmem>> -> memref<128x128xf32, #tpu.memory_space<vmem>>
    tpu.wait_dma2 semaphore(%arg12 : memref<!tpu.dma_semaphore, #tpu.memory_space<semaphore_mem>>) src(%dma_wait3A_48 : memref<128x128xf32, #tpu.memory_space<vmem>>) dst(%dma_wait3A_44 : memref<128x128xf32, #tpu.memory_space<hbm>>)
    return
  }
}

#map = affine_map<(d0, d1) -> (0)>
#map1 = affine_map<(d0, d1) -> (0, 0)>
module attributes {stable_mosaic.version = 14 : i64} {
  func.func @gather_k(%arg0: i32, %arg1: i32, %arg2: memref<393216xi32, #tpu.memory_space<hbm>>, %arg3: memref<8192x128xf32, #tpu.memory_space<hbm>>, %arg4: memref<196608x128xf32, #tpu.memory_space<hbm>>, %arg5: memref<2x128xi32, #tpu.memory_space<vmem>>, %arg6: memref<2x128x128xf32, #tpu.memory_space<vmem>>, %arg7: memref<!tpu.dma_semaphore, #tpu.memory_space<semaphore_mem>>, %arg8: memref<!tpu.dma_semaphore, #tpu.memory_space<semaphore_mem>>, %arg9: memref<!tpu.dma_semaphore, #tpu.memory_space<semaphore_mem>>, %arg10: memref<!tpu.dma_semaphore, #tpu.memory_space<semaphore_mem>>, %arg11: memref<!tpu.dma_semaphore, #tpu.memory_space<semaphore_mem>>, %arg12: memref<!tpu.dma_semaphore, #tpu.memory_space<semaphore_mem>>) attributes {dimension_semantics = [#tpu.dimension_semantics<core_parallel>, #tpu.dimension_semantics<subcore_parallel>], iteration_bounds = array<i64: 2, 16>, scalar_prefetch = 0 : i64, scratch_operands = 8 : i64, tpu.core_type = #tpu.core_type<sc_vector_subcore>, window_params = [{transform_indices = #map}, {transform_indices = #map1}, {transform_indices = #map1}]} {
    %mul3A = arith.constant 2 : i32
    %mul3A_0 = arith.muli %arg1, %mul3A : i32
    %add3A = arith.addi %mul3A_0, %arg0 : i32
    %mul3A_1 = arith.constant 6144 : i32
    %mul3A_2 = arith.muli %add3A, %mul3A_1 : i32
    %add3A_3 = arith.constant 196608 : i32
    %add3A_4 = arith.addi %add3A_3, %mul3A_2 : i32
    %add3A_5 = arith.constant 0 : i32
    %add3A_6 = arith.addi %add3A_4, %add3A_5 : i32
    %dma_start3A = arith.constant 0 : i32
    %dma_start3A_7 = arith.constant 0 : i32
    %dma_start3A_8 = tpu.memref_slice %arg5[%dma_start3A, %dma_start3A_7] : memref<2x128xi32, #tpu.memory_space<vmem>> -> memref<1x128xi32, #tpu.memory_space<vmem>>
    %dma_start3A_9 = tpu.memref_squeeze %dma_start3A_8 : memref<1x128xi32, #tpu.memory_space<vmem>> -> memref<128xi32, #tpu.memory_space<vmem>>
    %dma_start3A_10 = tpu.memref_slice %arg2[%add3A_6] : memref<393216xi32, #tpu.memory_space<hbm>> -> memref<128xi32, #tpu.memory_space<hbm>>
    %dma_start3A_11 = arith.constant 0 : i32
    %dma_start3A_12 = tpu.memref_slice %arg5[%dma_start3A, %dma_start3A_11] : memref<2x128xi32, #tpu.memory_space<vmem>> -> memref<1x128xi32, #tpu.memory_space<vmem>>
    %dma_start3A_13 = tpu.memref_squeeze %dma_start3A_12 : memref<1x128xi32, #tpu.memory_space<vmem>> -> memref<128xi32, #tpu.memory_space<vmem>>
    %dma_start3A_14 = tpu.memref_slice %arg2[%add3A_6] : memref<393216xi32, #tpu.memory_space<hbm>> -> memref<128xi32, #tpu.memory_space<hbm>>
    tpu.enqueue_dma source(%dma_start3A_14 : memref<128xi32, #tpu.memory_space<hbm>>) target(%dma_start3A_13 : memref<128xi32, #tpu.memory_space<vmem>>) target_semaphore(%arg7 : memref<!tpu.dma_semaphore, #tpu.memory_space<semaphore_mem>>)
    %scan3A = arith.constant 0 : i32
    %scan3A_15 = arith.constant 0 : i32
    %scan3A_16 = arith.constant 24 : i32
    %scan3A_17 = arith.addi %scan3A_15, %scan3A_16 : i32
    %scan3A_18 = arith.constant 1 : i32
    scf.for %scan3A_49 = %scan3A_15 to %scan3A_17 step %scan3A_18  : i32 {
      %mul3A_50 = arith.constant 2 : i32
      %mul3A_51 = arith.muli %mul3A_50, %scan3A_49 : i32
      %mul3A_52 = arith.constant 128 : i32
      %mul3A_53 = arith.muli %mul3A_51, %mul3A_52 : i32
      %add3A_54 = arith.addi %add3A_4, %mul3A_53 : i32
      %dma_wait3A_55 = arith.constant 0 : i32
      %dma_wait3A_56 = arith.constant 0 : i32
      %dma_wait3A_57 = tpu.memref_slice %arg5[%dma_wait3A_55, %dma_wait3A_56] : memref<2x128xi32, #tpu.memory_space<vmem>> -> memref<1x128xi32, #tpu.memory_space<vmem>>
      %dma_wait3A_58 = tpu.memref_squeeze %dma_wait3A_57 : memref<1x128xi32, #tpu.memory_space<vmem>> -> memref<128xi32, #tpu.memory_space<vmem>>
      %dma_wait3A_59 = tpu.memref_slice %arg2[%add3A_54] : memref<393216xi32, #tpu.memory_space<hbm>> -> memref<128xi32, #tpu.memory_space<hbm>>
      %dma_wait3A_60 = arith.constant 0 : i32
      %dma_wait3A_61 = tpu.memref_slice %arg5[%dma_wait3A_55, %dma_wait3A_60] : memref<2x128xi32, #tpu.memory_space<vmem>> -> memref<1x128xi32, #tpu.memory_space<vmem>>
      %dma_wait3A_62 = tpu.memref_squeeze %dma_wait3A_61 : memref<1x128xi32, #tpu.memory_space<vmem>> -> memref<128xi32, #tpu.memory_space<vmem>>
      %dma_wait3A_63 = tpu.memref_slice %arg2[%add3A_54] : memref<393216xi32, #tpu.memory_space<hbm>> -> memref<128xi32, #tpu.memory_space<hbm>>
      tpu.wait_dma2 semaphore(%arg7 : memref<!tpu.dma_semaphore, #tpu.memory_space<semaphore_mem>>) src(%dma_wait3A_63 : memref<128xi32, #tpu.memory_space<hbm>>) dst(%dma_wait3A_62 : memref<128xi32, #tpu.memory_space<vmem>>)
      %add3A_64 = arith.constant 1 : i32
      %add3A_65 = arith.addi %mul3A_51, %add3A_64 : i32
      %mul3A_66 = arith.constant 128 : i32
      %mul3A_67 = arith.muli %add3A_65, %mul3A_66 : i32
      %add3A_68 = arith.addi %add3A_4, %mul3A_67 : i32
      %dma_start3A_69 = arith.constant 1 : i32
      %dma_start3A_70 = arith.constant 0 : i32
      %dma_start3A_71 = tpu.memref_slice %arg5[%dma_start3A_69, %dma_start3A_70] : memref<2x128xi32, #tpu.memory_space<vmem>> -> memref<1x128xi32, #tpu.memory_space<vmem>>
      %dma_start3A_72 = tpu.memref_squeeze %dma_start3A_71 : memref<1x128xi32, #tpu.memory_space<vmem>> -> memref<128xi32, #tpu.memory_space<vmem>>
      %dma_start3A_73 = tpu.memref_slice %arg2[%add3A_68] : memref<393216xi32, #tpu.memory_space<hbm>> -> memref<128xi32, #tpu.memory_space<hbm>>
      %dma_start3A_74 = arith.constant 0 : i32
      %dma_start3A_75 = tpu.memref_slice %arg5[%dma_start3A_69, %dma_start3A_74] : memref<2x128xi32, #tpu.memory_space<vmem>> -> memref<1x128xi32, #tpu.memory_space<vmem>>
      %dma_start3A_76 = tpu.memref_squeeze %dma_start3A_75 : memref<1x128xi32, #tpu.memory_space<vmem>> -> memref<128xi32, #tpu.memory_space<vmem>>
      %dma_start3A_77 = tpu.memref_slice %arg2[%add3A_68] : memref<393216xi32, #tpu.memory_space<hbm>> -> memref<128xi32, #tpu.memory_space<hbm>>
      tpu.enqueue_dma source(%dma_start3A_77 : memref<128xi32, #tpu.memory_space<hbm>>) target(%dma_start3A_76 : memref<128xi32, #tpu.memory_space<vmem>>) target_semaphore(%arg8 : memref<!tpu.dma_semaphore, #tpu.memory_space<semaphore_mem>>)
      %gt3A = arith.constant 0 : i32
      %gt3A_78 = arith.cmpi sgt, %scan3A_49, %gt3A : i32
      %convert_element_type3A = arith.extui %gt3A_78 : i1 to i32
      %cond3A = arith.constant 0 : i32
      %cond3A_79 = arith.cmpi ne, %convert_element_type3A, %cond3A : i32
      scf.if %cond3A_79 {
        %sub3A = arith.constant 2 : i32
        %sub3A_185 = arith.subi %mul3A_51, %sub3A : i32
        %mul3A_186 = arith.constant 128 : i32
        %mul3A_187 = arith.muli %sub3A_185, %mul3A_186 : i32
        %add3A_188 = arith.addi %mul3A_2, %mul3A_187 : i32
        %dma_wait3A_189 = arith.constant 0 : i32
        %dma_wait3A_190 = arith.constant 0 : i32
        %dma_wait3A_191 = arith.constant 0 : i32
        %dma_wait3A_192 = tpu.memref_slice %arg6[%dma_wait3A_189, %dma_wait3A_190, %dma_wait3A_191] : memref<2x128x128xf32, #tpu.memory_space<vmem>> -> memref<1x128x128xf32, #tpu.memory_space<vmem>>
        %dma_wait3A_193 = tpu.memref_squeeze %dma_wait3A_192 : memref<1x128x128xf32, #tpu.memory_space<vmem>> -> memref<128x128xf32, #tpu.memory_space<vmem>>
        %dma_wait3A_194 = arith.constant 0 : i32
        %dma_wait3A_195 = tpu.memref_slice %arg4[%add3A_188, %dma_wait3A_194] : memref<196608x128xf32, #tpu.memory_space<hbm>> -> memref<128x128xf32, #tpu.memory_space<hbm>>
        %dma_wait3A_196 = arith.constant 0 : i32
        %dma_wait3A_197 = tpu.memref_slice %arg4[%add3A_188, %dma_wait3A_196] : memref<196608x128xf32, #tpu.memory_space<hbm>> -> memref<128x128xf32, #tpu.memory_space<hbm>>
        %dma_wait3A_198 = arith.constant 0 : i32
        %dma_wait3A_199 = arith.constant 0 : i32
        %dma_wait3A_200 = tpu.memref_slice %arg6[%dma_wait3A_189, %dma_wait3A_198, %dma_wait3A_199] : memref<2x128x128xf32, #tpu.memory_space<vmem>> -> memref<1x128x128xf32, #tpu.memory_space<vmem>>
        %dma_wait3A_201 = tpu.memref_squeeze %dma_wait3A_200 : memref<1x128x128xf32, #tpu.memory_space<vmem>> -> memref<128x128xf32, #tpu.memory_space<vmem>>
        tpu.wait_dma2 semaphore(%arg11 : memref<!tpu.dma_semaphore, #tpu.memory_space<semaphore_mem>>) src(%dma_wait3A_201 : memref<128x128xf32, #tpu.memory_space<vmem>>) dst(%dma_wait3A_197 : memref<128x128xf32, #tpu.memory_space<hbm>>)
      } else {
      }
      %dma_start3A_80 = arith.constant 0 : i32
      %dma_start3A_81 = arith.constant 0 : i32
      %dma_start3A_82 = arith.constant 0 : i32
      %dma_start3A_83 = arith.constant 0 : i32
      %dma_start3A_84 = tpu.memref_slice %arg6[%dma_start3A_81, %dma_start3A_82, %dma_start3A_83] : memref<2x128x128xf32, #tpu.memory_space<vmem>> -> memref<1x128x128xf32, #tpu.memory_space<vmem>>
      %dma_start3A_85 = tpu.memref_squeeze %dma_start3A_84 : memref<1x128x128xf32, #tpu.memory_space<vmem>> -> memref<128x128xf32, #tpu.memory_space<vmem>>
      %dma_start3A_86 = arith.constant 0 : i32
      %dma_start3A_87 = tpu.memref_slice %arg5[%dma_start3A_80, %dma_start3A_86] : memref<2x128xi32, #tpu.memory_space<vmem>> -> memref<1x128xi32, #tpu.memory_space<vmem>>
      %dma_start3A_88 = tpu.memref_squeeze %dma_start3A_87 : memref<1x128xi32, #tpu.memory_space<vmem>> -> memref<128xi32, #tpu.memory_space<vmem>>
      %dma_start3A_89 = arith.constant 0 : i32
      %dma_start3A_90 = arith.constant 0 : i32
      %dma_start3A_91 = tpu.memref_slice %arg3[%dma_start3A_89, %dma_start3A_90] : memref<8192x128xf32, #tpu.memory_space<hbm>> -> memref<8192x128xf32, #tpu.memory_space<hbm>>
      tpu.enqueue_indirect_dma source(%dma_start3A_91 : memref<8192x128xf32, #tpu.memory_space<hbm>>) target(%dma_start3A_85 : memref<128x128xf32, #tpu.memory_space<vmem>>) offsets(%dma_start3A_88 : memref<128xi32, #tpu.memory_space<vmem>>) semaphore(%arg9 : memref<!tpu.dma_semaphore, #tpu.memory_space<semaphore_mem>>)
      %dma_wait3A_92 = arith.constant 0 : i32
      %dma_wait3A_93 = arith.constant 0 : i32
      %dma_wait3A_94 = arith.constant 0 : i32
      %dma_wait3A_95 = arith.constant 0 : i32
      %dma_wait3A_96 = tpu.memref_slice %arg6[%dma_wait3A_93, %dma_wait3A_94, %dma_wait3A_95] : memref<2x128x128xf32, #tpu.memory_space<vmem>> -> memref<1x128x128xf32, #tpu.memory_space<vmem>>
      %dma_wait3A_97 = tpu.memref_squeeze %dma_wait3A_96 : memref<1x128x128xf32, #tpu.memory_space<vmem>> -> memref<128x128xf32, #tpu.memory_space<vmem>>
      %dma_wait3A_98 = arith.constant 0 : i32
      %dma_wait3A_99 = tpu.memref_slice %arg5[%dma_wait3A_92, %dma_wait3A_98] : memref<2x128xi32, #tpu.memory_space<vmem>> -> memref<1x128xi32, #tpu.memory_space<vmem>>
      %dma_wait3A_100 = tpu.memref_squeeze %dma_wait3A_99 : memref<1x128xi32, #tpu.memory_space<vmem>> -> memref<128xi32, #tpu.memory_space<vmem>>
      %dma_wait3A_101 = arith.constant 0 : i32
      %dma_wait3A_102 = arith.constant 0 : i32
      %dma_wait3A_103 = tpu.memref_slice %arg3[%dma_wait3A_101, %dma_wait3A_102] : memref<8192x128xf32, #tpu.memory_space<hbm>> -> memref<8192x128xf32, #tpu.memory_space<hbm>>
      tpu.wait_indirect_dma semaphore(%arg9 : memref<!tpu.dma_semaphore, #tpu.memory_space<semaphore_mem>>) src(%dma_wait3A_103 : memref<8192x128xf32, #tpu.memory_space<hbm>>) dst(%dma_wait3A_97 : memref<128x128xf32, #tpu.memory_space<vmem>>)
      %mul3A_104 = arith.constant 128 : i32
      %mul3A_105 = arith.muli %mul3A_51, %mul3A_104 : i32
      %add3A_106 = arith.addi %mul3A_2, %mul3A_105 : i32
      %dma_start3A_107 = arith.constant 0 : i32
      %dma_start3A_108 = arith.constant 0 : i32
      %dma_start3A_109 = arith.constant 0 : i32
      %dma_start3A_110 = tpu.memref_slice %arg6[%dma_start3A_107, %dma_start3A_108, %dma_start3A_109] : memref<2x128x128xf32, #tpu.memory_space<vmem>> -> memref<1x128x128xf32, #tpu.memory_space<vmem>>
      %dma_start3A_111 = tpu.memref_squeeze %dma_start3A_110 : memref<1x128x128xf32, #tpu.memory_space<vmem>> -> memref<128x128xf32, #tpu.memory_space<vmem>>
      %dma_start3A_112 = arith.constant 0 : i32
      %dma_start3A_113 = tpu.memref_slice %arg4[%add3A_106, %dma_start3A_112] : memref<196608x128xf32, #tpu.memory_space<hbm>> -> memref<128x128xf32, #tpu.memory_space<hbm>>
      %dma_start3A_114 = arith.constant 0 : i32
      %dma_start3A_115 = tpu.memref_slice %arg4[%add3A_106, %dma_start3A_114] : memref<196608x128xf32, #tpu.memory_space<hbm>> -> memref<128x128xf32, #tpu.memory_space<hbm>>
      %dma_start3A_116 = arith.constant 0 : i32
      %dma_start3A_117 = arith.constant 0 : i32
      %dma_start3A_118 = tpu.memref_slice %arg6[%dma_start3A_107, %dma_start3A_116, %dma_start3A_117] : memref<2x128x128xf32, #tpu.memory_space<vmem>> -> memref<1x128x128xf32, #tpu.memory_space<vmem>>
      %dma_start3A_119 = tpu.memref_squeeze %dma_start3A_118 : memref<1x128x128xf32, #tpu.memory_space<vmem>> -> memref<128x128xf32, #tpu.memory_space<vmem>>
      tpu.enqueue_dma source(%dma_start3A_119 : memref<128x128xf32, #tpu.memory_space<vmem>>) target(%dma_start3A_115 : memref<128x128xf32, #tpu.memory_space<hbm>>) target_semaphore(%arg11 : memref<!tpu.dma_semaphore, #tpu.memory_space<semaphore_mem>>)
      %add3A_120 = arith.constant 1 : i32
      %add3A_121 = arith.addi %mul3A_51, %add3A_120 : i32
      %mul3A_122 = arith.constant 128 : i32
      %mul3A_123 = arith.muli %add3A_121, %mul3A_122 : i32
      %add3A_124 = arith.addi %add3A_4, %mul3A_123 : i32
      %dma_wait3A_125 = arith.constant 1 : i32
      %dma_wait3A_126 = arith.constant 0 : i32
      %dma_wait3A_127 = tpu.memref_slice %arg5[%dma_wait3A_125, %dma_wait3A_126] : memref<2x128xi32, #tpu.memory_space<vmem>> -> memref<1x128xi32, #tpu.memory_space<vmem>>
      %dma_wait3A_128 = tpu.memref_squeeze %dma_wait3A_127 : memref<1x128xi32, #tpu.memory_space<vmem>> -> memref<128xi32, #tpu.memory_space<vmem>>
      %dma_wait3A_129 = tpu.memref_slice %arg2[%add3A_124] : memref<393216xi32, #tpu.memory_space<hbm>> -> memref<128xi32, #tpu.memory_space<hbm>>
      %dma_wait3A_130 = arith.constant 0 : i32
      %dma_wait3A_131 = tpu.memref_slice %arg5[%dma_wait3A_125, %dma_wait3A_130] : memref<2x128xi32, #tpu.memory_space<vmem>> -> memref<1x128xi32, #tpu.memory_space<vmem>>
      %dma_wait3A_132 = tpu.memref_squeeze %dma_wait3A_131 : memref<1x128xi32, #tpu.memory_space<vmem>> -> memref<128xi32, #tpu.memory_space<vmem>>
      %dma_wait3A_133 = tpu.memref_slice %arg2[%add3A_124] : memref<393216xi32, #tpu.memory_space<hbm>> -> memref<128xi32, #tpu.memory_space<hbm>>
      tpu.wait_dma2 semaphore(%arg8 : memref<!tpu.dma_semaphore, #tpu.memory_space<semaphore_mem>>) src(%dma_wait3A_133 : memref<128xi32, #tpu.memory_space<hbm>>) dst(%dma_wait3A_132 : memref<128xi32, #tpu.memory_space<vmem>>)
      %lt3A = arith.constant 23 : i32
      %lt3A_134 = arith.cmpi slt, %scan3A_49, %lt3A : i32
      %convert_element_type3A_135 = arith.extui %lt3A_134 : i1 to i32
      %cond3A_136 = arith.constant 0 : i32
      %cond3A_137 = arith.cmpi ne, %convert_element_type3A_135, %cond3A_136 : i32
      scf.if %cond3A_137 {
        %add3A_185 = arith.constant 2 : i32
        %add3A_186 = arith.addi %mul3A_51, %add3A_185 : i32
        %mul3A_187 = arith.constant 128 : i32
        %mul3A_188 = arith.muli %add3A_186, %mul3A_187 : i32
        %add3A_189 = arith.addi %add3A_4, %mul3A_188 : i32
        %dma_start3A_190 = arith.constant 0 : i32
        %dma_start3A_191 = arith.constant 0 : i32
        %dma_start3A_192 = tpu.memref_slice %arg5[%dma_start3A_190, %dma_start3A_191] : memref<2x128xi32, #tpu.memory_space<vmem>> -> memref<1x128xi32, #tpu.memory_space<vmem>>
        %dma_start3A_193 = tpu.memref_squeeze %dma_start3A_192 : memref<1x128xi32, #tpu.memory_space<vmem>> -> memref<128xi32, #tpu.memory_space<vmem>>
        %dma_start3A_194 = tpu.memref_slice %arg2[%add3A_189] : memref<393216xi32, #tpu.memory_space<hbm>> -> memref<128xi32, #tpu.memory_space<hbm>>
        %dma_start3A_195 = arith.constant 0 : i32
        %dma_start3A_196 = tpu.memref_slice %arg5[%dma_start3A_190, %dma_start3A_195] : memref<2x128xi32, #tpu.memory_space<vmem>> -> memref<1x128xi32, #tpu.memory_space<vmem>>
        %dma_start3A_197 = tpu.memref_squeeze %dma_start3A_196 : memref<1x128xi32, #tpu.memory_space<vmem>> -> memref<128xi32, #tpu.memory_space<vmem>>
        %dma_start3A_198 = tpu.memref_slice %arg2[%add3A_189] : memref<393216xi32, #tpu.memory_space<hbm>> -> memref<128xi32, #tpu.memory_space<hbm>>
        tpu.enqueue_dma source(%dma_start3A_198 : memref<128xi32, #tpu.memory_space<hbm>>) target(%dma_start3A_197 : memref<128xi32, #tpu.memory_space<vmem>>) target_semaphore(%arg7 : memref<!tpu.dma_semaphore, #tpu.memory_space<semaphore_mem>>)
      } else {
      }
      %gt3A_138 = arith.constant 0 : i32
      %gt3A_139 = arith.cmpi sgt, %scan3A_49, %gt3A_138 : i32
      %convert_element_type3A_140 = arith.extui %gt3A_139 : i1 to i32
      %cond3A_141 = arith.constant 0 : i32
      %cond3A_142 = arith.cmpi ne, %convert_element_type3A_140, %cond3A_141 : i32
      scf.if %cond3A_142 {
        %sub3A = arith.constant 1 : i32
        %sub3A_185 = arith.subi %mul3A_51, %sub3A : i32
        %mul3A_186 = arith.constant 128 : i32
        %mul3A_187 = arith.muli %sub3A_185, %mul3A_186 : i32
        %add3A_188 = arith.addi %mul3A_2, %mul3A_187 : i32
        %dma_wait3A_189 = arith.constant 1 : i32
        %dma_wait3A_190 = arith.constant 0 : i32
        %dma_wait3A_191 = arith.constant 0 : i32
        %dma_wait3A_192 = tpu.memref_slice %arg6[%dma_wait3A_189, %dma_wait3A_190, %dma_wait3A_191] : memref<2x128x128xf32, #tpu.memory_space<vmem>> -> memref<1x128x128xf32, #tpu.memory_space<vmem>>
        %dma_wait3A_193 = tpu.memref_squeeze %dma_wait3A_192 : memref<1x128x128xf32, #tpu.memory_space<vmem>> -> memref<128x128xf32, #tpu.memory_space<vmem>>
        %dma_wait3A_194 = arith.constant 0 : i32
        %dma_wait3A_195 = tpu.memref_slice %arg4[%add3A_188, %dma_wait3A_194] : memref<196608x128xf32, #tpu.memory_space<hbm>> -> memref<128x128xf32, #tpu.memory_space<hbm>>
        %dma_wait3A_196 = arith.constant 0 : i32
        %dma_wait3A_197 = tpu.memref_slice %arg4[%add3A_188, %dma_wait3A_196] : memref<196608x128xf32, #tpu.memory_space<hbm>> -> memref<128x128xf32, #tpu.memory_space<hbm>>
        %dma_wait3A_198 = arith.constant 0 : i32
        %dma_wait3A_199 = arith.constant 0 : i32
        %dma_wait3A_200 = tpu.memref_slice %arg6[%dma_wait3A_189, %dma_wait3A_198, %dma_wait3A_199] : memref<2x128x128xf32, #tpu.memory_space<vmem>> -> memref<1x128x128xf32, #tpu.memory_space<vmem>>
        %dma_wait3A_201 = tpu.memref_squeeze %dma_wait3A_200 : memref<1x128x128xf32, #tpu.memory_space<vmem>> -> memref<128x128xf32, #tpu.memory_space<vmem>>
        tpu.wait_dma2 semaphore(%arg12 : memref<!tpu.dma_semaphore, #tpu.memory_space<semaphore_mem>>) src(%dma_wait3A_201 : memref<128x128xf32, #tpu.memory_space<vmem>>) dst(%dma_wait3A_197 : memref<128x128xf32, #tpu.memory_space<hbm>>)
      } else {
      }
      %dma_start3A_143 = arith.constant 1 : i32
      %dma_start3A_144 = arith.constant 1 : i32
      %dma_start3A_145 = arith.constant 0 : i32
      %dma_start3A_146 = arith.constant 0 : i32
      %dma_start3A_147 = tpu.memref_slice %arg6[%dma_start3A_144, %dma_start3A_145, %dma_start3A_146] : memref<2x128x128xf32, #tpu.memory_space<vmem>> -> memref<1x128x128xf32, #tpu.memory_space<vmem>>
      %dma_start3A_148 = tpu.memref_squeeze %dma_start3A_147 : memref<1x128x128xf32, #tpu.memory_space<vmem>> -> memref<128x128xf32, #tpu.memory_space<vmem>>
      %dma_start3A_149 = arith.constant 0 : i32
      %dma_start3A_150 = tpu.memref_slice %arg5[%dma_start3A_143, %dma_start3A_149] : memref<2x128xi32, #tpu.memory_space<vmem>> -> memref<1x128xi32, #tpu.memory_space<vmem>>
      %dma_start3A_151 = tpu.memref_squeeze %dma_start3A_150 : memref<1x128xi32, #tpu.memory_space<vmem>> -> memref<128xi32, #tpu.memory_space<vmem>>
      %dma_start3A_152 = arith.constant 0 : i32
      %dma_start3A_153 = arith.constant 0 : i32
      %dma_start3A_154 = tpu.memref_slice %arg3[%dma_start3A_152, %dma_start3A_153] : memref<8192x128xf32, #tpu.memory_space<hbm>> -> memref<8192x128xf32, #tpu.memory_space<hbm>>
      tpu.enqueue_indirect_dma source(%dma_start3A_154 : memref<8192x128xf32, #tpu.memory_space<hbm>>) target(%dma_start3A_148 : memref<128x128xf32, #tpu.memory_space<vmem>>) offsets(%dma_start3A_151 : memref<128xi32, #tpu.memory_space<vmem>>) semaphore(%arg10 : memref<!tpu.dma_semaphore, #tpu.memory_space<semaphore_mem>>)
      %dma_wait3A_155 = arith.constant 1 : i32
      %dma_wait3A_156 = arith.constant 1 : i32
      %dma_wait3A_157 = arith.constant 0 : i32
      %dma_wait3A_158 = arith.constant 0 : i32
      %dma_wait3A_159 = tpu.memref_slice %arg6[%dma_wait3A_156, %dma_wait3A_157, %dma_wait3A_158] : memref<2x128x128xf32, #tpu.memory_space<vmem>> -> memref<1x128x128xf32, #tpu.memory_space<vmem>>
      %dma_wait3A_160 = tpu.memref_squeeze %dma_wait3A_159 : memref<1x128x128xf32, #tpu.memory_space<vmem>> -> memref<128x128xf32, #tpu.memory_space<vmem>>
      %dma_wait3A_161 = arith.constant 0 : i32
      %dma_wait3A_162 = tpu.memref_slice %arg5[%dma_wait3A_155, %dma_wait3A_161] : memref<2x128xi32, #tpu.memory_space<vmem>> -> memref<1x128xi32, #tpu.memory_space<vmem>>
      %dma_wait3A_163 = tpu.memref_squeeze %dma_wait3A_162 : memref<1x128xi32, #tpu.memory_space<vmem>> -> memref<128xi32, #tpu.memory_space<vmem>>
      %dma_wait3A_164 = arith.constant 0 : i32
      %dma_wait3A_165 = arith.constant 0 : i32
      %dma_wait3A_166 = tpu.memref_slice %arg3[%dma_wait3A_164, %dma_wait3A_165] : memref<8192x128xf32, #tpu.memory_space<hbm>> -> memref<8192x128xf32, #tpu.memory_space<hbm>>
      tpu.wait_indirect_dma semaphore(%arg10 : memref<!tpu.dma_semaphore, #tpu.memory_space<semaphore_mem>>) src(%dma_wait3A_166 : memref<8192x128xf32, #tpu.memory_space<hbm>>) dst(%dma_wait3A_160 : memref<128x128xf32, #tpu.memory_space<vmem>>)
      %add3A_167 = arith.constant 1 : i32
      %add3A_168 = arith.addi %mul3A_51, %add3A_167 : i32
      %mul3A_169 = arith.constant 128 : i32
      %mul3A_170 = arith.muli %add3A_168, %mul3A_169 : i32
      %add3A_171 = arith.addi %mul3A_2, %mul3A_170 : i32
      %dma_start3A_172 = arith.constant 1 : i32
      %dma_start3A_173 = arith.constant 0 : i32
      %dma_start3A_174 = arith.constant 0 : i32
      %dma_start3A_175 = tpu.memref_slice %arg6[%dma_start3A_172, %dma_start3A_173, %dma_start3A_174] : memref<2x128x128xf32, #tpu.memory_space<vmem>> -> memref<1x128x128xf32, #tpu.memory_space<vmem>>
      %dma_start3A_176 = tpu.memref_squeeze %dma_start3A_175 : memref<1x128x128xf32, #tpu.memory_space<vmem>> -> memref<128x128xf32, #tpu.memory_space<vmem>>
      %dma_start3A_177 = arith.constant 0 : i32
      %dma_start3A_178 = tpu.memref_slice %arg4[%add3A_171, %dma_start3A_177] : memref<196608x128xf32, #tpu.memory_space<hbm>> -> memref<128x128xf32, #tpu.memory_space<hbm>>
      %dma_start3A_179 = arith.constant 0 : i32
      %dma_start3A_180 = tpu.memref_slice %arg4[%add3A_171, %dma_start3A_179] : memref<196608x128xf32, #tpu.memory_space<hbm>> -> memref<128x128xf32, #tpu.memory_space<hbm>>
      %dma_start3A_181 = arith.constant 0 : i32
      %dma_start3A_182 = arith.constant 0 : i32
      %dma_start3A_183 = tpu.memref_slice %arg6[%dma_start3A_172, %dma_start3A_181, %dma_start3A_182] : memref<2x128x128xf32, #tpu.memory_space<vmem>> -> memref<1x128x128xf32, #tpu.memory_space<vmem>>
      %dma_start3A_184 = tpu.memref_squeeze %dma_start3A_183 : memref<1x128x128xf32, #tpu.memory_space<vmem>> -> memref<128x128xf32, #tpu.memory_space<vmem>>
      tpu.enqueue_dma source(%dma_start3A_184 : memref<128x128xf32, #tpu.memory_space<vmem>>) target(%dma_start3A_180 : memref<128x128xf32, #tpu.memory_space<hbm>>) target_semaphore(%arg12 : memref<!tpu.dma_semaphore, #tpu.memory_space<semaphore_mem>>)
    }
    %scan3A_19 = arith.constant 24 : i32
    %add3A_20 = arith.constant 5888 : i32
    %add3A_21 = arith.addi %mul3A_2, %add3A_20 : i32
    %dma_wait3A = arith.constant 0 : i32
    %dma_wait3A_22 = arith.constant 0 : i32
    %dma_wait3A_23 = arith.constant 0 : i32
    %dma_wait3A_24 = tpu.memref_slice %arg6[%dma_wait3A, %dma_wait3A_22, %dma_wait3A_23] : memref<2x128x128xf32, #tpu.memory_space<vmem>> -> memref<1x128x128xf32, #tpu.memory_space<vmem>>
    %dma_wait3A_25 = tpu.memref_squeeze %dma_wait3A_24 : memref<1x128x128xf32, #tpu.memory_space<vmem>> -> memref<128x128xf32, #tpu.memory_space<vmem>>
    %dma_wait3A_26 = arith.constant 0 : i32
    %dma_wait3A_27 = tpu.memref_slice %arg4[%add3A_21, %dma_wait3A_26] : memref<196608x128xf32, #tpu.memory_space<hbm>> -> memref<128x128xf32, #tpu.memory_space<hbm>>
    %dma_wait3A_28 = arith.constant 0 : i32
    %dma_wait3A_29 = tpu.memref_slice %arg4[%add3A_21, %dma_wait3A_28] : memref<196608x128xf32, #tpu.memory_space<hbm>> -> memref<128x128xf32, #tpu.memory_space<hbm>>
    %dma_wait3A_30 = arith.constant 0 : i32
    %dma_wait3A_31 = arith.constant 0 : i32
    %dma_wait3A_32 = tpu.memref_slice %arg6[%dma_wait3A, %dma_wait3A_30, %dma_wait3A_31] : memref<2x128x128xf32, #tpu.memory_space<vmem>> -> memref<1x128x128xf32, #tpu.memory_space<vmem>>
    %dma_wait3A_33 = tpu.memref_squeeze %dma_wait3A_32 : memref<1x128x128xf32, #tpu.memory_space<vmem>> -> memref<128x128xf32, #tpu.memory_space<vmem>>
    tpu.wait_dma2 semaphore(%arg11 : memref<!tpu.dma_semaphore, #tpu.memory_space<semaphore_mem>>) src(%dma_wait3A_33 : memref<128x128xf32, #tpu.memory_space<vmem>>) dst(%dma_wait3A_29 : memref<128x128xf32, #tpu.memory_space<hbm>>)
    %add3A_34 = arith.constant 6016 : i32
    %add3A_35 = arith.addi %mul3A_2, %add3A_34 : i32
    %dma_wait3A_36 = arith.constant 1 : i32
    %dma_wait3A_37 = arith.constant 0 : i32
    %dma_wait3A_38 = arith.constant 0 : i32
    %dma_wait3A_39 = tpu.memref_slice %arg6[%dma_wait3A_36, %dma_wait3A_37, %dma_wait3A_38] : memref<2x128x128xf32, #tpu.memory_space<vmem>> -> memref<1x128x128xf32, #tpu.memory_space<vmem>>
    %dma_wait3A_40 = tpu.memref_squeeze %dma_wait3A_39 : memref<1x128x128xf32, #tpu.memory_space<vmem>> -> memref<128x128xf32, #tpu.memory_space<vmem>>
    %dma_wait3A_41 = arith.constant 0 : i32
    %dma_wait3A_42 = tpu.memref_slice %arg4[%add3A_35, %dma_wait3A_41] : memref<196608x128xf32, #tpu.memory_space<hbm>> -> memref<128x128xf32, #tpu.memory_space<hbm>>
    %dma_wait3A_43 = arith.constant 0 : i32
    %dma_wait3A_44 = tpu.memref_slice %arg4[%add3A_35, %dma_wait3A_43] : memref<196608x128xf32, #tpu.memory_space<hbm>> -> memref<128x128xf32, #tpu.memory_space<hbm>>
    %dma_wait3A_45 = arith.constant 0 : i32
    %dma_wait3A_46 = arith.constant 0 : i32
    %dma_wait3A_47 = tpu.memref_slice %arg6[%dma_wait3A_36, %dma_wait3A_45, %dma_wait3A_46] : memref<2x128x128xf32, #tpu.memory_space<vmem>> -> memref<1x128x128xf32, #tpu.memory_space<vmem>>
    %dma_wait3A_48 = tpu.memref_squeeze %dma_wait3A_47 : memref<1x128x128xf32, #tpu.memory_space<vmem>> -> memref<128x128xf32, #tpu.memory_space<vmem>>
    tpu.wait_dma2 semaphore(%arg12 : memref<!tpu.dma_semaphore, #tpu.memory_space<semaphore_mem>>) src(%dma_wait3A_48 : memref<128x128xf32, #tpu.memory_space<vmem>>) dst(%dma_wait3A_44 : memref<128x128xf32, #tpu.memory_space<hbm>>)
    return
  }
}

#map = affine_map<(d0, d1) -> (0)>
#map1 = affine_map<(d0, d1) -> (0, 0)>
module attributes {stable_mosaic.version = 14 : i64} {
  func.func @gather_k(%arg0: i32, %arg1: i32, %arg2: memref<393216xi32, #tpu.memory_space<hbm>>, %arg3: memref<8192x128xf32, #tpu.memory_space<hbm>>, %arg4: memref<196608x128xf32, #tpu.memory_space<hbm>>, %arg5: memref<2x128xi32, #tpu.memory_space<vmem>>, %arg6: memref<2x128x128xf32, #tpu.memory_space<vmem>>, %arg7: memref<!tpu.dma_semaphore, #tpu.memory_space<semaphore_mem>>, %arg8: memref<!tpu.dma_semaphore, #tpu.memory_space<semaphore_mem>>, %arg9: memref<!tpu.dma_semaphore, #tpu.memory_space<semaphore_mem>>, %arg10: memref<!tpu.dma_semaphore, #tpu.memory_space<semaphore_mem>>, %arg11: memref<!tpu.dma_semaphore, #tpu.memory_space<semaphore_mem>>, %arg12: memref<!tpu.dma_semaphore, #tpu.memory_space<semaphore_mem>>) attributes {dimension_semantics = [#tpu.dimension_semantics<core_parallel>, #tpu.dimension_semantics<subcore_parallel>], iteration_bounds = array<i64: 2, 16>, scalar_prefetch = 0 : i64, scratch_operands = 8 : i64, tpu.core_type = #tpu.core_type<sc_vector_subcore>, window_params = [{transform_indices = #map}, {transform_indices = #map1}, {transform_indices = #map1}]} {
    %mul3A = arith.constant 2 : i32
    %mul3A_0 = arith.muli %arg1, %mul3A : i32
    %add3A = arith.addi %mul3A_0, %arg0 : i32
    %mul3A_1 = arith.constant 6144 : i32
    %mul3A_2 = arith.muli %add3A, %mul3A_1 : i32
    %add3A_3 = arith.constant 196608 : i32
    %add3A_4 = arith.addi %add3A_3, %mul3A_2 : i32
    %add3A_5 = arith.constant 0 : i32
    %add3A_6 = arith.addi %add3A_4, %add3A_5 : i32
    %dma_start3A = arith.constant 0 : i32
    %dma_start3A_7 = arith.constant 0 : i32
    %dma_start3A_8 = tpu.memref_slice %arg5[%dma_start3A, %dma_start3A_7] : memref<2x128xi32, #tpu.memory_space<vmem>> -> memref<1x128xi32, #tpu.memory_space<vmem>>
    %dma_start3A_9 = tpu.memref_squeeze %dma_start3A_8 : memref<1x128xi32, #tpu.memory_space<vmem>> -> memref<128xi32, #tpu.memory_space<vmem>>
    %dma_start3A_10 = tpu.memref_slice %arg2[%add3A_6] : memref<393216xi32, #tpu.memory_space<hbm>> -> memref<128xi32, #tpu.memory_space<hbm>>
    %dma_start3A_11 = arith.constant 0 : i32
    %dma_start3A_12 = tpu.memref_slice %arg5[%dma_start3A, %dma_start3A_11] : memref<2x128xi32, #tpu.memory_space<vmem>> -> memref<1x128xi32, #tpu.memory_space<vmem>>
    %dma_start3A_13 = tpu.memref_squeeze %dma_start3A_12 : memref<1x128xi32, #tpu.memory_space<vmem>> -> memref<128xi32, #tpu.memory_space<vmem>>
    %dma_start3A_14 = tpu.memref_slice %arg2[%add3A_6] : memref<393216xi32, #tpu.memory_space<hbm>> -> memref<128xi32, #tpu.memory_space<hbm>>
    tpu.enqueue_dma source(%dma_start3A_14 : memref<128xi32, #tpu.memory_space<hbm>>) target(%dma_start3A_13 : memref<128xi32, #tpu.memory_space<vmem>>) target_semaphore(%arg7 : memref<!tpu.dma_semaphore, #tpu.memory_space<semaphore_mem>>)
    %scan3A = arith.constant 0 : i32
    %scan3A_15 = arith.constant 0 : i32
    %scan3A_16 = arith.constant 24 : i32
    %scan3A_17 = arith.addi %scan3A_15, %scan3A_16 : i32
    %scan3A_18 = arith.constant 1 : i32
    scf.for %scan3A_49 = %scan3A_15 to %scan3A_17 step %scan3A_18  : i32 {
      %mul3A_50 = arith.constant 2 : i32
      %mul3A_51 = arith.muli %mul3A_50, %scan3A_49 : i32
      %mul3A_52 = arith.constant 128 : i32
      %mul3A_53 = arith.muli %mul3A_51, %mul3A_52 : i32
      %add3A_54 = arith.addi %add3A_4, %mul3A_53 : i32
      %dma_wait3A_55 = arith.constant 0 : i32
      %dma_wait3A_56 = arith.constant 0 : i32
      %dma_wait3A_57 = tpu.memref_slice %arg5[%dma_wait3A_55, %dma_wait3A_56] : memref<2x128xi32, #tpu.memory_space<vmem>> -> memref<1x128xi32, #tpu.memory_space<vmem>>
      %dma_wait3A_58 = tpu.memref_squeeze %dma_wait3A_57 : memref<1x128xi32, #tpu.memory_space<vmem>> -> memref<128xi32, #tpu.memory_space<vmem>>
      %dma_wait3A_59 = tpu.memref_slice %arg2[%add3A_54] : memref<393216xi32, #tpu.memory_space<hbm>> -> memref<128xi32, #tpu.memory_space<hbm>>
      %dma_wait3A_60 = arith.constant 0 : i32
      %dma_wait3A_61 = tpu.memref_slice %arg5[%dma_wait3A_55, %dma_wait3A_60] : memref<2x128xi32, #tpu.memory_space<vmem>> -> memref<1x128xi32, #tpu.memory_space<vmem>>
      %dma_wait3A_62 = tpu.memref_squeeze %dma_wait3A_61 : memref<1x128xi32, #tpu.memory_space<vmem>> -> memref<128xi32, #tpu.memory_space<vmem>>
      %dma_wait3A_63 = tpu.memref_slice %arg2[%add3A_54] : memref<393216xi32, #tpu.memory_space<hbm>> -> memref<128xi32, #tpu.memory_space<hbm>>
      tpu.wait_dma2 semaphore(%arg7 : memref<!tpu.dma_semaphore, #tpu.memory_space<semaphore_mem>>) src(%dma_wait3A_63 : memref<128xi32, #tpu.memory_space<hbm>>) dst(%dma_wait3A_62 : memref<128xi32, #tpu.memory_space<vmem>>)
      %add3A_64 = arith.constant 1 : i32
      %add3A_65 = arith.addi %mul3A_51, %add3A_64 : i32
      %mul3A_66 = arith.constant 128 : i32
      %mul3A_67 = arith.muli %add3A_65, %mul3A_66 : i32
      %add3A_68 = arith.addi %add3A_4, %mul3A_67 : i32
      %dma_start3A_69 = arith.constant 1 : i32
      %dma_start3A_70 = arith.constant 0 : i32
      %dma_start3A_71 = tpu.memref_slice %arg5[%dma_start3A_69, %dma_start3A_70] : memref<2x128xi32, #tpu.memory_space<vmem>> -> memref<1x128xi32, #tpu.memory_space<vmem>>
      %dma_start3A_72 = tpu.memref_squeeze %dma_start3A_71 : memref<1x128xi32, #tpu.memory_space<vmem>> -> memref<128xi32, #tpu.memory_space<vmem>>
      %dma_start3A_73 = tpu.memref_slice %arg2[%add3A_68] : memref<393216xi32, #tpu.memory_space<hbm>> -> memref<128xi32, #tpu.memory_space<hbm>>
      %dma_start3A_74 = arith.constant 0 : i32
      %dma_start3A_75 = tpu.memref_slice %arg5[%dma_start3A_69, %dma_start3A_74] : memref<2x128xi32, #tpu.memory_space<vmem>> -> memref<1x128xi32, #tpu.memory_space<vmem>>
      %dma_start3A_76 = tpu.memref_squeeze %dma_start3A_75 : memref<1x128xi32, #tpu.memory_space<vmem>> -> memref<128xi32, #tpu.memory_space<vmem>>
      %dma_start3A_77 = tpu.memref_slice %arg2[%add3A_68] : memref<393216xi32, #tpu.memory_space<hbm>> -> memref<128xi32, #tpu.memory_space<hbm>>
      tpu.enqueue_dma source(%dma_start3A_77 : memref<128xi32, #tpu.memory_space<hbm>>) target(%dma_start3A_76 : memref<128xi32, #tpu.memory_space<vmem>>) target_semaphore(%arg8 : memref<!tpu.dma_semaphore, #tpu.memory_space<semaphore_mem>>)
      %gt3A = arith.constant 0 : i32
      %gt3A_78 = arith.cmpi sgt, %scan3A_49, %gt3A : i32
      %convert_element_type3A = arith.extui %gt3A_78 : i1 to i32
      %cond3A = arith.constant 0 : i32
      %cond3A_79 = arith.cmpi ne, %convert_element_type3A, %cond3A : i32
      scf.if %cond3A_79 {
        %sub3A = arith.constant 2 : i32
        %sub3A_185 = arith.subi %mul3A_51, %sub3A : i32
        %mul3A_186 = arith.constant 128 : i32
        %mul3A_187 = arith.muli %sub3A_185, %mul3A_186 : i32
        %add3A_188 = arith.addi %mul3A_2, %mul3A_187 : i32
        %dma_wait3A_189 = arith.constant 0 : i32
        %dma_wait3A_190 = arith.constant 0 : i32
        %dma_wait3A_191 = arith.constant 0 : i32
        %dma_wait3A_192 = tpu.memref_slice %arg6[%dma_wait3A_189, %dma_wait3A_190, %dma_wait3A_191] : memref<2x128x128xf32, #tpu.memory_space<vmem>> -> memref<1x128x128xf32, #tpu.memory_space<vmem>>
        %dma_wait3A_193 = tpu.memref_squeeze %dma_wait3A_192 : memref<1x128x128xf32, #tpu.memory_space<vmem>> -> memref<128x128xf32, #tpu.memory_space<vmem>>
        %dma_wait3A_194 = arith.constant 0 : i32
        %dma_wait3A_195 = tpu.memref_slice %arg4[%add3A_188, %dma_wait3A_194] : memref<196608x128xf32, #tpu.memory_space<hbm>> -> memref<128x128xf32, #tpu.memory_space<hbm>>
        %dma_wait3A_196 = arith.constant 0 : i32
        %dma_wait3A_197 = tpu.memref_slice %arg4[%add3A_188, %dma_wait3A_196] : memref<196608x128xf32, #tpu.memory_space<hbm>> -> memref<128x128xf32, #tpu.memory_space<hbm>>
        %dma_wait3A_198 = arith.constant 0 : i32
        %dma_wait3A_199 = arith.constant 0 : i32
        %dma_wait3A_200 = tpu.memref_slice %arg6[%dma_wait3A_189, %dma_wait3A_198, %dma_wait3A_199] : memref<2x128x128xf32, #tpu.memory_space<vmem>> -> memref<1x128x128xf32, #tpu.memory_space<vmem>>
        %dma_wait3A_201 = tpu.memref_squeeze %dma_wait3A_200 : memref<1x128x128xf32, #tpu.memory_space<vmem>> -> memref<128x128xf32, #tpu.memory_space<vmem>>
        tpu.wait_dma2 semaphore(%arg11 : memref<!tpu.dma_semaphore, #tpu.memory_space<semaphore_mem>>) src(%dma_wait3A_201 : memref<128x128xf32, #tpu.memory_space<vmem>>) dst(%dma_wait3A_197 : memref<128x128xf32, #tpu.memory_space<hbm>>)
      } else {
      }
      %dma_start3A_80 = arith.constant 0 : i32
      %dma_start3A_81 = arith.constant 0 : i32
      %dma_start3A_82 = arith.constant 0 : i32
      %dma_start3A_83 = arith.constant 0 : i32
      %dma_start3A_84 = tpu.memref_slice %arg6[%dma_start3A_81, %dma_start3A_82, %dma_start3A_83] : memref<2x128x128xf32, #tpu.memory_space<vmem>> -> memref<1x128x128xf32, #tpu.memory_space<vmem>>
      %dma_start3A_85 = tpu.memref_squeeze %dma_start3A_84 : memref<1x128x128xf32, #tpu.memory_space<vmem>> -> memref<128x128xf32, #tpu.memory_space<vmem>>
      %dma_start3A_86 = arith.constant 0 : i32
      %dma_start3A_87 = tpu.memref_slice %arg5[%dma_start3A_80, %dma_start3A_86] : memref<2x128xi32, #tpu.memory_space<vmem>> -> memref<1x128xi32, #tpu.memory_space<vmem>>
      %dma_start3A_88 = tpu.memref_squeeze %dma_start3A_87 : memref<1x128xi32, #tpu.memory_space<vmem>> -> memref<128xi32, #tpu.memory_space<vmem>>
      %dma_start3A_89 = arith.constant 0 : i32
      %dma_start3A_90 = arith.constant 0 : i32
      %dma_start3A_91 = tpu.memref_slice %arg3[%dma_start3A_89, %dma_start3A_90] : memref<8192x128xf32, #tpu.memory_space<hbm>> -> memref<8192x128xf32, #tpu.memory_space<hbm>>
      tpu.enqueue_indirect_dma source(%dma_start3A_91 : memref<8192x128xf32, #tpu.memory_space<hbm>>) target(%dma_start3A_85 : memref<128x128xf32, #tpu.memory_space<vmem>>) offsets(%dma_start3A_88 : memref<128xi32, #tpu.memory_space<vmem>>) semaphore(%arg9 : memref<!tpu.dma_semaphore, #tpu.memory_space<semaphore_mem>>)
      %dma_wait3A_92 = arith.constant 0 : i32
      %dma_wait3A_93 = arith.constant 0 : i32
      %dma_wait3A_94 = arith.constant 0 : i32
      %dma_wait3A_95 = arith.constant 0 : i32
      %dma_wait3A_96 = tpu.memref_slice %arg6[%dma_wait3A_93, %dma_wait3A_94, %dma_wait3A_95] : memref<2x128x128xf32, #tpu.memory_space<vmem>> -> memref<1x128x128xf32, #tpu.memory_space<vmem>>
      %dma_wait3A_97 = tpu.memref_squeeze %dma_wait3A_96 : memref<1x128x128xf32, #tpu.memory_space<vmem>> -> memref<128x128xf32, #tpu.memory_space<vmem>>
      %dma_wait3A_98 = arith.constant 0 : i32
      %dma_wait3A_99 = tpu.memref_slice %arg5[%dma_wait3A_92, %dma_wait3A_98] : memref<2x128xi32, #tpu.memory_space<vmem>> -> memref<1x128xi32, #tpu.memory_space<vmem>>
      %dma_wait3A_100 = tpu.memref_squeeze %dma_wait3A_99 : memref<1x128xi32, #tpu.memory_space<vmem>> -> memref<128xi32, #tpu.memory_space<vmem>>
      %dma_wait3A_101 = arith.constant 0 : i32
      %dma_wait3A_102 = arith.constant 0 : i32
      %dma_wait3A_103 = tpu.memref_slice %arg3[%dma_wait3A_101, %dma_wait3A_102] : memref<8192x128xf32, #tpu.memory_space<hbm>> -> memref<8192x128xf32, #tpu.memory_space<hbm>>
      tpu.wait_indirect_dma semaphore(%arg9 : memref<!tpu.dma_semaphore, #tpu.memory_space<semaphore_mem>>) src(%dma_wait3A_103 : memref<8192x128xf32, #tpu.memory_space<hbm>>) dst(%dma_wait3A_97 : memref<128x128xf32, #tpu.memory_space<vmem>>)
      %mul3A_104 = arith.constant 128 : i32
      %mul3A_105 = arith.muli %mul3A_51, %mul3A_104 : i32
      %add3A_106 = arith.addi %mul3A_2, %mul3A_105 : i32
      %dma_start3A_107 = arith.constant 0 : i32
      %dma_start3A_108 = arith.constant 0 : i32
      %dma_start3A_109 = arith.constant 0 : i32
      %dma_start3A_110 = tpu.memref_slice %arg6[%dma_start3A_107, %dma_start3A_108, %dma_start3A_109] : memref<2x128x128xf32, #tpu.memory_space<vmem>> -> memref<1x128x128xf32, #tpu.memory_space<vmem>>
      %dma_start3A_111 = tpu.memref_squeeze %dma_start3A_110 : memref<1x128x128xf32, #tpu.memory_space<vmem>> -> memref<128x128xf32, #tpu.memory_space<vmem>>
      %dma_start3A_112 = arith.constant 0 : i32
      %dma_start3A_113 = tpu.memref_slice %arg4[%add3A_106, %dma_start3A_112] : memref<196608x128xf32, #tpu.memory_space<hbm>> -> memref<128x128xf32, #tpu.memory_space<hbm>>
      %dma_start3A_114 = arith.constant 0 : i32
      %dma_start3A_115 = tpu.memref_slice %arg4[%add3A_106, %dma_start3A_114] : memref<196608x128xf32, #tpu.memory_space<hbm>> -> memref<128x128xf32, #tpu.memory_space<hbm>>
      %dma_start3A_116 = arith.constant 0 : i32
      %dma_start3A_117 = arith.constant 0 : i32
      %dma_start3A_118 = tpu.memref_slice %arg6[%dma_start3A_107, %dma_start3A_116, %dma_start3A_117] : memref<2x128x128xf32, #tpu.memory_space<vmem>> -> memref<1x128x128xf32, #tpu.memory_space<vmem>>
      %dma_start3A_119 = tpu.memref_squeeze %dma_start3A_118 : memref<1x128x128xf32, #tpu.memory_space<vmem>> -> memref<128x128xf32, #tpu.memory_space<vmem>>
      tpu.enqueue_dma source(%dma_start3A_119 : memref<128x128xf32, #tpu.memory_space<vmem>>) target(%dma_start3A_115 : memref<128x128xf32, #tpu.memory_space<hbm>>) target_semaphore(%arg11 : memref<!tpu.dma_semaphore, #tpu.memory_space<semaphore_mem>>)
      %add3A_120 = arith.constant 1 : i32
      %add3A_121 = arith.addi %mul3A_51, %add3A_120 : i32
      %mul3A_122 = arith.constant 128 : i32
      %mul3A_123 = arith.muli %add3A_121, %mul3A_122 : i32
      %add3A_124 = arith.addi %add3A_4, %mul3A_123 : i32
      %dma_wait3A_125 = arith.constant 1 : i32
      %dma_wait3A_126 = arith.constant 0 : i32
      %dma_wait3A_127 = tpu.memref_slice %arg5[%dma_wait3A_125, %dma_wait3A_126] : memref<2x128xi32, #tpu.memory_space<vmem>> -> memref<1x128xi32, #tpu.memory_space<vmem>>
      %dma_wait3A_128 = tpu.memref_squeeze %dma_wait3A_127 : memref<1x128xi32, #tpu.memory_space<vmem>> -> memref<128xi32, #tpu.memory_space<vmem>>
      %dma_wait3A_129 = tpu.memref_slice %arg2[%add3A_124] : memref<393216xi32, #tpu.memory_space<hbm>> -> memref<128xi32, #tpu.memory_space<hbm>>
      %dma_wait3A_130 = arith.constant 0 : i32
      %dma_wait3A_131 = tpu.memref_slice %arg5[%dma_wait3A_125, %dma_wait3A_130] : memref<2x128xi32, #tpu.memory_space<vmem>> -> memref<1x128xi32, #tpu.memory_space<vmem>>
      %dma_wait3A_132 = tpu.memref_squeeze %dma_wait3A_131 : memref<1x128xi32, #tpu.memory_space<vmem>> -> memref<128xi32, #tpu.memory_space<vmem>>
      %dma_wait3A_133 = tpu.memref_slice %arg2[%add3A_124] : memref<393216xi32, #tpu.memory_space<hbm>> -> memref<128xi32, #tpu.memory_space<hbm>>
      tpu.wait_dma2 semaphore(%arg8 : memref<!tpu.dma_semaphore, #tpu.memory_space<semaphore_mem>>) src(%dma_wait3A_133 : memref<128xi32, #tpu.memory_space<hbm>>) dst(%dma_wait3A_132 : memref<128xi32, #tpu.memory_space<vmem>>)
      %lt3A = arith.constant 23 : i32
      %lt3A_134 = arith.cmpi slt, %scan3A_49, %lt3A : i32
      %convert_element_type3A_135 = arith.extui %lt3A_134 : i1 to i32
      %cond3A_136 = arith.constant 0 : i32
      %cond3A_137 = arith.cmpi ne, %convert_element_type3A_135, %cond3A_136 : i32
      scf.if %cond3A_137 {
        %add3A_185 = arith.constant 2 : i32
        %add3A_186 = arith.addi %mul3A_51, %add3A_185 : i32
        %mul3A_187 = arith.constant 128 : i32
        %mul3A_188 = arith.muli %add3A_186, %mul3A_187 : i32
        %add3A_189 = arith.addi %add3A_4, %mul3A_188 : i32
        %dma_start3A_190 = arith.constant 0 : i32
        %dma_start3A_191 = arith.constant 0 : i32
        %dma_start3A_192 = tpu.memref_slice %arg5[%dma_start3A_190, %dma_start3A_191] : memref<2x128xi32, #tpu.memory_space<vmem>> -> memref<1x128xi32, #tpu.memory_space<vmem>>
        %dma_start3A_193 = tpu.memref_squeeze %dma_start3A_192 : memref<1x128xi32, #tpu.memory_space<vmem>> -> memref<128xi32, #tpu.memory_space<vmem>>
        %dma_start3A_194 = tpu.memref_slice %arg2[%add3A_189] : memref<393216xi32, #tpu.memory_space<hbm>> -> memref<128xi32, #tpu.memory_space<hbm>>
        %dma_start3A_195 = arith.constant 0 : i32
        %dma_start3A_196 = tpu.memref_slice %arg5[%dma_start3A_190, %dma_start3A_195] : memref<2x128xi32, #tpu.memory_space<vmem>> -> memref<1x128xi32, #tpu.memory_space<vmem>>
        %dma_start3A_197 = tpu.memref_squeeze %dma_start3A_196 : memref<1x128xi32, #tpu.memory_space<vmem>> -> memref<128xi32, #tpu.memory_space<vmem>>
        %dma_start3A_198 = tpu.memref_slice %arg2[%add3A_189] : memref<393216xi32, #tpu.memory_space<hbm>> -> memref<128xi32, #tpu.memory_space<hbm>>
        tpu.enqueue_dma source(%dma_start3A_198 : memref<128xi32, #tpu.memory_space<hbm>>) target(%dma_start3A_197 : memref<128xi32, #tpu.memory_space<vmem>>) target_semaphore(%arg7 : memref<!tpu.dma_semaphore, #tpu.memory_space<semaphore_mem>>)
      } else {
      }
      %gt3A_138 = arith.constant 0 : i32
      %gt3A_139 = arith.cmpi sgt, %scan3A_49, %gt3A_138 : i32
      %convert_element_type3A_140 = arith.extui %gt3A_139 : i1 to i32
      %cond3A_141 = arith.constant 0 : i32
      %cond3A_142 = arith.cmpi ne, %convert_element_type3A_140, %cond3A_141 : i32
      scf.if %cond3A_142 {
        %sub3A = arith.constant 1 : i32
        %sub3A_185 = arith.subi %mul3A_51, %sub3A : i32
        %mul3A_186 = arith.constant 128 : i32
        %mul3A_187 = arith.muli %sub3A_185, %mul3A_186 : i32
        %add3A_188 = arith.addi %mul3A_2, %mul3A_187 : i32
        %dma_wait3A_189 = arith.constant 1 : i32
        %dma_wait3A_190 = arith.constant 0 : i32
        %dma_wait3A_191 = arith.constant 0 : i32
        %dma_wait3A_192 = tpu.memref_slice %arg6[%dma_wait3A_189, %dma_wait3A_190, %dma_wait3A_191] : memref<2x128x128xf32, #tpu.memory_space<vmem>> -> memref<1x128x128xf32, #tpu.memory_space<vmem>>
        %dma_wait3A_193 = tpu.memref_squeeze %dma_wait3A_192 : memref<1x128x128xf32, #tpu.memory_space<vmem>> -> memref<128x128xf32, #tpu.memory_space<vmem>>
        %dma_wait3A_194 = arith.constant 0 : i32
        %dma_wait3A_195 = tpu.memref_slice %arg4[%add3A_188, %dma_wait3A_194] : memref<196608x128xf32, #tpu.memory_space<hbm>> -> memref<128x128xf32, #tpu.memory_space<hbm>>
        %dma_wait3A_196 = arith.constant 0 : i32
        %dma_wait3A_197 = tpu.memref_slice %arg4[%add3A_188, %dma_wait3A_196] : memref<196608x128xf32, #tpu.memory_space<hbm>> -> memref<128x128xf32, #tpu.memory_space<hbm>>
        %dma_wait3A_198 = arith.constant 0 : i32
        %dma_wait3A_199 = arith.constant 0 : i32
        %dma_wait3A_200 = tpu.memref_slice %arg6[%dma_wait3A_189, %dma_wait3A_198, %dma_wait3A_199] : memref<2x128x128xf32, #tpu.memory_space<vmem>> -> memref<1x128x128xf32, #tpu.memory_space<vmem>>
        %dma_wait3A_201 = tpu.memref_squeeze %dma_wait3A_200 : memref<1x128x128xf32, #tpu.memory_space<vmem>> -> memref<128x128xf32, #tpu.memory_space<vmem>>
        tpu.wait_dma2 semaphore(%arg12 : memref<!tpu.dma_semaphore, #tpu.memory_space<semaphore_mem>>) src(%dma_wait3A_201 : memref<128x128xf32, #tpu.memory_space<vmem>>) dst(%dma_wait3A_197 : memref<128x128xf32, #tpu.memory_space<hbm>>)
      } else {
      }
      %dma_start3A_143 = arith.constant 1 : i32
      %dma_start3A_144 = arith.constant 1 : i32
      %dma_start3A_145 = arith.constant 0 : i32
      %dma_start3A_146 = arith.constant 0 : i32
      %dma_start3A_147 = tpu.memref_slice %arg6[%dma_start3A_144, %dma_start3A_145, %dma_start3A_146] : memref<2x128x128xf32, #tpu.memory_space<vmem>> -> memref<1x128x128xf32, #tpu.memory_space<vmem>>
      %dma_start3A_148 = tpu.memref_squeeze %dma_start3A_147 : memref<1x128x128xf32, #tpu.memory_space<vmem>> -> memref<128x128xf32, #tpu.memory_space<vmem>>
      %dma_start3A_149 = arith.constant 0 : i32
      %dma_start3A_150 = tpu.memref_slice %arg5[%dma_start3A_143, %dma_start3A_149] : memref<2x128xi32, #tpu.memory_space<vmem>> -> memref<1x128xi32, #tpu.memory_space<vmem>>
      %dma_start3A_151 = tpu.memref_squeeze %dma_start3A_150 : memref<1x128xi32, #tpu.memory_space<vmem>> -> memref<128xi32, #tpu.memory_space<vmem>>
      %dma_start3A_152 = arith.constant 0 : i32
      %dma_start3A_153 = arith.constant 0 : i32
      %dma_start3A_154 = tpu.memref_slice %arg3[%dma_start3A_152, %dma_start3A_153] : memref<8192x128xf32, #tpu.memory_space<hbm>> -> memref<8192x128xf32, #tpu.memory_space<hbm>>
      tpu.enqueue_indirect_dma source(%dma_start3A_154 : memref<8192x128xf32, #tpu.memory_space<hbm>>) target(%dma_start3A_148 : memref<128x128xf32, #tpu.memory_space<vmem>>) offsets(%dma_start3A_151 : memref<128xi32, #tpu.memory_space<vmem>>) semaphore(%arg10 : memref<!tpu.dma_semaphore, #tpu.memory_space<semaphore_mem>>)
      %dma_wait3A_155 = arith.constant 1 : i32
      %dma_wait3A_156 = arith.constant 1 : i32
      %dma_wait3A_157 = arith.constant 0 : i32
      %dma_wait3A_158 = arith.constant 0 : i32
      %dma_wait3A_159 = tpu.memref_slice %arg6[%dma_wait3A_156, %dma_wait3A_157, %dma_wait3A_158] : memref<2x128x128xf32, #tpu.memory_space<vmem>> -> memref<1x128x128xf32, #tpu.memory_space<vmem>>
      %dma_wait3A_160 = tpu.memref_squeeze %dma_wait3A_159 : memref<1x128x128xf32, #tpu.memory_space<vmem>> -> memref<128x128xf32, #tpu.memory_space<vmem>>
      %dma_wait3A_161 = arith.constant 0 : i32
      %dma_wait3A_162 = tpu.memref_slice %arg5[%dma_wait3A_155, %dma_wait3A_161] : memref<2x128xi32, #tpu.memory_space<vmem>> -> memref<1x128xi32, #tpu.memory_space<vmem>>
      %dma_wait3A_163 = tpu.memref_squeeze %dma_wait3A_162 : memref<1x128xi32, #tpu.memory_space<vmem>> -> memref<128xi32, #tpu.memory_space<vmem>>
      %dma_wait3A_164 = arith.constant 0 : i32
      %dma_wait3A_165 = arith.constant 0 : i32
      %dma_wait3A_166 = tpu.memref_slice %arg3[%dma_wait3A_164, %dma_wait3A_165] : memref<8192x128xf32, #tpu.memory_space<hbm>> -> memref<8192x128xf32, #tpu.memory_space<hbm>>
      tpu.wait_indirect_dma semaphore(%arg10 : memref<!tpu.dma_semaphore, #tpu.memory_space<semaphore_mem>>) src(%dma_wait3A_166 : memref<8192x128xf32, #tpu.memory_space<hbm>>) dst(%dma_wait3A_160 : memref<128x128xf32, #tpu.memory_space<vmem>>)
      %add3A_167 = arith.constant 1 : i32
      %add3A_168 = arith.addi %mul3A_51, %add3A_167 : i32
      %mul3A_169 = arith.constant 128 : i32
      %mul3A_170 = arith.muli %add3A_168, %mul3A_169 : i32
      %add3A_171 = arith.addi %mul3A_2, %mul3A_170 : i32
      %dma_start3A_172 = arith.constant 1 : i32
      %dma_start3A_173 = arith.constant 0 : i32
      %dma_start3A_174 = arith.constant 0 : i32
      %dma_start3A_175 = tpu.memref_slice %arg6[%dma_start3A_172, %dma_start3A_173, %dma_start3A_174] : memref<2x128x128xf32, #tpu.memory_space<vmem>> -> memref<1x128x128xf32, #tpu.memory_space<vmem>>
      %dma_start3A_176 = tpu.memref_squeeze %dma_start3A_175 : memref<1x128x128xf32, #tpu.memory_space<vmem>> -> memref<128x128xf32, #tpu.memory_space<vmem>>
      %dma_start3A_177 = arith.constant 0 : i32
      %dma_start3A_178 = tpu.memref_slice %arg4[%add3A_171, %dma_start3A_177] : memref<196608x128xf32, #tpu.memory_space<hbm>> -> memref<128x128xf32, #tpu.memory_space<hbm>>
      %dma_start3A_179 = arith.constant 0 : i32
      %dma_start3A_180 = tpu.memref_slice %arg4[%add3A_171, %dma_start3A_179] : memref<196608x128xf32, #tpu.memory_space<hbm>> -> memref<128x128xf32, #tpu.memory_space<hbm>>
      %dma_start3A_181 = arith.constant 0 : i32
      %dma_start3A_182 = arith.constant 0 : i32
      %dma_start3A_183 = tpu.memref_slice %arg6[%dma_start3A_172, %dma_start3A_181, %dma_start3A_182] : memref<2x128x128xf32, #tpu.memory_space<vmem>> -> memref<1x128x128xf32, #tpu.memory_space<vmem>>
      %dma_start3A_184 = tpu.memref_squeeze %dma_start3A_183 : memref<1x128x128xf32, #tpu.memory_space<vmem>> -> memref<128x128xf32, #tpu.memory_space<vmem>>
      tpu.enqueue_dma source(%dma_start3A_184 : memref<128x128xf32, #tpu.memory_space<vmem>>) target(%dma_start3A_180 : memref<128x128xf32, #tpu.memory_space<hbm>>) target_semaphore(%arg12 : memref<!tpu.dma_semaphore, #tpu.memory_space<semaphore_mem>>)
    }
    %scan3A_19 = arith.constant 24 : i32
    %add3A_20 = arith.constant 5888 : i32
    %add3A_21 = arith.addi %mul3A_2, %add3A_20 : i32
    %dma_wait3A = arith.constant 0 : i32
    %dma_wait3A_22 = arith.constant 0 : i32
    %dma_wait3A_23 = arith.constant 0 : i32
    %dma_wait3A_24 = tpu.memref_slice %arg6[%dma_wait3A, %dma_wait3A_22, %dma_wait3A_23] : memref<2x128x128xf32, #tpu.memory_space<vmem>> -> memref<1x128x128xf32, #tpu.memory_space<vmem>>
    %dma_wait3A_25 = tpu.memref_squeeze %dma_wait3A_24 : memref<1x128x128xf32, #tpu.memory_space<vmem>> -> memref<128x128xf32, #tpu.memory_space<vmem>>
    %dma_wait3A_26 = arith.constant 0 : i32
    %dma_wait3A_27 = tpu.memref_slice %arg4[%add3A_21, %dma_wait3A_26] : memref<196608x128xf32, #tpu.memory_space<hbm>> -> memref<128x128xf32, #tpu.memory_space<hbm>>
    %dma_wait3A_28 = arith.constant 0 : i32
    %dma_wait3A_29 = tpu.memref_slice %arg4[%add3A_21, %dma_wait3A_28] : memref<196608x128xf32, #tpu.memory_space<hbm>> -> memref<128x128xf32, #tpu.memory_space<hbm>>
    %dma_wait3A_30 = arith.constant 0 : i32
    %dma_wait3A_31 = arith.constant 0 : i32
    %dma_wait3A_32 = tpu.memref_slice %arg6[%dma_wait3A, %dma_wait3A_30, %dma_wait3A_31] : memref<2x128x128xf32, #tpu.memory_space<vmem>> -> memref<1x128x128xf32, #tpu.memory_space<vmem>>
    %dma_wait3A_33 = tpu.memref_squeeze %dma_wait3A_32 : memref<1x128x128xf32, #tpu.memory_space<vmem>> -> memref<128x128xf32, #tpu.memory_space<vmem>>
    tpu.wait_dma2 semaphore(%arg11 : memref<!tpu.dma_semaphore, #tpu.memory_space<semaphore_mem>>) src(%dma_wait3A_33 : memref<128x128xf32, #tpu.memory_space<vmem>>) dst(%dma_wait3A_29 : memref<128x128xf32, #tpu.memory_space<hbm>>)
    %add3A_34 = arith.constant 6016 : i32
    %add3A_35 = arith.addi %mul3A_2, %add3A_34 : i32
    %dma_wait3A_36 = arith.constant 1 : i32
    %dma_wait3A_37 = arith.constant 0 : i32
    %dma_wait3A_38 = arith.constant 0 : i32
    %dma_wait3A_39 = tpu.memref_slice %arg6[%dma_wait3A_36, %dma_wait3A_37, %dma_wait3A_38] : memref<2x128x128xf32, #tpu.memory_space<vmem>> -> memref<1x128x128xf32, #tpu.memory_space<vmem>>
    %dma_wait3A_40 = tpu.memref_squeeze %dma_wait3A_39 : memref<1x128x128xf32, #tpu.memory_space<vmem>> -> memref<128x128xf32, #tpu.memory_space<vmem>>
    %dma_wait3A_41 = arith.constant 0 : i32
    %dma_wait3A_42 = tpu.memref_slice %arg4[%add3A_35, %dma_wait3A_41] : memref<196608x128xf32, #tpu.memory_space<hbm>> -> memref<128x128xf32, #tpu.memory_space<hbm>>
    %dma_wait3A_43 = arith.constant 0 : i32
    %dma_wait3A_44 = tpu.memref_slice %arg4[%add3A_35, %dma_wait3A_43] : memref<196608x128xf32, #tpu.memory_space<hbm>> -> memref<128x128xf32, #tpu.memory_space<hbm>>
    %dma_wait3A_45 = arith.constant 0 : i32
    %dma_wait3A_46 = arith.constant 0 : i32
    %dma_wait3A_47 = tpu.memref_slice %arg6[%dma_wait3A_36, %dma_wait3A_45, %dma_wait3A_46] : memref<2x128x128xf32, #tpu.memory_space<vmem>> -> memref<1x128x128xf32, #tpu.memory_space<vmem>>
    %dma_wait3A_48 = tpu.memref_squeeze %dma_wait3A_47 : memref<1x128x128xf32, #tpu.memory_space<vmem>> -> memref<128x128xf32, #tpu.memory_space<vmem>>
    tpu.wait_dma2 semaphore(%arg12 : memref<!tpu.dma_semaphore, #tpu.memory_space<semaphore_mem>>) src(%dma_wait3A_48 : memref<128x128xf32, #tpu.memory_space<vmem>>) dst(%dma_wait3A_44 : memref<128x128xf32, #tpu.memory_space<hbm>>)
    return
  }
}

#map = affine_map<(d0, d1) -> (0)>
#map1 = affine_map<(d0, d1) -> (0, 0)>
module attributes {stable_mosaic.version = 14 : i64} {
  func.func @gather_k(%arg0: i32, %arg1: i32, %arg2: memref<393216xi32, #tpu.memory_space<hbm>>, %arg3: memref<8192x128xf32, #tpu.memory_space<hbm>>, %arg4: memref<196608x128xf32, #tpu.memory_space<hbm>>, %arg5: memref<2x128xi32, #tpu.memory_space<vmem>>, %arg6: memref<2x128x128xf32, #tpu.memory_space<vmem>>, %arg7: memref<!tpu.dma_semaphore, #tpu.memory_space<semaphore_mem>>, %arg8: memref<!tpu.dma_semaphore, #tpu.memory_space<semaphore_mem>>, %arg9: memref<!tpu.dma_semaphore, #tpu.memory_space<semaphore_mem>>, %arg10: memref<!tpu.dma_semaphore, #tpu.memory_space<semaphore_mem>>, %arg11: memref<!tpu.dma_semaphore, #tpu.memory_space<semaphore_mem>>, %arg12: memref<!tpu.dma_semaphore, #tpu.memory_space<semaphore_mem>>) attributes {dimension_semantics = [#tpu.dimension_semantics<core_parallel>, #tpu.dimension_semantics<subcore_parallel>], iteration_bounds = array<i64: 2, 16>, scalar_prefetch = 0 : i64, scratch_operands = 8 : i64, tpu.core_type = #tpu.core_type<sc_vector_subcore>, window_params = [{transform_indices = #map}, {transform_indices = #map1}, {transform_indices = #map1}]} {
    %mul3A = arith.constant 2 : i32
    %mul3A_0 = arith.muli %arg1, %mul3A : i32
    %add3A = arith.addi %mul3A_0, %arg0 : i32
    %mul3A_1 = arith.constant 6144 : i32
    %mul3A_2 = arith.muli %add3A, %mul3A_1 : i32
    %add3A_3 = arith.constant 0 : i32
    %add3A_4 = arith.addi %add3A_3, %mul3A_2 : i32
    %add3A_5 = arith.constant 0 : i32
    %add3A_6 = arith.addi %add3A_4, %add3A_5 : i32
    %dma_start3A = arith.constant 0 : i32
    %dma_start3A_7 = arith.constant 0 : i32
    %dma_start3A_8 = tpu.memref_slice %arg5[%dma_start3A, %dma_start3A_7] : memref<2x128xi32, #tpu.memory_space<vmem>> -> memref<1x128xi32, #tpu.memory_space<vmem>>
    %dma_start3A_9 = tpu.memref_squeeze %dma_start3A_8 : memref<1x128xi32, #tpu.memory_space<vmem>> -> memref<128xi32, #tpu.memory_space<vmem>>
    %dma_start3A_10 = tpu.memref_slice %arg2[%add3A_6] : memref<393216xi32, #tpu.memory_space<hbm>> -> memref<128xi32, #tpu.memory_space<hbm>>
    %dma_start3A_11 = arith.constant 0 : i32
    %dma_start3A_12 = tpu.memref_slice %arg5[%dma_start3A, %dma_start3A_11] : memref<2x128xi32, #tpu.memory_space<vmem>> -> memref<1x128xi32, #tpu.memory_space<vmem>>
    %dma_start3A_13 = tpu.memref_squeeze %dma_start3A_12 : memref<1x128xi32, #tpu.memory_space<vmem>> -> memref<128xi32, #tpu.memory_space<vmem>>
    %dma_start3A_14 = tpu.memref_slice %arg2[%add3A_6] : memref<393216xi32, #tpu.memory_space<hbm>> -> memref<128xi32, #tpu.memory_space<hbm>>
    tpu.enqueue_dma source(%dma_start3A_14 : memref<128xi32, #tpu.memory_space<hbm>>) target(%dma_start3A_13 : memref<128xi32, #tpu.memory_space<vmem>>) target_semaphore(%arg7 : memref<!tpu.dma_semaphore, #tpu.memory_space<semaphore_mem>>)
    %scan3A = arith.constant 0 : i32
    %scan3A_15 = arith.constant 0 : i32
    %scan3A_16 = arith.constant 24 : i32
    %scan3A_17 = arith.addi %scan3A_15, %scan3A_16 : i32
    %scan3A_18 = arith.constant 1 : i32
    scf.for %scan3A_49 = %scan3A_15 to %scan3A_17 step %scan3A_18  : i32 {
      %mul3A_50 = arith.constant 2 : i32
      %mul3A_51 = arith.muli %mul3A_50, %scan3A_49 : i32
      %mul3A_52 = arith.constant 128 : i32
      %mul3A_53 = arith.muli %mul3A_51, %mul3A_52 : i32
      %add3A_54 = arith.addi %add3A_4, %mul3A_53 : i32
      %dma_wait3A_55 = arith.constant 0 : i32
      %dma_wait3A_56 = arith.constant 0 : i32
      %dma_wait3A_57 = tpu.memref_slice %arg5[%dma_wait3A_55, %dma_wait3A_56] : memref<2x128xi32, #tpu.memory_space<vmem>> -> memref<1x128xi32, #tpu.memory_space<vmem>>
      %dma_wait3A_58 = tpu.memref_squeeze %dma_wait3A_57 : memref<1x128xi32, #tpu.memory_space<vmem>> -> memref<128xi32, #tpu.memory_space<vmem>>
      %dma_wait3A_59 = tpu.memref_slice %arg2[%add3A_54] : memref<393216xi32, #tpu.memory_space<hbm>> -> memref<128xi32, #tpu.memory_space<hbm>>
      %dma_wait3A_60 = arith.constant 0 : i32
      %dma_wait3A_61 = tpu.memref_slice %arg5[%dma_wait3A_55, %dma_wait3A_60] : memref<2x128xi32, #tpu.memory_space<vmem>> -> memref<1x128xi32, #tpu.memory_space<vmem>>
      %dma_wait3A_62 = tpu.memref_squeeze %dma_wait3A_61 : memref<1x128xi32, #tpu.memory_space<vmem>> -> memref<128xi32, #tpu.memory_space<vmem>>
      %dma_wait3A_63 = tpu.memref_slice %arg2[%add3A_54] : memref<393216xi32, #tpu.memory_space<hbm>> -> memref<128xi32, #tpu.memory_space<hbm>>
      tpu.wait_dma2 semaphore(%arg7 : memref<!tpu.dma_semaphore, #tpu.memory_space<semaphore_mem>>) src(%dma_wait3A_63 : memref<128xi32, #tpu.memory_space<hbm>>) dst(%dma_wait3A_62 : memref<128xi32, #tpu.memory_space<vmem>>)
      %add3A_64 = arith.constant 1 : i32
      %add3A_65 = arith.addi %mul3A_51, %add3A_64 : i32
      %mul3A_66 = arith.constant 128 : i32
      %mul3A_67 = arith.muli %add3A_65, %mul3A_66 : i32
      %add3A_68 = arith.addi %add3A_4, %mul3A_67 : i32
      %dma_start3A_69 = arith.constant 1 : i32
      %dma_start3A_70 = arith.constant 0 : i32
      %dma_start3A_71 = tpu.memref_slice %arg5[%dma_start3A_69, %dma_start3A_70] : memref<2x128xi32, #tpu.memory_space<vmem>> -> memref<1x128xi32, #tpu.memory_space<vmem>>
      %dma_start3A_72 = tpu.memref_squeeze %dma_start3A_71 : memref<1x128xi32, #tpu.memory_space<vmem>> -> memref<128xi32, #tpu.memory_space<vmem>>
      %dma_start3A_73 = tpu.memref_slice %arg2[%add3A_68] : memref<393216xi32, #tpu.memory_space<hbm>> -> memref<128xi32, #tpu.memory_space<hbm>>
      %dma_start3A_74 = arith.constant 0 : i32
      %dma_start3A_75 = tpu.memref_slice %arg5[%dma_start3A_69, %dma_start3A_74] : memref<2x128xi32, #tpu.memory_space<vmem>> -> memref<1x128xi32, #tpu.memory_space<vmem>>
      %dma_start3A_76 = tpu.memref_squeeze %dma_start3A_75 : memref<1x128xi32, #tpu.memory_space<vmem>> -> memref<128xi32, #tpu.memory_space<vmem>>
      %dma_start3A_77 = tpu.memref_slice %arg2[%add3A_68] : memref<393216xi32, #tpu.memory_space<hbm>> -> memref<128xi32, #tpu.memory_space<hbm>>
      tpu.enqueue_dma source(%dma_start3A_77 : memref<128xi32, #tpu.memory_space<hbm>>) target(%dma_start3A_76 : memref<128xi32, #tpu.memory_space<vmem>>) target_semaphore(%arg8 : memref<!tpu.dma_semaphore, #tpu.memory_space<semaphore_mem>>)
      %gt3A = arith.constant 0 : i32
      %gt3A_78 = arith.cmpi sgt, %scan3A_49, %gt3A : i32
      %convert_element_type3A = arith.extui %gt3A_78 : i1 to i32
      %cond3A = arith.constant 0 : i32
      %cond3A_79 = arith.cmpi ne, %convert_element_type3A, %cond3A : i32
      scf.if %cond3A_79 {
        %sub3A = arith.constant 2 : i32
        %sub3A_185 = arith.subi %mul3A_51, %sub3A : i32
        %mul3A_186 = arith.constant 128 : i32
        %mul3A_187 = arith.muli %sub3A_185, %mul3A_186 : i32
        %add3A_188 = arith.addi %mul3A_2, %mul3A_187 : i32
        %dma_wait3A_189 = arith.constant 0 : i32
        %dma_wait3A_190 = arith.constant 0 : i32
        %dma_wait3A_191 = arith.constant 0 : i32
        %dma_wait3A_192 = tpu.memref_slice %arg6[%dma_wait3A_189, %dma_wait3A_190, %dma_wait3A_191] : memref<2x128x128xf32, #tpu.memory_space<vmem>> -> memref<1x128x128xf32, #tpu.memory_space<vmem>>
        %dma_wait3A_193 = tpu.memref_squeeze %dma_wait3A_192 : memref<1x128x128xf32, #tpu.memory_space<vmem>> -> memref<128x128xf32, #tpu.memory_space<vmem>>
        %dma_wait3A_194 = arith.constant 0 : i32
        %dma_wait3A_195 = tpu.memref_slice %arg4[%add3A_188, %dma_wait3A_194] : memref<196608x128xf32, #tpu.memory_space<hbm>> -> memref<128x128xf32, #tpu.memory_space<hbm>>
        %dma_wait3A_196 = arith.constant 0 : i32
        %dma_wait3A_197 = tpu.memref_slice %arg4[%add3A_188, %dma_wait3A_196] : memref<196608x128xf32, #tpu.memory_space<hbm>> -> memref<128x128xf32, #tpu.memory_space<hbm>>
        %dma_wait3A_198 = arith.constant 0 : i32
        %dma_wait3A_199 = arith.constant 0 : i32
        %dma_wait3A_200 = tpu.memref_slice %arg6[%dma_wait3A_189, %dma_wait3A_198, %dma_wait3A_199] : memref<2x128x128xf32, #tpu.memory_space<vmem>> -> memref<1x128x128xf32, #tpu.memory_space<vmem>>
        %dma_wait3A_201 = tpu.memref_squeeze %dma_wait3A_200 : memref<1x128x128xf32, #tpu.memory_space<vmem>> -> memref<128x128xf32, #tpu.memory_space<vmem>>
        tpu.wait_dma2 semaphore(%arg11 : memref<!tpu.dma_semaphore, #tpu.memory_space<semaphore_mem>>) src(%dma_wait3A_201 : memref<128x128xf32, #tpu.memory_space<vmem>>) dst(%dma_wait3A_197 : memref<128x128xf32, #tpu.memory_space<hbm>>)
      } else {
      }
      %dma_start3A_80 = arith.constant 0 : i32
      %dma_start3A_81 = arith.constant 0 : i32
      %dma_start3A_82 = arith.constant 0 : i32
      %dma_start3A_83 = arith.constant 0 : i32
      %dma_start3A_84 = tpu.memref_slice %arg6[%dma_start3A_81, %dma_start3A_82, %dma_start3A_83] : memref<2x128x128xf32, #tpu.memory_space<vmem>> -> memref<1x128x128xf32, #tpu.memory_space<vmem>>
      %dma_start3A_85 = tpu.memref_squeeze %dma_start3A_84 : memref<1x128x128xf32, #tpu.memory_space<vmem>> -> memref<128x128xf32, #tpu.memory_space<vmem>>
      %dma_start3A_86 = arith.constant 0 : i32
      %dma_start3A_87 = tpu.memref_slice %arg5[%dma_start3A_80, %dma_start3A_86] : memref<2x128xi32, #tpu.memory_space<vmem>> -> memref<1x128xi32, #tpu.memory_space<vmem>>
      %dma_start3A_88 = tpu.memref_squeeze %dma_start3A_87 : memref<1x128xi32, #tpu.memory_space<vmem>> -> memref<128xi32, #tpu.memory_space<vmem>>
      %dma_start3A_89 = arith.constant 0 : i32
      %dma_start3A_90 = arith.constant 0 : i32
      %dma_start3A_91 = tpu.memref_slice %arg3[%dma_start3A_89, %dma_start3A_90] : memref<8192x128xf32, #tpu.memory_space<hbm>> -> memref<8192x128xf32, #tpu.memory_space<hbm>>
      tpu.enqueue_indirect_dma source(%dma_start3A_91 : memref<8192x128xf32, #tpu.memory_space<hbm>>) target(%dma_start3A_85 : memref<128x128xf32, #tpu.memory_space<vmem>>) offsets(%dma_start3A_88 : memref<128xi32, #tpu.memory_space<vmem>>) semaphore(%arg9 : memref<!tpu.dma_semaphore, #tpu.memory_space<semaphore_mem>>)
      %dma_wait3A_92 = arith.constant 0 : i32
      %dma_wait3A_93 = arith.constant 0 : i32
      %dma_wait3A_94 = arith.constant 0 : i32
      %dma_wait3A_95 = arith.constant 0 : i32
      %dma_wait3A_96 = tpu.memref_slice %arg6[%dma_wait3A_93, %dma_wait3A_94, %dma_wait3A_95] : memref<2x128x128xf32, #tpu.memory_space<vmem>> -> memref<1x128x128xf32, #tpu.memory_space<vmem>>
      %dma_wait3A_97 = tpu.memref_squeeze %dma_wait3A_96 : memref<1x128x128xf32, #tpu.memory_space<vmem>> -> memref<128x128xf32, #tpu.memory_space<vmem>>
      %dma_wait3A_98 = arith.constant 0 : i32
      %dma_wait3A_99 = tpu.memref_slice %arg5[%dma_wait3A_92, %dma_wait3A_98] : memref<2x128xi32, #tpu.memory_space<vmem>> -> memref<1x128xi32, #tpu.memory_space<vmem>>
      %dma_wait3A_100 = tpu.memref_squeeze %dma_wait3A_99 : memref<1x128xi32, #tpu.memory_space<vmem>> -> memref<128xi32, #tpu.memory_space<vmem>>
      %dma_wait3A_101 = arith.constant 0 : i32
      %dma_wait3A_102 = arith.constant 0 : i32
      %dma_wait3A_103 = tpu.memref_slice %arg3[%dma_wait3A_101, %dma_wait3A_102] : memref<8192x128xf32, #tpu.memory_space<hbm>> -> memref<8192x128xf32, #tpu.memory_space<hbm>>
      tpu.wait_indirect_dma semaphore(%arg9 : memref<!tpu.dma_semaphore, #tpu.memory_space<semaphore_mem>>) src(%dma_wait3A_103 : memref<8192x128xf32, #tpu.memory_space<hbm>>) dst(%dma_wait3A_97 : memref<128x128xf32, #tpu.memory_space<vmem>>)
      %mul3A_104 = arith.constant 128 : i32
      %mul3A_105 = arith.muli %mul3A_51, %mul3A_104 : i32
      %add3A_106 = arith.addi %mul3A_2, %mul3A_105 : i32
      %dma_start3A_107 = arith.constant 0 : i32
      %dma_start3A_108 = arith.constant 0 : i32
      %dma_start3A_109 = arith.constant 0 : i32
      %dma_start3A_110 = tpu.memref_slice %arg6[%dma_start3A_107, %dma_start3A_108, %dma_start3A_109] : memref<2x128x128xf32, #tpu.memory_space<vmem>> -> memref<1x128x128xf32, #tpu.memory_space<vmem>>
      %dma_start3A_111 = tpu.memref_squeeze %dma_start3A_110 : memref<1x128x128xf32, #tpu.memory_space<vmem>> -> memref<128x128xf32, #tpu.memory_space<vmem>>
      %dma_start3A_112 = arith.constant 0 : i32
      %dma_start3A_113 = tpu.memref_slice %arg4[%add3A_106, %dma_start3A_112] : memref<196608x128xf32, #tpu.memory_space<hbm>> -> memref<128x128xf32, #tpu.memory_space<hbm>>
      %dma_start3A_114 = arith.constant 0 : i32
      %dma_start3A_115 = tpu.memref_slice %arg4[%add3A_106, %dma_start3A_114] : memref<196608x128xf32, #tpu.memory_space<hbm>> -> memref<128x128xf32, #tpu.memory_space<hbm>>
      %dma_start3A_116 = arith.constant 0 : i32
      %dma_start3A_117 = arith.constant 0 : i32
      %dma_start3A_118 = tpu.memref_slice %arg6[%dma_start3A_107, %dma_start3A_116, %dma_start3A_117] : memref<2x128x128xf32, #tpu.memory_space<vmem>> -> memref<1x128x128xf32, #tpu.memory_space<vmem>>
      %dma_start3A_119 = tpu.memref_squeeze %dma_start3A_118 : memref<1x128x128xf32, #tpu.memory_space<vmem>> -> memref<128x128xf32, #tpu.memory_space<vmem>>
      tpu.enqueue_dma source(%dma_start3A_119 : memref<128x128xf32, #tpu.memory_space<vmem>>) target(%dma_start3A_115 : memref<128x128xf32, #tpu.memory_space<hbm>>) target_semaphore(%arg11 : memref<!tpu.dma_semaphore, #tpu.memory_space<semaphore_mem>>)
      %add3A_120 = arith.constant 1 : i32
      %add3A_121 = arith.addi %mul3A_51, %add3A_120 : i32
      %mul3A_122 = arith.constant 128 : i32
      %mul3A_123 = arith.muli %add3A_121, %mul3A_122 : i32
      %add3A_124 = arith.addi %add3A_4, %mul3A_123 : i32
      %dma_wait3A_125 = arith.constant 1 : i32
      %dma_wait3A_126 = arith.constant 0 : i32
      %dma_wait3A_127 = tpu.memref_slice %arg5[%dma_wait3A_125, %dma_wait3A_126] : memref<2x128xi32, #tpu.memory_space<vmem>> -> memref<1x128xi32, #tpu.memory_space<vmem>>
      %dma_wait3A_128 = tpu.memref_squeeze %dma_wait3A_127 : memref<1x128xi32, #tpu.memory_space<vmem>> -> memref<128xi32, #tpu.memory_space<vmem>>
      %dma_wait3A_129 = tpu.memref_slice %arg2[%add3A_124] : memref<393216xi32, #tpu.memory_space<hbm>> -> memref<128xi32, #tpu.memory_space<hbm>>
      %dma_wait3A_130 = arith.constant 0 : i32
      %dma_wait3A_131 = tpu.memref_slice %arg5[%dma_wait3A_125, %dma_wait3A_130] : memref<2x128xi32, #tpu.memory_space<vmem>> -> memref<1x128xi32, #tpu.memory_space<vmem>>
      %dma_wait3A_132 = tpu.memref_squeeze %dma_wait3A_131 : memref<1x128xi32, #tpu.memory_space<vmem>> -> memref<128xi32, #tpu.memory_space<vmem>>
      %dma_wait3A_133 = tpu.memref_slice %arg2[%add3A_124] : memref<393216xi32, #tpu.memory_space<hbm>> -> memref<128xi32, #tpu.memory_space<hbm>>
      tpu.wait_dma2 semaphore(%arg8 : memref<!tpu.dma_semaphore, #tpu.memory_space<semaphore_mem>>) src(%dma_wait3A_133 : memref<128xi32, #tpu.memory_space<hbm>>) dst(%dma_wait3A_132 : memref<128xi32, #tpu.memory_space<vmem>>)
      %lt3A = arith.constant 23 : i32
      %lt3A_134 = arith.cmpi slt, %scan3A_49, %lt3A : i32
      %convert_element_type3A_135 = arith.extui %lt3A_134 : i1 to i32
      %cond3A_136 = arith.constant 0 : i32
      %cond3A_137 = arith.cmpi ne, %convert_element_type3A_135, %cond3A_136 : i32
      scf.if %cond3A_137 {
        %add3A_185 = arith.constant 2 : i32
        %add3A_186 = arith.addi %mul3A_51, %add3A_185 : i32
        %mul3A_187 = arith.constant 128 : i32
        %mul3A_188 = arith.muli %add3A_186, %mul3A_187 : i32
        %add3A_189 = arith.addi %add3A_4, %mul3A_188 : i32
        %dma_start3A_190 = arith.constant 0 : i32
        %dma_start3A_191 = arith.constant 0 : i32
        %dma_start3A_192 = tpu.memref_slice %arg5[%dma_start3A_190, %dma_start3A_191] : memref<2x128xi32, #tpu.memory_space<vmem>> -> memref<1x128xi32, #tpu.memory_space<vmem>>
        %dma_start3A_193 = tpu.memref_squeeze %dma_start3A_192 : memref<1x128xi32, #tpu.memory_space<vmem>> -> memref<128xi32, #tpu.memory_space<vmem>>
        %dma_start3A_194 = tpu.memref_slice %arg2[%add3A_189] : memref<393216xi32, #tpu.memory_space<hbm>> -> memref<128xi32, #tpu.memory_space<hbm>>
        %dma_start3A_195 = arith.constant 0 : i32
        %dma_start3A_196 = tpu.memref_slice %arg5[%dma_start3A_190, %dma_start3A_195] : memref<2x128xi32, #tpu.memory_space<vmem>> -> memref<1x128xi32, #tpu.memory_space<vmem>>
        %dma_start3A_197 = tpu.memref_squeeze %dma_start3A_196 : memref<1x128xi32, #tpu.memory_space<vmem>> -> memref<128xi32, #tpu.memory_space<vmem>>
        %dma_start3A_198 = tpu.memref_slice %arg2[%add3A_189] : memref<393216xi32, #tpu.memory_space<hbm>> -> memref<128xi32, #tpu.memory_space<hbm>>
        tpu.enqueue_dma source(%dma_start3A_198 : memref<128xi32, #tpu.memory_space<hbm>>) target(%dma_start3A_197 : memref<128xi32, #tpu.memory_space<vmem>>) target_semaphore(%arg7 : memref<!tpu.dma_semaphore, #tpu.memory_space<semaphore_mem>>)
      } else {
      }
      %gt3A_138 = arith.constant 0 : i32
      %gt3A_139 = arith.cmpi sgt, %scan3A_49, %gt3A_138 : i32
      %convert_element_type3A_140 = arith.extui %gt3A_139 : i1 to i32
      %cond3A_141 = arith.constant 0 : i32
      %cond3A_142 = arith.cmpi ne, %convert_element_type3A_140, %cond3A_141 : i32
      scf.if %cond3A_142 {
        %sub3A = arith.constant 1 : i32
        %sub3A_185 = arith.subi %mul3A_51, %sub3A : i32
        %mul3A_186 = arith.constant 128 : i32
        %mul3A_187 = arith.muli %sub3A_185, %mul3A_186 : i32
        %add3A_188 = arith.addi %mul3A_2, %mul3A_187 : i32
        %dma_wait3A_189 = arith.constant 1 : i32
        %dma_wait3A_190 = arith.constant 0 : i32
        %dma_wait3A_191 = arith.constant 0 : i32
        %dma_wait3A_192 = tpu.memref_slice %arg6[%dma_wait3A_189, %dma_wait3A_190, %dma_wait3A_191] : memref<2x128x128xf32, #tpu.memory_space<vmem>> -> memref<1x128x128xf32, #tpu.memory_space<vmem>>
        %dma_wait3A_193 = tpu.memref_squeeze %dma_wait3A_192 : memref<1x128x128xf32, #tpu.memory_space<vmem>> -> memref<128x128xf32, #tpu.memory_space<vmem>>
        %dma_wait3A_194 = arith.constant 0 : i32
        %dma_wait3A_195 = tpu.memref_slice %arg4[%add3A_188, %dma_wait3A_194] : memref<196608x128xf32, #tpu.memory_space<hbm>> -> memref<128x128xf32, #tpu.memory_space<hbm>>
        %dma_wait3A_196 = arith.constant 0 : i32
        %dma_wait3A_197 = tpu.memref_slice %arg4[%add3A_188, %dma_wait3A_196] : memref<196608x128xf32, #tpu.memory_space<hbm>> -> memref<128x128xf32, #tpu.memory_space<hbm>>
        %dma_wait3A_198 = arith.constant 0 : i32
        %dma_wait3A_199 = arith.constant 0 : i32
        %dma_wait3A_200 = tpu.memref_slice %arg6[%dma_wait3A_189, %dma_wait3A_198, %dma_wait3A_199] : memref<2x128x128xf32, #tpu.memory_space<vmem>> -> memref<1x128x128xf32, #tpu.memory_space<vmem>>
        %dma_wait3A_201 = tpu.memref_squeeze %dma_wait3A_200 : memref<1x128x128xf32, #tpu.memory_space<vmem>> -> memref<128x128xf32, #tpu.memory_space<vmem>>
        tpu.wait_dma2 semaphore(%arg12 : memref<!tpu.dma_semaphore, #tpu.memory_space<semaphore_mem>>) src(%dma_wait3A_201 : memref<128x128xf32, #tpu.memory_space<vmem>>) dst(%dma_wait3A_197 : memref<128x128xf32, #tpu.memory_space<hbm>>)
      } else {
      }
      %dma_start3A_143 = arith.constant 1 : i32
      %dma_start3A_144 = arith.constant 1 : i32
      %dma_start3A_145 = arith.constant 0 : i32
      %dma_start3A_146 = arith.constant 0 : i32
      %dma_start3A_147 = tpu.memref_slice %arg6[%dma_start3A_144, %dma_start3A_145, %dma_start3A_146] : memref<2x128x128xf32, #tpu.memory_space<vmem>> -> memref<1x128x128xf32, #tpu.memory_space<vmem>>
      %dma_start3A_148 = tpu.memref_squeeze %dma_start3A_147 : memref<1x128x128xf32, #tpu.memory_space<vmem>> -> memref<128x128xf32, #tpu.memory_space<vmem>>
      %dma_start3A_149 = arith.constant 0 : i32
      %dma_start3A_150 = tpu.memref_slice %arg5[%dma_start3A_143, %dma_start3A_149] : memref<2x128xi32, #tpu.memory_space<vmem>> -> memref<1x128xi32, #tpu.memory_space<vmem>>
      %dma_start3A_151 = tpu.memref_squeeze %dma_start3A_150 : memref<1x128xi32, #tpu.memory_space<vmem>> -> memref<128xi32, #tpu.memory_space<vmem>>
      %dma_start3A_152 = arith.constant 0 : i32
      %dma_start3A_153 = arith.constant 0 : i32
      %dma_start3A_154 = tpu.memref_slice %arg3[%dma_start3A_152, %dma_start3A_153] : memref<8192x128xf32, #tpu.memory_space<hbm>> -> memref<8192x128xf32, #tpu.memory_space<hbm>>
      tpu.enqueue_indirect_dma source(%dma_start3A_154 : memref<8192x128xf32, #tpu.memory_space<hbm>>) target(%dma_start3A_148 : memref<128x128xf32, #tpu.memory_space<vmem>>) offsets(%dma_start3A_151 : memref<128xi32, #tpu.memory_space<vmem>>) semaphore(%arg10 : memref<!tpu.dma_semaphore, #tpu.memory_space<semaphore_mem>>)
      %dma_wait3A_155 = arith.constant 1 : i32
      %dma_wait3A_156 = arith.constant 1 : i32
      %dma_wait3A_157 = arith.constant 0 : i32
      %dma_wait3A_158 = arith.constant 0 : i32
      %dma_wait3A_159 = tpu.memref_slice %arg6[%dma_wait3A_156, %dma_wait3A_157, %dma_wait3A_158] : memref<2x128x128xf32, #tpu.memory_space<vmem>> -> memref<1x128x128xf32, #tpu.memory_space<vmem>>
      %dma_wait3A_160 = tpu.memref_squeeze %dma_wait3A_159 : memref<1x128x128xf32, #tpu.memory_space<vmem>> -> memref<128x128xf32, #tpu.memory_space<vmem>>
      %dma_wait3A_161 = arith.constant 0 : i32
      %dma_wait3A_162 = tpu.memref_slice %arg5[%dma_wait3A_155, %dma_wait3A_161] : memref<2x128xi32, #tpu.memory_space<vmem>> -> memref<1x128xi32, #tpu.memory_space<vmem>>
      %dma_wait3A_163 = tpu.memref_squeeze %dma_wait3A_162 : memref<1x128xi32, #tpu.memory_space<vmem>> -> memref<128xi32, #tpu.memory_space<vmem>>
      %dma_wait3A_164 = arith.constant 0 : i32
      %dma_wait3A_165 = arith.constant 0 : i32
      %dma_wait3A_166 = tpu.memref_slice %arg3[%dma_wait3A_164, %dma_wait3A_165] : memref<8192x128xf32, #tpu.memory_space<hbm>> -> memref<8192x128xf32, #tpu.memory_space<hbm>>
      tpu.wait_indirect_dma semaphore(%arg10 : memref<!tpu.dma_semaphore, #tpu.memory_space<semaphore_mem>>) src(%dma_wait3A_166 : memref<8192x128xf32, #tpu.memory_space<hbm>>) dst(%dma_wait3A_160 : memref<128x128xf32, #tpu.memory_space<vmem>>)
      %add3A_167 = arith.constant 1 : i32
      %add3A_168 = arith.addi %mul3A_51, %add3A_167 : i32
      %mul3A_169 = arith.constant 128 : i32
      %mul3A_170 = arith.muli %add3A_168, %mul3A_169 : i32
      %add3A_171 = arith.addi %mul3A_2, %mul3A_170 : i32
      %dma_start3A_172 = arith.constant 1 : i32
      %dma_start3A_173 = arith.constant 0 : i32
      %dma_start3A_174 = arith.constant 0 : i32
      %dma_start3A_175 = tpu.memref_slice %arg6[%dma_start3A_172, %dma_start3A_173, %dma_start3A_174] : memref<2x128x128xf32, #tpu.memory_space<vmem>> -> memref<1x128x128xf32, #tpu.memory_space<vmem>>
      %dma_start3A_176 = tpu.memref_squeeze %dma_start3A_175 : memref<1x128x128xf32, #tpu.memory_space<vmem>> -> memref<128x128xf32, #tpu.memory_space<vmem>>
      %dma_start3A_177 = arith.constant 0 : i32
      %dma_start3A_178 = tpu.memref_slice %arg4[%add3A_171, %dma_start3A_177] : memref<196608x128xf32, #tpu.memory_space<hbm>> -> memref<128x128xf32, #tpu.memory_space<hbm>>
      %dma_start3A_179 = arith.constant 0 : i32
      %dma_start3A_180 = tpu.memref_slice %arg4[%add3A_171, %dma_start3A_179] : memref<196608x128xf32, #tpu.memory_space<hbm>> -> memref<128x128xf32, #tpu.memory_space<hbm>>
      %dma_start3A_181 = arith.constant 0 : i32
      %dma_start3A_182 = arith.constant 0 : i32
      %dma_start3A_183 = tpu.memref_slice %arg6[%dma_start3A_172, %dma_start3A_181, %dma_start3A_182] : memref<2x128x128xf32, #tpu.memory_space<vmem>> -> memref<1x128x128xf32, #tpu.memory_space<vmem>>
      %dma_start3A_184 = tpu.memref_squeeze %dma_start3A_183 : memref<1x128x128xf32, #tpu.memory_space<vmem>> -> memref<128x128xf32, #tpu.memory_space<vmem>>
      tpu.enqueue_dma source(%dma_start3A_184 : memref<128x128xf32, #tpu.memory_space<vmem>>) target(%dma_start3A_180 : memref<128x128xf32, #tpu.memory_space<hbm>>) target_semaphore(%arg12 : memref<!tpu.dma_semaphore, #tpu.memory_space<semaphore_mem>>)
    }
    %scan3A_19 = arith.constant 24 : i32
    %add3A_20 = arith.constant 5888 : i32
    %add3A_21 = arith.addi %mul3A_2, %add3A_20 : i32
    %dma_wait3A = arith.constant 0 : i32
    %dma_wait3A_22 = arith.constant 0 : i32
    %dma_wait3A_23 = arith.constant 0 : i32
    %dma_wait3A_24 = tpu.memref_slice %arg6[%dma_wait3A, %dma_wait3A_22, %dma_wait3A_23] : memref<2x128x128xf32, #tpu.memory_space<vmem>> -> memref<1x128x128xf32, #tpu.memory_space<vmem>>
    %dma_wait3A_25 = tpu.memref_squeeze %dma_wait3A_24 : memref<1x128x128xf32, #tpu.memory_space<vmem>> -> memref<128x128xf32, #tpu.memory_space<vmem>>
    %dma_wait3A_26 = arith.constant 0 : i32
    %dma_wait3A_27 = tpu.memref_slice %arg4[%add3A_21, %dma_wait3A_26] : memref<196608x128xf32, #tpu.memory_space<hbm>> -> memref<128x128xf32, #tpu.memory_space<hbm>>
    %dma_wait3A_28 = arith.constant 0 : i32
    %dma_wait3A_29 = tpu.memref_slice %arg4[%add3A_21, %dma_wait3A_28] : memref<196608x128xf32, #tpu.memory_space<hbm>> -> memref<128x128xf32, #tpu.memory_space<hbm>>
    %dma_wait3A_30 = arith.constant 0 : i32
    %dma_wait3A_31 = arith.constant 0 : i32
    %dma_wait3A_32 = tpu.memref_slice %arg6[%dma_wait3A, %dma_wait3A_30, %dma_wait3A_31] : memref<2x128x128xf32, #tpu.memory_space<vmem>> -> memref<1x128x128xf32, #tpu.memory_space<vmem>>
    %dma_wait3A_33 = tpu.memref_squeeze %dma_wait3A_32 : memref<1x128x128xf32, #tpu.memory_space<vmem>> -> memref<128x128xf32, #tpu.memory_space<vmem>>
    tpu.wait_dma2 semaphore(%arg11 : memref<!tpu.dma_semaphore, #tpu.memory_space<semaphore_mem>>) src(%dma_wait3A_33 : memref<128x128xf32, #tpu.memory_space<vmem>>) dst(%dma_wait3A_29 : memref<128x128xf32, #tpu.memory_space<hbm>>)
    %add3A_34 = arith.constant 6016 : i32
    %add3A_35 = arith.addi %mul3A_2, %add3A_34 : i32
    %dma_wait3A_36 = arith.constant 1 : i32
    %dma_wait3A_37 = arith.constant 0 : i32
    %dma_wait3A_38 = arith.constant 0 : i32
    %dma_wait3A_39 = tpu.memref_slice %arg6[%dma_wait3A_36, %dma_wait3A_37, %dma_wait3A_38] : memref<2x128x128xf32, #tpu.memory_space<vmem>> -> memref<1x128x128xf32, #tpu.memory_space<vmem>>
    %dma_wait3A_40 = tpu.memref_squeeze %dma_wait3A_39 : memref<1x128x128xf32, #tpu.memory_space<vmem>> -> memref<128x128xf32, #tpu.memory_space<vmem>>
    %dma_wait3A_41 = arith.constant 0 : i32
    %dma_wait3A_42 = tpu.memref_slice %arg4[%add3A_35, %dma_wait3A_41] : memref<196608x128xf32, #tpu.memory_space<hbm>> -> memref<128x128xf32, #tpu.memory_space<hbm>>
    %dma_wait3A_43 = arith.constant 0 : i32
    %dma_wait3A_44 = tpu.memref_slice %arg4[%add3A_35, %dma_wait3A_43] : memref<196608x128xf32, #tpu.memory_space<hbm>> -> memref<128x128xf32, #tpu.memory_space<hbm>>
    %dma_wait3A_45 = arith.constant 0 : i32
    %dma_wait3A_46 = arith.constant 0 : i32
    %dma_wait3A_47 = tpu.memref_slice %arg6[%dma_wait3A_36, %dma_wait3A_45, %dma_wait3A_46] : memref<2x128x128xf32, #tpu.memory_space<vmem>> -> memref<1x128x128xf32, #tpu.memory_space<vmem>>
    %dma_wait3A_48 = tpu.memref_squeeze %dma_wait3A_47 : memref<1x128x128xf32, #tpu.memory_space<vmem>> -> memref<128x128xf32, #tpu.memory_space<vmem>>
    tpu.wait_dma2 semaphore(%arg12 : memref<!tpu.dma_semaphore, #tpu.memory_space<semaphore_mem>>) src(%dma_wait3A_48 : memref<128x128xf32, #tpu.memory_space<vmem>>) dst(%dma_wait3A_44 : memref<128x128xf32, #tpu.memory_space<hbm>>)
    return
  }
}

#map = affine_map<(d0, d1) -> (0)>
#map1 = affine_map<(d0, d1) -> (0, 0)>
module attributes {stable_mosaic.version = 14 : i64} {
  func.func @gather_k(%arg0: i32, %arg1: i32, %arg2: memref<393216xi32, #tpu.memory_space<hbm>>, %arg3: memref<8192x128xf32, #tpu.memory_space<hbm>>, %arg4: memref<196608x128xf32, #tpu.memory_space<hbm>>, %arg5: memref<2x128xi32, #tpu.memory_space<vmem>>, %arg6: memref<2x128x128xf32, #tpu.memory_space<vmem>>, %arg7: memref<!tpu.dma_semaphore, #tpu.memory_space<semaphore_mem>>, %arg8: memref<!tpu.dma_semaphore, #tpu.memory_space<semaphore_mem>>, %arg9: memref<!tpu.dma_semaphore, #tpu.memory_space<semaphore_mem>>, %arg10: memref<!tpu.dma_semaphore, #tpu.memory_space<semaphore_mem>>, %arg11: memref<!tpu.dma_semaphore, #tpu.memory_space<semaphore_mem>>, %arg12: memref<!tpu.dma_semaphore, #tpu.memory_space<semaphore_mem>>) attributes {dimension_semantics = [#tpu.dimension_semantics<core_parallel>, #tpu.dimension_semantics<subcore_parallel>], iteration_bounds = array<i64: 2, 16>, scalar_prefetch = 0 : i64, scratch_operands = 8 : i64, tpu.core_type = #tpu.core_type<sc_vector_subcore>, window_params = [{transform_indices = #map}, {transform_indices = #map1}, {transform_indices = #map1}]} {
    %mul3A = arith.constant 2 : i32
    %mul3A_0 = arith.muli %arg1, %mul3A : i32
    %add3A = arith.addi %mul3A_0, %arg0 : i32
    %mul3A_1 = arith.constant 6144 : i32
    %mul3A_2 = arith.muli %add3A, %mul3A_1 : i32
    %add3A_3 = arith.constant 196608 : i32
    %add3A_4 = arith.addi %add3A_3, %mul3A_2 : i32
    %add3A_5 = arith.constant 0 : i32
    %add3A_6 = arith.addi %add3A_4, %add3A_5 : i32
    %dma_start3A = arith.constant 0 : i32
    %dma_start3A_7 = arith.constant 0 : i32
    %dma_start3A_8 = tpu.memref_slice %arg5[%dma_start3A, %dma_start3A_7] : memref<2x128xi32, #tpu.memory_space<vmem>> -> memref<1x128xi32, #tpu.memory_space<vmem>>
    %dma_start3A_9 = tpu.memref_squeeze %dma_start3A_8 : memref<1x128xi32, #tpu.memory_space<vmem>> -> memref<128xi32, #tpu.memory_space<vmem>>
    %dma_start3A_10 = tpu.memref_slice %arg2[%add3A_6] : memref<393216xi32, #tpu.memory_space<hbm>> -> memref<128xi32, #tpu.memory_space<hbm>>
    %dma_start3A_11 = arith.constant 0 : i32
    %dma_start3A_12 = tpu.memref_slice %arg5[%dma_start3A, %dma_start3A_11] : memref<2x128xi32, #tpu.memory_space<vmem>> -> memref<1x128xi32, #tpu.memory_space<vmem>>
    %dma_start3A_13 = tpu.memref_squeeze %dma_start3A_12 : memref<1x128xi32, #tpu.memory_space<vmem>> -> memref<128xi32, #tpu.memory_space<vmem>>
    %dma_start3A_14 = tpu.memref_slice %arg2[%add3A_6] : memref<393216xi32, #tpu.memory_space<hbm>> -> memref<128xi32, #tpu.memory_space<hbm>>
    tpu.enqueue_dma source(%dma_start3A_14 : memref<128xi32, #tpu.memory_space<hbm>>) target(%dma_start3A_13 : memref<128xi32, #tpu.memory_space<vmem>>) target_semaphore(%arg7 : memref<!tpu.dma_semaphore, #tpu.memory_space<semaphore_mem>>)
    %scan3A = arith.constant 0 : i32
    %scan3A_15 = arith.constant 0 : i32
    %scan3A_16 = arith.constant 24 : i32
    %scan3A_17 = arith.addi %scan3A_15, %scan3A_16 : i32
    %scan3A_18 = arith.constant 1 : i32
    scf.for %scan3A_49 = %scan3A_15 to %scan3A_17 step %scan3A_18  : i32 {
      %mul3A_50 = arith.constant 2 : i32
      %mul3A_51 = arith.muli %mul3A_50, %scan3A_49 : i32
      %mul3A_52 = arith.constant 128 : i32
      %mul3A_53 = arith.muli %mul3A_51, %mul3A_52 : i32
      %add3A_54 = arith.addi %add3A_4, %mul3A_53 : i32
      %dma_wait3A_55 = arith.constant 0 : i32
      %dma_wait3A_56 = arith.constant 0 : i32
      %dma_wait3A_57 = tpu.memref_slice %arg5[%dma_wait3A_55, %dma_wait3A_56] : memref<2x128xi32, #tpu.memory_space<vmem>> -> memref<1x128xi32, #tpu.memory_space<vmem>>
      %dma_wait3A_58 = tpu.memref_squeeze %dma_wait3A_57 : memref<1x128xi32, #tpu.memory_space<vmem>> -> memref<128xi32, #tpu.memory_space<vmem>>
      %dma_wait3A_59 = tpu.memref_slice %arg2[%add3A_54] : memref<393216xi32, #tpu.memory_space<hbm>> -> memref<128xi32, #tpu.memory_space<hbm>>
      %dma_wait3A_60 = arith.constant 0 : i32
      %dma_wait3A_61 = tpu.memref_slice %arg5[%dma_wait3A_55, %dma_wait3A_60] : memref<2x128xi32, #tpu.memory_space<vmem>> -> memref<1x128xi32, #tpu.memory_space<vmem>>
      %dma_wait3A_62 = tpu.memref_squeeze %dma_wait3A_61 : memref<1x128xi32, #tpu.memory_space<vmem>> -> memref<128xi32, #tpu.memory_space<vmem>>
      %dma_wait3A_63 = tpu.memref_slice %arg2[%add3A_54] : memref<393216xi32, #tpu.memory_space<hbm>> -> memref<128xi32, #tpu.memory_space<hbm>>
      tpu.wait_dma2 semaphore(%arg7 : memref<!tpu.dma_semaphore, #tpu.memory_space<semaphore_mem>>) src(%dma_wait3A_63 : memref<128xi32, #tpu.memory_space<hbm>>) dst(%dma_wait3A_62 : memref<128xi32, #tpu.memory_space<vmem>>)
      %add3A_64 = arith.constant 1 : i32
      %add3A_65 = arith.addi %mul3A_51, %add3A_64 : i32
      %mul3A_66 = arith.constant 128 : i32
      %mul3A_67 = arith.muli %add3A_65, %mul3A_66 : i32
      %add3A_68 = arith.addi %add3A_4, %mul3A_67 : i32
      %dma_start3A_69 = arith.constant 1 : i32
      %dma_start3A_70 = arith.constant 0 : i32
      %dma_start3A_71 = tpu.memref_slice %arg5[%dma_start3A_69, %dma_start3A_70] : memref<2x128xi32, #tpu.memory_space<vmem>> -> memref<1x128xi32, #tpu.memory_space<vmem>>
      %dma_start3A_72 = tpu.memref_squeeze %dma_start3A_71 : memref<1x128xi32, #tpu.memory_space<vmem>> -> memref<128xi32, #tpu.memory_space<vmem>>
      %dma_start3A_73 = tpu.memref_slice %arg2[%add3A_68] : memref<393216xi32, #tpu.memory_space<hbm>> -> memref<128xi32, #tpu.memory_space<hbm>>
      %dma_start3A_74 = arith.constant 0 : i32
      %dma_start3A_75 = tpu.memref_slice %arg5[%dma_start3A_69, %dma_start3A_74] : memref<2x128xi32, #tpu.memory_space<vmem>> -> memref<1x128xi32, #tpu.memory_space<vmem>>
      %dma_start3A_76 = tpu.memref_squeeze %dma_start3A_75 : memref<1x128xi32, #tpu.memory_space<vmem>> -> memref<128xi32, #tpu.memory_space<vmem>>
      %dma_start3A_77 = tpu.memref_slice %arg2[%add3A_68] : memref<393216xi32, #tpu.memory_space<hbm>> -> memref<128xi32, #tpu.memory_space<hbm>>
      tpu.enqueue_dma source(%dma_start3A_77 : memref<128xi32, #tpu.memory_space<hbm>>) target(%dma_start3A_76 : memref<128xi32, #tpu.memory_space<vmem>>) target_semaphore(%arg8 : memref<!tpu.dma_semaphore, #tpu.memory_space<semaphore_mem>>)
      %gt3A = arith.constant 0 : i32
      %gt3A_78 = arith.cmpi sgt, %scan3A_49, %gt3A : i32
      %convert_element_type3A = arith.extui %gt3A_78 : i1 to i32
      %cond3A = arith.constant 0 : i32
      %cond3A_79 = arith.cmpi ne, %convert_element_type3A, %cond3A : i32
      scf.if %cond3A_79 {
        %sub3A = arith.constant 2 : i32
        %sub3A_185 = arith.subi %mul3A_51, %sub3A : i32
        %mul3A_186 = arith.constant 128 : i32
        %mul3A_187 = arith.muli %sub3A_185, %mul3A_186 : i32
        %add3A_188 = arith.addi %mul3A_2, %mul3A_187 : i32
        %dma_wait3A_189 = arith.constant 0 : i32
        %dma_wait3A_190 = arith.constant 0 : i32
        %dma_wait3A_191 = arith.constant 0 : i32
        %dma_wait3A_192 = tpu.memref_slice %arg6[%dma_wait3A_189, %dma_wait3A_190, %dma_wait3A_191] : memref<2x128x128xf32, #tpu.memory_space<vmem>> -> memref<1x128x128xf32, #tpu.memory_space<vmem>>
        %dma_wait3A_193 = tpu.memref_squeeze %dma_wait3A_192 : memref<1x128x128xf32, #tpu.memory_space<vmem>> -> memref<128x128xf32, #tpu.memory_space<vmem>>
        %dma_wait3A_194 = arith.constant 0 : i32
        %dma_wait3A_195 = tpu.memref_slice %arg4[%add3A_188, %dma_wait3A_194] : memref<196608x128xf32, #tpu.memory_space<hbm>> -> memref<128x128xf32, #tpu.memory_space<hbm>>
        %dma_wait3A_196 = arith.constant 0 : i32
        %dma_wait3A_197 = tpu.memref_slice %arg4[%add3A_188, %dma_wait3A_196] : memref<196608x128xf32, #tpu.memory_space<hbm>> -> memref<128x128xf32, #tpu.memory_space<hbm>>
        %dma_wait3A_198 = arith.constant 0 : i32
        %dma_wait3A_199 = arith.constant 0 : i32
        %dma_wait3A_200 = tpu.memref_slice %arg6[%dma_wait3A_189, %dma_wait3A_198, %dma_wait3A_199] : memref<2x128x128xf32, #tpu.memory_space<vmem>> -> memref<1x128x128xf32, #tpu.memory_space<vmem>>
        %dma_wait3A_201 = tpu.memref_squeeze %dma_wait3A_200 : memref<1x128x128xf32, #tpu.memory_space<vmem>> -> memref<128x128xf32, #tpu.memory_space<vmem>>
        tpu.wait_dma2 semaphore(%arg11 : memref<!tpu.dma_semaphore, #tpu.memory_space<semaphore_mem>>) src(%dma_wait3A_201 : memref<128x128xf32, #tpu.memory_space<vmem>>) dst(%dma_wait3A_197 : memref<128x128xf32, #tpu.memory_space<hbm>>)
      } else {
      }
      %dma_start3A_80 = arith.constant 0 : i32
      %dma_start3A_81 = arith.constant 0 : i32
      %dma_start3A_82 = arith.constant 0 : i32
      %dma_start3A_83 = arith.constant 0 : i32
      %dma_start3A_84 = tpu.memref_slice %arg6[%dma_start3A_81, %dma_start3A_82, %dma_start3A_83] : memref<2x128x128xf32, #tpu.memory_space<vmem>> -> memref<1x128x128xf32, #tpu.memory_space<vmem>>
      %dma_start3A_85 = tpu.memref_squeeze %dma_start3A_84 : memref<1x128x128xf32, #tpu.memory_space<vmem>> -> memref<128x128xf32, #tpu.memory_space<vmem>>
      %dma_start3A_86 = arith.constant 0 : i32
      %dma_start3A_87 = tpu.memref_slice %arg5[%dma_start3A_80, %dma_start3A_86] : memref<2x128xi32, #tpu.memory_space<vmem>> -> memref<1x128xi32, #tpu.memory_space<vmem>>
      %dma_start3A_88 = tpu.memref_squeeze %dma_start3A_87 : memref<1x128xi32, #tpu.memory_space<vmem>> -> memref<128xi32, #tpu.memory_space<vmem>>
      %dma_start3A_89 = arith.constant 0 : i32
      %dma_start3A_90 = arith.constant 0 : i32
      %dma_start3A_91 = tpu.memref_slice %arg3[%dma_start3A_89, %dma_start3A_90] : memref<8192x128xf32, #tpu.memory_space<hbm>> -> memref<8192x128xf32, #tpu.memory_space<hbm>>
      tpu.enqueue_indirect_dma source(%dma_start3A_91 : memref<8192x128xf32, #tpu.memory_space<hbm>>) target(%dma_start3A_85 : memref<128x128xf32, #tpu.memory_space<vmem>>) offsets(%dma_start3A_88 : memref<128xi32, #tpu.memory_space<vmem>>) semaphore(%arg9 : memref<!tpu.dma_semaphore, #tpu.memory_space<semaphore_mem>>)
      %dma_wait3A_92 = arith.constant 0 : i32
      %dma_wait3A_93 = arith.constant 0 : i32
      %dma_wait3A_94 = arith.constant 0 : i32
      %dma_wait3A_95 = arith.constant 0 : i32
      %dma_wait3A_96 = tpu.memref_slice %arg6[%dma_wait3A_93, %dma_wait3A_94, %dma_wait3A_95] : memref<2x128x128xf32, #tpu.memory_space<vmem>> -> memref<1x128x128xf32, #tpu.memory_space<vmem>>
      %dma_wait3A_97 = tpu.memref_squeeze %dma_wait3A_96 : memref<1x128x128xf32, #tpu.memory_space<vmem>> -> memref<128x128xf32, #tpu.memory_space<vmem>>
      %dma_wait3A_98 = arith.constant 0 : i32
      %dma_wait3A_99 = tpu.memref_slice %arg5[%dma_wait3A_92, %dma_wait3A_98] : memref<2x128xi32, #tpu.memory_space<vmem>> -> memref<1x128xi32, #tpu.memory_space<vmem>>
      %dma_wait3A_100 = tpu.memref_squeeze %dma_wait3A_99 : memref<1x128xi32, #tpu.memory_space<vmem>> -> memref<128xi32, #tpu.memory_space<vmem>>
      %dma_wait3A_101 = arith.constant 0 : i32
      %dma_wait3A_102 = arith.constant 0 : i32
      %dma_wait3A_103 = tpu.memref_slice %arg3[%dma_wait3A_101, %dma_wait3A_102] : memref<8192x128xf32, #tpu.memory_space<hbm>> -> memref<8192x128xf32, #tpu.memory_space<hbm>>
      tpu.wait_indirect_dma semaphore(%arg9 : memref<!tpu.dma_semaphore, #tpu.memory_space<semaphore_mem>>) src(%dma_wait3A_103 : memref<8192x128xf32, #tpu.memory_space<hbm>>) dst(%dma_wait3A_97 : memref<128x128xf32, #tpu.memory_space<vmem>>)
      %mul3A_104 = arith.constant 128 : i32
      %mul3A_105 = arith.muli %mul3A_51, %mul3A_104 : i32
      %add3A_106 = arith.addi %mul3A_2, %mul3A_105 : i32
      %dma_start3A_107 = arith.constant 0 : i32
      %dma_start3A_108 = arith.constant 0 : i32
      %dma_start3A_109 = arith.constant 0 : i32
      %dma_start3A_110 = tpu.memref_slice %arg6[%dma_start3A_107, %dma_start3A_108, %dma_start3A_109] : memref<2x128x128xf32, #tpu.memory_space<vmem>> -> memref<1x128x128xf32, #tpu.memory_space<vmem>>
      %dma_start3A_111 = tpu.memref_squeeze %dma_start3A_110 : memref<1x128x128xf32, #tpu.memory_space<vmem>> -> memref<128x128xf32, #tpu.memory_space<vmem>>
      %dma_start3A_112 = arith.constant 0 : i32
      %dma_start3A_113 = tpu.memref_slice %arg4[%add3A_106, %dma_start3A_112] : memref<196608x128xf32, #tpu.memory_space<hbm>> -> memref<128x128xf32, #tpu.memory_space<hbm>>
      %dma_start3A_114 = arith.constant 0 : i32
      %dma_start3A_115 = tpu.memref_slice %arg4[%add3A_106, %dma_start3A_114] : memref<196608x128xf32, #tpu.memory_space<hbm>> -> memref<128x128xf32, #tpu.memory_space<hbm>>
      %dma_start3A_116 = arith.constant 0 : i32
      %dma_start3A_117 = arith.constant 0 : i32
      %dma_start3A_118 = tpu.memref_slice %arg6[%dma_start3A_107, %dma_start3A_116, %dma_start3A_117] : memref<2x128x128xf32, #tpu.memory_space<vmem>> -> memref<1x128x128xf32, #tpu.memory_space<vmem>>
      %dma_start3A_119 = tpu.memref_squeeze %dma_start3A_118 : memref<1x128x128xf32, #tpu.memory_space<vmem>> -> memref<128x128xf32, #tpu.memory_space<vmem>>
      tpu.enqueue_dma source(%dma_start3A_119 : memref<128x128xf32, #tpu.memory_space<vmem>>) target(%dma_start3A_115 : memref<128x128xf32, #tpu.memory_space<hbm>>) target_semaphore(%arg11 : memref<!tpu.dma_semaphore, #tpu.memory_space<semaphore_mem>>)
      %add3A_120 = arith.constant 1 : i32
      %add3A_121 = arith.addi %mul3A_51, %add3A_120 : i32
      %mul3A_122 = arith.constant 128 : i32
      %mul3A_123 = arith.muli %add3A_121, %mul3A_122 : i32
      %add3A_124 = arith.addi %add3A_4, %mul3A_123 : i32
      %dma_wait3A_125 = arith.constant 1 : i32
      %dma_wait3A_126 = arith.constant 0 : i32
      %dma_wait3A_127 = tpu.memref_slice %arg5[%dma_wait3A_125, %dma_wait3A_126] : memref<2x128xi32, #tpu.memory_space<vmem>> -> memref<1x128xi32, #tpu.memory_space<vmem>>
      %dma_wait3A_128 = tpu.memref_squeeze %dma_wait3A_127 : memref<1x128xi32, #tpu.memory_space<vmem>> -> memref<128xi32, #tpu.memory_space<vmem>>
      %dma_wait3A_129 = tpu.memref_slice %arg2[%add3A_124] : memref<393216xi32, #tpu.memory_space<hbm>> -> memref<128xi32, #tpu.memory_space<hbm>>
      %dma_wait3A_130 = arith.constant 0 : i32
      %dma_wait3A_131 = tpu.memref_slice %arg5[%dma_wait3A_125, %dma_wait3A_130] : memref<2x128xi32, #tpu.memory_space<vmem>> -> memref<1x128xi32, #tpu.memory_space<vmem>>
      %dma_wait3A_132 = tpu.memref_squeeze %dma_wait3A_131 : memref<1x128xi32, #tpu.memory_space<vmem>> -> memref<128xi32, #tpu.memory_space<vmem>>
      %dma_wait3A_133 = tpu.memref_slice %arg2[%add3A_124] : memref<393216xi32, #tpu.memory_space<hbm>> -> memref<128xi32, #tpu.memory_space<hbm>>
      tpu.wait_dma2 semaphore(%arg8 : memref<!tpu.dma_semaphore, #tpu.memory_space<semaphore_mem>>) src(%dma_wait3A_133 : memref<128xi32, #tpu.memory_space<hbm>>) dst(%dma_wait3A_132 : memref<128xi32, #tpu.memory_space<vmem>>)
      %lt3A = arith.constant 23 : i32
      %lt3A_134 = arith.cmpi slt, %scan3A_49, %lt3A : i32
      %convert_element_type3A_135 = arith.extui %lt3A_134 : i1 to i32
      %cond3A_136 = arith.constant 0 : i32
      %cond3A_137 = arith.cmpi ne, %convert_element_type3A_135, %cond3A_136 : i32
      scf.if %cond3A_137 {
        %add3A_185 = arith.constant 2 : i32
        %add3A_186 = arith.addi %mul3A_51, %add3A_185 : i32
        %mul3A_187 = arith.constant 128 : i32
        %mul3A_188 = arith.muli %add3A_186, %mul3A_187 : i32
        %add3A_189 = arith.addi %add3A_4, %mul3A_188 : i32
        %dma_start3A_190 = arith.constant 0 : i32
        %dma_start3A_191 = arith.constant 0 : i32
        %dma_start3A_192 = tpu.memref_slice %arg5[%dma_start3A_190, %dma_start3A_191] : memref<2x128xi32, #tpu.memory_space<vmem>> -> memref<1x128xi32, #tpu.memory_space<vmem>>
        %dma_start3A_193 = tpu.memref_squeeze %dma_start3A_192 : memref<1x128xi32, #tpu.memory_space<vmem>> -> memref<128xi32, #tpu.memory_space<vmem>>
        %dma_start3A_194 = tpu.memref_slice %arg2[%add3A_189] : memref<393216xi32, #tpu.memory_space<hbm>> -> memref<128xi32, #tpu.memory_space<hbm>>
        %dma_start3A_195 = arith.constant 0 : i32
        %dma_start3A_196 = tpu.memref_slice %arg5[%dma_start3A_190, %dma_start3A_195] : memref<2x128xi32, #tpu.memory_space<vmem>> -> memref<1x128xi32, #tpu.memory_space<vmem>>
        %dma_start3A_197 = tpu.memref_squeeze %dma_start3A_196 : memref<1x128xi32, #tpu.memory_space<vmem>> -> memref<128xi32, #tpu.memory_space<vmem>>
        %dma_start3A_198 = tpu.memref_slice %arg2[%add3A_189] : memref<393216xi32, #tpu.memory_space<hbm>> -> memref<128xi32, #tpu.memory_space<hbm>>
        tpu.enqueue_dma source(%dma_start3A_198 : memref<128xi32, #tpu.memory_space<hbm>>) target(%dma_start3A_197 : memref<128xi32, #tpu.memory_space<vmem>>) target_semaphore(%arg7 : memref<!tpu.dma_semaphore, #tpu.memory_space<semaphore_mem>>)
      } else {
      }
      %gt3A_138 = arith.constant 0 : i32
      %gt3A_139 = arith.cmpi sgt, %scan3A_49, %gt3A_138 : i32
      %convert_element_type3A_140 = arith.extui %gt3A_139 : i1 to i32
      %cond3A_141 = arith.constant 0 : i32
      %cond3A_142 = arith.cmpi ne, %convert_element_type3A_140, %cond3A_141 : i32
      scf.if %cond3A_142 {
        %sub3A = arith.constant 1 : i32
        %sub3A_185 = arith.subi %mul3A_51, %sub3A : i32
        %mul3A_186 = arith.constant 128 : i32
        %mul3A_187 = arith.muli %sub3A_185, %mul3A_186 : i32
        %add3A_188 = arith.addi %mul3A_2, %mul3A_187 : i32
        %dma_wait3A_189 = arith.constant 1 : i32
        %dma_wait3A_190 = arith.constant 0 : i32
        %dma_wait3A_191 = arith.constant 0 : i32
        %dma_wait3A_192 = tpu.memref_slice %arg6[%dma_wait3A_189, %dma_wait3A_190, %dma_wait3A_191] : memref<2x128x128xf32, #tpu.memory_space<vmem>> -> memref<1x128x128xf32, #tpu.memory_space<vmem>>
        %dma_wait3A_193 = tpu.memref_squeeze %dma_wait3A_192 : memref<1x128x128xf32, #tpu.memory_space<vmem>> -> memref<128x128xf32, #tpu.memory_space<vmem>>
        %dma_wait3A_194 = arith.constant 0 : i32
        %dma_wait3A_195 = tpu.memref_slice %arg4[%add3A_188, %dma_wait3A_194] : memref<196608x128xf32, #tpu.memory_space<hbm>> -> memref<128x128xf32, #tpu.memory_space<hbm>>
        %dma_wait3A_196 = arith.constant 0 : i32
        %dma_wait3A_197 = tpu.memref_slice %arg4[%add3A_188, %dma_wait3A_196] : memref<196608x128xf32, #tpu.memory_space<hbm>> -> memref<128x128xf32, #tpu.memory_space<hbm>>
        %dma_wait3A_198 = arith.constant 0 : i32
        %dma_wait3A_199 = arith.constant 0 : i32
        %dma_wait3A_200 = tpu.memref_slice %arg6[%dma_wait3A_189, %dma_wait3A_198, %dma_wait3A_199] : memref<2x128x128xf32, #tpu.memory_space<vmem>> -> memref<1x128x128xf32, #tpu.memory_space<vmem>>
        %dma_wait3A_201 = tpu.memref_squeeze %dma_wait3A_200 : memref<1x128x128xf32, #tpu.memory_space<vmem>> -> memref<128x128xf32, #tpu.memory_space<vmem>>
        tpu.wait_dma2 semaphore(%arg12 : memref<!tpu.dma_semaphore, #tpu.memory_space<semaphore_mem>>) src(%dma_wait3A_201 : memref<128x128xf32, #tpu.memory_space<vmem>>) dst(%dma_wait3A_197 : memref<128x128xf32, #tpu.memory_space<hbm>>)
      } else {
      }
      %dma_start3A_143 = arith.constant 1 : i32
      %dma_start3A_144 = arith.constant 1 : i32
      %dma_start3A_145 = arith.constant 0 : i32
      %dma_start3A_146 = arith.constant 0 : i32
      %dma_start3A_147 = tpu.memref_slice %arg6[%dma_start3A_144, %dma_start3A_145, %dma_start3A_146] : memref<2x128x128xf32, #tpu.memory_space<vmem>> -> memref<1x128x128xf32, #tpu.memory_space<vmem>>
      %dma_start3A_148 = tpu.memref_squeeze %dma_start3A_147 : memref<1x128x128xf32, #tpu.memory_space<vmem>> -> memref<128x128xf32, #tpu.memory_space<vmem>>
      %dma_start3A_149 = arith.constant 0 : i32
      %dma_start3A_150 = tpu.memref_slice %arg5[%dma_start3A_143, %dma_start3A_149] : memref<2x128xi32, #tpu.memory_space<vmem>> -> memref<1x128xi32, #tpu.memory_space<vmem>>
      %dma_start3A_151 = tpu.memref_squeeze %dma_start3A_150 : memref<1x128xi32, #tpu.memory_space<vmem>> -> memref<128xi32, #tpu.memory_space<vmem>>
      %dma_start3A_152 = arith.constant 0 : i32
      %dma_start3A_153 = arith.constant 0 : i32
      %dma_start3A_154 = tpu.memref_slice %arg3[%dma_start3A_152, %dma_start3A_153] : memref<8192x128xf32, #tpu.memory_space<hbm>> -> memref<8192x128xf32, #tpu.memory_space<hbm>>
      tpu.enqueue_indirect_dma source(%dma_start3A_154 : memref<8192x128xf32, #tpu.memory_space<hbm>>) target(%dma_start3A_148 : memref<128x128xf32, #tpu.memory_space<vmem>>) offsets(%dma_start3A_151 : memref<128xi32, #tpu.memory_space<vmem>>) semaphore(%arg10 : memref<!tpu.dma_semaphore, #tpu.memory_space<semaphore_mem>>)
      %dma_wait3A_155 = arith.constant 1 : i32
      %dma_wait3A_156 = arith.constant 1 : i32
      %dma_wait3A_157 = arith.constant 0 : i32
      %dma_wait3A_158 = arith.constant 0 : i32
      %dma_wait3A_159 = tpu.memref_slice %arg6[%dma_wait3A_156, %dma_wait3A_157, %dma_wait3A_158] : memref<2x128x128xf32, #tpu.memory_space<vmem>> -> memref<1x128x128xf32, #tpu.memory_space<vmem>>
      %dma_wait3A_160 = tpu.memref_squeeze %dma_wait3A_159 : memref<1x128x128xf32, #tpu.memory_space<vmem>> -> memref<128x128xf32, #tpu.memory_space<vmem>>
      %dma_wait3A_161 = arith.constant 0 : i32
      %dma_wait3A_162 = tpu.memref_slice %arg5[%dma_wait3A_155, %dma_wait3A_161] : memref<2x128xi32, #tpu.memory_space<vmem>> -> memref<1x128xi32, #tpu.memory_space<vmem>>
      %dma_wait3A_163 = tpu.memref_squeeze %dma_wait3A_162 : memref<1x128xi32, #tpu.memory_space<vmem>> -> memref<128xi32, #tpu.memory_space<vmem>>
      %dma_wait3A_164 = arith.constant 0 : i32
      %dma_wait3A_165 = arith.constant 0 : i32
      %dma_wait3A_166 = tpu.memref_slice %arg3[%dma_wait3A_164, %dma_wait3A_165] : memref<8192x128xf32, #tpu.memory_space<hbm>> -> memref<8192x128xf32, #tpu.memory_space<hbm>>
      tpu.wait_indirect_dma semaphore(%arg10 : memref<!tpu.dma_semaphore, #tpu.memory_space<semaphore_mem>>) src(%dma_wait3A_166 : memref<8192x128xf32, #tpu.memory_space<hbm>>) dst(%dma_wait3A_160 : memref<128x128xf32, #tpu.memory_space<vmem>>)
      %add3A_167 = arith.constant 1 : i32
      %add3A_168 = arith.addi %mul3A_51, %add3A_167 : i32
      %mul3A_169 = arith.constant 128 : i32
      %mul3A_170 = arith.muli %add3A_168, %mul3A_169 : i32
      %add3A_171 = arith.addi %mul3A_2, %mul3A_170 : i32
      %dma_start3A_172 = arith.constant 1 : i32
      %dma_start3A_173 = arith.constant 0 : i32
      %dma_start3A_174 = arith.constant 0 : i32
      %dma_start3A_175 = tpu.memref_slice %arg6[%dma_start3A_172, %dma_start3A_173, %dma_start3A_174] : memref<2x128x128xf32, #tpu.memory_space<vmem>> -> memref<1x128x128xf32, #tpu.memory_space<vmem>>
      %dma_start3A_176 = tpu.memref_squeeze %dma_start3A_175 : memref<1x128x128xf32, #tpu.memory_space<vmem>> -> memref<128x128xf32, #tpu.memory_space<vmem>>
      %dma_start3A_177 = arith.constant 0 : i32
      %dma_start3A_178 = tpu.memref_slice %arg4[%add3A_171, %dma_start3A_177] : memref<196608x128xf32, #tpu.memory_space<hbm>> -> memref<128x128xf32, #tpu.memory_space<hbm>>
      %dma_start3A_179 = arith.constant 0 : i32
      %dma_start3A_180 = tpu.memref_slice %arg4[%add3A_171, %dma_start3A_179] : memref<196608x128xf32, #tpu.memory_space<hbm>> -> memref<128x128xf32, #tpu.memory_space<hbm>>
      %dma_start3A_181 = arith.constant 0 : i32
      %dma_start3A_182 = arith.constant 0 : i32
      %dma_start3A_183 = tpu.memref_slice %arg6[%dma_start3A_172, %dma_start3A_181, %dma_start3A_182] : memref<2x128x128xf32, #tpu.memory_space<vmem>> -> memref<1x128x128xf32, #tpu.memory_space<vmem>>
      %dma_start3A_184 = tpu.memref_squeeze %dma_start3A_183 : memref<1x128x128xf32, #tpu.memory_space<vmem>> -> memref<128x128xf32, #tpu.memory_space<vmem>>
      tpu.enqueue_dma source(%dma_start3A_184 : memref<128x128xf32, #tpu.memory_space<vmem>>) target(%dma_start3A_180 : memref<128x128xf32, #tpu.memory_space<hbm>>) target_semaphore(%arg12 : memref<!tpu.dma_semaphore, #tpu.memory_space<semaphore_mem>>)
    }
    %scan3A_19 = arith.constant 24 : i32
    %add3A_20 = arith.constant 5888 : i32
    %add3A_21 = arith.addi %mul3A_2, %add3A_20 : i32
    %dma_wait3A = arith.constant 0 : i32
    %dma_wait3A_22 = arith.constant 0 : i32
    %dma_wait3A_23 = arith.constant 0 : i32
    %dma_wait3A_24 = tpu.memref_slice %arg6[%dma_wait3A, %dma_wait3A_22, %dma_wait3A_23] : memref<2x128x128xf32, #tpu.memory_space<vmem>> -> memref<1x128x128xf32, #tpu.memory_space<vmem>>
    %dma_wait3A_25 = tpu.memref_squeeze %dma_wait3A_24 : memref<1x128x128xf32, #tpu.memory_space<vmem>> -> memref<128x128xf32, #tpu.memory_space<vmem>>
    %dma_wait3A_26 = arith.constant 0 : i32
    %dma_wait3A_27 = tpu.memref_slice %arg4[%add3A_21, %dma_wait3A_26] : memref<196608x128xf32, #tpu.memory_space<hbm>> -> memref<128x128xf32, #tpu.memory_space<hbm>>
    %dma_wait3A_28 = arith.constant 0 : i32
    %dma_wait3A_29 = tpu.memref_slice %arg4[%add3A_21, %dma_wait3A_28] : memref<196608x128xf32, #tpu.memory_space<hbm>> -> memref<128x128xf32, #tpu.memory_space<hbm>>
    %dma_wait3A_30 = arith.constant 0 : i32
    %dma_wait3A_31 = arith.constant 0 : i32
    %dma_wait3A_32 = tpu.memref_slice %arg6[%dma_wait3A, %dma_wait3A_30, %dma_wait3A_31] : memref<2x128x128xf32, #tpu.memory_space<vmem>> -> memref<1x128x128xf32, #tpu.memory_space<vmem>>
    %dma_wait3A_33 = tpu.memref_squeeze %dma_wait3A_32 : memref<1x128x128xf32, #tpu.memory_space<vmem>> -> memref<128x128xf32, #tpu.memory_space<vmem>>
    tpu.wait_dma2 semaphore(%arg11 : memref<!tpu.dma_semaphore, #tpu.memory_space<semaphore_mem>>) src(%dma_wait3A_33 : memref<128x128xf32, #tpu.memory_space<vmem>>) dst(%dma_wait3A_29 : memref<128x128xf32, #tpu.memory_space<hbm>>)
    %add3A_34 = arith.constant 6016 : i32
    %add3A_35 = arith.addi %mul3A_2, %add3A_34 : i32
    %dma_wait3A_36 = arith.constant 1 : i32
    %dma_wait3A_37 = arith.constant 0 : i32
    %dma_wait3A_38 = arith.constant 0 : i32
    %dma_wait3A_39 = tpu.memref_slice %arg6[%dma_wait3A_36, %dma_wait3A_37, %dma_wait3A_38] : memref<2x128x128xf32, #tpu.memory_space<vmem>> -> memref<1x128x128xf32, #tpu.memory_space<vmem>>
    %dma_wait3A_40 = tpu.memref_squeeze %dma_wait3A_39 : memref<1x128x128xf32, #tpu.memory_space<vmem>> -> memref<128x128xf32, #tpu.memory_space<vmem>>
    %dma_wait3A_41 = arith.constant 0 : i32
    %dma_wait3A_42 = tpu.memref_slice %arg4[%add3A_35, %dma_wait3A_41] : memref<196608x128xf32, #tpu.memory_space<hbm>> -> memref<128x128xf32, #tpu.memory_space<hbm>>
    %dma_wait3A_43 = arith.constant 0 : i32
    %dma_wait3A_44 = tpu.memref_slice %arg4[%add3A_35, %dma_wait3A_43] : memref<196608x128xf32, #tpu.memory_space<hbm>> -> memref<128x128xf32, #tpu.memory_space<hbm>>
    %dma_wait3A_45 = arith.constant 0 : i32
    %dma_wait3A_46 = arith.constant 0 : i32
    %dma_wait3A_47 = tpu.memref_slice %arg6[%dma_wait3A_36, %dma_wait3A_45, %dma_wait3A_46] : memref<2x128x128xf32, #tpu.memory_space<vmem>> -> memref<1x128x128xf32, #tpu.memory_space<vmem>>
    %dma_wait3A_48 = tpu.memref_squeeze %dma_wait3A_47 : memref<1x128x128xf32, #tpu.memory_space<vmem>> -> memref<128x128xf32, #tpu.memory_space<vmem>>
    tpu.wait_dma2 semaphore(%arg12 : memref<!tpu.dma_semaphore, #tpu.memory_space<semaphore_mem>>) src(%dma_wait3A_48 : memref<128x128xf32, #tpu.memory_space<vmem>>) dst(%dma_wait3A_44 : memref<128x128xf32, #tpu.memory_space<hbm>>)
    return
  }
}

module attributes {stable_mosaic.version = 14 : i64} {
  func.func @_knn_body(%arg0: i32, %arg1: memref<256x3xf32, #tpu.memory_space<vmem>>, %arg2: memref<1x3x1024xf32, #tpu.memory_space<vmem>>, %arg3: memref<256x1xi32, #tpu.memory_space<vmem>>, %arg4: memref<32x128xf32, #tpu.memory_space<vmem>>, %arg5: memref<1x256x128xf32, #tpu.memory_space<vmem>>, %arg6: memref<256x48xi32, #tpu.memory_space<vmem>>, %arg7: memref<256x48x16xf32, #tpu.memory_space<vmem>>, %arg8: memref<256x128xf32, #tpu.memory_space<vmem>>, %arg9: memref<256x128xf32, #tpu.memory_space<vmem>>, %arg10: memref<256x128xf32, #tpu.memory_space<vmem>>) attributes {dimension_semantics = [#tpu.dimension_semantics<arbitrary>], iteration_bounds = array<i64: 32>, scalar_prefetch = 0 : i64, scratch_operands = 0 : i64, tpu.core_type = #tpu.core_type<tc>, window_params = [{transform_indices = @transform_0, window_bounds = array<i64: 256, 3>}, {transform_indices = @transform_1, window_bounds = array<i64: 1, 3, 1024>}, {transform_indices = @transform_2, window_bounds = array<i64: 256, 1>}, {pipeline_mode = #tpu.pipeline_mode<synchronous>, transform_indices = @transform_3, window_bounds = array<i64: 32, 128>}, {transform_indices = @transform_4, window_bounds = array<i64: 1, 256, 128>}, {transform_indices = @transform_5, window_bounds = array<i64: 256, 48>}, {transform_indices = @transform_6, window_bounds = array<i64: 256, 48, 16>}, {transform_indices = @transform_7, window_bounds = array<i64: 256, 128>}, {transform_indices = @transform_8, window_bounds = array<i64: 256, 128>}, {transform_indices = @transform_9, window_bounds = array<i64: 256, 128>}]} {
    %jit3A = arith.constant 4 : i32
    %div3A = arith.divsi %arg0, %jit3A : i32
    %sign3A = arith.constant 0 : i32
    %sign3A_0 = arith.cmpi sgt, %arg0, %sign3A : i32
    %sign3A_1 = arith.extui %sign3A_0 : i1 to i32
    %sign3A_2 = arith.constant 0 : i32
    %sign3A_3 = arith.cmpi slt, %arg0, %sign3A_2 : i32
    %sign3A_4 = arith.extui %sign3A_3 : i1 to i32
    %sign3A_5 = arith.subi %sign3A_1, %sign3A_4 : i32
    %sign3A_6 = arith.constant 0 : i32
    %sign3A_7 = arith.cmpi sgt, %jit3A, %sign3A_6 : i32
    %sign3A_8 = arith.extui %sign3A_7 : i1 to i32
    %sign3A_9 = arith.constant 0 : i32
    %sign3A_10 = arith.cmpi slt, %jit3A, %sign3A_9 : i32
    %sign3A_11 = arith.extui %sign3A_10 : i1 to i32
    %sign3A_12 = arith.subi %sign3A_8, %sign3A_11 : i32
    %ne3A = arith.cmpi ne, %sign3A_5, %sign3A_12 : i32
    %rem3A = arith.remsi %arg0, %jit3A : i32
    %ne3A_13 = arith.constant 0 : i32
    %ne3A_14 = arith.cmpi ne, %rem3A, %ne3A_13 : i32
    %and3A = arith.andi %ne3A, %ne3A_14 : i1
    %sub3A = arith.constant 1 : i32
    %sub3A_15 = arith.subi %div3A, %sub3A : i32
    %select_n3A = arith.select %and3A, %sub3A_15, %div3A : i32
    %mul3A = arith.constant 1024 : i32
    %mul3A_16 = arith.muli %select_n3A, %mul3A : i32
    %broadcast_in_dim3A = arith.constant 0.000000e+00 : f32
    %broadcast_in_dim3A_17 = vector.broadcast %broadcast_in_dim3A : f32 to vector<256x1024xf32>
    %get3A = arith.constant 0 : index
    %get3A_18 = arith.constant 0 : index
    %get3A_19 = vector.load %arg1[%get3A, %get3A_18] : memref<256x3xf32, #tpu.memory_space<vmem>>, vector<256x1xf32>
    %get3A_20 = arith.constant 0 : index
    %get3A_21 = arith.constant 0 : index
    %get3A_22 = arith.constant 0 : index
    %get3A_23 = vector.load %arg2[%get3A_20, %get3A_21, %get3A_22] : memref<1x3x1024xf32, #tpu.memory_space<vmem>>, vector<1x1x1024xf32>
    %get3A_24 = vector.shape_cast %get3A_23 : vector<1x1x1024xf32> to vector<1x1024xf32>
    %sub3A_25 = vector.broadcast %get3A_19 : vector<256x1xf32> to vector<256x1024xf32>
    %sub3A_26 = vector.broadcast %get3A_24 : vector<1x1024xf32> to vector<256x1024xf32>
    %sub3A_27 = arith.subf %sub3A_25, %sub3A_26 : vector<256x1024xf32>
    %mul3A_28 = arith.mulf %sub3A_27, %sub3A_27 : vector<256x1024xf32>
    %add3A = arith.addf %broadcast_in_dim3A_17, %mul3A_28 : vector<256x1024xf32>
    %get3A_29 = arith.constant 0 : index
    %get3A_30 = arith.constant 1 : index
    %get3A_31 = vector.load %arg1[%get3A_29, %get3A_30] : memref<256x3xf32, #tpu.memory_space<vmem>>, vector<256x1xf32>
    %get3A_32 = arith.constant 0 : index
    %get3A_33 = arith.constant 1 : index
    %get3A_34 = arith.constant 0 : index
    %get3A_35 = vector.load %arg2[%get3A_32, %get3A_33, %get3A_34] : memref<1x3x1024xf32, #tpu.memory_space<vmem>>, vector<1x1x1024xf32>
    %get3A_36 = vector.shape_cast %get3A_35 : vector<1x1x1024xf32> to vector<1x1024xf32>
    %sub3A_37 = vector.broadcast %get3A_31 : vector<256x1xf32> to vector<256x1024xf32>
    %sub3A_38 = vector.broadcast %get3A_36 : vector<1x1024xf32> to vector<256x1024xf32>
    %sub3A_39 = arith.subf %sub3A_37, %sub3A_38 : vector<256x1024xf32>
    %mul3A_40 = arith.mulf %sub3A_39, %sub3A_39 : vector<256x1024xf32>
    %add3A_41 = arith.addf %add3A, %mul3A_40 : vector<256x1024xf32>
    %get3A_42 = arith.constant 0 : index
    %get3A_43 = arith.constant 2 : index
    %get3A_44 = vector.load %arg1[%get3A_42, %get3A_43] : memref<256x3xf32, #tpu.memory_space<vmem>>, vector<256x1xf32>
    %get3A_45 = arith.constant 0 : index
    %get3A_46 = arith.constant 2 : index
    %get3A_47 = arith.constant 0 : index
    %get3A_48 = vector.load %arg2[%get3A_45, %get3A_46, %get3A_47] : memref<1x3x1024xf32, #tpu.memory_space<vmem>>, vector<1x1x1024xf32>
    %get3A_49 = vector.shape_cast %get3A_48 : vector<1x1x1024xf32> to vector<1x1024xf32>
    %sub3A_50 = vector.broadcast %get3A_44 : vector<256x1xf32> to vector<256x1024xf32>
    %sub3A_51 = vector.broadcast %get3A_49 : vector<1x1024xf32> to vector<256x1024xf32>
    %sub3A_52 = arith.subf %sub3A_50, %sub3A_51 : vector<256x1024xf32>
    %mul3A_53 = arith.mulf %sub3A_52, %sub3A_52 : vector<256x1024xf32>
    %add3A_54 = arith.addf %add3A_41, %mul3A_53 : vector<256x1024xf32>
    %iota3A = tpu.iota {dimensions = array<i32: 1>} : vector<256x1024xi32>
    %bitcast_convert_type3A = tpu.bitcast %add3A_54 : vector<256x1024xf32> -> vector<256x1024xi32>
    %and3A_55 = arith.constant -1024 : i32
    %and3A_56 = vector.broadcast %and3A_55 : i32 to vector<256x1024xi32>
    %and3A_57 = arith.andi %bitcast_convert_type3A, %and3A_56 : vector<256x1024xi32>
    %or3A = arith.ori %and3A_57, %iota3A : vector<256x1024xi32>
    %reduce_min3A = arith.constant dense<2147483647> : vector<256xi32>
    %reduce_min3A_58 = vector.multi_reduction <minsi>, %or3A, %reduce_min3A [1] : vector<256x1024xi32> to vector<256xi32>
    %broadcast_in_dim3A_59 = vector.shape_cast %reduce_min3A_58 : vector<256xi32> to vector<256x1xi32>
    %and3A_60 = arith.constant 1023 : i32
    %and3A_61 = vector.broadcast %and3A_60 : i32 to vector<256x1xi32>
    %and3A_62 = arith.andi %broadcast_in_dim3A_59, %and3A_61 : vector<256x1xi32>
    %and3A_63 = arith.constant -1024 : i32
    %and3A_64 = vector.broadcast %and3A_63 : i32 to vector<256x1xi32>
    %and3A_65 = arith.andi %broadcast_in_dim3A_59, %and3A_64 : vector<256x1xi32>
    %bitcast_convert_type3A_66 = tpu.bitcast %and3A_65 : vector<256x1xi32> -> vector<256x1xf32>
    %eq3A = vector.broadcast %broadcast_in_dim3A_59 : vector<256x1xi32> to vector<256x1024xi32>
    %eq3A_67 = arith.cmpi eq, %or3A, %eq3A : vector<256x1024xi32>
    %jit3A_68 = arith.constant 2147483647 : i32
    %broadcast_in_dim3A_69 = vector.broadcast %jit3A_68 : i32 to vector<256x1024xi32>
    %select_n3A_70 = arith.select %eq3A_67, %broadcast_in_dim3A_69, %or3A : vector<256x1024xi1>, vector<256x1024xi32>
    %reduce_min3A_71 = arith.constant dense<2147483647> : vector<256xi32>
    %reduce_min3A_72 = vector.multi_reduction <minsi>, %select_n3A_70, %reduce_min3A_71 [1] : vector<256x1024xi32> to vector<256xi32>
    %broadcast_in_dim3A_73 = vector.shape_cast %reduce_min3A_72 : vector<256xi32> to vector<256x1xi32>
    %and3A_74 = arith.constant 1023 : i32
    %and3A_75 = vector.broadcast %and3A_74 : i32 to vector<256x1xi32>
    %and3A_76 = arith.andi %broadcast_in_dim3A_73, %and3A_75 : vector<256x1xi32>
    %and3A_77 = arith.constant -1024 : i32
    %and3A_78 = vector.broadcast %and3A_77 : i32 to vector<256x1xi32>
    %and3A_79 = arith.andi %broadcast_in_dim3A_73, %and3A_78 : vector<256x1xi32>
    %bitcast_convert_type3A_80 = tpu.bitcast %and3A_79 : vector<256x1xi32> -> vector<256x1xf32>
    %eq3A_81 = vector.broadcast %broadcast_in_dim3A_73 : vector<256x1xi32> to vector<256x1024xi32>
    %eq3A_82 = arith.cmpi eq, %select_n3A_70, %eq3A_81 : vector<256x1024xi32>
    %jit3A_83 = arith.constant 2147483647 : i32
    %broadcast_in_dim3A_84 = vector.broadcast %jit3A_83 : i32 to vector<256x1024xi32>
    %select_n3A_85 = arith.select %eq3A_82, %broadcast_in_dim3A_84, %select_n3A_70 : vector<256x1024xi1>, vector<256x1024xi32>
    %reduce_min3A_86 = arith.constant dense<2147483647> : vector<256xi32>
    %reduce_min3A_87 = vector.multi_reduction <minsi>, %select_n3A_85, %reduce_min3A_86 [1] : vector<256x1024xi32> to vector<256xi32>
    %broadcast_in_dim3A_88 = vector.shape_cast %reduce_min3A_87 : vector<256xi32> to vector<256x1xi32>
    %and3A_89 = arith.constant 1023 : i32
    %and3A_90 = vector.broadcast %and3A_89 : i32 to vector<256x1xi32>
    %and3A_91 = arith.andi %broadcast_in_dim3A_88, %and3A_90 : vector<256x1xi32>
    %and3A_92 = arith.constant -1024 : i32
    %and3A_93 = vector.broadcast %and3A_92 : i32 to vector<256x1xi32>
    %and3A_94 = arith.andi %broadcast_in_dim3A_88, %and3A_93 : vector<256x1xi32>
    %bitcast_convert_type3A_95 = tpu.bitcast %and3A_94 : vector<256x1xi32> -> vector<256x1xf32>
    %eq3A_96 = vector.broadcast %broadcast_in_dim3A_88 : vector<256x1xi32> to vector<256x1024xi32>
    %eq3A_97 = arith.cmpi eq, %select_n3A_85, %eq3A_96 : vector<256x1024xi32>
    %jit3A_98 = arith.constant 2147483647 : i32
    %broadcast_in_dim3A_99 = vector.broadcast %jit3A_98 : i32 to vector<256x1024xi32>
    %select_n3A_100 = arith.select %eq3A_97, %broadcast_in_dim3A_99, %select_n3A_85 : vector<256x1024xi1>, vector<256x1024xi32>
    %reduce_min3A_101 = arith.constant dense<2147483647> : vector<256xi32>
    %reduce_min3A_102 = vector.multi_reduction <minsi>, %select_n3A_100, %reduce_min3A_101 [1] : vector<256x1024xi32> to vector<256xi32>
    %broadcast_in_dim3A_103 = vector.shape_cast %reduce_min3A_102 : vector<256xi32> to vector<256x1xi32>
    %and3A_104 = arith.constant 1023 : i32
    %and3A_105 = vector.broadcast %and3A_104 : i32 to vector<256x1xi32>
    %and3A_106 = arith.andi %broadcast_in_dim3A_103, %and3A_105 : vector<256x1xi32>
    %and3A_107 = arith.constant -1024 : i32
    %and3A_108 = vector.broadcast %and3A_107 : i32 to vector<256x1xi32>
    %and3A_109 = arith.andi %broadcast_in_dim3A_103, %and3A_108 : vector<256x1xi32>
    %bitcast_convert_type3A_110 = tpu.bitcast %and3A_109 : vector<256x1xi32> -> vector<256x1xf32>
    %eq3A_111 = vector.broadcast %broadcast_in_dim3A_103 : vector<256x1xi32> to vector<256x1024xi32>
    %eq3A_112 = arith.cmpi eq, %select_n3A_100, %eq3A_111 : vector<256x1024xi32>
    %jit3A_113 = arith.constant 2147483647 : i32
    %broadcast_in_dim3A_114 = vector.broadcast %jit3A_113 : i32 to vector<256x1024xi32>
    %select_n3A_115 = arith.select %eq3A_112, %broadcast_in_dim3A_114, %select_n3A_100 : vector<256x1024xi1>, vector<256x1024xi32>
    %reduce_min3A_116 = arith.constant dense<2147483647> : vector<256xi32>
    %reduce_min3A_117 = vector.multi_reduction <minsi>, %select_n3A_115, %reduce_min3A_116 [1] : vector<256x1024xi32> to vector<256xi32>
    %broadcast_in_dim3A_118 = vector.shape_cast %reduce_min3A_117 : vector<256xi32> to vector<256x1xi32>
    %and3A_119 = arith.constant 1023 : i32
    %and3A_120 = vector.broadcast %and3A_119 : i32 to vector<256x1xi32>
    %and3A_121 = arith.andi %broadcast_in_dim3A_118, %and3A_120 : vector<256x1xi32>
    %and3A_122 = arith.constant -1024 : i32
    %and3A_123 = vector.broadcast %and3A_122 : i32 to vector<256x1xi32>
    %and3A_124 = arith.andi %broadcast_in_dim3A_118, %and3A_123 : vector<256x1xi32>
    %bitcast_convert_type3A_125 = tpu.bitcast %and3A_124 : vector<256x1xi32> -> vector<256x1xf32>
    %eq3A_126 = vector.broadcast %broadcast_in_dim3A_118 : vector<256x1xi32> to vector<256x1024xi32>
    %eq3A_127 = arith.cmpi eq, %select_n3A_115, %eq3A_126 : vector<256x1024xi32>
    %jit3A_128 = arith.constant 2147483647 : i32
    %broadcast_in_dim3A_129 = vector.broadcast %jit3A_128 : i32 to vector<256x1024xi32>
    %select_n3A_130 = arith.select %eq3A_127, %broadcast_in_dim3A_129, %select_n3A_115 : vector<256x1024xi1>, vector<256x1024xi32>
    %reduce_min3A_131 = arith.constant dense<2147483647> : vector<256xi32>
    %reduce_min3A_132 = vector.multi_reduction <minsi>, %select_n3A_130, %reduce_min3A_131 [1] : vector<256x1024xi32> to vector<256xi32>
    %broadcast_in_dim3A_133 = vector.shape_cast %reduce_min3A_132 : vector<256xi32> to vector<256x1xi32>
    %and3A_134 = arith.constant 1023 : i32
    %and3A_135 = vector.broadcast %and3A_134 : i32 to vector<256x1xi32>
    %and3A_136 = arith.andi %broadcast_in_dim3A_133, %and3A_135 : vector<256x1xi32>
    %and3A_137 = arith.constant -1024 : i32
    %and3A_138 = vector.broadcast %and3A_137 : i32 to vector<256x1xi32>
    %and3A_139 = arith.andi %broadcast_in_dim3A_133, %and3A_138 : vector<256x1xi32>
    %bitcast_convert_type3A_140 = tpu.bitcast %and3A_139 : vector<256x1xi32> -> vector<256x1xf32>
    %eq3A_141 = vector.broadcast %broadcast_in_dim3A_133 : vector<256x1xi32> to vector<256x1024xi32>
    %eq3A_142 = arith.cmpi eq, %select_n3A_130, %eq3A_141 : vector<256x1024xi32>
    %jit3A_143 = arith.constant 2147483647 : i32
    %broadcast_in_dim3A_144 = vector.broadcast %jit3A_143 : i32 to vector<256x1024xi32>
    %select_n3A_145 = arith.select %eq3A_142, %broadcast_in_dim3A_144, %select_n3A_130 : vector<256x1024xi1>, vector<256x1024xi32>
    %reduce_min3A_146 = arith.constant dense<2147483647> : vector<256xi32>
    %reduce_min3A_147 = vector.multi_reduction <minsi>, %select_n3A_145, %reduce_min3A_146 [1] : vector<256x1024xi32> to vector<256xi32>
    %broadcast_in_dim3A_148 = vector.shape_cast %reduce_min3A_147 : vector<256xi32> to vector<256x1xi32>
    %and3A_149 = arith.constant 1023 : i32
    %and3A_150 = vector.broadcast %and3A_149 : i32 to vector<256x1xi32>
    %and3A_151 = arith.andi %broadcast_in_dim3A_148, %and3A_150 : vector<256x1xi32>
    %and3A_152 = arith.constant -1024 : i32
    %and3A_153 = vector.broadcast %and3A_152 : i32 to vector<256x1xi32>
    %and3A_154 = arith.andi %broadcast_in_dim3A_148, %and3A_153 : vector<256x1xi32>
    %bitcast_convert_type3A_155 = tpu.bitcast %and3A_154 : vector<256x1xi32> -> vector<256x1xf32>
    %eq3A_156 = vector.broadcast %broadcast_in_dim3A_148 : vector<256x1xi32> to vector<256x1024xi32>
    %eq3A_157 = arith.cmpi eq, %select_n3A_145, %eq3A_156 : vector<256x1024xi32>
    %jit3A_158 = arith.constant 2147483647 : i32
    %broadcast_in_dim3A_159 = vector.broadcast %jit3A_158 : i32 to vector<256x1024xi32>
    %select_n3A_160 = arith.select %eq3A_157, %broadcast_in_dim3A_159, %select_n3A_145 : vector<256x1024xi1>, vector<256x1024xi32>
    %reduce_min3A_161 = arith.constant dense<2147483647> : vector<256xi32>
    %reduce_min3A_162 = vector.multi_reduction <minsi>, %select_n3A_160, %reduce_min3A_161 [1] : vector<256x1024xi32> to vector<256xi32>
    %broadcast_in_dim3A_163 = vector.shape_cast %reduce_min3A_162 : vector<256xi32> to vector<256x1xi32>
    %and3A_164 = arith.constant 1023 : i32
    %and3A_165 = vector.broadcast %and3A_164 : i32 to vector<256x1xi32>
    %and3A_166 = arith.andi %broadcast_in_dim3A_163, %and3A_165 : vector<256x1xi32>
    %and3A_167 = arith.constant -1024 : i32
    %and3A_168 = vector.broadcast %and3A_167 : i32 to vector<256x1xi32>
    %and3A_169 = arith.andi %broadcast_in_dim3A_163, %and3A_168 : vector<256x1xi32>
    %bitcast_convert_type3A_170 = tpu.bitcast %and3A_169 : vector<256x1xi32> -> vector<256x1xf32>
    %eq3A_171 = vector.broadcast %broadcast_in_dim3A_163 : vector<256x1xi32> to vector<256x1024xi32>
    %eq3A_172 = arith.cmpi eq, %select_n3A_160, %eq3A_171 : vector<256x1024xi32>
    %jit3A_173 = arith.constant 2147483647 : i32
    %broadcast_in_dim3A_174 = vector.broadcast %jit3A_173 : i32 to vector<256x1024xi32>
    %select_n3A_175 = arith.select %eq3A_172, %broadcast_in_dim3A_174, %select_n3A_160 : vector<256x1024xi1>, vector<256x1024xi32>
    %reduce_min3A_176 = arith.constant dense<2147483647> : vector<256xi32>
    %reduce_min3A_177 = vector.multi_reduction <minsi>, %select_n3A_175, %reduce_min3A_176 [1] : vector<256x1024xi32> to vector<256xi32>
    %broadcast_in_dim3A_178 = vector.shape_cast %reduce_min3A_177 : vector<256xi32> to vector<256x1xi32>
    %and3A_179 = arith.constant 1023 : i32
    %and3A_180 = vector.broadcast %and3A_179 : i32 to vector<256x1xi32>
    %and3A_181 = arith.andi %broadcast_in_dim3A_178, %and3A_180 : vector<256x1xi32>
    %and3A_182 = arith.constant -1024 : i32
    %and3A_183 = vector.broadcast %and3A_182 : i32 to vector<256x1xi32>
    %and3A_184 = arith.andi %broadcast_in_dim3A_178, %and3A_183 : vector<256x1xi32>
    %bitcast_convert_type3A_185 = tpu.bitcast %and3A_184 : vector<256x1xi32> -> vector<256x1xf32>
    %eq3A_186 = vector.broadcast %broadcast_in_dim3A_178 : vector<256x1xi32> to vector<256x1024xi32>
    %eq3A_187 = arith.cmpi eq, %select_n3A_175, %eq3A_186 : vector<256x1024xi32>
    %jit3A_188 = arith.constant 2147483647 : i32
    %broadcast_in_dim3A_189 = vector.broadcast %jit3A_188 : i32 to vector<256x1024xi32>
    %select_n3A_190 = arith.select %eq3A_187, %broadcast_in_dim3A_189, %select_n3A_175 : vector<256x1024xi1>, vector<256x1024xi32>
    %reduce_min3A_191 = arith.constant dense<2147483647> : vector<256xi32>
    %reduce_min3A_192 = vector.multi_reduction <minsi>, %select_n3A_190, %reduce_min3A_191 [1] : vector<256x1024xi32> to vector<256xi32>
    %broadcast_in_dim3A_193 = vector.shape_cast %reduce_min3A_192 : vector<256xi32> to vector<256x1xi32>
    %and3A_194 = arith.constant 1023 : i32
    %and3A_195 = vector.broadcast %and3A_194 : i32 to vector<256x1xi32>
    %and3A_196 = arith.andi %broadcast_in_dim3A_193, %and3A_195 : vector<256x1xi32>
    %and3A_197 = arith.constant -1024 : i32
    %and3A_198 = vector.broadcast %and3A_197 : i32 to vector<256x1xi32>
    %and3A_199 = arith.andi %broadcast_in_dim3A_193, %and3A_198 : vector<256x1xi32>
    %bitcast_convert_type3A_200 = tpu.bitcast %and3A_199 : vector<256x1xi32> -> vector<256x1xf32>
    %eq3A_201 = vector.broadcast %broadcast_in_dim3A_193 : vector<256x1xi32> to vector<256x1024xi32>
    %eq3A_202 = arith.cmpi eq, %select_n3A_190, %eq3A_201 : vector<256x1024xi32>
    %jit3A_203 = arith.constant 2147483647 : i32
    %broadcast_in_dim3A_204 = vector.broadcast %jit3A_203 : i32 to vector<256x1024xi32>
    %select_n3A_205 = arith.select %eq3A_202, %broadcast_in_dim3A_204, %select_n3A_190 : vector<256x1024xi1>, vector<256x1024xi32>
    %reduce_min3A_206 = arith.constant dense<2147483647> : vector<256xi32>
    %reduce_min3A_207 = vector.multi_reduction <minsi>, %select_n3A_205, %reduce_min3A_206 [1] : vector<256x1024xi32> to vector<256xi32>
    %broadcast_in_dim3A_208 = vector.shape_cast %reduce_min3A_207 : vector<256xi32> to vector<256x1xi32>
    %and3A_209 = arith.constant 1023 : i32
    %and3A_210 = vector.broadcast %and3A_209 : i32 to vector<256x1xi32>
    %and3A_211 = arith.andi %broadcast_in_dim3A_208, %and3A_210 : vector<256x1xi32>
    %and3A_212 = arith.constant -1024 : i32
    %and3A_213 = vector.broadcast %and3A_212 : i32 to vector<256x1xi32>
    %and3A_214 = arith.andi %broadcast_in_dim3A_208, %and3A_213 : vector<256x1xi32>
    %bitcast_convert_type3A_215 = tpu.bitcast %and3A_214 : vector<256x1xi32> -> vector<256x1xf32>
    %eq3A_216 = vector.broadcast %broadcast_in_dim3A_208 : vector<256x1xi32> to vector<256x1024xi32>
    %eq3A_217 = arith.cmpi eq, %select_n3A_205, %eq3A_216 : vector<256x1024xi32>
    %jit3A_218 = arith.constant 2147483647 : i32
    %broadcast_in_dim3A_219 = vector.broadcast %jit3A_218 : i32 to vector<256x1024xi32>
    %select_n3A_220 = arith.select %eq3A_217, %broadcast_in_dim3A_219, %select_n3A_205 : vector<256x1024xi1>, vector<256x1024xi32>
    %reduce_min3A_221 = arith.constant dense<2147483647> : vector<256xi32>
    %reduce_min3A_222 = vector.multi_reduction <minsi>, %select_n3A_220, %reduce_min3A_221 [1] : vector<256x1024xi32> to vector<256xi32>
    %broadcast_in_dim3A_223 = vector.shape_cast %reduce_min3A_222 : vector<256xi32> to vector<256x1xi32>
    %and3A_224 = arith.constant 1023 : i32
    %and3A_225 = vector.broadcast %and3A_224 : i32 to vector<256x1xi32>
    %and3A_226 = arith.andi %broadcast_in_dim3A_223, %and3A_225 : vector<256x1xi32>
    %and3A_227 = arith.constant -1024 : i32
    %and3A_228 = vector.broadcast %and3A_227 : i32 to vector<256x1xi32>
    %and3A_229 = arith.andi %broadcast_in_dim3A_223, %and3A_228 : vector<256x1xi32>
    %bitcast_convert_type3A_230 = tpu.bitcast %and3A_229 : vector<256x1xi32> -> vector<256x1xf32>
    %eq3A_231 = vector.broadcast %broadcast_in_dim3A_223 : vector<256x1xi32> to vector<256x1024xi32>
    %eq3A_232 = arith.cmpi eq, %select_n3A_220, %eq3A_231 : vector<256x1024xi32>
    %jit3A_233 = arith.constant 2147483647 : i32
    %broadcast_in_dim3A_234 = vector.broadcast %jit3A_233 : i32 to vector<256x1024xi32>
    %select_n3A_235 = arith.select %eq3A_232, %broadcast_in_dim3A_234, %select_n3A_220 : vector<256x1024xi1>, vector<256x1024xi32>
    %reduce_min3A_236 = arith.constant dense<2147483647> : vector<256xi32>
    %reduce_min3A_237 = vector.multi_reduction <minsi>, %select_n3A_235, %reduce_min3A_236 [1] : vector<256x1024xi32> to vector<256xi32>
    %broadcast_in_dim3A_238 = vector.shape_cast %reduce_min3A_237 : vector<256xi32> to vector<256x1xi32>
    %and3A_239 = arith.constant 1023 : i32
    %and3A_240 = vector.broadcast %and3A_239 : i32 to vector<256x1xi32>
    %and3A_241 = arith.andi %broadcast_in_dim3A_238, %and3A_240 : vector<256x1xi32>
    %and3A_242 = arith.constant -1024 : i32
    %and3A_243 = vector.broadcast %and3A_242 : i32 to vector<256x1xi32>
    %and3A_244 = arith.andi %broadcast_in_dim3A_238, %and3A_243 : vector<256x1xi32>
    %bitcast_convert_type3A_245 = tpu.bitcast %and3A_244 : vector<256x1xi32> -> vector<256x1xf32>
    %eq3A_246 = vector.broadcast %broadcast_in_dim3A_238 : vector<256x1xi32> to vector<256x1024xi32>
    %eq3A_247 = arith.cmpi eq, %select_n3A_235, %eq3A_246 : vector<256x1024xi32>
    %jit3A_248 = arith.constant 2147483647 : i32
    %broadcast_in_dim3A_249 = vector.broadcast %jit3A_248 : i32 to vector<256x1024xi32>
    %select_n3A_250 = arith.select %eq3A_247, %broadcast_in_dim3A_249, %select_n3A_235 : vector<256x1024xi1>, vector<256x1024xi32>
    %reduce_min3A_251 = arith.constant dense<2147483647> : vector<256xi32>
    %reduce_min3A_252 = vector.multi_reduction <minsi>, %select_n3A_250, %reduce_min3A_251 [1] : vector<256x1024xi32> to vector<256xi32>
    %broadcast_in_dim3A_253 = vector.shape_cast %reduce_min3A_252 : vector<256xi32> to vector<256x1xi32>
    %and3A_254 = arith.constant 1023 : i32
    %and3A_255 = vector.broadcast %and3A_254 : i32 to vector<256x1xi32>
    %and3A_256 = arith.andi %broadcast_in_dim3A_253, %and3A_255 : vector<256x1xi32>
    %and3A_257 = arith.constant -1024 : i32
    %and3A_258 = vector.broadcast %and3A_257 : i32 to vector<256x1xi32>
    %and3A_259 = arith.andi %broadcast_in_dim3A_253, %and3A_258 : vector<256x1xi32>
    %bitcast_convert_type3A_260 = tpu.bitcast %and3A_259 : vector<256x1xi32> -> vector<256x1xf32>
    %eq3A_261 = vector.broadcast %broadcast_in_dim3A_253 : vector<256x1xi32> to vector<256x1024xi32>
    %eq3A_262 = arith.cmpi eq, %select_n3A_250, %eq3A_261 : vector<256x1024xi32>
    %jit3A_263 = arith.constant 2147483647 : i32
    %broadcast_in_dim3A_264 = vector.broadcast %jit3A_263 : i32 to vector<256x1024xi32>
    %select_n3A_265 = arith.select %eq3A_262, %broadcast_in_dim3A_264, %select_n3A_250 : vector<256x1024xi1>, vector<256x1024xi32>
    %reduce_min3A_266 = arith.constant dense<2147483647> : vector<256xi32>
    %reduce_min3A_267 = vector.multi_reduction <minsi>, %select_n3A_265, %reduce_min3A_266 [1] : vector<256x1024xi32> to vector<256xi32>
    %broadcast_in_dim3A_268 = vector.shape_cast %reduce_min3A_267 : vector<256xi32> to vector<256x1xi32>
    %and3A_269 = arith.constant 1023 : i32
    %and3A_270 = vector.broadcast %and3A_269 : i32 to vector<256x1xi32>
    %and3A_271 = arith.andi %broadcast_in_dim3A_268, %and3A_270 : vector<256x1xi32>
    %and3A_272 = arith.constant -1024 : i32
    %and3A_273 = vector.broadcast %and3A_272 : i32 to vector<256x1xi32>
    %and3A_274 = arith.andi %broadcast_in_dim3A_268, %and3A_273 : vector<256x1xi32>
    %bitcast_convert_type3A_275 = tpu.bitcast %and3A_274 : vector<256x1xi32> -> vector<256x1xf32>
    %eq3A_276 = vector.broadcast %broadcast_in_dim3A_268 : vector<256x1xi32> to vector<256x1024xi32>
    %eq3A_277 = arith.cmpi eq, %select_n3A_265, %eq3A_276 : vector<256x1024xi32>
    %jit3A_278 = arith.constant 2147483647 : i32
    %broadcast_in_dim3A_279 = vector.broadcast %jit3A_278 : i32 to vector<256x1024xi32>
    %select_n3A_280 = arith.select %eq3A_277, %broadcast_in_dim3A_279, %select_n3A_265 : vector<256x1024xi1>, vector<256x1024xi32>
    %reduce_min3A_281 = arith.constant dense<2147483647> : vector<256xi32>
    %reduce_min3A_282 = vector.multi_reduction <minsi>, %select_n3A_280, %reduce_min3A_281 [1] : vector<256x1024xi32> to vector<256xi32>
    %broadcast_in_dim3A_283 = vector.shape_cast %reduce_min3A_282 : vector<256xi32> to vector<256x1xi32>
    %and3A_284 = arith.constant 1023 : i32
    %and3A_285 = vector.broadcast %and3A_284 : i32 to vector<256x1xi32>
    %and3A_286 = arith.andi %broadcast_in_dim3A_283, %and3A_285 : vector<256x1xi32>
    %and3A_287 = arith.constant -1024 : i32
    %and3A_288 = vector.broadcast %and3A_287 : i32 to vector<256x1xi32>
    %and3A_289 = arith.andi %broadcast_in_dim3A_283, %and3A_288 : vector<256x1xi32>
    %bitcast_convert_type3A_290 = tpu.bitcast %and3A_289 : vector<256x1xi32> -> vector<256x1xf32>
    %eq3A_291 = vector.broadcast %broadcast_in_dim3A_283 : vector<256x1xi32> to vector<256x1024xi32>
    %eq3A_292 = arith.cmpi eq, %select_n3A_280, %eq3A_291 : vector<256x1024xi32>
    %jit3A_293 = arith.constant 2147483647 : i32
    %broadcast_in_dim3A_294 = vector.broadcast %jit3A_293 : i32 to vector<256x1024xi32>
    %select_n3A_295 = arith.select %eq3A_292, %broadcast_in_dim3A_294, %select_n3A_280 : vector<256x1024xi1>, vector<256x1024xi32>
    %reduce_min3A_296 = arith.constant dense<2147483647> : vector<256xi32>
    %reduce_min3A_297 = vector.multi_reduction <minsi>, %select_n3A_295, %reduce_min3A_296 [1] : vector<256x1024xi32> to vector<256xi32>
    %broadcast_in_dim3A_298 = vector.shape_cast %reduce_min3A_297 : vector<256xi32> to vector<256x1xi32>
    %and3A_299 = arith.constant 1023 : i32
    %and3A_300 = vector.broadcast %and3A_299 : i32 to vector<256x1xi32>
    %and3A_301 = arith.andi %broadcast_in_dim3A_298, %and3A_300 : vector<256x1xi32>
    %and3A_302 = arith.constant -1024 : i32
    %and3A_303 = vector.broadcast %and3A_302 : i32 to vector<256x1xi32>
    %and3A_304 = arith.andi %broadcast_in_dim3A_298, %and3A_303 : vector<256x1xi32>
    %bitcast_convert_type3A_305 = tpu.bitcast %and3A_304 : vector<256x1xi32> -> vector<256x1xf32>
    %eq3A_306 = vector.broadcast %broadcast_in_dim3A_298 : vector<256x1xi32> to vector<256x1024xi32>
    %eq3A_307 = arith.cmpi eq, %select_n3A_295, %eq3A_306 : vector<256x1024xi32>
    %jit3A_308 = arith.constant 2147483647 : i32
    %broadcast_in_dim3A_309 = vector.broadcast %jit3A_308 : i32 to vector<256x1024xi32>
    %select_n3A_310 = arith.select %eq3A_307, %broadcast_in_dim3A_309, %select_n3A_295 : vector<256x1024xi1>, vector<256x1024xi32>
    %reduce_min3A_311 = arith.constant dense<2147483647> : vector<256xi32>
    %reduce_min3A_312 = vector.multi_reduction <minsi>, %select_n3A_310, %reduce_min3A_311 [1] : vector<256x1024xi32> to vector<256xi32>
    %broadcast_in_dim3A_313 = vector.shape_cast %reduce_min3A_312 : vector<256xi32> to vector<256x1xi32>
    %and3A_314 = arith.constant 1023 : i32
    %and3A_315 = vector.broadcast %and3A_314 : i32 to vector<256x1xi32>
    %and3A_316 = arith.andi %broadcast_in_dim3A_313, %and3A_315 : vector<256x1xi32>
    %and3A_317 = arith.constant -1024 : i32
    %and3A_318 = vector.broadcast %and3A_317 : i32 to vector<256x1xi32>
    %and3A_319 = arith.andi %broadcast_in_dim3A_313, %and3A_318 : vector<256x1xi32>
    %bitcast_convert_type3A_320 = tpu.bitcast %and3A_319 : vector<256x1xi32> -> vector<256x1xf32>
    %eq3A_321 = vector.broadcast %broadcast_in_dim3A_313 : vector<256x1xi32> to vector<256x1024xi32>
    %eq3A_322 = arith.cmpi eq, %select_n3A_310, %eq3A_321 : vector<256x1024xi32>
    %jit3A_323 = arith.constant 2147483647 : i32
    %broadcast_in_dim3A_324 = vector.broadcast %jit3A_323 : i32 to vector<256x1024xi32>
    %select_n3A_325 = arith.select %eq3A_322, %broadcast_in_dim3A_324, %select_n3A_310 : vector<256x1024xi1>, vector<256x1024xi32>
    %reduce_min3A_326 = arith.constant dense<2147483647> : vector<256xi32>
    %reduce_min3A_327 = vector.multi_reduction <minsi>, %select_n3A_325, %reduce_min3A_326 [1] : vector<256x1024xi32> to vector<256xi32>
    %broadcast_in_dim3A_328 = vector.shape_cast %reduce_min3A_327 : vector<256xi32> to vector<256x1xi32>
    %and3A_329 = arith.constant 1023 : i32
    %and3A_330 = vector.broadcast %and3A_329 : i32 to vector<256x1xi32>
    %and3A_331 = arith.andi %broadcast_in_dim3A_328, %and3A_330 : vector<256x1xi32>
    %and3A_332 = arith.constant -1024 : i32
    %and3A_333 = vector.broadcast %and3A_332 : i32 to vector<256x1xi32>
    %and3A_334 = arith.andi %broadcast_in_dim3A_328, %and3A_333 : vector<256x1xi32>
    %bitcast_convert_type3A_335 = tpu.bitcast %and3A_334 : vector<256x1xi32> -> vector<256x1xf32>
    %eq3A_336 = vector.broadcast %broadcast_in_dim3A_328 : vector<256x1xi32> to vector<256x1024xi32>
    %eq3A_337 = arith.cmpi eq, %select_n3A_325, %eq3A_336 : vector<256x1024xi32>
    %jit3A_338 = arith.constant 2147483647 : i32
    %broadcast_in_dim3A_339 = vector.broadcast %jit3A_338 : i32 to vector<256x1024xi32>
    %select_n3A_340 = arith.select %eq3A_337, %broadcast_in_dim3A_339, %select_n3A_325 : vector<256x1024xi1>, vector<256x1024xi32>
    %reduce_min3A_341 = arith.constant dense<2147483647> : vector<256xi32>
    %reduce_min3A_342 = vector.multi_reduction <minsi>, %select_n3A_340, %reduce_min3A_341 [1] : vector<256x1024xi32> to vector<256xi32>
    %broadcast_in_dim3A_343 = vector.shape_cast %reduce_min3A_342 : vector<256xi32> to vector<256x1xi32>
    %and3A_344 = arith.constant 1023 : i32
    %and3A_345 = vector.broadcast %and3A_344 : i32 to vector<256x1xi32>
    %and3A_346 = arith.andi %broadcast_in_dim3A_343, %and3A_345 : vector<256x1xi32>
    %and3A_347 = arith.constant -1024 : i32
    %and3A_348 = vector.broadcast %and3A_347 : i32 to vector<256x1xi32>
    %and3A_349 = arith.andi %broadcast_in_dim3A_343, %and3A_348 : vector<256x1xi32>
    %bitcast_convert_type3A_350 = tpu.bitcast %and3A_349 : vector<256x1xi32> -> vector<256x1xf32>
    %eq3A_351 = vector.broadcast %broadcast_in_dim3A_343 : vector<256x1xi32> to vector<256x1024xi32>
    %eq3A_352 = arith.cmpi eq, %select_n3A_340, %eq3A_351 : vector<256x1024xi32>
    %jit3A_353 = arith.constant 2147483647 : i32
    %broadcast_in_dim3A_354 = vector.broadcast %jit3A_353 : i32 to vector<256x1024xi32>
    %select_n3A_355 = arith.select %eq3A_352, %broadcast_in_dim3A_354, %select_n3A_340 : vector<256x1024xi1>, vector<256x1024xi32>
    %reduce_min3A_356 = arith.constant dense<2147483647> : vector<256xi32>
    %reduce_min3A_357 = vector.multi_reduction <minsi>, %select_n3A_355, %reduce_min3A_356 [1] : vector<256x1024xi32> to vector<256xi32>
    %broadcast_in_dim3A_358 = vector.shape_cast %reduce_min3A_357 : vector<256xi32> to vector<256x1xi32>
    %and3A_359 = arith.constant 1023 : i32
    %and3A_360 = vector.broadcast %and3A_359 : i32 to vector<256x1xi32>
    %and3A_361 = arith.andi %broadcast_in_dim3A_358, %and3A_360 : vector<256x1xi32>
    %and3A_362 = arith.constant -1024 : i32
    %and3A_363 = vector.broadcast %and3A_362 : i32 to vector<256x1xi32>
    %and3A_364 = arith.andi %broadcast_in_dim3A_358, %and3A_363 : vector<256x1xi32>
    %bitcast_convert_type3A_365 = tpu.bitcast %and3A_364 : vector<256x1xi32> -> vector<256x1xf32>
    %eq3A_366 = vector.broadcast %broadcast_in_dim3A_358 : vector<256x1xi32> to vector<256x1024xi32>
    %eq3A_367 = arith.cmpi eq, %select_n3A_355, %eq3A_366 : vector<256x1024xi32>
    %jit3A_368 = arith.constant 2147483647 : i32
    %broadcast_in_dim3A_369 = vector.broadcast %jit3A_368 : i32 to vector<256x1024xi32>
    %select_n3A_370 = arith.select %eq3A_367, %broadcast_in_dim3A_369, %select_n3A_355 : vector<256x1024xi1>, vector<256x1024xi32>
    %reduce_min3A_371 = arith.constant dense<2147483647> : vector<256xi32>
    %reduce_min3A_372 = vector.multi_reduction <minsi>, %select_n3A_370, %reduce_min3A_371 [1] : vector<256x1024xi32> to vector<256xi32>
    %broadcast_in_dim3A_373 = vector.shape_cast %reduce_min3A_372 : vector<256xi32> to vector<256x1xi32>
    %and3A_374 = arith.constant 1023 : i32
    %and3A_375 = vector.broadcast %and3A_374 : i32 to vector<256x1xi32>
    %and3A_376 = arith.andi %broadcast_in_dim3A_373, %and3A_375 : vector<256x1xi32>
    %and3A_377 = arith.constant -1024 : i32
    %and3A_378 = vector.broadcast %and3A_377 : i32 to vector<256x1xi32>
    %and3A_379 = arith.andi %broadcast_in_dim3A_373, %and3A_378 : vector<256x1xi32>
    %bitcast_convert_type3A_380 = tpu.bitcast %and3A_379 : vector<256x1xi32> -> vector<256x1xf32>
    %eq3A_381 = vector.broadcast %broadcast_in_dim3A_373 : vector<256x1xi32> to vector<256x1024xi32>
    %eq3A_382 = arith.cmpi eq, %select_n3A_370, %eq3A_381 : vector<256x1024xi32>
    %jit3A_383 = arith.constant 2147483647 : i32
    %broadcast_in_dim3A_384 = vector.broadcast %jit3A_383 : i32 to vector<256x1024xi32>
    %select_n3A_385 = arith.select %eq3A_382, %broadcast_in_dim3A_384, %select_n3A_370 : vector<256x1024xi1>, vector<256x1024xi32>
    %reduce_min3A_386 = arith.constant dense<2147483647> : vector<256xi32>
    %reduce_min3A_387 = vector.multi_reduction <minsi>, %select_n3A_385, %reduce_min3A_386 [1] : vector<256x1024xi32> to vector<256xi32>
    %broadcast_in_dim3A_388 = vector.shape_cast %reduce_min3A_387 : vector<256xi32> to vector<256x1xi32>
    %and3A_389 = arith.constant 1023 : i32
    %and3A_390 = vector.broadcast %and3A_389 : i32 to vector<256x1xi32>
    %and3A_391 = arith.andi %broadcast_in_dim3A_388, %and3A_390 : vector<256x1xi32>
    %and3A_392 = arith.constant -1024 : i32
    %and3A_393 = vector.broadcast %and3A_392 : i32 to vector<256x1xi32>
    %and3A_394 = arith.andi %broadcast_in_dim3A_388, %and3A_393 : vector<256x1xi32>
    %bitcast_convert_type3A_395 = tpu.bitcast %and3A_394 : vector<256x1xi32> -> vector<256x1xf32>
    %eq3A_396 = vector.broadcast %broadcast_in_dim3A_388 : vector<256x1xi32> to vector<256x1024xi32>
    %eq3A_397 = arith.cmpi eq, %select_n3A_385, %eq3A_396 : vector<256x1024xi32>
    %jit3A_398 = arith.constant 2147483647 : i32
    %broadcast_in_dim3A_399 = vector.broadcast %jit3A_398 : i32 to vector<256x1024xi32>
    %select_n3A_400 = arith.select %eq3A_397, %broadcast_in_dim3A_399, %select_n3A_385 : vector<256x1024xi1>, vector<256x1024xi32>
    %reduce_min3A_401 = arith.constant dense<2147483647> : vector<256xi32>
    %reduce_min3A_402 = vector.multi_reduction <minsi>, %select_n3A_400, %reduce_min3A_401 [1] : vector<256x1024xi32> to vector<256xi32>
    %broadcast_in_dim3A_403 = vector.shape_cast %reduce_min3A_402 : vector<256xi32> to vector<256x1xi32>
    %and3A_404 = arith.constant 1023 : i32
    %and3A_405 = vector.broadcast %and3A_404 : i32 to vector<256x1xi32>
    %and3A_406 = arith.andi %broadcast_in_dim3A_403, %and3A_405 : vector<256x1xi32>
    %and3A_407 = arith.constant -1024 : i32
    %and3A_408 = vector.broadcast %and3A_407 : i32 to vector<256x1xi32>
    %and3A_409 = arith.andi %broadcast_in_dim3A_403, %and3A_408 : vector<256x1xi32>
    %bitcast_convert_type3A_410 = tpu.bitcast %and3A_409 : vector<256x1xi32> -> vector<256x1xf32>
    %eq3A_411 = vector.broadcast %broadcast_in_dim3A_403 : vector<256x1xi32> to vector<256x1024xi32>
    %eq3A_412 = arith.cmpi eq, %select_n3A_400, %eq3A_411 : vector<256x1024xi32>
    %jit3A_413 = arith.constant 2147483647 : i32
    %broadcast_in_dim3A_414 = vector.broadcast %jit3A_413 : i32 to vector<256x1024xi32>
    %select_n3A_415 = arith.select %eq3A_412, %broadcast_in_dim3A_414, %select_n3A_400 : vector<256x1024xi1>, vector<256x1024xi32>
    %reduce_min3A_416 = arith.constant dense<2147483647> : vector<256xi32>
    %reduce_min3A_417 = vector.multi_reduction <minsi>, %select_n3A_415, %reduce_min3A_416 [1] : vector<256x1024xi32> to vector<256xi32>
    %broadcast_in_dim3A_418 = vector.shape_cast %reduce_min3A_417 : vector<256xi32> to vector<256x1xi32>
    %and3A_419 = arith.constant 1023 : i32
    %and3A_420 = vector.broadcast %and3A_419 : i32 to vector<256x1xi32>
    %and3A_421 = arith.andi %broadcast_in_dim3A_418, %and3A_420 : vector<256x1xi32>
    %and3A_422 = arith.constant -1024 : i32
    %and3A_423 = vector.broadcast %and3A_422 : i32 to vector<256x1xi32>
    %and3A_424 = arith.andi %broadcast_in_dim3A_418, %and3A_423 : vector<256x1xi32>
    %bitcast_convert_type3A_425 = tpu.bitcast %and3A_424 : vector<256x1xi32> -> vector<256x1xf32>
    %eq3A_426 = vector.broadcast %broadcast_in_dim3A_418 : vector<256x1xi32> to vector<256x1024xi32>
    %eq3A_427 = arith.cmpi eq, %select_n3A_415, %eq3A_426 : vector<256x1024xi32>
    %jit3A_428 = arith.constant 2147483647 : i32
    %broadcast_in_dim3A_429 = vector.broadcast %jit3A_428 : i32 to vector<256x1024xi32>
    %select_n3A_430 = arith.select %eq3A_427, %broadcast_in_dim3A_429, %select_n3A_415 : vector<256x1024xi1>, vector<256x1024xi32>
    %reduce_min3A_431 = arith.constant dense<2147483647> : vector<256xi32>
    %reduce_min3A_432 = vector.multi_reduction <minsi>, %select_n3A_430, %reduce_min3A_431 [1] : vector<256x1024xi32> to vector<256xi32>
    %broadcast_in_dim3A_433 = vector.shape_cast %reduce_min3A_432 : vector<256xi32> to vector<256x1xi32>
    %and3A_434 = arith.constant 1023 : i32
    %and3A_435 = vector.broadcast %and3A_434 : i32 to vector<256x1xi32>
    %and3A_436 = arith.andi %broadcast_in_dim3A_433, %and3A_435 : vector<256x1xi32>
    %and3A_437 = arith.constant -1024 : i32
    %and3A_438 = vector.broadcast %and3A_437 : i32 to vector<256x1xi32>
    %and3A_439 = arith.andi %broadcast_in_dim3A_433, %and3A_438 : vector<256x1xi32>
    %bitcast_convert_type3A_440 = tpu.bitcast %and3A_439 : vector<256x1xi32> -> vector<256x1xf32>
    %eq3A_441 = vector.broadcast %broadcast_in_dim3A_433 : vector<256x1xi32> to vector<256x1024xi32>
    %eq3A_442 = arith.cmpi eq, %select_n3A_430, %eq3A_441 : vector<256x1024xi32>
    %jit3A_443 = arith.constant 2147483647 : i32
    %broadcast_in_dim3A_444 = vector.broadcast %jit3A_443 : i32 to vector<256x1024xi32>
    %select_n3A_445 = arith.select %eq3A_442, %broadcast_in_dim3A_444, %select_n3A_430 : vector<256x1024xi1>, vector<256x1024xi32>
    %reduce_min3A_446 = arith.constant dense<2147483647> : vector<256xi32>
    %reduce_min3A_447 = vector.multi_reduction <minsi>, %select_n3A_445, %reduce_min3A_446 [1] : vector<256x1024xi32> to vector<256xi32>
    %broadcast_in_dim3A_448 = vector.shape_cast %reduce_min3A_447 : vector<256xi32> to vector<256x1xi32>
    %and3A_449 = arith.constant 1023 : i32
    %and3A_450 = vector.broadcast %and3A_449 : i32 to vector<256x1xi32>
    %and3A_451 = arith.andi %broadcast_in_dim3A_448, %and3A_450 : vector<256x1xi32>
    %and3A_452 = arith.constant -1024 : i32
    %and3A_453 = vector.broadcast %and3A_452 : i32 to vector<256x1xi32>
    %and3A_454 = arith.andi %broadcast_in_dim3A_448, %and3A_453 : vector<256x1xi32>
    %bitcast_convert_type3A_455 = tpu.bitcast %and3A_454 : vector<256x1xi32> -> vector<256x1xf32>
    %eq3A_456 = vector.broadcast %broadcast_in_dim3A_448 : vector<256x1xi32> to vector<256x1024xi32>
    %eq3A_457 = arith.cmpi eq, %select_n3A_445, %eq3A_456 : vector<256x1024xi32>
    %jit3A_458 = arith.constant 2147483647 : i32
    %broadcast_in_dim3A_459 = vector.broadcast %jit3A_458 : i32 to vector<256x1024xi32>
    %select_n3A_460 = arith.select %eq3A_457, %broadcast_in_dim3A_459, %select_n3A_445 : vector<256x1024xi1>, vector<256x1024xi32>
    %reduce_min3A_461 = arith.constant dense<2147483647> : vector<256xi32>
    %reduce_min3A_462 = vector.multi_reduction <minsi>, %select_n3A_460, %reduce_min3A_461 [1] : vector<256x1024xi32> to vector<256xi32>
    %broadcast_in_dim3A_463 = vector.shape_cast %reduce_min3A_462 : vector<256xi32> to vector<256x1xi32>
    %and3A_464 = arith.constant 1023 : i32
    %and3A_465 = vector.broadcast %and3A_464 : i32 to vector<256x1xi32>
    %and3A_466 = arith.andi %broadcast_in_dim3A_463, %and3A_465 : vector<256x1xi32>
    %and3A_467 = arith.constant -1024 : i32
    %and3A_468 = vector.broadcast %and3A_467 : i32 to vector<256x1xi32>
    %and3A_469 = arith.andi %broadcast_in_dim3A_463, %and3A_468 : vector<256x1xi32>
    %bitcast_convert_type3A_470 = tpu.bitcast %and3A_469 : vector<256x1xi32> -> vector<256x1xf32>
    %eq3A_471 = vector.broadcast %broadcast_in_dim3A_463 : vector<256x1xi32> to vector<256x1024xi32>
    %eq3A_472 = arith.cmpi eq, %select_n3A_460, %eq3A_471 : vector<256x1024xi32>
    %jit3A_473 = arith.constant 2147483647 : i32
    %broadcast_in_dim3A_474 = vector.broadcast %jit3A_473 : i32 to vector<256x1024xi32>
    %select_n3A_475 = arith.select %eq3A_472, %broadcast_in_dim3A_474, %select_n3A_460 : vector<256x1024xi1>, vector<256x1024xi32>
    %reduce_min3A_476 = arith.constant dense<2147483647> : vector<256xi32>
    %reduce_min3A_477 = vector.multi_reduction <minsi>, %select_n3A_475, %reduce_min3A_476 [1] : vector<256x1024xi32> to vector<256xi32>
    %broadcast_in_dim3A_478 = vector.shape_cast %reduce_min3A_477 : vector<256xi32> to vector<256x1xi32>
    %and3A_479 = arith.constant 1023 : i32
    %and3A_480 = vector.broadcast %and3A_479 : i32 to vector<256x1xi32>
    %and3A_481 = arith.andi %broadcast_in_dim3A_478, %and3A_480 : vector<256x1xi32>
    %and3A_482 = arith.constant -1024 : i32
    %and3A_483 = vector.broadcast %and3A_482 : i32 to vector<256x1xi32>
    %and3A_484 = arith.andi %broadcast_in_dim3A_478, %and3A_483 : vector<256x1xi32>
    %bitcast_convert_type3A_485 = tpu.bitcast %and3A_484 : vector<256x1xi32> -> vector<256x1xf32>
    %eq3A_486 = vector.broadcast %broadcast_in_dim3A_478 : vector<256x1xi32> to vector<256x1024xi32>
    %eq3A_487 = arith.cmpi eq, %select_n3A_475, %eq3A_486 : vector<256x1024xi32>
    %jit3A_488 = arith.constant 2147483647 : i32
    %broadcast_in_dim3A_489 = vector.broadcast %jit3A_488 : i32 to vector<256x1024xi32>
    %select_n3A_490 = arith.select %eq3A_487, %broadcast_in_dim3A_489, %select_n3A_475 : vector<256x1024xi1>, vector<256x1024xi32>
    %reduce_min3A_491 = arith.constant dense<2147483647> : vector<256xi32>
    %reduce_min3A_492 = vector.multi_reduction <minsi>, %select_n3A_490, %reduce_min3A_491 [1] : vector<256x1024xi32> to vector<256xi32>
    %broadcast_in_dim3A_493 = vector.shape_cast %reduce_min3A_492 : vector<256xi32> to vector<256x1xi32>
    %and3A_494 = arith.constant 1023 : i32
    %and3A_495 = vector.broadcast %and3A_494 : i32 to vector<256x1xi32>
    %and3A_496 = arith.andi %broadcast_in_dim3A_493, %and3A_495 : vector<256x1xi32>
    %and3A_497 = arith.constant -1024 : i32
    %and3A_498 = vector.broadcast %and3A_497 : i32 to vector<256x1xi32>
    %and3A_499 = arith.andi %broadcast_in_dim3A_493, %and3A_498 : vector<256x1xi32>
    %bitcast_convert_type3A_500 = tpu.bitcast %and3A_499 : vector<256x1xi32> -> vector<256x1xf32>
    %eq3A_501 = vector.broadcast %broadcast_in_dim3A_493 : vector<256x1xi32> to vector<256x1024xi32>
    %eq3A_502 = arith.cmpi eq, %select_n3A_490, %eq3A_501 : vector<256x1024xi32>
    %jit3A_503 = arith.constant 2147483647 : i32
    %broadcast_in_dim3A_504 = vector.broadcast %jit3A_503 : i32 to vector<256x1024xi32>
    %select_n3A_505 = arith.select %eq3A_502, %broadcast_in_dim3A_504, %select_n3A_490 : vector<256x1024xi1>, vector<256x1024xi32>
    %reduce_min3A_506 = arith.constant dense<2147483647> : vector<256xi32>
    %reduce_min3A_507 = vector.multi_reduction <minsi>, %select_n3A_505, %reduce_min3A_506 [1] : vector<256x1024xi32> to vector<256xi32>
    %broadcast_in_dim3A_508 = vector.shape_cast %reduce_min3A_507 : vector<256xi32> to vector<256x1xi32>
    %and3A_509 = arith.constant 1023 : i32
    %and3A_510 = vector.broadcast %and3A_509 : i32 to vector<256x1xi32>
    %and3A_511 = arith.andi %broadcast_in_dim3A_508, %and3A_510 : vector<256x1xi32>
    %and3A_512 = arith.constant -1024 : i32
    %and3A_513 = vector.broadcast %and3A_512 : i32 to vector<256x1xi32>
    %and3A_514 = arith.andi %broadcast_in_dim3A_508, %and3A_513 : vector<256x1xi32>
    %bitcast_convert_type3A_515 = tpu.bitcast %and3A_514 : vector<256x1xi32> -> vector<256x1xf32>
    %eq3A_516 = vector.broadcast %broadcast_in_dim3A_508 : vector<256x1xi32> to vector<256x1024xi32>
    %eq3A_517 = arith.cmpi eq, %select_n3A_505, %eq3A_516 : vector<256x1024xi32>
    %jit3A_518 = arith.constant 2147483647 : i32
    %broadcast_in_dim3A_519 = vector.broadcast %jit3A_518 : i32 to vector<256x1024xi32>
    %select_n3A_520 = arith.select %eq3A_517, %broadcast_in_dim3A_519, %select_n3A_505 : vector<256x1024xi1>, vector<256x1024xi32>
    %reduce_min3A_521 = arith.constant dense<2147483647> : vector<256xi32>
    %reduce_min3A_522 = vector.multi_reduction <minsi>, %select_n3A_520, %reduce_min3A_521 [1] : vector<256x1024xi32> to vector<256xi32>
    %broadcast_in_dim3A_523 = vector.shape_cast %reduce_min3A_522 : vector<256xi32> to vector<256x1xi32>
    %and3A_524 = arith.constant 1023 : i32
    %and3A_525 = vector.broadcast %and3A_524 : i32 to vector<256x1xi32>
    %and3A_526 = arith.andi %broadcast_in_dim3A_523, %and3A_525 : vector<256x1xi32>
    %and3A_527 = arith.constant -1024 : i32
    %and3A_528 = vector.broadcast %and3A_527 : i32 to vector<256x1xi32>
    %and3A_529 = arith.andi %broadcast_in_dim3A_523, %and3A_528 : vector<256x1xi32>
    %bitcast_convert_type3A_530 = tpu.bitcast %and3A_529 : vector<256x1xi32> -> vector<256x1xf32>
    %eq3A_531 = vector.broadcast %broadcast_in_dim3A_523 : vector<256x1xi32> to vector<256x1024xi32>
    %eq3A_532 = arith.cmpi eq, %select_n3A_520, %eq3A_531 : vector<256x1024xi32>
    %jit3A_533 = arith.constant 2147483647 : i32
    %broadcast_in_dim3A_534 = vector.broadcast %jit3A_533 : i32 to vector<256x1024xi32>
    %select_n3A_535 = arith.select %eq3A_532, %broadcast_in_dim3A_534, %select_n3A_520 : vector<256x1024xi1>, vector<256x1024xi32>
    %reduce_min3A_536 = arith.constant dense<2147483647> : vector<256xi32>
    %reduce_min3A_537 = vector.multi_reduction <minsi>, %select_n3A_535, %reduce_min3A_536 [1] : vector<256x1024xi32> to vector<256xi32>
    %broadcast_in_dim3A_538 = vector.shape_cast %reduce_min3A_537 : vector<256xi32> to vector<256x1xi32>
    %and3A_539 = arith.constant 1023 : i32
    %and3A_540 = vector.broadcast %and3A_539 : i32 to vector<256x1xi32>
    %and3A_541 = arith.andi %broadcast_in_dim3A_538, %and3A_540 : vector<256x1xi32>
    %and3A_542 = arith.constant -1024 : i32
    %and3A_543 = vector.broadcast %and3A_542 : i32 to vector<256x1xi32>
    %and3A_544 = arith.andi %broadcast_in_dim3A_538, %and3A_543 : vector<256x1xi32>
    %bitcast_convert_type3A_545 = tpu.bitcast %and3A_544 : vector<256x1xi32> -> vector<256x1xf32>
    %eq3A_546 = vector.broadcast %broadcast_in_dim3A_538 : vector<256x1xi32> to vector<256x1024xi32>
    %eq3A_547 = arith.cmpi eq, %select_n3A_535, %eq3A_546 : vector<256x1024xi32>
    %jit3A_548 = arith.constant 2147483647 : i32
    %broadcast_in_dim3A_549 = vector.broadcast %jit3A_548 : i32 to vector<256x1024xi32>
    %select_n3A_550 = arith.select %eq3A_547, %broadcast_in_dim3A_549, %select_n3A_535 : vector<256x1024xi1>, vector<256x1024xi32>
    %reduce_min3A_551 = arith.constant dense<2147483647> : vector<256xi32>
    %reduce_min3A_552 = vector.multi_reduction <minsi>, %select_n3A_550, %reduce_min3A_551 [1] : vector<256x1024xi32> to vector<256xi32>
    %broadcast_in_dim3A_553 = vector.shape_cast %reduce_min3A_552 : vector<256xi32> to vector<256x1xi32>
    %and3A_554 = arith.constant 1023 : i32
    %and3A_555 = vector.broadcast %and3A_554 : i32 to vector<256x1xi32>
    %and3A_556 = arith.andi %broadcast_in_dim3A_553, %and3A_555 : vector<256x1xi32>
    %and3A_557 = arith.constant -1024 : i32
    %and3A_558 = vector.broadcast %and3A_557 : i32 to vector<256x1xi32>
    %and3A_559 = arith.andi %broadcast_in_dim3A_553, %and3A_558 : vector<256x1xi32>
    %bitcast_convert_type3A_560 = tpu.bitcast %and3A_559 : vector<256x1xi32> -> vector<256x1xf32>
    %eq3A_561 = vector.broadcast %broadcast_in_dim3A_553 : vector<256x1xi32> to vector<256x1024xi32>
    %eq3A_562 = arith.cmpi eq, %select_n3A_550, %eq3A_561 : vector<256x1024xi32>
    %jit3A_563 = arith.constant 2147483647 : i32
    %broadcast_in_dim3A_564 = vector.broadcast %jit3A_563 : i32 to vector<256x1024xi32>
    %select_n3A_565 = arith.select %eq3A_562, %broadcast_in_dim3A_564, %select_n3A_550 : vector<256x1024xi1>, vector<256x1024xi32>
    %reduce_min3A_566 = arith.constant dense<2147483647> : vector<256xi32>
    %reduce_min3A_567 = vector.multi_reduction <minsi>, %select_n3A_565, %reduce_min3A_566 [1] : vector<256x1024xi32> to vector<256xi32>
    %broadcast_in_dim3A_568 = vector.shape_cast %reduce_min3A_567 : vector<256xi32> to vector<256x1xi32>
    %and3A_569 = arith.constant 1023 : i32
    %and3A_570 = vector.broadcast %and3A_569 : i32 to vector<256x1xi32>
    %and3A_571 = arith.andi %broadcast_in_dim3A_568, %and3A_570 : vector<256x1xi32>
    %and3A_572 = arith.constant -1024 : i32
    %and3A_573 = vector.broadcast %and3A_572 : i32 to vector<256x1xi32>
    %and3A_574 = arith.andi %broadcast_in_dim3A_568, %and3A_573 : vector<256x1xi32>
    %bitcast_convert_type3A_575 = tpu.bitcast %and3A_574 : vector<256x1xi32> -> vector<256x1xf32>
    %eq3A_576 = vector.broadcast %broadcast_in_dim3A_568 : vector<256x1xi32> to vector<256x1024xi32>
    %eq3A_577 = arith.cmpi eq, %select_n3A_565, %eq3A_576 : vector<256x1024xi32>
    %jit3A_578 = arith.constant 2147483647 : i32
    %broadcast_in_dim3A_579 = vector.broadcast %jit3A_578 : i32 to vector<256x1024xi32>
    %select_n3A_580 = arith.select %eq3A_577, %broadcast_in_dim3A_579, %select_n3A_565 : vector<256x1024xi1>, vector<256x1024xi32>
    %reduce_min3A_581 = arith.constant dense<2147483647> : vector<256xi32>
    %reduce_min3A_582 = vector.multi_reduction <minsi>, %select_n3A_580, %reduce_min3A_581 [1] : vector<256x1024xi32> to vector<256xi32>
    %broadcast_in_dim3A_583 = vector.shape_cast %reduce_min3A_582 : vector<256xi32> to vector<256x1xi32>
    %and3A_584 = arith.constant 1023 : i32
    %and3A_585 = vector.broadcast %and3A_584 : i32 to vector<256x1xi32>
    %and3A_586 = arith.andi %broadcast_in_dim3A_583, %and3A_585 : vector<256x1xi32>
    %and3A_587 = arith.constant -1024 : i32
    %and3A_588 = vector.broadcast %and3A_587 : i32 to vector<256x1xi32>
    %and3A_589 = arith.andi %broadcast_in_dim3A_583, %and3A_588 : vector<256x1xi32>
    %bitcast_convert_type3A_590 = tpu.bitcast %and3A_589 : vector<256x1xi32> -> vector<256x1xf32>
    %eq3A_591 = vector.broadcast %broadcast_in_dim3A_583 : vector<256x1xi32> to vector<256x1024xi32>
    %eq3A_592 = arith.cmpi eq, %select_n3A_580, %eq3A_591 : vector<256x1024xi32>
    %jit3A_593 = arith.constant 2147483647 : i32
    %broadcast_in_dim3A_594 = vector.broadcast %jit3A_593 : i32 to vector<256x1024xi32>
    %select_n3A_595 = arith.select %eq3A_592, %broadcast_in_dim3A_594, %select_n3A_580 : vector<256x1024xi1>, vector<256x1024xi32>
    %reduce_min3A_596 = arith.constant dense<2147483647> : vector<256xi32>
    %reduce_min3A_597 = vector.multi_reduction <minsi>, %select_n3A_595, %reduce_min3A_596 [1] : vector<256x1024xi32> to vector<256xi32>
    %broadcast_in_dim3A_598 = vector.shape_cast %reduce_min3A_597 : vector<256xi32> to vector<256x1xi32>
    %and3A_599 = arith.constant 1023 : i32
    %and3A_600 = vector.broadcast %and3A_599 : i32 to vector<256x1xi32>
    %and3A_601 = arith.andi %broadcast_in_dim3A_598, %and3A_600 : vector<256x1xi32>
    %and3A_602 = arith.constant -1024 : i32
    %and3A_603 = vector.broadcast %and3A_602 : i32 to vector<256x1xi32>
    %and3A_604 = arith.andi %broadcast_in_dim3A_598, %and3A_603 : vector<256x1xi32>
    %bitcast_convert_type3A_605 = tpu.bitcast %and3A_604 : vector<256x1xi32> -> vector<256x1xf32>
    %eq3A_606 = vector.broadcast %broadcast_in_dim3A_598 : vector<256x1xi32> to vector<256x1024xi32>
    %eq3A_607 = arith.cmpi eq, %select_n3A_595, %eq3A_606 : vector<256x1024xi32>
    %jit3A_608 = arith.constant 2147483647 : i32
    %broadcast_in_dim3A_609 = vector.broadcast %jit3A_608 : i32 to vector<256x1024xi32>
    %select_n3A_610 = arith.select %eq3A_607, %broadcast_in_dim3A_609, %select_n3A_595 : vector<256x1024xi1>, vector<256x1024xi32>
    %reduce_min3A_611 = arith.constant dense<2147483647> : vector<256xi32>
    %reduce_min3A_612 = vector.multi_reduction <minsi>, %select_n3A_610, %reduce_min3A_611 [1] : vector<256x1024xi32> to vector<256xi32>
    %broadcast_in_dim3A_613 = vector.shape_cast %reduce_min3A_612 : vector<256xi32> to vector<256x1xi32>
    %and3A_614 = arith.constant 1023 : i32
    %and3A_615 = vector.broadcast %and3A_614 : i32 to vector<256x1xi32>
    %and3A_616 = arith.andi %broadcast_in_dim3A_613, %and3A_615 : vector<256x1xi32>
    %and3A_617 = arith.constant -1024 : i32
    %and3A_618 = vector.broadcast %and3A_617 : i32 to vector<256x1xi32>
    %and3A_619 = arith.andi %broadcast_in_dim3A_613, %and3A_618 : vector<256x1xi32>
    %bitcast_convert_type3A_620 = tpu.bitcast %and3A_619 : vector<256x1xi32> -> vector<256x1xf32>
    %eq3A_621 = vector.broadcast %broadcast_in_dim3A_613 : vector<256x1xi32> to vector<256x1024xi32>
    %eq3A_622 = arith.cmpi eq, %select_n3A_610, %eq3A_621 : vector<256x1024xi32>
    %jit3A_623 = arith.constant 2147483647 : i32
    %broadcast_in_dim3A_624 = vector.broadcast %jit3A_623 : i32 to vector<256x1024xi32>
    %select_n3A_625 = arith.select %eq3A_622, %broadcast_in_dim3A_624, %select_n3A_610 : vector<256x1024xi1>, vector<256x1024xi32>
    %reduce_min3A_626 = arith.constant dense<2147483647> : vector<256xi32>
    %reduce_min3A_627 = vector.multi_reduction <minsi>, %select_n3A_625, %reduce_min3A_626 [1] : vector<256x1024xi32> to vector<256xi32>
    %broadcast_in_dim3A_628 = vector.shape_cast %reduce_min3A_627 : vector<256xi32> to vector<256x1xi32>
    %and3A_629 = arith.constant 1023 : i32
    %and3A_630 = vector.broadcast %and3A_629 : i32 to vector<256x1xi32>
    %and3A_631 = arith.andi %broadcast_in_dim3A_628, %and3A_630 : vector<256x1xi32>
    %and3A_632 = arith.constant -1024 : i32
    %and3A_633 = vector.broadcast %and3A_632 : i32 to vector<256x1xi32>
    %and3A_634 = arith.andi %broadcast_in_dim3A_628, %and3A_633 : vector<256x1xi32>
    %bitcast_convert_type3A_635 = tpu.bitcast %and3A_634 : vector<256x1xi32> -> vector<256x1xf32>
    %eq3A_636 = vector.broadcast %broadcast_in_dim3A_628 : vector<256x1xi32> to vector<256x1024xi32>
    %eq3A_637 = arith.cmpi eq, %select_n3A_625, %eq3A_636 : vector<256x1024xi32>
    %jit3A_638 = arith.constant 2147483647 : i32
    %broadcast_in_dim3A_639 = vector.broadcast %jit3A_638 : i32 to vector<256x1024xi32>
    %select_n3A_640 = arith.select %eq3A_637, %broadcast_in_dim3A_639, %select_n3A_625 : vector<256x1024xi1>, vector<256x1024xi32>
    %reduce_min3A_641 = arith.constant dense<2147483647> : vector<256xi32>
    %reduce_min3A_642 = vector.multi_reduction <minsi>, %select_n3A_640, %reduce_min3A_641 [1] : vector<256x1024xi32> to vector<256xi32>
    %broadcast_in_dim3A_643 = vector.shape_cast %reduce_min3A_642 : vector<256xi32> to vector<256x1xi32>
    %and3A_644 = arith.constant 1023 : i32
    %and3A_645 = vector.broadcast %and3A_644 : i32 to vector<256x1xi32>
    %and3A_646 = arith.andi %broadcast_in_dim3A_643, %and3A_645 : vector<256x1xi32>
    %and3A_647 = arith.constant -1024 : i32
    %and3A_648 = vector.broadcast %and3A_647 : i32 to vector<256x1xi32>
    %and3A_649 = arith.andi %broadcast_in_dim3A_643, %and3A_648 : vector<256x1xi32>
    %bitcast_convert_type3A_650 = tpu.bitcast %and3A_649 : vector<256x1xi32> -> vector<256x1xf32>
    %eq3A_651 = vector.broadcast %broadcast_in_dim3A_643 : vector<256x1xi32> to vector<256x1024xi32>
    %eq3A_652 = arith.cmpi eq, %select_n3A_640, %eq3A_651 : vector<256x1024xi32>
    %jit3A_653 = arith.constant 2147483647 : i32
    %broadcast_in_dim3A_654 = vector.broadcast %jit3A_653 : i32 to vector<256x1024xi32>
    %select_n3A_655 = arith.select %eq3A_652, %broadcast_in_dim3A_654, %select_n3A_640 : vector<256x1024xi1>, vector<256x1024xi32>
    %reduce_min3A_656 = arith.constant dense<2147483647> : vector<256xi32>
    %reduce_min3A_657 = vector.multi_reduction <minsi>, %select_n3A_655, %reduce_min3A_656 [1] : vector<256x1024xi32> to vector<256xi32>
    %broadcast_in_dim3A_658 = vector.shape_cast %reduce_min3A_657 : vector<256xi32> to vector<256x1xi32>
    %and3A_659 = arith.constant 1023 : i32
    %and3A_660 = vector.broadcast %and3A_659 : i32 to vector<256x1xi32>
    %and3A_661 = arith.andi %broadcast_in_dim3A_658, %and3A_660 : vector<256x1xi32>
    %and3A_662 = arith.constant -1024 : i32
    %and3A_663 = vector.broadcast %and3A_662 : i32 to vector<256x1xi32>
    %and3A_664 = arith.andi %broadcast_in_dim3A_658, %and3A_663 : vector<256x1xi32>
    %bitcast_convert_type3A_665 = tpu.bitcast %and3A_664 : vector<256x1xi32> -> vector<256x1xf32>
    %eq3A_666 = vector.broadcast %broadcast_in_dim3A_658 : vector<256x1xi32> to vector<256x1024xi32>
    %eq3A_667 = arith.cmpi eq, %select_n3A_655, %eq3A_666 : vector<256x1024xi32>
    %jit3A_668 = arith.constant 2147483647 : i32
    %broadcast_in_dim3A_669 = vector.broadcast %jit3A_668 : i32 to vector<256x1024xi32>
    %select_n3A_670 = arith.select %eq3A_667, %broadcast_in_dim3A_669, %select_n3A_655 : vector<256x1024xi1>, vector<256x1024xi32>
    %reduce_min3A_671 = arith.constant dense<2147483647> : vector<256xi32>
    %reduce_min3A_672 = vector.multi_reduction <minsi>, %select_n3A_670, %reduce_min3A_671 [1] : vector<256x1024xi32> to vector<256xi32>
    %broadcast_in_dim3A_673 = vector.shape_cast %reduce_min3A_672 : vector<256xi32> to vector<256x1xi32>
    %and3A_674 = arith.constant 1023 : i32
    %and3A_675 = vector.broadcast %and3A_674 : i32 to vector<256x1xi32>
    %and3A_676 = arith.andi %broadcast_in_dim3A_673, %and3A_675 : vector<256x1xi32>
    %and3A_677 = arith.constant -1024 : i32
    %and3A_678 = vector.broadcast %and3A_677 : i32 to vector<256x1xi32>
    %and3A_679 = arith.andi %broadcast_in_dim3A_673, %and3A_678 : vector<256x1xi32>
    %bitcast_convert_type3A_680 = tpu.bitcast %and3A_679 : vector<256x1xi32> -> vector<256x1xf32>
    %eq3A_681 = vector.broadcast %broadcast_in_dim3A_673 : vector<256x1xi32> to vector<256x1024xi32>
    %eq3A_682 = arith.cmpi eq, %select_n3A_670, %eq3A_681 : vector<256x1024xi32>
    %jit3A_683 = arith.constant 2147483647 : i32
    %broadcast_in_dim3A_684 = vector.broadcast %jit3A_683 : i32 to vector<256x1024xi32>
    %select_n3A_685 = arith.select %eq3A_682, %broadcast_in_dim3A_684, %select_n3A_670 : vector<256x1024xi1>, vector<256x1024xi32>
    %reduce_min3A_686 = arith.constant dense<2147483647> : vector<256xi32>
    %reduce_min3A_687 = vector.multi_reduction <minsi>, %select_n3A_685, %reduce_min3A_686 [1] : vector<256x1024xi32> to vector<256xi32>
    %broadcast_in_dim3A_688 = vector.shape_cast %reduce_min3A_687 : vector<256xi32> to vector<256x1xi32>
    %and3A_689 = arith.constant 1023 : i32
    %and3A_690 = vector.broadcast %and3A_689 : i32 to vector<256x1xi32>
    %and3A_691 = arith.andi %broadcast_in_dim3A_688, %and3A_690 : vector<256x1xi32>
    %and3A_692 = arith.constant -1024 : i32
    %and3A_693 = vector.broadcast %and3A_692 : i32 to vector<256x1xi32>
    %and3A_694 = arith.andi %broadcast_in_dim3A_688, %and3A_693 : vector<256x1xi32>
    %bitcast_convert_type3A_695 = tpu.bitcast %and3A_694 : vector<256x1xi32> -> vector<256x1xf32>
    %eq3A_696 = vector.broadcast %broadcast_in_dim3A_688 : vector<256x1xi32> to vector<256x1024xi32>
    %eq3A_697 = arith.cmpi eq, %select_n3A_685, %eq3A_696 : vector<256x1024xi32>
    %jit3A_698 = arith.constant 2147483647 : i32
    %broadcast_in_dim3A_699 = vector.broadcast %jit3A_698 : i32 to vector<256x1024xi32>
    %select_n3A_700 = arith.select %eq3A_697, %broadcast_in_dim3A_699, %select_n3A_685 : vector<256x1024xi1>, vector<256x1024xi32>
    %reduce_min3A_701 = arith.constant dense<2147483647> : vector<256xi32>
    %reduce_min3A_702 = vector.multi_reduction <minsi>, %select_n3A_700, %reduce_min3A_701 [1] : vector<256x1024xi32> to vector<256xi32>
    %broadcast_in_dim3A_703 = vector.shape_cast %reduce_min3A_702 : vector<256xi32> to vector<256x1xi32>
    %and3A_704 = arith.constant 1023 : i32
    %and3A_705 = vector.broadcast %and3A_704 : i32 to vector<256x1xi32>
    %and3A_706 = arith.andi %broadcast_in_dim3A_703, %and3A_705 : vector<256x1xi32>
    %and3A_707 = arith.constant -1024 : i32
    %and3A_708 = vector.broadcast %and3A_707 : i32 to vector<256x1xi32>
    %and3A_709 = arith.andi %broadcast_in_dim3A_703, %and3A_708 : vector<256x1xi32>
    %bitcast_convert_type3A_710 = tpu.bitcast %and3A_709 : vector<256x1xi32> -> vector<256x1xf32>
    %eq3A_711 = vector.broadcast %broadcast_in_dim3A_703 : vector<256x1xi32> to vector<256x1024xi32>
    %eq3A_712 = arith.cmpi eq, %select_n3A_700, %eq3A_711 : vector<256x1024xi32>
    %jit3A_713 = arith.constant 2147483647 : i32
    %broadcast_in_dim3A_714 = vector.broadcast %jit3A_713 : i32 to vector<256x1024xi32>
    %select_n3A_715 = arith.select %eq3A_712, %broadcast_in_dim3A_714, %select_n3A_700 : vector<256x1024xi1>, vector<256x1024xi32>
    %reduce_min3A_716 = arith.constant dense<2147483647> : vector<256xi32>
    %reduce_min3A_717 = vector.multi_reduction <minsi>, %select_n3A_715, %reduce_min3A_716 [1] : vector<256x1024xi32> to vector<256xi32>
    %broadcast_in_dim3A_718 = vector.shape_cast %reduce_min3A_717 : vector<256xi32> to vector<256x1xi32>
    %and3A_719 = arith.constant 1023 : i32
    %and3A_720 = vector.broadcast %and3A_719 : i32 to vector<256x1xi32>
    %and3A_721 = arith.andi %broadcast_in_dim3A_718, %and3A_720 : vector<256x1xi32>
    %and3A_722 = arith.constant -1024 : i32
    %and3A_723 = vector.broadcast %and3A_722 : i32 to vector<256x1xi32>
    %and3A_724 = arith.andi %broadcast_in_dim3A_718, %and3A_723 : vector<256x1xi32>
    %bitcast_convert_type3A_725 = tpu.bitcast %and3A_724 : vector<256x1xi32> -> vector<256x1xf32>
    %eq3A_726 = vector.broadcast %broadcast_in_dim3A_718 : vector<256x1xi32> to vector<256x1024xi32>
    %eq3A_727 = arith.cmpi eq, %select_n3A_715, %eq3A_726 : vector<256x1024xi32>
    %jit3A_728 = arith.constant 2147483647 : i32
    %broadcast_in_dim3A_729 = vector.broadcast %jit3A_728 : i32 to vector<256x1024xi32>
    %select_n3A_730 = arith.select %eq3A_727, %broadcast_in_dim3A_729, %select_n3A_715 : vector<256x1024xi1>, vector<256x1024xi32>
    %reduce_min3A_731 = arith.constant dense<2147483647> : vector<256xi32>
    %reduce_min3A_732 = vector.multi_reduction <minsi>, %select_n3A_730, %reduce_min3A_731 [1] : vector<256x1024xi32> to vector<256xi32>
    %broadcast_in_dim3A_733 = vector.shape_cast %reduce_min3A_732 : vector<256xi32> to vector<256x1xi32>
    %and3A_734 = arith.constant 1023 : i32
    %and3A_735 = vector.broadcast %and3A_734 : i32 to vector<256x1xi32>
    %and3A_736 = arith.andi %broadcast_in_dim3A_733, %and3A_735 : vector<256x1xi32>
    %and3A_737 = arith.constant -1024 : i32
    %and3A_738 = vector.broadcast %and3A_737 : i32 to vector<256x1xi32>
    %and3A_739 = arith.andi %broadcast_in_dim3A_733, %and3A_738 : vector<256x1xi32>
    %bitcast_convert_type3A_740 = tpu.bitcast %and3A_739 : vector<256x1xi32> -> vector<256x1xf32>
    %eq3A_741 = vector.broadcast %broadcast_in_dim3A_733 : vector<256x1xi32> to vector<256x1024xi32>
    %eq3A_742 = arith.cmpi eq, %select_n3A_730, %eq3A_741 : vector<256x1024xi32>
    %jit3A_743 = arith.constant 2147483647 : i32
    %broadcast_in_dim3A_744 = vector.broadcast %jit3A_743 : i32 to vector<256x1024xi32>
    %select_n3A_745 = arith.select %eq3A_742, %broadcast_in_dim3A_744, %select_n3A_730 : vector<256x1024xi1>, vector<256x1024xi32>
    %reduce_min3A_746 = arith.constant dense<2147483647> : vector<256xi32>
    %reduce_min3A_747 = vector.multi_reduction <minsi>, %select_n3A_745, %reduce_min3A_746 [1] : vector<256x1024xi32> to vector<256xi32>
    %broadcast_in_dim3A_748 = vector.shape_cast %reduce_min3A_747 : vector<256xi32> to vector<256x1xi32>
    %and3A_749 = arith.constant 1023 : i32
    %and3A_750 = vector.broadcast %and3A_749 : i32 to vector<256x1xi32>
    %and3A_751 = arith.andi %broadcast_in_dim3A_748, %and3A_750 : vector<256x1xi32>
    %and3A_752 = arith.constant -1024 : i32
    %and3A_753 = vector.broadcast %and3A_752 : i32 to vector<256x1xi32>
    %and3A_754 = arith.andi %broadcast_in_dim3A_748, %and3A_753 : vector<256x1xi32>
    %bitcast_convert_type3A_755 = tpu.bitcast %and3A_754 : vector<256x1xi32> -> vector<256x1xf32>
    %eq3A_756 = vector.broadcast %broadcast_in_dim3A_748 : vector<256x1xi32> to vector<256x1024xi32>
    %eq3A_757 = arith.cmpi eq, %select_n3A_745, %eq3A_756 : vector<256x1024xi32>
    %jit3A_758 = arith.constant 2147483647 : i32
    %broadcast_in_dim3A_759 = vector.broadcast %jit3A_758 : i32 to vector<256x1024xi32>
    %select_n3A_760 = arith.select %eq3A_757, %broadcast_in_dim3A_759, %select_n3A_745 : vector<256x1024xi1>, vector<256x1024xi32>
    %reduce_min3A_761 = arith.constant dense<2147483647> : vector<256xi32>
    %reduce_min3A_762 = vector.multi_reduction <minsi>, %select_n3A_760, %reduce_min3A_761 [1] : vector<256x1024xi32> to vector<256xi32>
    %broadcast_in_dim3A_763 = vector.shape_cast %reduce_min3A_762 : vector<256xi32> to vector<256x1xi32>
    %and3A_764 = arith.constant 1023 : i32
    %and3A_765 = vector.broadcast %and3A_764 : i32 to vector<256x1xi32>
    %and3A_766 = arith.andi %broadcast_in_dim3A_763, %and3A_765 : vector<256x1xi32>
    %and3A_767 = arith.constant -1024 : i32
    %and3A_768 = vector.broadcast %and3A_767 : i32 to vector<256x1xi32>
    %and3A_769 = arith.andi %broadcast_in_dim3A_763, %and3A_768 : vector<256x1xi32>
    %bitcast_convert_type3A_770 = tpu.bitcast %and3A_769 : vector<256x1xi32> -> vector<256x1xf32>
    %concatenate3A = tpu.concatenate %and3A_62, %and3A_76, %and3A_91, %and3A_106, %and3A_121, %and3A_136, %and3A_151, %and3A_166, %and3A_181, %and3A_196, %and3A_211, %and3A_226, %and3A_241, %and3A_256, %and3A_271, %and3A_286, %and3A_301, %and3A_316, %and3A_331, %and3A_346, %and3A_361, %and3A_376, %and3A_391, %and3A_406, %and3A_421, %and3A_436, %and3A_451, %and3A_466, %and3A_481, %and3A_496, %and3A_511, %and3A_526, %and3A_541, %and3A_556, %and3A_571, %and3A_586, %and3A_601, %and3A_616, %and3A_631, %and3A_646, %and3A_661, %and3A_676, %and3A_691, %and3A_706, %and3A_721, %and3A_736, %and3A_751, %and3A_766 in 1 : vector<256x1xi32>, vector<256x1xi32>, vector<256x1xi32>, vector<256x1xi32>, vector<256x1xi32>, vector<256x1xi32>, vector<256x1xi32>, vector<256x1xi32>, vector<256x1xi32>, vector<256x1xi32>, vector<256x1xi32>, vector<256x1xi32>, vector<256x1xi32>, vector<256x1xi32>, vector<256x1xi32>, vector<256x1xi32>, vector<256x1xi32>, vector<256x1xi32>, vector<256x1xi32>, vector<256x1xi32>, vector<256x1xi32>, vector<256x1xi32>, vector<256x1xi32>, vector<256x1xi32>, vector<256x1xi32>, vector<256x1xi32>, vector<256x1xi32>, vector<256x1xi32>, vector<256x1xi32>, vector<256x1xi32>, vector<256x1xi32>, vector<256x1xi32>, vector<256x1xi32>, vector<256x1xi32>, vector<256x1xi32>, vector<256x1xi32>, vector<256x1xi32>, vector<256x1xi32>, vector<256x1xi32>, vector<256x1xi32>, vector<256x1xi32>, vector<256x1xi32>, vector<256x1xi32>, vector<256x1xi32>, vector<256x1xi32>, vector<256x1xi32>, vector<256x1xi32>, vector<256x1xi32> -> vector<256x48xi32>
    %concatenate3A_771 = tpu.concatenate %bitcast_convert_type3A_66, %bitcast_convert_type3A_80, %bitcast_convert_type3A_95, %bitcast_convert_type3A_110, %bitcast_convert_type3A_125, %bitcast_convert_type3A_140, %bitcast_convert_type3A_155, %bitcast_convert_type3A_170, %bitcast_convert_type3A_185, %bitcast_convert_type3A_200, %bitcast_convert_type3A_215, %bitcast_convert_type3A_230, %bitcast_convert_type3A_245, %bitcast_convert_type3A_260, %bitcast_convert_type3A_275, %bitcast_convert_type3A_290, %bitcast_convert_type3A_305, %bitcast_convert_type3A_320, %bitcast_convert_type3A_335, %bitcast_convert_type3A_350, %bitcast_convert_type3A_365, %bitcast_convert_type3A_380, %bitcast_convert_type3A_395, %bitcast_convert_type3A_410, %bitcast_convert_type3A_425, %bitcast_convert_type3A_440, %bitcast_convert_type3A_455, %bitcast_convert_type3A_470, %bitcast_convert_type3A_485, %bitcast_convert_type3A_500, %bitcast_convert_type3A_515, %bitcast_convert_type3A_530, %bitcast_convert_type3A_545, %bitcast_convert_type3A_560, %bitcast_convert_type3A_575, %bitcast_convert_type3A_590, %bitcast_convert_type3A_605, %bitcast_convert_type3A_620, %bitcast_convert_type3A_635, %bitcast_convert_type3A_650, %bitcast_convert_type3A_665, %bitcast_convert_type3A_680, %bitcast_convert_type3A_695, %bitcast_convert_type3A_710, %bitcast_convert_type3A_725, %bitcast_convert_type3A_740, %bitcast_convert_type3A_755, %bitcast_convert_type3A_770 in 1 : vector<256x1xf32>, vector<256x1xf32>, vector<256x1xf32>, vector<256x1xf32>, vector<256x1xf32>, vector<256x1xf32>, vector<256x1xf32>, vector<256x1xf32>, vector<256x1xf32>, vector<256x1xf32>, vector<256x1xf32>, vector<256x1xf32>, vector<256x1xf32>, vector<256x1xf32>, vector<256x1xf32>, vector<256x1xf32>, vector<256x1xf32>, vector<256x1xf32>, vector<256x1xf32>, vector<256x1xf32>, vector<256x1xf32>, vector<256x1xf32>, vector<256x1xf32>, vector<256x1xf32>, vector<256x1xf32>, vector<256x1xf32>, vector<256x1xf32>, vector<256x1xf32>, vector<256x1xf32>, vector<256x1xf32>, vector<256x1xf32>, vector<256x1xf32>, vector<256x1xf32>, vector<256x1xf32>, vector<256x1xf32>, vector<256x1xf32>, vector<256x1xf32>, vector<256x1xf32>, vector<256x1xf32>, vector<256x1xf32>, vector<256x1xf32>, vector<256x1xf32>, vector<256x1xf32>, vector<256x1xf32>, vector<256x1xf32>, vector<256x1xf32>, vector<256x1xf32>, vector<256x1xf32> -> vector<256x48xf32>
    %add3A_772 = arith.constant 9.99999997E-7 : f32
    %add3A_773 = vector.broadcast %add3A_772 : f32 to vector<256x48xf32>
    %add3A_774 = arith.addf %concatenate3A_771, %add3A_773 : vector<256x48xf32>
    %sqrt3A = math.sqrt %add3A_774 : vector<256x48xf32>
    %add3A_775 = vector.broadcast %mul3A_16 : i32 to vector<256x48xi32>
    %add3A_776 = arith.addi %concatenate3A, %add3A_775 : vector<256x48xi32>
    %swap3A = arith.constant 0 : index
    %swap3A_777 = arith.constant 0 : index
    %swap3A_778 = vector.load %arg6[%swap3A, %swap3A_777] : memref<256x48xi32, #tpu.memory_space<vmem>>, vector<256x48xi32>
    tpu.vector_store %arg6[%swap3A, %swap3A_777], %add3A_776 {strides = array<i32>} : memref<256x48xi32, #tpu.memory_space<vmem>>, vector<256x48xi32>,
    %iota3A_779 = tpu.iota {dimensions = array<i32: 2>} : vector<256x48x16xi32>
    %convert_element_type3A = arith.sitofp %iota3A_779 : vector<256x48x16xi32> to vector<256x48x16xf32>
    %mul3A_780 = arith.constant 1.33333337 : f32
    %mul3A_781 = vector.broadcast %mul3A_780 : f32 to vector<256x48x16xf32>
    %mul3A_782 = arith.mulf %mul3A_781, %convert_element_type3A : vector<256x48x16xf32>
    %add3A_783 = arith.constant 2.000000e+00 : f32
    %add3A_784 = vector.broadcast %add3A_783 : f32 to vector<256x48x16xf32>
    %add3A_785 = arith.addf %add3A_784, %mul3A_782 : vector<256x48x16xf32>
    %broadcast_in_dim3A_786 = vector.shape_cast %sqrt3A : vector<256x48xf32> to vector<256x48x1xf32>
    %sub3A_787 = vector.broadcast %broadcast_in_dim3A_786 : vector<256x48x1xf32> to vector<256x48x16xf32>
    %sub3A_788 = arith.subf %sub3A_787, %add3A_785 : vector<256x48x16xf32>
    %mul3A_789 = arith.constant 8.000000e-01 : f32
    %mul3A_790 = vector.broadcast %mul3A_789 : f32 to vector<256x48x16xf32>
    %mul3A_791 = arith.mulf %sub3A_788, %mul3A_790 : vector<256x48x16xf32>
    %mul3A_792 = arith.mulf %mul3A_791, %mul3A_791 : vector<256x48x16xf32>
    %neg3A = arith.constant 0.000000e+00 : f32
    %neg3A_793 = vector.broadcast %neg3A : f32 to vector<256x48x16xf32>
    %neg3A_794 = arith.subf %neg3A_793, %mul3A_792 : vector<256x48x16xf32>
    %exp3A = math.exp %neg3A_794 : vector<256x48x16xf32>
    %swap3A_795 = arith.constant 0 : index
    %swap3A_796 = arith.constant 0 : index
    %swap3A_797 = arith.constant 0 : index
    %swap3A_798 = vector.load %arg7[%swap3A_795, %swap3A_796, %swap3A_797] : memref<256x48x16xf32, #tpu.memory_space<vmem>>, vector<256x48x16xf32>
    tpu.vector_store %arg7[%swap3A_795, %swap3A_796, %swap3A_797], %exp3A {strides = array<i32>} : memref<256x48x16xf32, #tpu.memory_space<vmem>>, vector<256x48x16xf32>,
    %get3A_799 = arith.constant 0 : index
    %get3A_800 = arith.constant 0 : index
    %get3A_801 = vector.load %arg3[%get3A_799, %get3A_800] : memref<256x1xi32, #tpu.memory_space<vmem>>, vector<256x1xi32>
    %iota3A_802 = tpu.iota {dimensions = array<i32: 1>} : vector<256x32xi32>
    %eq3A_803 = vector.broadcast %get3A_801 : vector<256x1xi32> to vector<256x32xi32>
    %eq3A_804 = arith.cmpi eq, %eq3A_803, %iota3A_802 : vector<256x32xi32>
    %jit3A_805 = arith.constant 1.000000e+00 : f32
    %jit3A_806 = arith.constant 0.000000e+00 : f32
    %broadcast_in_dim3A_807 = vector.broadcast %jit3A_805 : f32 to vector<256x32xf32>
    %broadcast_in_dim3A_808 = vector.broadcast %jit3A_806 : f32 to vector<256x32xf32>
    %select_n3A_809 = arith.select %eq3A_804, %broadcast_in_dim3A_807, %broadcast_in_dim3A_808 : vector<256x32xi1>, vector<256x32xf32>
    %get3A_810 = arith.constant 0 : index
    %get3A_811 = arith.constant 0 : index
    %get3A_812 = vector.load %arg4[%get3A_810, %get3A_811] : memref<32x128xf32, #tpu.memory_space<vmem>>, vector<32x128xf32>
    %dot_general3A = arith.constant dense<0.000000e+00> : vector<256x128xf32>
    %dot_general3A_813 = tpu.matmul %select_n3A_809, %get3A_812, %dot_general3A {dimension_numbers = #tpu.dot_dimension_numbers<[1], [0], [0], [1], [0, 0, 1, 1], [], []>, precision = #tpu.contract_precision<fp32>, transpose_lhs_hint = false} : vector<256x32xf32>, vector<32x128xf32>, vector<256x128xf32> -> vector<256x128xf32>
    %swap3A_814 = arith.constant 0 : index
    %swap3A_815 = arith.constant 0 : index
    %swap3A_816 = vector.load %arg8[%swap3A_814, %swap3A_815] : memref<256x128xf32, #tpu.memory_space<vmem>>, vector<256x128xf32>
    tpu.vector_store %arg8[%swap3A_814, %swap3A_815], %dot_general3A_813 {strides = array<i32>} : memref<256x128xf32, #tpu.memory_space<vmem>>, vector<256x128xf32>,
    %get3A_817 = arith.constant 0 : index
    %get3A_818 = arith.constant 0 : index
    %get3A_819 = arith.constant 0 : index
    %get3A_820 = vector.load %arg5[%get3A_817, %get3A_818, %get3A_819] : memref<1x256x128xf32, #tpu.memory_space<vmem>>, vector<1x256x128xf32>
    %get3A_821 = vector.shape_cast %get3A_820 : vector<1x256x128xf32> to vector<256x128xf32>
    %slice3A = vector.extract_strided_slice %get3A_821 {offsets = [0, 0], sizes = [128, 128], strides = [1, 1]} : vector<256x128xf32> to vector<128x128xf32>
    %dot_general3A_822 = arith.constant dense<0.000000e+00> : vector<256x128xf32>
    %dot_general3A_823 = tpu.matmul %dot_general3A_813, %slice3A, %dot_general3A_822 {dimension_numbers = #tpu.dot_dimension_numbers<[1], [0], [0], [1], [0, 0, 1, 1], [], []>, precision = #tpu.contract_precision<fp32>, transpose_lhs_hint = false} : vector<256x128xf32>, vector<128x128xf32>, vector<256x128xf32> -> vector<256x128xf32>
    %swap3A_824 = arith.constant 0 : index
    %swap3A_825 = arith.constant 0 : index
    %swap3A_826 = vector.load %arg9[%swap3A_824, %swap3A_825] : memref<256x128xf32, #tpu.memory_space<vmem>>, vector<256x128xf32>
    tpu.vector_store %arg9[%swap3A_824, %swap3A_825], %dot_general3A_823 {strides = array<i32>} : memref<256x128xf32, #tpu.memory_space<vmem>>, vector<256x128xf32>,
    %slice3A_827 = vector.extract_strided_slice %get3A_821 {offsets = [128, 0], sizes = [128, 128], strides = [1, 1]} : vector<256x128xf32> to vector<128x128xf32>
    %dot_general3A_828 = arith.constant dense<0.000000e+00> : vector<256x128xf32>
    %dot_general3A_829 = tpu.matmul %dot_general3A_813, %slice3A_827, %dot_general3A_828 {dimension_numbers = #tpu.dot_dimension_numbers<[1], [0], [0], [1], [0, 0, 1, 1], [], []>, precision = #tpu.contract_precision<fp32>, transpose_lhs_hint = false} : vector<256x128xf32>, vector<128x128xf32>, vector<256x128xf32> -> vector<256x128xf32>
    %swap3A_830 = arith.constant 0 : index
    %swap3A_831 = arith.constant 0 : index
    %swap3A_832 = vector.load %arg10[%swap3A_830, %swap3A_831] : memref<256x128xf32, #tpu.memory_space<vmem>>, vector<256x128xf32>
    tpu.vector_store %arg10[%swap3A_830, %swap3A_831], %dot_general3A_829 {strides = array<i32>} : memref<256x128xf32, #tpu.memory_space<vmem>>, vector<256x128xf32>,
    return
  }
  func.func @transform_0(%arg0: i32) -> (i32, i32) {
    %c0_i32 = arith.constant 0 : i32
    %c0_i32_0 = arith.constant 0 : i32
    return %arg0, %c0_i32 : i32, i32
  }
  func.func @transform_1(%arg0: i32) -> (i32, i32, i32) {
    %jit3A = arith.constant 4 : i32
    %div3A = arith.divsi %arg0, %jit3A : i32
    %sign3A = arith.constant 0 : i32
    %sign3A_0 = arith.cmpi sgt, %arg0, %sign3A : i32
    %sign3A_1 = arith.extui %sign3A_0 : i1 to i32
    %sign3A_2 = arith.constant 0 : i32
    %sign3A_3 = arith.cmpi slt, %arg0, %sign3A_2 : i32
    %sign3A_4 = arith.extui %sign3A_3 : i1 to i32
    %sign3A_5 = arith.subi %sign3A_1, %sign3A_4 : i32
    %sign3A_6 = arith.constant 0 : i32
    %sign3A_7 = arith.cmpi sgt, %jit3A, %sign3A_6 : i32
    %sign3A_8 = arith.extui %sign3A_7 : i1 to i32
    %sign3A_9 = arith.constant 0 : i32
    %sign3A_10 = arith.cmpi slt, %jit3A, %sign3A_9 : i32
    %sign3A_11 = arith.extui %sign3A_10 : i1 to i32
    %sign3A_12 = arith.subi %sign3A_8, %sign3A_11 : i32
    %ne3A = arith.cmpi ne, %sign3A_5, %sign3A_12 : i32
    %rem3A = arith.remsi %arg0, %jit3A : i32
    %ne3A_13 = arith.constant 0 : i32
    %ne3A_14 = arith.cmpi ne, %rem3A, %ne3A_13 : i32
    %and3A = arith.andi %ne3A, %ne3A_14 : i1
    %sub3A = arith.constant 1 : i32
    %sub3A_15 = arith.subi %div3A, %sub3A : i32
    %select_n3A = arith.select %and3A, %sub3A_15, %div3A : i32
    %c0_i32 = arith.constant 0 : i32
    %c0_i32_16 = arith.constant 0 : i32
    %c0_i32_17 = arith.constant 0 : i32
    return %select_n3A, %c0_i32, %c0_i32_16 : i32, i32, i32
  }
  func.func @transform_2(%arg0: i32) -> (i32, i32) {
    %c0_i32 = arith.constant 0 : i32
    %c0_i32_0 = arith.constant 0 : i32
    return %arg0, %c0_i32 : i32, i32
  }
  func.func @transform_3(%arg0: i32) -> (i32, i32) {
    %c0_i32 = arith.constant 0 : i32
    %c0_i32_0 = arith.constant 0 : i32
    %c0_i32_1 = arith.constant 0 : i32
    return %c0_i32, %c0_i32_0 : i32, i32
  }
  func.func @transform_4(%arg0: i32) -> (i32, i32, i32) {
    %c0_i32 = arith.constant 0 : i32
    %c0_i32_0 = arith.constant 0 : i32
    %c0_i32_1 = arith.constant 0 : i32
    %c0_i32_2 = arith.constant 0 : i32
    return %c0_i32, %c0_i32_0, %c0_i32_1 : i32, i32, i32
  }
  func.func @transform_5(%arg0: i32) -> (i32, i32) {
    %c0_i32 = arith.constant 0 : i32
    %c0_i32_0 = arith.constant 0 : i32
    return %arg0, %c0_i32 : i32, i32
  }
  func.func @transform_6(%arg0: i32) -> (i32, i32, i32) {
    %c0_i32 = arith.constant 0 : i32
    %c0_i32_0 = arith.constant 0 : i32
    %c0_i32_1 = arith.constant 0 : i32
    return %arg0, %c0_i32, %c0_i32_0 : i32, i32, i32
  }
  func.func @transform_7(%arg0: i32) -> (i32, i32) {
    %c0_i32 = arith.constant 0 : i32
    %c0_i32_0 = arith.constant 0 : i32
    return %arg0, %c0_i32 : i32, i32
  }
  func.func @transform_8(%arg0: i32) -> (i32, i32) {
    %c0_i32 = arith.constant 0 : i32
    %c0_i32_0 = arith.constant 0 : i32
    return %arg0, %c0_i32 : i32, i32
  }
  func.func @transform_9(%arg0: i32) -> (i32, i32) {
    %c0_i32 = arith.constant 0 : i32
    %c0_i32_0 = arith.constant 0 : i32
    return %arg0, %c0_i32 : i32, i32
  }
}

module attributes {stable_mosaic.version = 14 : i64} {
  func.func @_combine_body(%arg0: i32, %arg1: memref<6144x128xf32, #tpu.memory_space<vmem>>, %arg2: memref<128x48x16xf32, #tpu.memory_space<vmem>>, %arg3: memref<128x128xf32, #tpu.memory_space<vmem>>, %arg4: memref<128x128xf32, #tpu.memory_space<vmem>>, %arg5: memref<16x128xf32, #tpu.memory_space<vmem>>, %arg6: memref<1x128x128xf32, #tpu.memory_space<vmem>>, %arg7: memref<1x128x128xf32, #tpu.memory_space<vmem>>, %arg8: memref<1x256x128xf32, #tpu.memory_space<vmem>>, %arg9: memref<128x128xf32, #tpu.memory_space<vmem>>, %arg10: memref<128x128xf32, #tpu.memory_space<vmem>>, %arg11: memref<128x128xf32, #tpu.memory_space<vmem>>) attributes {dimension_semantics = [#tpu.dimension_semantics<arbitrary>], iteration_bounds = array<i64: 32>, scalar_prefetch = 0 : i64, scratch_operands = 0 : i64, tpu.core_type = #tpu.core_type<tc>, window_params = [{transform_indices = @transform_0, window_bounds = array<i64: 6144, 128>}, {transform_indices = @transform_1, window_bounds = array<i64: 128, 48, 16>}, {transform_indices = @transform_2, window_bounds = array<i64: 128, 128>}, {transform_indices = @transform_3, window_bounds = array<i64: 128, 128>}, {pipeline_mode = #tpu.pipeline_mode<synchronous>, transform_indices = @transform_4, window_bounds = array<i64: 16, 128>}, {transform_indices = @transform_5, window_bounds = array<i64: 1, 128, 128>}, {transform_indices = @transform_6, window_bounds = array<i64: 1, 128, 128>}, {transform_indices = @transform_7, window_bounds = array<i64: 1, 256, 128>}, {transform_indices = @transform_8, window_bounds = array<i64: 128, 128>}, {transform_indices = @transform_9, window_bounds = array<i64: 128, 128>}, {transform_indices = @transform_10, window_bounds = array<i64: 128, 128>}]} {
    %get3A = arith.constant 0 : index
    %get3A_0 = arith.constant 0 : index
    %get3A_1 = vector.load %arg5[%get3A, %get3A_0] : memref<16x128xf32, #tpu.memory_space<vmem>>, vector<16x128xf32>
    %get3A_2 = arith.constant 0 : index
    %get3A_3 = arith.constant 0 : index
    %get3A_4 = arith.constant 0 : index
    %get3A_5 = vector.load %arg6[%get3A_2, %get3A_3, %get3A_4] : memref<1x128x128xf32, #tpu.memory_space<vmem>>, vector<1x128x128xf32>
    %get3A_6 = vector.shape_cast %get3A_5 : vector<1x128x128xf32> to vector<128x128xf32>
    %dot_general3A = arith.constant dense<0.000000e+00> : vector<16x128xf32>
    %dot_general3A_7 = tpu.matmul %get3A_1, %get3A_6, %dot_general3A {dimension_numbers = #tpu.dot_dimension_numbers<[1], [0], [0], [1], [0, 0, 1, 1], [], []>, precision = #tpu.contract_precision<fp32>, transpose_lhs_hint = false} : vector<16x128xf32>, vector<128x128xf32>, vector<16x128xf32> -> vector<16x128xf32>
    %get3A_8 = arith.constant 0 : index
    %get3A_9 = arith.constant 0 : index
    %get3A_10 = arith.constant 0 : index
    %get3A_11 = vector.load %arg2[%get3A_8, %get3A_9, %get3A_10] : memref<128x48x16xf32, #tpu.memory_space<vmem>>, vector<128x48x16xf32>
    %reshape3A = vector.shape_cast %get3A_11 : vector<128x48x16xf32> to vector<6144x16xf32>
    %convert_element_type3A = arith.truncf %reshape3A : vector<6144x16xf32> to vector<6144x16xbf16>
    %convert_element_type3A_12 = arith.truncf %dot_general3A_7 : vector<16x128xf32> to vector<16x128xbf16>
    %dot_general3A_13 = arith.constant dense<0.000000e+00> : vector<6144x128xf32>
    %dot_general3A_14 = tpu.matmul %convert_element_type3A, %convert_element_type3A_12, %dot_general3A_13 {dimension_numbers = #tpu.dot_dimension_numbers<[1], [0], [0], [1], [0, 0, 1, 1], [], []>, transpose_lhs_hint = false} : vector<6144x16xbf16>, vector<16x128xbf16>, vector<6144x128xf32> -> vector<6144x128xf32>
    %get3A_15 = arith.constant 0 : index
    %get3A_16 = arith.constant 0 : index
    %get3A_17 = vector.load %arg1[%get3A_15, %get3A_16] : memref<6144x128xf32, #tpu.memory_space<vmem>>, vector<6144x128xf32>
    %add3A = arith.addf %get3A_17, %dot_general3A_14 : vector<6144x128xf32>
    %reshape3A_18 = vector.shape_cast %add3A : vector<6144x128xf32> to vector<128x48x128xf32>
    %get3A_19 = arith.constant 0 : index
    %get3A_20 = arith.constant 0 : index
    %get3A_21 = vector.load %arg3[%get3A_19, %get3A_20] : memref<128x128xf32, #tpu.memory_space<vmem>>, vector<128x128xf32>
    %broadcast_in_dim3A = vector.shape_cast %get3A_21 : vector<128x128xf32> to vector<128x1x128xf32>
    %add3A_22 = vector.broadcast %broadcast_in_dim3A : vector<128x1x128xf32> to vector<128x48x128xf32>
    %add3A_23 = arith.addf %reshape3A_18, %add3A_22 : vector<128x48x128xf32>
    %max3A = arith.constant 0.000000e+00 : f32
    %max3A_24 = vector.broadcast %max3A : f32 to vector<128x48x128xf32>
    %max3A_25 = arith.maximumf %add3A_23, %max3A_24 : vector<128x48x128xf32>
    %reduce_sum3A = arith.constant dense<0.000000e+00> : vector<128x128xf32>
    %reduce_sum3A_26 = vector.multi_reduction <add>, %max3A_25, %reduce_sum3A [1] : vector<128x48x128xf32> to vector<128x128xf32>
    %mul3A = arith.constant 0.020833334 : f32
    %mul3A_27 = vector.broadcast %mul3A : f32 to vector<128x128xf32>
    %mul3A_28 = arith.mulf %reduce_sum3A_26, %mul3A_27 : vector<128x128xf32>
    %get3A_29 = arith.constant 0 : index
    %get3A_30 = arith.constant 0 : index
    %get3A_31 = vector.load %arg4[%get3A_29, %get3A_30] : memref<128x128xf32, #tpu.memory_space<vmem>>, vector<128x128xf32>
    %get3A_32 = arith.constant 0 : index
    %get3A_33 = arith.constant 0 : index
    %get3A_34 = arith.constant 0 : index
    %get3A_35 = vector.load %arg7[%get3A_32, %get3A_33, %get3A_34] : memref<1x128x128xf32, #tpu.memory_space<vmem>>, vector<1x128x128xf32>
    %get3A_36 = vector.shape_cast %get3A_35 : vector<1x128x128xf32> to vector<128x128xf32>
    %dot_general3A_37 = arith.constant dense<0.000000e+00> : vector<128x128xf32>
    %dot_general3A_38 = tpu.matmul %mul3A_28, %get3A_36, %dot_general3A_37 {dimension_numbers = #tpu.dot_dimension_numbers<[1], [0], [0], [1], [0, 0, 1, 1], [], []>, precision = #tpu.contract_precision<fp32>, transpose_lhs_hint = false} : vector<128x128xf32>, vector<128x128xf32>, vector<128x128xf32> -> vector<128x128xf32>
    %add3A_39 = arith.addf %get3A_31, %dot_general3A_38 : vector<128x128xf32>
    %reduce_sum3A_40 = arith.constant dense<0.000000e+00> : vector<128xf32>
    %reduce_sum3A_41 = vector.multi_reduction <add>, %add3A_39, %reduce_sum3A_40 [1] : vector<128x128xf32> to vector<128xf32>
    %broadcast_in_dim3A_42 = vector.shape_cast %reduce_sum3A_41 : vector<128xf32> to vector<128x1xf32>
    %div3A = arith.constant 1.280000e+02 : f32
    %div3A_43 = vector.broadcast %div3A : f32 to vector<128x1xf32>
    %div3A_44 = arith.divf %broadcast_in_dim3A_42, %div3A_43 : vector<128x1xf32>
    %sub3A = vector.broadcast %div3A_44 : vector<128x1xf32> to vector<128x128xf32>
    %sub3A_45 = arith.subf %add3A_39, %sub3A : vector<128x128xf32>
    %mul3A_46 = arith.mulf %sub3A_45, %sub3A_45 : vector<128x128xf32>
    %reduce_sum3A_47 = arith.constant dense<0.000000e+00> : vector<128xf32>
    %reduce_sum3A_48 = vector.multi_reduction <add>, %mul3A_46, %reduce_sum3A_47 [1] : vector<128x128xf32> to vector<128xf32>
    %broadcast_in_dim3A_49 = vector.shape_cast %reduce_sum3A_48 : vector<128xf32> to vector<128x1xf32>
    %div3A_50 = arith.constant 1.280000e+02 : f32
    %div3A_51 = vector.broadcast %div3A_50 : f32 to vector<128x1xf32>
    %div3A_52 = arith.divf %broadcast_in_dim3A_49, %div3A_51 : vector<128x1xf32>
    %add3A_53 = arith.constant 9.99999974E-6 : f32
    %add3A_54 = vector.broadcast %add3A_53 : f32 to vector<128x1xf32>
    %add3A_55 = arith.addf %div3A_52, %add3A_54 : vector<128x1xf32>
    %sqrt3A = math.sqrt %add3A_55 : vector<128x1xf32>
    %div3A_56 = vector.broadcast %sqrt3A : vector<128x1xf32> to vector<128x128xf32>
    %div3A_57 = arith.divf %sub3A_45, %div3A_56 : vector<128x128xf32>
    %swap3A = arith.constant 0 : index
    %swap3A_58 = arith.constant 0 : index
    %swap3A_59 = vector.load %arg9[%swap3A, %swap3A_58] : memref<128x128xf32, #tpu.memory_space<vmem>>, vector<128x128xf32>
    tpu.vector_store %arg9[%swap3A, %swap3A_58], %div3A_57 {strides = array<i32>} : memref<128x128xf32, #tpu.memory_space<vmem>>, vector<128x128xf32>,
    %get3A_60 = arith.constant 0 : index
    %get3A_61 = arith.constant 0 : index
    %get3A_62 = arith.constant 0 : index
    %get3A_63 = vector.load %arg8[%get3A_60, %get3A_61, %get3A_62] : memref<1x256x128xf32, #tpu.memory_space<vmem>>, vector<1x256x128xf32>
    %get3A_64 = vector.shape_cast %get3A_63 : vector<1x256x128xf32> to vector<256x128xf32>
    %slice3A = vector.extract_strided_slice %get3A_64 {offsets = [0, 0], sizes = [128, 128], strides = [1, 1]} : vector<256x128xf32> to vector<128x128xf32>
    %dot_general3A_65 = arith.constant dense<0.000000e+00> : vector<128x128xf32>
    %dot_general3A_66 = tpu.matmul %div3A_57, %slice3A, %dot_general3A_65 {dimension_numbers = #tpu.dot_dimension_numbers<[1], [0], [0], [1], [0, 0, 1, 1], [], []>, precision = #tpu.contract_precision<fp32>, transpose_lhs_hint = false} : vector<128x128xf32>, vector<128x128xf32>, vector<128x128xf32> -> vector<128x128xf32>
    %swap3A_67 = arith.constant 0 : index
    %swap3A_68 = arith.constant 0 : index
    %swap3A_69 = vector.load %arg10[%swap3A_67, %swap3A_68] : memref<128x128xf32, #tpu.memory_space<vmem>>, vector<128x128xf32>
    tpu.vector_store %arg10[%swap3A_67, %swap3A_68], %dot_general3A_66 {strides = array<i32>} : memref<128x128xf32, #tpu.memory_space<vmem>>, vector<128x128xf32>,
    %slice3A_70 = vector.extract_strided_slice %get3A_64 {offsets = [128, 0], sizes = [128, 128], strides = [1, 1]} : vector<256x128xf32> to vector<128x128xf32>
    %dot_general3A_71 = arith.constant dense<0.000000e+00> : vector<128x128xf32>
    %dot_general3A_72 = tpu.matmul %div3A_57, %slice3A_70, %dot_general3A_71 {dimension_numbers = #tpu.dot_dimension_numbers<[1], [0], [0], [1], [0, 0, 1, 1], [], []>, precision = #tpu.contract_precision<fp32>, transpose_lhs_hint = false} : vector<128x128xf32>, vector<128x128xf32>, vector<128x128xf32> -> vector<128x128xf32>
    %swap3A_73 = arith.constant 0 : index
    %swap3A_74 = arith.constant 0 : index
    %swap3A_75 = vector.load %arg11[%swap3A_73, %swap3A_74] : memref<128x128xf32, #tpu.memory_space<vmem>>, vector<128x128xf32>
    tpu.vector_store %arg11[%swap3A_73, %swap3A_74], %dot_general3A_72 {strides = array<i32>} : memref<128x128xf32, #tpu.memory_space<vmem>>, vector<128x128xf32>,
    return
  }
  func.func @transform_0(%arg0: i32) -> (i32, i32) {
    %c0_i32 = arith.constant 0 : i32
    %c0_i32_0 = arith.constant 0 : i32
    return %arg0, %c0_i32 : i32, i32
  }
  func.func @transform_1(%arg0: i32) -> (i32, i32, i32) {
    %add3A = arith.constant 0 : i32
    %add3A_0 = arith.addi %arg0, %add3A : i32
    %c0_i32 = arith.constant 0 : i32
    %c0_i32_1 = arith.constant 0 : i32
    %c0_i32_2 = arith.constant 0 : i32
    return %add3A_0, %c0_i32, %c0_i32_1 : i32, i32, i32
  }
  func.func @transform_2(%arg0: i32) -> (i32, i32) {
    %add3A = arith.constant 0 : i32
    %add3A_0 = arith.addi %arg0, %add3A : i32
    %c0_i32 = arith.constant 0 : i32
    %c0_i32_1 = arith.constant 0 : i32
    return %add3A_0, %c0_i32 : i32, i32
  }
  func.func @transform_3(%arg0: i32) -> (i32, i32) {
    %add3A = arith.constant 0 : i32
    %add3A_0 = arith.addi %arg0, %add3A : i32
    %c0_i32 = arith.constant 0 : i32
    %c0_i32_1 = arith.constant 0 : i32
    return %add3A_0, %c0_i32 : i32, i32
  }
  func.func @transform_4(%arg0: i32) -> (i32, i32) {
    %c0_i32 = arith.constant 0 : i32
    %c0_i32_0 = arith.constant 0 : i32
    %c0_i32_1 = arith.constant 0 : i32
    return %c0_i32, %c0_i32_0 : i32, i32
  }
  func.func @transform_5(%arg0: i32) -> (i32, i32, i32) {
    %c0_i32 = arith.constant 0 : i32
    %c2_i32 = arith.constant 2 : i32
    %c0_i32_0 = arith.constant 0 : i32
    %c0_i32_1 = arith.constant 0 : i32
    return %c0_i32, %c2_i32, %c0_i32_0 : i32, i32, i32
  }
  func.func @transform_6(%arg0: i32) -> (i32, i32, i32) {
    %c0_i32 = arith.constant 0 : i32
    %c0_i32_0 = arith.constant 0 : i32
    %c0_i32_1 = arith.constant 0 : i32
    %c0_i32_2 = arith.constant 0 : i32
    return %c0_i32, %c0_i32_0, %c0_i32_1 : i32, i32, i32
  }
  func.func @transform_7(%arg0: i32) -> (i32, i32, i32) {
    %c1_i32 = arith.constant 1 : i32
    %c0_i32 = arith.constant 0 : i32
    %c0_i32_0 = arith.constant 0 : i32
    %c0_i32_1 = arith.constant 0 : i32
    return %c1_i32, %c0_i32, %c0_i32_0 : i32, i32, i32
  }
  func.func @transform_8(%arg0: i32) -> (i32, i32) {
    %c0_i32 = arith.constant 0 : i32
    %c0_i32_0 = arith.constant 0 : i32
    return %arg0, %c0_i32 : i32, i32
  }
  func.func @transform_9(%arg0: i32) -> (i32, i32) {
    %c0_i32 = arith.constant 0 : i32
    %c0_i32_0 = arith.constant 0 : i32
    return %arg0, %c0_i32 : i32, i32
  }
  func.func @transform_10(%arg0: i32) -> (i32, i32) {
    %c0_i32 = arith.constant 0 : i32
    %c0_i32_0 = arith.constant 0 : i32
    return %arg0, %c0_i32 : i32, i32
  }
}

module attributes {stable_mosaic.version = 14 : i64} {
  func.func @_combine_body(%arg0: i32, %arg1: memref<6144x128xf32, #tpu.memory_space<vmem>>, %arg2: memref<128x48x16xf32, #tpu.memory_space<vmem>>, %arg3: memref<128x128xf32, #tpu.memory_space<vmem>>, %arg4: memref<128x128xf32, #tpu.memory_space<vmem>>, %arg5: memref<16x128xf32, #tpu.memory_space<vmem>>, %arg6: memref<1x128x128xf32, #tpu.memory_space<vmem>>, %arg7: memref<1x128x128xf32, #tpu.memory_space<vmem>>, %arg8: memref<1x256x128xf32, #tpu.memory_space<vmem>>, %arg9: memref<128x128xf32, #tpu.memory_space<vmem>>, %arg10: memref<128x128xf32, #tpu.memory_space<vmem>>, %arg11: memref<128x128xf32, #tpu.memory_space<vmem>>) attributes {dimension_semantics = [#tpu.dimension_semantics<arbitrary>], iteration_bounds = array<i64: 32>, scalar_prefetch = 0 : i64, scratch_operands = 0 : i64, tpu.core_type = #tpu.core_type<tc>, window_params = [{transform_indices = @transform_0, window_bounds = array<i64: 6144, 128>}, {transform_indices = @transform_1, window_bounds = array<i64: 128, 48, 16>}, {transform_indices = @transform_2, window_bounds = array<i64: 128, 128>}, {transform_indices = @transform_3, window_bounds = array<i64: 128, 128>}, {pipeline_mode = #tpu.pipeline_mode<synchronous>, transform_indices = @transform_4, window_bounds = array<i64: 16, 128>}, {transform_indices = @transform_5, window_bounds = array<i64: 1, 128, 128>}, {transform_indices = @transform_6, window_bounds = array<i64: 1, 128, 128>}, {transform_indices = @transform_7, window_bounds = array<i64: 1, 256, 128>}, {transform_indices = @transform_8, window_bounds = array<i64: 128, 128>}, {transform_indices = @transform_9, window_bounds = array<i64: 128, 128>}, {transform_indices = @transform_10, window_bounds = array<i64: 128, 128>}]} {
    %get3A = arith.constant 0 : index
    %get3A_0 = arith.constant 0 : index
    %get3A_1 = vector.load %arg5[%get3A, %get3A_0] : memref<16x128xf32, #tpu.memory_space<vmem>>, vector<16x128xf32>
    %get3A_2 = arith.constant 0 : index
    %get3A_3 = arith.constant 0 : index
    %get3A_4 = arith.constant 0 : index
    %get3A_5 = vector.load %arg6[%get3A_2, %get3A_3, %get3A_4] : memref<1x128x128xf32, #tpu.memory_space<vmem>>, vector<1x128x128xf32>
    %get3A_6 = vector.shape_cast %get3A_5 : vector<1x128x128xf32> to vector<128x128xf32>
    %dot_general3A = arith.constant dense<0.000000e+00> : vector<16x128xf32>
    %dot_general3A_7 = tpu.matmul %get3A_1, %get3A_6, %dot_general3A {dimension_numbers = #tpu.dot_dimension_numbers<[1], [0], [0], [1], [0, 0, 1, 1], [], []>, precision = #tpu.contract_precision<fp32>, transpose_lhs_hint = false} : vector<16x128xf32>, vector<128x128xf32>, vector<16x128xf32> -> vector<16x128xf32>
    %get3A_8 = arith.constant 0 : index
    %get3A_9 = arith.constant 0 : index
    %get3A_10 = arith.constant 0 : index
    %get3A_11 = vector.load %arg2[%get3A_8, %get3A_9, %get3A_10] : memref<128x48x16xf32, #tpu.memory_space<vmem>>, vector<128x48x16xf32>
    %reshape3A = vector.shape_cast %get3A_11 : vector<128x48x16xf32> to vector<6144x16xf32>
    %convert_element_type3A = arith.truncf %reshape3A : vector<6144x16xf32> to vector<6144x16xbf16>
    %convert_element_type3A_12 = arith.truncf %dot_general3A_7 : vector<16x128xf32> to vector<16x128xbf16>
    %dot_general3A_13 = arith.constant dense<0.000000e+00> : vector<6144x128xf32>
    %dot_general3A_14 = tpu.matmul %convert_element_type3A, %convert_element_type3A_12, %dot_general3A_13 {dimension_numbers = #tpu.dot_dimension_numbers<[1], [0], [0], [1], [0, 0, 1, 1], [], []>, transpose_lhs_hint = false} : vector<6144x16xbf16>, vector<16x128xbf16>, vector<6144x128xf32> -> vector<6144x128xf32>
    %get3A_15 = arith.constant 0 : index
    %get3A_16 = arith.constant 0 : index
    %get3A_17 = vector.load %arg1[%get3A_15, %get3A_16] : memref<6144x128xf32, #tpu.memory_space<vmem>>, vector<6144x128xf32>
    %add3A = arith.addf %get3A_17, %dot_general3A_14 : vector<6144x128xf32>
    %reshape3A_18 = vector.shape_cast %add3A : vector<6144x128xf32> to vector<128x48x128xf32>
    %get3A_19 = arith.constant 0 : index
    %get3A_20 = arith.constant 0 : index
    %get3A_21 = vector.load %arg3[%get3A_19, %get3A_20] : memref<128x128xf32, #tpu.memory_space<vmem>>, vector<128x128xf32>
    %broadcast_in_dim3A = vector.shape_cast %get3A_21 : vector<128x128xf32> to vector<128x1x128xf32>
    %add3A_22 = vector.broadcast %broadcast_in_dim3A : vector<128x1x128xf32> to vector<128x48x128xf32>
    %add3A_23 = arith.addf %reshape3A_18, %add3A_22 : vector<128x48x128xf32>
    %max3A = arith.constant 0.000000e+00 : f32
    %max3A_24 = vector.broadcast %max3A : f32 to vector<128x48x128xf32>
    %max3A_25 = arith.maximumf %add3A_23, %max3A_24 : vector<128x48x128xf32>
    %reduce_sum3A = arith.constant dense<0.000000e+00> : vector<128x128xf32>
    %reduce_sum3A_26 = vector.multi_reduction <add>, %max3A_25, %reduce_sum3A [1] : vector<128x48x128xf32> to vector<128x128xf32>
    %mul3A = arith.constant 0.020833334 : f32
    %mul3A_27 = vector.broadcast %mul3A : f32 to vector<128x128xf32>
    %mul3A_28 = arith.mulf %reduce_sum3A_26, %mul3A_27 : vector<128x128xf32>
    %get3A_29 = arith.constant 0 : index
    %get3A_30 = arith.constant 0 : index
    %get3A_31 = vector.load %arg4[%get3A_29, %get3A_30] : memref<128x128xf32, #tpu.memory_space<vmem>>, vector<128x128xf32>
    %get3A_32 = arith.constant 0 : index
    %get3A_33 = arith.constant 0 : index
    %get3A_34 = arith.constant 0 : index
    %get3A_35 = vector.load %arg7[%get3A_32, %get3A_33, %get3A_34] : memref<1x128x128xf32, #tpu.memory_space<vmem>>, vector<1x128x128xf32>
    %get3A_36 = vector.shape_cast %get3A_35 : vector<1x128x128xf32> to vector<128x128xf32>
    %dot_general3A_37 = arith.constant dense<0.000000e+00> : vector<128x128xf32>
    %dot_general3A_38 = tpu.matmul %mul3A_28, %get3A_36, %dot_general3A_37 {dimension_numbers = #tpu.dot_dimension_numbers<[1], [0], [0], [1], [0, 0, 1, 1], [], []>, precision = #tpu.contract_precision<fp32>, transpose_lhs_hint = false} : vector<128x128xf32>, vector<128x128xf32>, vector<128x128xf32> -> vector<128x128xf32>
    %add3A_39 = arith.addf %get3A_31, %dot_general3A_38 : vector<128x128xf32>
    %reduce_sum3A_40 = arith.constant dense<0.000000e+00> : vector<128xf32>
    %reduce_sum3A_41 = vector.multi_reduction <add>, %add3A_39, %reduce_sum3A_40 [1] : vector<128x128xf32> to vector<128xf32>
    %broadcast_in_dim3A_42 = vector.shape_cast %reduce_sum3A_41 : vector<128xf32> to vector<128x1xf32>
    %div3A = arith.constant 1.280000e+02 : f32
    %div3A_43 = vector.broadcast %div3A : f32 to vector<128x1xf32>
    %div3A_44 = arith.divf %broadcast_in_dim3A_42, %div3A_43 : vector<128x1xf32>
    %sub3A = vector.broadcast %div3A_44 : vector<128x1xf32> to vector<128x128xf32>
    %sub3A_45 = arith.subf %add3A_39, %sub3A : vector<128x128xf32>
    %mul3A_46 = arith.mulf %sub3A_45, %sub3A_45 : vector<128x128xf32>
    %reduce_sum3A_47 = arith.constant dense<0.000000e+00> : vector<128xf32>
    %reduce_sum3A_48 = vector.multi_reduction <add>, %mul3A_46, %reduce_sum3A_47 [1] : vector<128x128xf32> to vector<128xf32>
    %broadcast_in_dim3A_49 = vector.shape_cast %reduce_sum3A_48 : vector<128xf32> to vector<128x1xf32>
    %div3A_50 = arith.constant 1.280000e+02 : f32
    %div3A_51 = vector.broadcast %div3A_50 : f32 to vector<128x1xf32>
    %div3A_52 = arith.divf %broadcast_in_dim3A_49, %div3A_51 : vector<128x1xf32>
    %add3A_53 = arith.constant 9.99999974E-6 : f32
    %add3A_54 = vector.broadcast %add3A_53 : f32 to vector<128x1xf32>
    %add3A_55 = arith.addf %div3A_52, %add3A_54 : vector<128x1xf32>
    %sqrt3A = math.sqrt %add3A_55 : vector<128x1xf32>
    %div3A_56 = vector.broadcast %sqrt3A : vector<128x1xf32> to vector<128x128xf32>
    %div3A_57 = arith.divf %sub3A_45, %div3A_56 : vector<128x128xf32>
    %swap3A = arith.constant 0 : index
    %swap3A_58 = arith.constant 0 : index
    %swap3A_59 = vector.load %arg9[%swap3A, %swap3A_58] : memref<128x128xf32, #tpu.memory_space<vmem>>, vector<128x128xf32>
    tpu.vector_store %arg9[%swap3A, %swap3A_58], %div3A_57 {strides = array<i32>} : memref<128x128xf32, #tpu.memory_space<vmem>>, vector<128x128xf32>,
    %get3A_60 = arith.constant 0 : index
    %get3A_61 = arith.constant 0 : index
    %get3A_62 = arith.constant 0 : index
    %get3A_63 = vector.load %arg8[%get3A_60, %get3A_61, %get3A_62] : memref<1x256x128xf32, #tpu.memory_space<vmem>>, vector<1x256x128xf32>
    %get3A_64 = vector.shape_cast %get3A_63 : vector<1x256x128xf32> to vector<256x128xf32>
    %slice3A = vector.extract_strided_slice %get3A_64 {offsets = [0, 0], sizes = [128, 128], strides = [1, 1]} : vector<256x128xf32> to vector<128x128xf32>
    %dot_general3A_65 = arith.constant dense<0.000000e+00> : vector<128x128xf32>
    %dot_general3A_66 = tpu.matmul %div3A_57, %slice3A, %dot_general3A_65 {dimension_numbers = #tpu.dot_dimension_numbers<[1], [0], [0], [1], [0, 0, 1, 1], [], []>, precision = #tpu.contract_precision<fp32>, transpose_lhs_hint = false} : vector<128x128xf32>, vector<128x128xf32>, vector<128x128xf32> -> vector<128x128xf32>
    %swap3A_67 = arith.constant 0 : index
    %swap3A_68 = arith.constant 0 : index
    %swap3A_69 = vector.load %arg10[%swap3A_67, %swap3A_68] : memref<128x128xf32, #tpu.memory_space<vmem>>, vector<128x128xf32>
    tpu.vector_store %arg10[%swap3A_67, %swap3A_68], %dot_general3A_66 {strides = array<i32>} : memref<128x128xf32, #tpu.memory_space<vmem>>, vector<128x128xf32>,
    %slice3A_70 = vector.extract_strided_slice %get3A_64 {offsets = [128, 0], sizes = [128, 128], strides = [1, 1]} : vector<256x128xf32> to vector<128x128xf32>
    %dot_general3A_71 = arith.constant dense<0.000000e+00> : vector<128x128xf32>
    %dot_general3A_72 = tpu.matmul %div3A_57, %slice3A_70, %dot_general3A_71 {dimension_numbers = #tpu.dot_dimension_numbers<[1], [0], [0], [1], [0, 0, 1, 1], [], []>, precision = #tpu.contract_precision<fp32>, transpose_lhs_hint = false} : vector<128x128xf32>, vector<128x128xf32>, vector<128x128xf32> -> vector<128x128xf32>
    %swap3A_73 = arith.constant 0 : index
    %swap3A_74 = arith.constant 0 : index
    %swap3A_75 = vector.load %arg11[%swap3A_73, %swap3A_74] : memref<128x128xf32, #tpu.memory_space<vmem>>, vector<128x128xf32>
    tpu.vector_store %arg11[%swap3A_73, %swap3A_74], %dot_general3A_72 {strides = array<i32>} : memref<128x128xf32, #tpu.memory_space<vmem>>, vector<128x128xf32>,
    return
  }
  func.func @transform_0(%arg0: i32) -> (i32, i32) {
    %c0_i32 = arith.constant 0 : i32
    %c0_i32_0 = arith.constant 0 : i32
    return %arg0, %c0_i32 : i32, i32
  }
  func.func @transform_1(%arg0: i32) -> (i32, i32, i32) {
    %add3A = arith.constant 32 : i32
    %add3A_0 = arith.addi %arg0, %add3A : i32
    %c0_i32 = arith.constant 0 : i32
    %c0_i32_1 = arith.constant 0 : i32
    %c0_i32_2 = arith.constant 0 : i32
    return %add3A_0, %c0_i32, %c0_i32_1 : i32, i32, i32
  }
  func.func @transform_2(%arg0: i32) -> (i32, i32) {
    %add3A = arith.constant 32 : i32
    %add3A_0 = arith.addi %arg0, %add3A : i32
    %c0_i32 = arith.constant 0 : i32
    %c0_i32_1 = arith.constant 0 : i32
    return %add3A_0, %c0_i32 : i32, i32
  }
  func.func @transform_3(%arg0: i32) -> (i32, i32) {
    %add3A = arith.constant 32 : i32
    %add3A_0 = arith.addi %arg0, %add3A : i32
    %c0_i32 = arith.constant 0 : i32
    %c0_i32_1 = arith.constant 0 : i32
    return %add3A_0, %c0_i32 : i32, i32
  }
  func.func @transform_4(%arg0: i32) -> (i32, i32) {
    %c0_i32 = arith.constant 0 : i32
    %c0_i32_0 = arith.constant 0 : i32
    %c0_i32_1 = arith.constant 0 : i32
    return %c0_i32, %c0_i32_0 : i32, i32
  }
  func.func @transform_5(%arg0: i32) -> (i32, i32, i32) {
    %c0_i32 = arith.constant 0 : i32
    %c2_i32 = arith.constant 2 : i32
    %c0_i32_0 = arith.constant 0 : i32
    %c0_i32_1 = arith.constant 0 : i32
    return %c0_i32, %c2_i32, %c0_i32_0 : i32, i32, i32
  }
  func.func @transform_6(%arg0: i32) -> (i32, i32, i32) {
    %c0_i32 = arith.constant 0 : i32
    %c0_i32_0 = arith.constant 0 : i32
    %c0_i32_1 = arith.constant 0 : i32
    %c0_i32_2 = arith.constant 0 : i32
    return %c0_i32, %c0_i32_0, %c0_i32_1 : i32, i32, i32
  }
  func.func @transform_7(%arg0: i32) -> (i32, i32, i32) {
    %c1_i32 = arith.constant 1 : i32
    %c0_i32 = arith.constant 0 : i32
    %c0_i32_0 = arith.constant 0 : i32
    %c0_i32_1 = arith.constant 0 : i32
    return %c1_i32, %c0_i32, %c0_i32_0 : i32, i32, i32
  }
  func.func @transform_8(%arg0: i32) -> (i32, i32) {
    %c0_i32 = arith.constant 0 : i32
    %c0_i32_0 = arith.constant 0 : i32
    return %arg0, %c0_i32 : i32, i32
  }
  func.func @transform_9(%arg0: i32) -> (i32, i32) {
    %c0_i32 = arith.constant 0 : i32
    %c0_i32_0 = arith.constant 0 : i32
    return %arg0, %c0_i32 : i32, i32
  }
  func.func @transform_10(%arg0: i32) -> (i32, i32) {
    %c0_i32 = arith.constant 0 : i32
    %c0_i32_0 = arith.constant 0 : i32
    return %arg0, %c0_i32 : i32, i32
  }
}

module attributes {stable_mosaic.version = 14 : i64} {
  func.func @_combine_body(%arg0: i32, %arg1: memref<6144x128xf32, #tpu.memory_space<vmem>>, %arg2: memref<128x48x16xf32, #tpu.memory_space<vmem>>, %arg3: memref<128x128xf32, #tpu.memory_space<vmem>>, %arg4: memref<128x128xf32, #tpu.memory_space<vmem>>, %arg5: memref<16x128xf32, #tpu.memory_space<vmem>>, %arg6: memref<1x128x128xf32, #tpu.memory_space<vmem>>, %arg7: memref<1x128x128xf32, #tpu.memory_space<vmem>>, %arg8: memref<1x256x128xf32, #tpu.memory_space<vmem>>, %arg9: memref<128x128xf32, #tpu.memory_space<vmem>>, %arg10: memref<128x128xf32, #tpu.memory_space<vmem>>, %arg11: memref<128x128xf32, #tpu.memory_space<vmem>>) attributes {dimension_semantics = [#tpu.dimension_semantics<arbitrary>], iteration_bounds = array<i64: 32>, scalar_prefetch = 0 : i64, scratch_operands = 0 : i64, tpu.core_type = #tpu.core_type<tc>, window_params = [{transform_indices = @transform_0, window_bounds = array<i64: 6144, 128>}, {transform_indices = @transform_1, window_bounds = array<i64: 128, 48, 16>}, {transform_indices = @transform_2, window_bounds = array<i64: 128, 128>}, {transform_indices = @transform_3, window_bounds = array<i64: 128, 128>}, {pipeline_mode = #tpu.pipeline_mode<synchronous>, transform_indices = @transform_4, window_bounds = array<i64: 16, 128>}, {transform_indices = @transform_5, window_bounds = array<i64: 1, 128, 128>}, {transform_indices = @transform_6, window_bounds = array<i64: 1, 128, 128>}, {transform_indices = @transform_7, window_bounds = array<i64: 1, 256, 128>}, {transform_indices = @transform_8, window_bounds = array<i64: 128, 128>}, {transform_indices = @transform_9, window_bounds = array<i64: 128, 128>}, {transform_indices = @transform_10, window_bounds = array<i64: 128, 128>}]} {
    %get3A = arith.constant 0 : index
    %get3A_0 = arith.constant 0 : index
    %get3A_1 = vector.load %arg5[%get3A, %get3A_0] : memref<16x128xf32, #tpu.memory_space<vmem>>, vector<16x128xf32>
    %get3A_2 = arith.constant 0 : index
    %get3A_3 = arith.constant 0 : index
    %get3A_4 = arith.constant 0 : index
    %get3A_5 = vector.load %arg6[%get3A_2, %get3A_3, %get3A_4] : memref<1x128x128xf32, #tpu.memory_space<vmem>>, vector<1x128x128xf32>
    %get3A_6 = vector.shape_cast %get3A_5 : vector<1x128x128xf32> to vector<128x128xf32>
    %dot_general3A = arith.constant dense<0.000000e+00> : vector<16x128xf32>
    %dot_general3A_7 = tpu.matmul %get3A_1, %get3A_6, %dot_general3A {dimension_numbers = #tpu.dot_dimension_numbers<[1], [0], [0], [1], [0, 0, 1, 1], [], []>, precision = #tpu.contract_precision<fp32>, transpose_lhs_hint = false} : vector<16x128xf32>, vector<128x128xf32>, vector<16x128xf32> -> vector<16x128xf32>
    %get3A_8 = arith.constant 0 : index
    %get3A_9 = arith.constant 0 : index
    %get3A_10 = arith.constant 0 : index
    %get3A_11 = vector.load %arg2[%get3A_8, %get3A_9, %get3A_10] : memref<128x48x16xf32, #tpu.memory_space<vmem>>, vector<128x48x16xf32>
    %reshape3A = vector.shape_cast %get3A_11 : vector<128x48x16xf32> to vector<6144x16xf32>
    %convert_element_type3A = arith.truncf %reshape3A : vector<6144x16xf32> to vector<6144x16xbf16>
    %convert_element_type3A_12 = arith.truncf %dot_general3A_7 : vector<16x128xf32> to vector<16x128xbf16>
    %dot_general3A_13 = arith.constant dense<0.000000e+00> : vector<6144x128xf32>
    %dot_general3A_14 = tpu.matmul %convert_element_type3A, %convert_element_type3A_12, %dot_general3A_13 {dimension_numbers = #tpu.dot_dimension_numbers<[1], [0], [0], [1], [0, 0, 1, 1], [], []>, transpose_lhs_hint = false} : vector<6144x16xbf16>, vector<16x128xbf16>, vector<6144x128xf32> -> vector<6144x128xf32>
    %get3A_15 = arith.constant 0 : index
    %get3A_16 = arith.constant 0 : index
    %get3A_17 = vector.load %arg1[%get3A_15, %get3A_16] : memref<6144x128xf32, #tpu.memory_space<vmem>>, vector<6144x128xf32>
    %add3A = arith.addf %get3A_17, %dot_general3A_14 : vector<6144x128xf32>
    %reshape3A_18 = vector.shape_cast %add3A : vector<6144x128xf32> to vector<128x48x128xf32>
    %get3A_19 = arith.constant 0 : index
    %get3A_20 = arith.constant 0 : index
    %get3A_21 = vector.load %arg3[%get3A_19, %get3A_20] : memref<128x128xf32, #tpu.memory_space<vmem>>, vector<128x128xf32>
    %broadcast_in_dim3A = vector.shape_cast %get3A_21 : vector<128x128xf32> to vector<128x1x128xf32>
    %add3A_22 = vector.broadcast %broadcast_in_dim3A : vector<128x1x128xf32> to vector<128x48x128xf32>
    %add3A_23 = arith.addf %reshape3A_18, %add3A_22 : vector<128x48x128xf32>
    %max3A = arith.constant 0.000000e+00 : f32
    %max3A_24 = vector.broadcast %max3A : f32 to vector<128x48x128xf32>
    %max3A_25 = arith.maximumf %add3A_23, %max3A_24 : vector<128x48x128xf32>
    %reduce_sum3A = arith.constant dense<0.000000e+00> : vector<128x128xf32>
    %reduce_sum3A_26 = vector.multi_reduction <add>, %max3A_25, %reduce_sum3A [1] : vector<128x48x128xf32> to vector<128x128xf32>
    %mul3A = arith.constant 0.020833334 : f32
    %mul3A_27 = vector.broadcast %mul3A : f32 to vector<128x128xf32>
    %mul3A_28 = arith.mulf %reduce_sum3A_26, %mul3A_27 : vector<128x128xf32>
    %get3A_29 = arith.constant 0 : index
    %get3A_30 = arith.constant 0 : index
    %get3A_31 = vector.load %arg4[%get3A_29, %get3A_30] : memref<128x128xf32, #tpu.memory_space<vmem>>, vector<128x128xf32>
    %get3A_32 = arith.constant 0 : index
    %get3A_33 = arith.constant 0 : index
    %get3A_34 = arith.constant 0 : index
    %get3A_35 = vector.load %arg7[%get3A_32, %get3A_33, %get3A_34] : memref<1x128x128xf32, #tpu.memory_space<vmem>>, vector<1x128x128xf32>
    %get3A_36 = vector.shape_cast %get3A_35 : vector<1x128x128xf32> to vector<128x128xf32>
    %dot_general3A_37 = arith.constant dense<0.000000e+00> : vector<128x128xf32>
    %dot_general3A_38 = tpu.matmul %mul3A_28, %get3A_36, %dot_general3A_37 {dimension_numbers = #tpu.dot_dimension_numbers<[1], [0], [0], [1], [0, 0, 1, 1], [], []>, precision = #tpu.contract_precision<fp32>, transpose_lhs_hint = false} : vector<128x128xf32>, vector<128x128xf32>, vector<128x128xf32> -> vector<128x128xf32>
    %add3A_39 = arith.addf %get3A_31, %dot_general3A_38 : vector<128x128xf32>
    %reduce_sum3A_40 = arith.constant dense<0.000000e+00> : vector<128xf32>
    %reduce_sum3A_41 = vector.multi_reduction <add>, %add3A_39, %reduce_sum3A_40 [1] : vector<128x128xf32> to vector<128xf32>
    %broadcast_in_dim3A_42 = vector.shape_cast %reduce_sum3A_41 : vector<128xf32> to vector<128x1xf32>
    %div3A = arith.constant 1.280000e+02 : f32
    %div3A_43 = vector.broadcast %div3A : f32 to vector<128x1xf32>
    %div3A_44 = arith.divf %broadcast_in_dim3A_42, %div3A_43 : vector<128x1xf32>
    %sub3A = vector.broadcast %div3A_44 : vector<128x1xf32> to vector<128x128xf32>
    %sub3A_45 = arith.subf %add3A_39, %sub3A : vector<128x128xf32>
    %mul3A_46 = arith.mulf %sub3A_45, %sub3A_45 : vector<128x128xf32>
    %reduce_sum3A_47 = arith.constant dense<0.000000e+00> : vector<128xf32>
    %reduce_sum3A_48 = vector.multi_reduction <add>, %mul3A_46, %reduce_sum3A_47 [1] : vector<128x128xf32> to vector<128xf32>
    %broadcast_in_dim3A_49 = vector.shape_cast %reduce_sum3A_48 : vector<128xf32> to vector<128x1xf32>
    %div3A_50 = arith.constant 1.280000e+02 : f32
    %div3A_51 = vector.broadcast %div3A_50 : f32 to vector<128x1xf32>
    %div3A_52 = arith.divf %broadcast_in_dim3A_49, %div3A_51 : vector<128x1xf32>
    %add3A_53 = arith.constant 9.99999974E-6 : f32
    %add3A_54 = vector.broadcast %add3A_53 : f32 to vector<128x1xf32>
    %add3A_55 = arith.addf %div3A_52, %add3A_54 : vector<128x1xf32>
    %sqrt3A = math.sqrt %add3A_55 : vector<128x1xf32>
    %div3A_56 = vector.broadcast %sqrt3A : vector<128x1xf32> to vector<128x128xf32>
    %div3A_57 = arith.divf %sub3A_45, %div3A_56 : vector<128x128xf32>
    %swap3A = arith.constant 0 : index
    %swap3A_58 = arith.constant 0 : index
    %swap3A_59 = vector.load %arg9[%swap3A, %swap3A_58] : memref<128x128xf32, #tpu.memory_space<vmem>>, vector<128x128xf32>
    tpu.vector_store %arg9[%swap3A, %swap3A_58], %div3A_57 {strides = array<i32>} : memref<128x128xf32, #tpu.memory_space<vmem>>, vector<128x128xf32>,
    %get3A_60 = arith.constant 0 : index
    %get3A_61 = arith.constant 0 : index
    %get3A_62 = arith.constant 0 : index
    %get3A_63 = vector.load %arg8[%get3A_60, %get3A_61, %get3A_62] : memref<1x256x128xf32, #tpu.memory_space<vmem>>, vector<1x256x128xf32>
    %get3A_64 = vector.shape_cast %get3A_63 : vector<1x256x128xf32> to vector<256x128xf32>
    %slice3A = vector.extract_strided_slice %get3A_64 {offsets = [0, 0], sizes = [128, 128], strides = [1, 1]} : vector<256x128xf32> to vector<128x128xf32>
    %dot_general3A_65 = arith.constant dense<0.000000e+00> : vector<128x128xf32>
    %dot_general3A_66 = tpu.matmul %div3A_57, %slice3A, %dot_general3A_65 {dimension_numbers = #tpu.dot_dimension_numbers<[1], [0], [0], [1], [0, 0, 1, 1], [], []>, precision = #tpu.contract_precision<fp32>, transpose_lhs_hint = false} : vector<128x128xf32>, vector<128x128xf32>, vector<128x128xf32> -> vector<128x128xf32>
    %swap3A_67 = arith.constant 0 : index
    %swap3A_68 = arith.constant 0 : index
    %swap3A_69 = vector.load %arg10[%swap3A_67, %swap3A_68] : memref<128x128xf32, #tpu.memory_space<vmem>>, vector<128x128xf32>
    tpu.vector_store %arg10[%swap3A_67, %swap3A_68], %dot_general3A_66 {strides = array<i32>} : memref<128x128xf32, #tpu.memory_space<vmem>>, vector<128x128xf32>,
    %slice3A_70 = vector.extract_strided_slice %get3A_64 {offsets = [128, 0], sizes = [128, 128], strides = [1, 1]} : vector<256x128xf32> to vector<128x128xf32>
    %dot_general3A_71 = arith.constant dense<0.000000e+00> : vector<128x128xf32>
    %dot_general3A_72 = tpu.matmul %div3A_57, %slice3A_70, %dot_general3A_71 {dimension_numbers = #tpu.dot_dimension_numbers<[1], [0], [0], [1], [0, 0, 1, 1], [], []>, precision = #tpu.contract_precision<fp32>, transpose_lhs_hint = false} : vector<128x128xf32>, vector<128x128xf32>, vector<128x128xf32> -> vector<128x128xf32>
    %swap3A_73 = arith.constant 0 : index
    %swap3A_74 = arith.constant 0 : index
    %swap3A_75 = vector.load %arg11[%swap3A_73, %swap3A_74] : memref<128x128xf32, #tpu.memory_space<vmem>>, vector<128x128xf32>
    tpu.vector_store %arg11[%swap3A_73, %swap3A_74], %dot_general3A_72 {strides = array<i32>} : memref<128x128xf32, #tpu.memory_space<vmem>>, vector<128x128xf32>,
    return
  }
  func.func @transform_0(%arg0: i32) -> (i32, i32) {
    %c0_i32 = arith.constant 0 : i32
    %c0_i32_0 = arith.constant 0 : i32
    return %arg0, %c0_i32 : i32, i32
  }
  func.func @transform_1(%arg0: i32) -> (i32, i32, i32) {
    %add3A = arith.constant 0 : i32
    %add3A_0 = arith.addi %arg0, %add3A : i32
    %c0_i32 = arith.constant 0 : i32
    %c0_i32_1 = arith.constant 0 : i32
    %c0_i32_2 = arith.constant 0 : i32
    return %add3A_0, %c0_i32, %c0_i32_1 : i32, i32, i32
  }
  func.func @transform_2(%arg0: i32) -> (i32, i32) {
    %add3A = arith.constant 0 : i32
    %add3A_0 = arith.addi %arg0, %add3A : i32
    %c0_i32 = arith.constant 0 : i32
    %c0_i32_1 = arith.constant 0 : i32
    return %add3A_0, %c0_i32 : i32, i32
  }
  func.func @transform_3(%arg0: i32) -> (i32, i32) {
    %add3A = arith.constant 0 : i32
    %add3A_0 = arith.addi %arg0, %add3A : i32
    %c0_i32 = arith.constant 0 : i32
    %c0_i32_1 = arith.constant 0 : i32
    return %add3A_0, %c0_i32 : i32, i32
  }
  func.func @transform_4(%arg0: i32) -> (i32, i32) {
    %c0_i32 = arith.constant 0 : i32
    %c0_i32_0 = arith.constant 0 : i32
    %c0_i32_1 = arith.constant 0 : i32
    return %c0_i32, %c0_i32_0 : i32, i32
  }
  func.func @transform_5(%arg0: i32) -> (i32, i32, i32) {
    %c1_i32 = arith.constant 1 : i32
    %c2_i32 = arith.constant 2 : i32
    %c0_i32 = arith.constant 0 : i32
    %c0_i32_0 = arith.constant 0 : i32
    return %c1_i32, %c2_i32, %c0_i32 : i32, i32, i32
  }
  func.func @transform_6(%arg0: i32) -> (i32, i32, i32) {
    %c1_i32 = arith.constant 1 : i32
    %c0_i32 = arith.constant 0 : i32
    %c0_i32_0 = arith.constant 0 : i32
    %c0_i32_1 = arith.constant 0 : i32
    return %c1_i32, %c0_i32, %c0_i32_0 : i32, i32, i32
  }
  func.func @transform_7(%arg0: i32) -> (i32, i32, i32) {
    %c2_i32 = arith.constant 2 : i32
    %c0_i32 = arith.constant 0 : i32
    %c0_i32_0 = arith.constant 0 : i32
    %c0_i32_1 = arith.constant 0 : i32
    return %c2_i32, %c0_i32, %c0_i32_0 : i32, i32, i32
  }
  func.func @transform_8(%arg0: i32) -> (i32, i32) {
    %c0_i32 = arith.constant 0 : i32
    %c0_i32_0 = arith.constant 0 : i32
    return %arg0, %c0_i32 : i32, i32
  }
  func.func @transform_9(%arg0: i32) -> (i32, i32) {
    %c0_i32 = arith.constant 0 : i32
    %c0_i32_0 = arith.constant 0 : i32
    return %arg0, %c0_i32 : i32, i32
  }
  func.func @transform_10(%arg0: i32) -> (i32, i32) {
    %c0_i32 = arith.constant 0 : i32
    %c0_i32_0 = arith.constant 0 : i32
    return %arg0, %c0_i32 : i32, i32
  }
}

module attributes {stable_mosaic.version = 14 : i64} {
  func.func @_combine_body(%arg0: i32, %arg1: memref<6144x128xf32, #tpu.memory_space<vmem>>, %arg2: memref<128x48x16xf32, #tpu.memory_space<vmem>>, %arg3: memref<128x128xf32, #tpu.memory_space<vmem>>, %arg4: memref<128x128xf32, #tpu.memory_space<vmem>>, %arg5: memref<16x128xf32, #tpu.memory_space<vmem>>, %arg6: memref<1x128x128xf32, #tpu.memory_space<vmem>>, %arg7: memref<1x128x128xf32, #tpu.memory_space<vmem>>, %arg8: memref<1x256x128xf32, #tpu.memory_space<vmem>>, %arg9: memref<128x128xf32, #tpu.memory_space<vmem>>, %arg10: memref<128x128xf32, #tpu.memory_space<vmem>>, %arg11: memref<128x128xf32, #tpu.memory_space<vmem>>) attributes {dimension_semantics = [#tpu.dimension_semantics<arbitrary>], iteration_bounds = array<i64: 32>, scalar_prefetch = 0 : i64, scratch_operands = 0 : i64, tpu.core_type = #tpu.core_type<tc>, window_params = [{transform_indices = @transform_0, window_bounds = array<i64: 6144, 128>}, {transform_indices = @transform_1, window_bounds = array<i64: 128, 48, 16>}, {transform_indices = @transform_2, window_bounds = array<i64: 128, 128>}, {transform_indices = @transform_3, window_bounds = array<i64: 128, 128>}, {pipeline_mode = #tpu.pipeline_mode<synchronous>, transform_indices = @transform_4, window_bounds = array<i64: 16, 128>}, {transform_indices = @transform_5, window_bounds = array<i64: 1, 128, 128>}, {transform_indices = @transform_6, window_bounds = array<i64: 1, 128, 128>}, {transform_indices = @transform_7, window_bounds = array<i64: 1, 256, 128>}, {transform_indices = @transform_8, window_bounds = array<i64: 128, 128>}, {transform_indices = @transform_9, window_bounds = array<i64: 128, 128>}, {transform_indices = @transform_10, window_bounds = array<i64: 128, 128>}]} {
    %get3A = arith.constant 0 : index
    %get3A_0 = arith.constant 0 : index
    %get3A_1 = vector.load %arg5[%get3A, %get3A_0] : memref<16x128xf32, #tpu.memory_space<vmem>>, vector<16x128xf32>
    %get3A_2 = arith.constant 0 : index
    %get3A_3 = arith.constant 0 : index
    %get3A_4 = arith.constant 0 : index
    %get3A_5 = vector.load %arg6[%get3A_2, %get3A_3, %get3A_4] : memref<1x128x128xf32, #tpu.memory_space<vmem>>, vector<1x128x128xf32>
    %get3A_6 = vector.shape_cast %get3A_5 : vector<1x128x128xf32> to vector<128x128xf32>
    %dot_general3A = arith.constant dense<0.000000e+00> : vector<16x128xf32>
    %dot_general3A_7 = tpu.matmul %get3A_1, %get3A_6, %dot_general3A {dimension_numbers = #tpu.dot_dimension_numbers<[1], [0], [0], [1], [0, 0, 1, 1], [], []>, precision = #tpu.contract_precision<fp32>, transpose_lhs_hint = false} : vector<16x128xf32>, vector<128x128xf32>, vector<16x128xf32> -> vector<16x128xf32>
    %get3A_8 = arith.constant 0 : index
    %get3A_9 = arith.constant 0 : index
    %get3A_10 = arith.constant 0 : index
    %get3A_11 = vector.load %arg2[%get3A_8, %get3A_9, %get3A_10] : memref<128x48x16xf32, #tpu.memory_space<vmem>>, vector<128x48x16xf32>
    %reshape3A = vector.shape_cast %get3A_11 : vector<128x48x16xf32> to vector<6144x16xf32>
    %convert_element_type3A = arith.truncf %reshape3A : vector<6144x16xf32> to vector<6144x16xbf16>
    %convert_element_type3A_12 = arith.truncf %dot_general3A_7 : vector<16x128xf32> to vector<16x128xbf16>
    %dot_general3A_13 = arith.constant dense<0.000000e+00> : vector<6144x128xf32>
    %dot_general3A_14 = tpu.matmul %convert_element_type3A, %convert_element_type3A_12, %dot_general3A_13 {dimension_numbers = #tpu.dot_dimension_numbers<[1], [0], [0], [1], [0, 0, 1, 1], [], []>, transpose_lhs_hint = false} : vector<6144x16xbf16>, vector<16x128xbf16>, vector<6144x128xf32> -> vector<6144x128xf32>
    %get3A_15 = arith.constant 0 : index
    %get3A_16 = arith.constant 0 : index
    %get3A_17 = vector.load %arg1[%get3A_15, %get3A_16] : memref<6144x128xf32, #tpu.memory_space<vmem>>, vector<6144x128xf32>
    %add3A = arith.addf %get3A_17, %dot_general3A_14 : vector<6144x128xf32>
    %reshape3A_18 = vector.shape_cast %add3A : vector<6144x128xf32> to vector<128x48x128xf32>
    %get3A_19 = arith.constant 0 : index
    %get3A_20 = arith.constant 0 : index
    %get3A_21 = vector.load %arg3[%get3A_19, %get3A_20] : memref<128x128xf32, #tpu.memory_space<vmem>>, vector<128x128xf32>
    %broadcast_in_dim3A = vector.shape_cast %get3A_21 : vector<128x128xf32> to vector<128x1x128xf32>
    %add3A_22 = vector.broadcast %broadcast_in_dim3A : vector<128x1x128xf32> to vector<128x48x128xf32>
    %add3A_23 = arith.addf %reshape3A_18, %add3A_22 : vector<128x48x128xf32>
    %max3A = arith.constant 0.000000e+00 : f32
    %max3A_24 = vector.broadcast %max3A : f32 to vector<128x48x128xf32>
    %max3A_25 = arith.maximumf %add3A_23, %max3A_24 : vector<128x48x128xf32>
    %reduce_sum3A = arith.constant dense<0.000000e+00> : vector<128x128xf32>
    %reduce_sum3A_26 = vector.multi_reduction <add>, %max3A_25, %reduce_sum3A [1] : vector<128x48x128xf32> to vector<128x128xf32>
    %mul3A = arith.constant 0.020833334 : f32
    %mul3A_27 = vector.broadcast %mul3A : f32 to vector<128x128xf32>
    %mul3A_28 = arith.mulf %reduce_sum3A_26, %mul3A_27 : vector<128x128xf32>
    %get3A_29 = arith.constant 0 : index
    %get3A_30 = arith.constant 0 : index
    %get3A_31 = vector.load %arg4[%get3A_29, %get3A_30] : memref<128x128xf32, #tpu.memory_space<vmem>>, vector<128x128xf32>
    %get3A_32 = arith.constant 0 : index
    %get3A_33 = arith.constant 0 : index
    %get3A_34 = arith.constant 0 : index
    %get3A_35 = vector.load %arg7[%get3A_32, %get3A_33, %get3A_34] : memref<1x128x128xf32, #tpu.memory_space<vmem>>, vector<1x128x128xf32>
    %get3A_36 = vector.shape_cast %get3A_35 : vector<1x128x128xf32> to vector<128x128xf32>
    %dot_general3A_37 = arith.constant dense<0.000000e+00> : vector<128x128xf32>
    %dot_general3A_38 = tpu.matmul %mul3A_28, %get3A_36, %dot_general3A_37 {dimension_numbers = #tpu.dot_dimension_numbers<[1], [0], [0], [1], [0, 0, 1, 1], [], []>, precision = #tpu.contract_precision<fp32>, transpose_lhs_hint = false} : vector<128x128xf32>, vector<128x128xf32>, vector<128x128xf32> -> vector<128x128xf32>
    %add3A_39 = arith.addf %get3A_31, %dot_general3A_38 : vector<128x128xf32>
    %reduce_sum3A_40 = arith.constant dense<0.000000e+00> : vector<128xf32>
    %reduce_sum3A_41 = vector.multi_reduction <add>, %add3A_39, %reduce_sum3A_40 [1] : vector<128x128xf32> to vector<128xf32>
    %broadcast_in_dim3A_42 = vector.shape_cast %reduce_sum3A_41 : vector<128xf32> to vector<128x1xf32>
    %div3A = arith.constant 1.280000e+02 : f32
    %div3A_43 = vector.broadcast %div3A : f32 to vector<128x1xf32>
    %div3A_44 = arith.divf %broadcast_in_dim3A_42, %div3A_43 : vector<128x1xf32>
    %sub3A = vector.broadcast %div3A_44 : vector<128x1xf32> to vector<128x128xf32>
    %sub3A_45 = arith.subf %add3A_39, %sub3A : vector<128x128xf32>
    %mul3A_46 = arith.mulf %sub3A_45, %sub3A_45 : vector<128x128xf32>
    %reduce_sum3A_47 = arith.constant dense<0.000000e+00> : vector<128xf32>
    %reduce_sum3A_48 = vector.multi_reduction <add>, %mul3A_46, %reduce_sum3A_47 [1] : vector<128x128xf32> to vector<128xf32>
    %broadcast_in_dim3A_49 = vector.shape_cast %reduce_sum3A_48 : vector<128xf32> to vector<128x1xf32>
    %div3A_50 = arith.constant 1.280000e+02 : f32
    %div3A_51 = vector.broadcast %div3A_50 : f32 to vector<128x1xf32>
    %div3A_52 = arith.divf %broadcast_in_dim3A_49, %div3A_51 : vector<128x1xf32>
    %add3A_53 = arith.constant 9.99999974E-6 : f32
    %add3A_54 = vector.broadcast %add3A_53 : f32 to vector<128x1xf32>
    %add3A_55 = arith.addf %div3A_52, %add3A_54 : vector<128x1xf32>
    %sqrt3A = math.sqrt %add3A_55 : vector<128x1xf32>
    %div3A_56 = vector.broadcast %sqrt3A : vector<128x1xf32> to vector<128x128xf32>
    %div3A_57 = arith.divf %sub3A_45, %div3A_56 : vector<128x128xf32>
    %swap3A = arith.constant 0 : index
    %swap3A_58 = arith.constant 0 : index
    %swap3A_59 = vector.load %arg9[%swap3A, %swap3A_58] : memref<128x128xf32, #tpu.memory_space<vmem>>, vector<128x128xf32>
    tpu.vector_store %arg9[%swap3A, %swap3A_58], %div3A_57 {strides = array<i32>} : memref<128x128xf32, #tpu.memory_space<vmem>>, vector<128x128xf32>,
    %get3A_60 = arith.constant 0 : index
    %get3A_61 = arith.constant 0 : index
    %get3A_62 = arith.constant 0 : index
    %get3A_63 = vector.load %arg8[%get3A_60, %get3A_61, %get3A_62] : memref<1x256x128xf32, #tpu.memory_space<vmem>>, vector<1x256x128xf32>
    %get3A_64 = vector.shape_cast %get3A_63 : vector<1x256x128xf32> to vector<256x128xf32>
    %slice3A = vector.extract_strided_slice %get3A_64 {offsets = [0, 0], sizes = [128, 128], strides = [1, 1]} : vector<256x128xf32> to vector<128x128xf32>
    %dot_general3A_65 = arith.constant dense<0.000000e+00> : vector<128x128xf32>
    %dot_general3A_66 = tpu.matmul %div3A_57, %slice3A, %dot_general3A_65 {dimension_numbers = #tpu.dot_dimension_numbers<[1], [0], [0], [1], [0, 0, 1, 1], [], []>, precision = #tpu.contract_precision<fp32>, transpose_lhs_hint = false} : vector<128x128xf32>, vector<128x128xf32>, vector<128x128xf32> -> vector<128x128xf32>
    %swap3A_67 = arith.constant 0 : index
    %swap3A_68 = arith.constant 0 : index
    %swap3A_69 = vector.load %arg10[%swap3A_67, %swap3A_68] : memref<128x128xf32, #tpu.memory_space<vmem>>, vector<128x128xf32>
    tpu.vector_store %arg10[%swap3A_67, %swap3A_68], %dot_general3A_66 {strides = array<i32>} : memref<128x128xf32, #tpu.memory_space<vmem>>, vector<128x128xf32>,
    %slice3A_70 = vector.extract_strided_slice %get3A_64 {offsets = [128, 0], sizes = [128, 128], strides = [1, 1]} : vector<256x128xf32> to vector<128x128xf32>
    %dot_general3A_71 = arith.constant dense<0.000000e+00> : vector<128x128xf32>
    %dot_general3A_72 = tpu.matmul %div3A_57, %slice3A_70, %dot_general3A_71 {dimension_numbers = #tpu.dot_dimension_numbers<[1], [0], [0], [1], [0, 0, 1, 1], [], []>, precision = #tpu.contract_precision<fp32>, transpose_lhs_hint = false} : vector<128x128xf32>, vector<128x128xf32>, vector<128x128xf32> -> vector<128x128xf32>
    %swap3A_73 = arith.constant 0 : index
    %swap3A_74 = arith.constant 0 : index
    %swap3A_75 = vector.load %arg11[%swap3A_73, %swap3A_74] : memref<128x128xf32, #tpu.memory_space<vmem>>, vector<128x128xf32>
    tpu.vector_store %arg11[%swap3A_73, %swap3A_74], %dot_general3A_72 {strides = array<i32>} : memref<128x128xf32, #tpu.memory_space<vmem>>, vector<128x128xf32>,
    return
  }
  func.func @transform_0(%arg0: i32) -> (i32, i32) {
    %c0_i32 = arith.constant 0 : i32
    %c0_i32_0 = arith.constant 0 : i32
    return %arg0, %c0_i32 : i32, i32
  }
  func.func @transform_1(%arg0: i32) -> (i32, i32, i32) {
    %add3A = arith.constant 32 : i32
    %add3A_0 = arith.addi %arg0, %add3A : i32
    %c0_i32 = arith.constant 0 : i32
    %c0_i32_1 = arith.constant 0 : i32
    %c0_i32_2 = arith.constant 0 : i32
    return %add3A_0, %c0_i32, %c0_i32_1 : i32, i32, i32
  }
  func.func @transform_2(%arg0: i32) -> (i32, i32) {
    %add3A = arith.constant 0 : i32
    %add3A_0 = arith.addi %arg0, %add3A : i32
    %c0_i32 = arith.constant 0 : i32
    %c0_i32_1 = arith.constant 0 : i32
    return %add3A_0, %c0_i32 : i32, i32
  }
  func.func @transform_3(%arg0: i32) -> (i32, i32) {
    %add3A = arith.constant 0 : i32
    %add3A_0 = arith.addi %arg0, %add3A : i32
    %c0_i32 = arith.constant 0 : i32
    %c0_i32_1 = arith.constant 0 : i32
    return %add3A_0, %c0_i32 : i32, i32
  }
  func.func @transform_4(%arg0: i32) -> (i32, i32) {
    %c0_i32 = arith.constant 0 : i32
    %c0_i32_0 = arith.constant 0 : i32
    %c0_i32_1 = arith.constant 0 : i32
    return %c0_i32, %c0_i32_0 : i32, i32
  }
  func.func @transform_5(%arg0: i32) -> (i32, i32, i32) {
    %c1_i32 = arith.constant 1 : i32
    %c2_i32 = arith.constant 2 : i32
    %c0_i32 = arith.constant 0 : i32
    %c0_i32_0 = arith.constant 0 : i32
    return %c1_i32, %c2_i32, %c0_i32 : i32, i32, i32
  }
  func.func @transform_6(%arg0: i32) -> (i32, i32, i32) {
    %c1_i32 = arith.constant 1 : i32
    %c0_i32 = arith.constant 0 : i32
    %c0_i32_0 = arith.constant 0 : i32
    %c0_i32_1 = arith.constant 0 : i32
    return %c1_i32, %c0_i32, %c0_i32_0 : i32, i32, i32
  }
  func.func @transform_7(%arg0: i32) -> (i32, i32, i32) {
    %c2_i32 = arith.constant 2 : i32
    %c0_i32 = arith.constant 0 : i32
    %c0_i32_0 = arith.constant 0 : i32
    %c0_i32_1 = arith.constant 0 : i32
    return %c2_i32, %c0_i32, %c0_i32_0 : i32, i32, i32
  }
  func.func @transform_8(%arg0: i32) -> (i32, i32) {
    %c0_i32 = arith.constant 0 : i32
    %c0_i32_0 = arith.constant 0 : i32
    return %arg0, %c0_i32 : i32, i32
  }
  func.func @transform_9(%arg0: i32) -> (i32, i32) {
    %c0_i32 = arith.constant 0 : i32
    %c0_i32_0 = arith.constant 0 : i32
    return %arg0, %c0_i32 : i32, i32
  }
  func.func @transform_10(%arg0: i32) -> (i32, i32) {
    %c0_i32 = arith.constant 0 : i32
    %c0_i32_0 = arith.constant 0 : i32
    return %arg0, %c0_i32 : i32, i32
  }
}

module attributes {stable_mosaic.version = 14 : i64} {
  func.func @_combine_body(%arg0: i32, %arg1: memref<6144x128xf32, #tpu.memory_space<vmem>>, %arg2: memref<128x48x16xf32, #tpu.memory_space<vmem>>, %arg3: memref<128x128xf32, #tpu.memory_space<vmem>>, %arg4: memref<128x128xf32, #tpu.memory_space<vmem>>, %arg5: memref<16x128xf32, #tpu.memory_space<vmem>>, %arg6: memref<1x128x128xf32, #tpu.memory_space<vmem>>, %arg7: memref<1x128x128xf32, #tpu.memory_space<vmem>>, %arg8: memref<128x128xf32, #tpu.memory_space<vmem>>) attributes {dimension_semantics = [#tpu.dimension_semantics<arbitrary>], iteration_bounds = array<i64: 32>, scalar_prefetch = 0 : i64, scratch_operands = 0 : i64, tpu.core_type = #tpu.core_type<tc>, window_params = [{transform_indices = @transform_0, window_bounds = array<i64: 6144, 128>}, {transform_indices = @transform_1, window_bounds = array<i64: 128, 48, 16>}, {transform_indices = @transform_2, window_bounds = array<i64: 128, 128>}, {transform_indices = @transform_3, window_bounds = array<i64: 128, 128>}, {pipeline_mode = #tpu.pipeline_mode<synchronous>, transform_indices = @transform_4, window_bounds = array<i64: 16, 128>}, {transform_indices = @transform_5, window_bounds = array<i64: 1, 128, 128>}, {transform_indices = @transform_6, window_bounds = array<i64: 1, 128, 128>}, {transform_indices = @transform_7, window_bounds = array<i64: 128, 128>}]} {
    %get3A = arith.constant 0 : index
    %get3A_0 = arith.constant 0 : index
    %get3A_1 = vector.load %arg5[%get3A, %get3A_0] : memref<16x128xf32, #tpu.memory_space<vmem>>, vector<16x128xf32>
    %get3A_2 = arith.constant 0 : index
    %get3A_3 = arith.constant 0 : index
    %get3A_4 = arith.constant 0 : index
    %get3A_5 = vector.load %arg6[%get3A_2, %get3A_3, %get3A_4] : memref<1x128x128xf32, #tpu.memory_space<vmem>>, vector<1x128x128xf32>
    %get3A_6 = vector.shape_cast %get3A_5 : vector<1x128x128xf32> to vector<128x128xf32>
    %dot_general3A = arith.constant dense<0.000000e+00> : vector<16x128xf32>
    %dot_general3A_7 = tpu.matmul %get3A_1, %get3A_6, %dot_general3A {dimension_numbers = #tpu.dot_dimension_numbers<[1], [0], [0], [1], [0, 0, 1, 1], [], []>, precision = #tpu.contract_precision<fp32>, transpose_lhs_hint = false} : vector<16x128xf32>, vector<128x128xf32>, vector<16x128xf32> -> vector<16x128xf32>
    %get3A_8 = arith.constant 0 : index
    %get3A_9 = arith.constant 0 : index
    %get3A_10 = arith.constant 0 : index
    %get3A_11 = vector.load %arg2[%get3A_8, %get3A_9, %get3A_10] : memref<128x48x16xf32, #tpu.memory_space<vmem>>, vector<128x48x16xf32>
    %reshape3A = vector.shape_cast %get3A_11 : vector<128x48x16xf32> to vector<6144x16xf32>
    %convert_element_type3A = arith.truncf %reshape3A : vector<6144x16xf32> to vector<6144x16xbf16>
    %convert_element_type3A_12 = arith.truncf %dot_general3A_7 : vector<16x128xf32> to vector<16x128xbf16>
    %dot_general3A_13 = arith.constant dense<0.000000e+00> : vector<6144x128xf32>
    %dot_general3A_14 = tpu.matmul %convert_element_type3A, %convert_element_type3A_12, %dot_general3A_13 {dimension_numbers = #tpu.dot_dimension_numbers<[1], [0], [0], [1], [0, 0, 1, 1], [], []>, transpose_lhs_hint = false} : vector<6144x16xbf16>, vector<16x128xbf16>, vector<6144x128xf32> -> vector<6144x128xf32>
    %get3A_15 = arith.constant 0 : index
    %get3A_16 = arith.constant 0 : index
    %get3A_17 = vector.load %arg1[%get3A_15, %get3A_16] : memref<6144x128xf32, #tpu.memory_space<vmem>>, vector<6144x128xf32>
    %add3A = arith.addf %get3A_17, %dot_general3A_14 : vector<6144x128xf32>
    %reshape3A_18 = vector.shape_cast %add3A : vector<6144x128xf32> to vector<128x48x128xf32>
    %get3A_19 = arith.constant 0 : index
    %get3A_20 = arith.constant 0 : index
    %get3A_21 = vector.load %arg3[%get3A_19, %get3A_20] : memref<128x128xf32, #tpu.memory_space<vmem>>, vector<128x128xf32>
    %broadcast_in_dim3A = vector.shape_cast %get3A_21 : vector<128x128xf32> to vector<128x1x128xf32>
    %add3A_22 = vector.broadcast %broadcast_in_dim3A : vector<128x1x128xf32> to vector<128x48x128xf32>
    %add3A_23 = arith.addf %reshape3A_18, %add3A_22 : vector<128x48x128xf32>
    %max3A = arith.constant 0.000000e+00 : f32
    %max3A_24 = vector.broadcast %max3A : f32 to vector<128x48x128xf32>
    %max3A_25 = arith.maximumf %add3A_23, %max3A_24 : vector<128x48x128xf32>
    %reduce_sum3A = arith.constant dense<0.000000e+00> : vector<128x128xf32>
    %reduce_sum3A_26 = vector.multi_reduction <add>, %max3A_25, %reduce_sum3A [1] : vector<128x48x128xf32> to vector<128x128xf32>
    %mul3A = arith.constant 0.020833334 : f32
    %mul3A_27 = vector.broadcast %mul3A : f32 to vector<128x128xf32>
    %mul3A_28 = arith.mulf %reduce_sum3A_26, %mul3A_27 : vector<128x128xf32>
    %get3A_29 = arith.constant 0 : index
    %get3A_30 = arith.constant 0 : index
    %get3A_31 = vector.load %arg4[%get3A_29, %get3A_30] : memref<128x128xf32, #tpu.memory_space<vmem>>, vector<128x128xf32>
    %get3A_32 = arith.constant 0 : index
    %get3A_33 = arith.constant 0 : index
    %get3A_34 = arith.constant 0 : index
    %get3A_35 = vector.load %arg7[%get3A_32, %get3A_33, %get3A_34] : memref<1x128x128xf32, #tpu.memory_space<vmem>>, vector<1x128x128xf32>
    %get3A_36 = vector.shape_cast %get3A_35 : vector<1x128x128xf32> to vector<128x128xf32>
    %dot_general3A_37 = arith.constant dense<0.000000e+00> : vector<128x128xf32>
    %dot_general3A_38 = tpu.matmul %mul3A_28, %get3A_36, %dot_general3A_37 {dimension_numbers = #tpu.dot_dimension_numbers<[1], [0], [0], [1], [0, 0, 1, 1], [], []>, precision = #tpu.contract_precision<fp32>, transpose_lhs_hint = false} : vector<128x128xf32>, vector<128x128xf32>, vector<128x128xf32> -> vector<128x128xf32>
    %add3A_39 = arith.addf %get3A_31, %dot_general3A_38 : vector<128x128xf32>
    %reduce_sum3A_40 = arith.constant dense<0.000000e+00> : vector<128xf32>
    %reduce_sum3A_41 = vector.multi_reduction <add>, %add3A_39, %reduce_sum3A_40 [1] : vector<128x128xf32> to vector<128xf32>
    %broadcast_in_dim3A_42 = vector.shape_cast %reduce_sum3A_41 : vector<128xf32> to vector<128x1xf32>
    %div3A = arith.constant 1.280000e+02 : f32
    %div3A_43 = vector.broadcast %div3A : f32 to vector<128x1xf32>
    %div3A_44 = arith.divf %broadcast_in_dim3A_42, %div3A_43 : vector<128x1xf32>
    %sub3A = vector.broadcast %div3A_44 : vector<128x1xf32> to vector<128x128xf32>
    %sub3A_45 = arith.subf %add3A_39, %sub3A : vector<128x128xf32>
    %mul3A_46 = arith.mulf %sub3A_45, %sub3A_45 : vector<128x128xf32>
    %reduce_sum3A_47 = arith.constant dense<0.000000e+00> : vector<128xf32>
    %reduce_sum3A_48 = vector.multi_reduction <add>, %mul3A_46, %reduce_sum3A_47 [1] : vector<128x128xf32> to vector<128xf32>
    %broadcast_in_dim3A_49 = vector.shape_cast %reduce_sum3A_48 : vector<128xf32> to vector<128x1xf32>
    %div3A_50 = arith.constant 1.280000e+02 : f32
    %div3A_51 = vector.broadcast %div3A_50 : f32 to vector<128x1xf32>
    %div3A_52 = arith.divf %broadcast_in_dim3A_49, %div3A_51 : vector<128x1xf32>
    %add3A_53 = arith.constant 9.99999974E-6 : f32
    %add3A_54 = vector.broadcast %add3A_53 : f32 to vector<128x1xf32>
    %add3A_55 = arith.addf %div3A_52, %add3A_54 : vector<128x1xf32>
    %sqrt3A = math.sqrt %add3A_55 : vector<128x1xf32>
    %div3A_56 = vector.broadcast %sqrt3A : vector<128x1xf32> to vector<128x128xf32>
    %div3A_57 = arith.divf %sub3A_45, %div3A_56 : vector<128x128xf32>
    %swap3A = arith.constant 0 : index
    %swap3A_58 = arith.constant 0 : index
    %swap3A_59 = vector.load %arg8[%swap3A, %swap3A_58] : memref<128x128xf32, #tpu.memory_space<vmem>>, vector<128x128xf32>
    tpu.vector_store %arg8[%swap3A, %swap3A_58], %div3A_57 {strides = array<i32>} : memref<128x128xf32, #tpu.memory_space<vmem>>, vector<128x128xf32>,
    return
  }
  func.func @transform_0(%arg0: i32) -> (i32, i32) {
    %c0_i32 = arith.constant 0 : i32
    %c0_i32_0 = arith.constant 0 : i32
    return %arg0, %c0_i32 : i32, i32
  }
  func.func @transform_1(%arg0: i32) -> (i32, i32, i32) {
    %add3A = arith.constant 0 : i32
    %add3A_0 = arith.addi %arg0, %add3A : i32
    %c0_i32 = arith.constant 0 : i32
    %c0_i32_1 = arith.constant 0 : i32
    %c0_i32_2 = arith.constant 0 : i32
    return %add3A_0, %c0_i32, %c0_i32_1 : i32, i32, i32
  }
  func.func @transform_2(%arg0: i32) -> (i32, i32) {
    %add3A = arith.constant 0 : i32
    %add3A_0 = arith.addi %arg0, %add3A : i32
    %c0_i32 = arith.constant 0 : i32
    %c0_i32_1 = arith.constant 0 : i32
    return %add3A_0, %c0_i32 : i32, i32
  }
  func.func @transform_3(%arg0: i32) -> (i32, i32) {
    %add3A = arith.constant 0 : i32
    %add3A_0 = arith.addi %arg0, %add3A : i32
    %c0_i32 = arith.constant 0 : i32
    %c0_i32_1 = arith.constant 0 : i32
    return %add3A_0, %c0_i32 : i32, i32
  }
  func.func @transform_4(%arg0: i32) -> (i32, i32) {
    %c0_i32 = arith.constant 0 : i32
    %c0_i32_0 = arith.constant 0 : i32
    %c0_i32_1 = arith.constant 0 : i32
    return %c0_i32, %c0_i32_0 : i32, i32
  }
  func.func @transform_5(%arg0: i32) -> (i32, i32, i32) {
    %c2_i32 = arith.constant 2 : i32
    %c2_i32_0 = arith.constant 2 : i32
    %c0_i32 = arith.constant 0 : i32
    %c0_i32_1 = arith.constant 0 : i32
    return %c2_i32, %c2_i32_0, %c0_i32 : i32, i32, i32
  }
  func.func @transform_6(%arg0: i32) -> (i32, i32, i32) {
    %c2_i32 = arith.constant 2 : i32
    %c0_i32 = arith.constant 0 : i32
    %c0_i32_0 = arith.constant 0 : i32
    %c0_i32_1 = arith.constant 0 : i32
    return %c2_i32, %c0_i32, %c0_i32_0 : i32, i32, i32
  }
  func.func @transform_7(%arg0: i32) -> (i32, i32) {
    %c0_i32 = arith.constant 0 : i32
    %c0_i32_0 = arith.constant 0 : i32
    return %arg0, %c0_i32 : i32, i32
  }
}

module attributes {stable_mosaic.version = 14 : i64} {
  func.func @_combine_body(%arg0: i32, %arg1: memref<6144x128xf32, #tpu.memory_space<vmem>>, %arg2: memref<128x48x16xf32, #tpu.memory_space<vmem>>, %arg3: memref<128x128xf32, #tpu.memory_space<vmem>>, %arg4: memref<128x128xf32, #tpu.memory_space<vmem>>, %arg5: memref<16x128xf32, #tpu.memory_space<vmem>>, %arg6: memref<1x128x128xf32, #tpu.memory_space<vmem>>, %arg7: memref<1x128x128xf32, #tpu.memory_space<vmem>>, %arg8: memref<128x128xf32, #tpu.memory_space<vmem>>) attributes {dimension_semantics = [#tpu.dimension_semantics<arbitrary>], iteration_bounds = array<i64: 32>, scalar_prefetch = 0 : i64, scratch_operands = 0 : i64, tpu.core_type = #tpu.core_type<tc>, window_params = [{transform_indices = @transform_0, window_bounds = array<i64: 6144, 128>}, {transform_indices = @transform_1, window_bounds = array<i64: 128, 48, 16>}, {transform_indices = @transform_2, window_bounds = array<i64: 128, 128>}, {transform_indices = @transform_3, window_bounds = array<i64: 128, 128>}, {pipeline_mode = #tpu.pipeline_mode<synchronous>, transform_indices = @transform_4, window_bounds = array<i64: 16, 128>}, {transform_indices = @transform_5, window_bounds = array<i64: 1, 128, 128>}, {transform_indices = @transform_6, window_bounds = array<i64: 1, 128, 128>}, {transform_indices = @transform_7, window_bounds = array<i64: 128, 128>}]} {
    %get3A = arith.constant 0 : index
    %get3A_0 = arith.constant 0 : index
    %get3A_1 = vector.load %arg5[%get3A, %get3A_0] : memref<16x128xf32, #tpu.memory_space<vmem>>, vector<16x128xf32>
    %get3A_2 = arith.constant 0 : index
    %get3A_3 = arith.constant 0 : index
    %get3A_4 = arith.constant 0 : index
    %get3A_5 = vector.load %arg6[%get3A_2, %get3A_3, %get3A_4] : memref<1x128x128xf32, #tpu.memory_space<vmem>>, vector<1x128x128xf32>
    %get3A_6 = vector.shape_cast %get3A_5 : vector<1x128x128xf32> to vector<128x128xf32>
    %dot_general3A = arith.constant dense<0.000000e+00> : vector<16x128xf32>
    %dot_general3A_7 = tpu.matmul %get3A_1, %get3A_6, %dot_general3A {dimension_numbers = #tpu.dot_dimension_numbers<[1], [0], [0], [1], [0, 0, 1, 1], [], []>, precision = #tpu.contract_precision<fp32>, transpose_lhs_hint = false} : vector<16x128xf32>, vector<128x128xf32>, vector<16x128xf32> -> vector<16x128xf32>
    %get3A_8 = arith.constant 0 : index
    %get3A_9 = arith.constant 0 : index
    %get3A_10 = arith.constant 0 : index
    %get3A_11 = vector.load %arg2[%get3A_8, %get3A_9, %get3A_10] : memref<128x48x16xf32, #tpu.memory_space<vmem>>, vector<128x48x16xf32>
    %reshape3A = vector.shape_cast %get3A_11 : vector<128x48x16xf32> to vector<6144x16xf32>
    %convert_element_type3A = arith.truncf %reshape3A : vector<6144x16xf32> to vector<6144x16xbf16>
    %convert_element_type3A_12 = arith.truncf %dot_general3A_7 : vector<16x128xf32> to vector<16x128xbf16>
    %dot_general3A_13 = arith.constant dense<0.000000e+00> : vector<6144x128xf32>
    %dot_general3A_14 = tpu.matmul %convert_element_type3A, %convert_element_type3A_12, %dot_general3A_13 {dimension_numbers = #tpu.dot_dimension_numbers<[1], [0], [0], [1], [0, 0, 1, 1], [], []>, transpose_lhs_hint = false} : vector<6144x16xbf16>, vector<16x128xbf16>, vector<6144x128xf32> -> vector<6144x128xf32>
    %get3A_15 = arith.constant 0 : index
    %get3A_16 = arith.constant 0 : index
    %get3A_17 = vector.load %arg1[%get3A_15, %get3A_16] : memref<6144x128xf32, #tpu.memory_space<vmem>>, vector<6144x128xf32>
    %add3A = arith.addf %get3A_17, %dot_general3A_14 : vector<6144x128xf32>
    %reshape3A_18 = vector.shape_cast %add3A : vector<6144x128xf32> to vector<128x48x128xf32>
    %get3A_19 = arith.constant 0 : index
    %get3A_20 = arith.constant 0 : index
    %get3A_21 = vector.load %arg3[%get3A_19, %get3A_20] : memref<128x128xf32, #tpu.memory_space<vmem>>, vector<128x128xf32>
    %broadcast_in_dim3A = vector.shape_cast %get3A_21 : vector<128x128xf32> to vector<128x1x128xf32>
    %add3A_22 = vector.broadcast %broadcast_in_dim3A : vector<128x1x128xf32> to vector<128x48x128xf32>
    %add3A_23 = arith.addf %reshape3A_18, %add3A_22 : vector<128x48x128xf32>
    %max3A = arith.constant 0.000000e+00 : f32
    %max3A_24 = vector.broadcast %max3A : f32 to vector<128x48x128xf32>
    %max3A_25 = arith.maximumf %add3A_23, %max3A_24 : vector<128x48x128xf32>
    %reduce_sum3A = arith.constant dense<0.000000e+00> : vector<128x128xf32>
    %reduce_sum3A_26 = vector.multi_reduction <add>, %max3A_25, %reduce_sum3A [1] : vector<128x48x128xf32> to vector<128x128xf32>
    %mul3A = arith.constant 0.020833334 : f32
    %mul3A_27 = vector.broadcast %mul3A : f32 to vector<128x128xf32>
    %mul3A_28 = arith.mulf %reduce_sum3A_26, %mul3A_27 : vector<128x128xf32>
    %get3A_29 = arith.constant 0 : index
    %get3A_30 = arith.constant 0 : index
    %get3A_31 = vector.load %arg4[%get3A_29, %get3A_30] : memref<128x128xf32, #tpu.memory_space<vmem>>, vector<128x128xf32>
    %get3A_32 = arith.constant 0 : index
    %get3A_33 = arith.constant 0 : index
    %get3A_34 = arith.constant 0 : index
    %get3A_35 = vector.load %arg7[%get3A_32, %get3A_33, %get3A_34] : memref<1x128x128xf32, #tpu.memory_space<vmem>>, vector<1x128x128xf32>
    %get3A_36 = vector.shape_cast %get3A_35 : vector<1x128x128xf32> to vector<128x128xf32>
    %dot_general3A_37 = arith.constant dense<0.000000e+00> : vector<128x128xf32>
    %dot_general3A_38 = tpu.matmul %mul3A_28, %get3A_36, %dot_general3A_37 {dimension_numbers = #tpu.dot_dimension_numbers<[1], [0], [0], [1], [0, 0, 1, 1], [], []>, precision = #tpu.contract_precision<fp32>, transpose_lhs_hint = false} : vector<128x128xf32>, vector<128x128xf32>, vector<128x128xf32> -> vector<128x128xf32>
    %add3A_39 = arith.addf %get3A_31, %dot_general3A_38 : vector<128x128xf32>
    %reduce_sum3A_40 = arith.constant dense<0.000000e+00> : vector<128xf32>
    %reduce_sum3A_41 = vector.multi_reduction <add>, %add3A_39, %reduce_sum3A_40 [1] : vector<128x128xf32> to vector<128xf32>
    %broadcast_in_dim3A_42 = vector.shape_cast %reduce_sum3A_41 : vector<128xf32> to vector<128x1xf32>
    %div3A = arith.constant 1.280000e+02 : f32
    %div3A_43 = vector.broadcast %div3A : f32 to vector<128x1xf32>
    %div3A_44 = arith.divf %broadcast_in_dim3A_42, %div3A_43 : vector<128x1xf32>
    %sub3A = vector.broadcast %div3A_44 : vector<128x1xf32> to vector<128x128xf32>
    %sub3A_45 = arith.subf %add3A_39, %sub3A : vector<128x128xf32>
    %mul3A_46 = arith.mulf %sub3A_45, %sub3A_45 : vector<128x128xf32>
    %reduce_sum3A_47 = arith.constant dense<0.000000e+00> : vector<128xf32>
    %reduce_sum3A_48 = vector.multi_reduction <add>, %mul3A_46, %reduce_sum3A_47 [1] : vector<128x128xf32> to vector<128xf32>
    %broadcast_in_dim3A_49 = vector.shape_cast %reduce_sum3A_48 : vector<128xf32> to vector<128x1xf32>
    %div3A_50 = arith.constant 1.280000e+02 : f32
    %div3A_51 = vector.broadcast %div3A_50 : f32 to vector<128x1xf32>
    %div3A_52 = arith.divf %broadcast_in_dim3A_49, %div3A_51 : vector<128x1xf32>
    %add3A_53 = arith.constant 9.99999974E-6 : f32
    %add3A_54 = vector.broadcast %add3A_53 : f32 to vector<128x1xf32>
    %add3A_55 = arith.addf %div3A_52, %add3A_54 : vector<128x1xf32>
    %sqrt3A = math.sqrt %add3A_55 : vector<128x1xf32>
    %div3A_56 = vector.broadcast %sqrt3A : vector<128x1xf32> to vector<128x128xf32>
    %div3A_57 = arith.divf %sub3A_45, %div3A_56 : vector<128x128xf32>
    %swap3A = arith.constant 0 : index
    %swap3A_58 = arith.constant 0 : index
    %swap3A_59 = vector.load %arg8[%swap3A, %swap3A_58] : memref<128x128xf32, #tpu.memory_space<vmem>>, vector<128x128xf32>
    tpu.vector_store %arg8[%swap3A, %swap3A_58], %div3A_57 {strides = array<i32>} : memref<128x128xf32, #tpu.memory_space<vmem>>, vector<128x128xf32>,
    return
  }
  func.func @transform_0(%arg0: i32) -> (i32, i32) {
    %c0_i32 = arith.constant 0 : i32
    %c0_i32_0 = arith.constant 0 : i32
    return %arg0, %c0_i32 : i32, i32
  }
  func.func @transform_1(%arg0: i32) -> (i32, i32, i32) {
    %add3A = arith.constant 32 : i32
    %add3A_0 = arith.addi %arg0, %add3A : i32
    %c0_i32 = arith.constant 0 : i32
    %c0_i32_1 = arith.constant 0 : i32
    %c0_i32_2 = arith.constant 0 : i32
    return %add3A_0, %c0_i32, %c0_i32_1 : i32, i32, i32
  }
  func.func @transform_2(%arg0: i32) -> (i32, i32) {
    %add3A = arith.constant 0 : i32
    %add3A_0 = arith.addi %arg0, %add3A : i32
    %c0_i32 = arith.constant 0 : i32
    %c0_i32_1 = arith.constant 0 : i32
    return %add3A_0, %c0_i32 : i32, i32
  }
  func.func @transform_3(%arg0: i32) -> (i32, i32) {
    %add3A = arith.constant 0 : i32
    %add3A_0 = arith.addi %arg0, %add3A : i32
    %c0_i32 = arith.constant 0 : i32
    %c0_i32_1 = arith.constant 0 : i32
    return %add3A_0, %c0_i32 : i32, i32
  }
  func.func @transform_4(%arg0: i32) -> (i32, i32) {
    %c0_i32 = arith.constant 0 : i32
    %c0_i32_0 = arith.constant 0 : i32
    %c0_i32_1 = arith.constant 0 : i32
    return %c0_i32, %c0_i32_0 : i32, i32
  }
  func.func @transform_5(%arg0: i32) -> (i32, i32, i32) {
    %c2_i32 = arith.constant 2 : i32
    %c2_i32_0 = arith.constant 2 : i32
    %c0_i32 = arith.constant 0 : i32
    %c0_i32_1 = arith.constant 0 : i32
    return %c2_i32, %c2_i32_0, %c0_i32 : i32, i32, i32
  }
  func.func @transform_6(%arg0: i32) -> (i32, i32, i32) {
    %c2_i32 = arith.constant 2 : i32
    %c0_i32 = arith.constant 0 : i32
    %c0_i32_0 = arith.constant 0 : i32
    %c0_i32_1 = arith.constant 0 : i32
    return %c2_i32, %c0_i32, %c0_i32_0 : i32, i32, i32
  }
  func.func @transform_7(%arg0: i32) -> (i32, i32) {
    %c0_i32 = arith.constant 0 : i32
    %c0_i32_0 = arith.constant 0 : i32
    return %arg0, %c0_i32 : i32, i32
  }
}

module attributes {stable_mosaic.version = 14 : i64} {
  func.func @_out_body(%arg0: i32, %arg1: memref<8xi32, #tpu.memory_space<smem>>, %arg2: memref<1x1024x128xf32, #tpu.memory_space<vmem>>, %arg3: memref<128x128xf32, #tpu.memory_space<vmem>>, %arg4: memref<1x1x128xf32, #tpu.memory_space<vmem>>) attributes {dimension_semantics = [#tpu.dimension_semantics<arbitrary>], iteration_bounds = array<i64: 8>, scalar_prefetch = 1 : i64, scratch_operands = 0 : i64, tpu.core_type = #tpu.core_type<tc>, window_params = [{transform_indices = @transform_0, window_bounds = array<i64: 1, 1024, 128>}, {pipeline_mode = #tpu.pipeline_mode<synchronous>, transform_indices = @transform_1, window_bounds = array<i64: 128, 128>}, {transform_indices = @transform_2, window_bounds = array<i64: 1, 1, 128>}]} {
    %get3A = arith.index_cast %arg0 : i32 to index
    %get3A_0 = memref.load %arg1[%get3A] : memref<8xi32, #tpu.memory_space<smem>>
    %get3A_1 = arith.constant 0 : index
    %get3A_2 = arith.index_cast %get3A_0 : i32 to index
    %get3A_3 = arith.constant 0 : index
    %get3A_4 = vector.load %arg2[%get3A_1, %get3A_2, %get3A_3] : memref<1x1024x128xf32, #tpu.memory_space<vmem>>, vector<1x1x128xf32>
    %get3A_5 = vector.shape_cast %get3A_4 : vector<1x1x128xf32> to vector<1x128xf32>
    %get3A_6 = arith.constant 0 : index
    %get3A_7 = arith.constant 0 : index
    %get3A_8 = vector.load %arg3[%get3A_6, %get3A_7] : memref<128x128xf32, #tpu.memory_space<vmem>>, vector<128x128xf32>
    %dot_general3A = arith.constant dense<0.000000e+00> : vector<1x128xf32>
    %dot_general3A_9 = tpu.matmul %get3A_5, %get3A_8, %dot_general3A {dimension_numbers = #tpu.dot_dimension_numbers<[1], [0], [0], [1], [0, 0, 1, 1], [], []>, precision = #tpu.contract_precision<fp32>, transpose_lhs_hint = false} : vector<1x128xf32>, vector<128x128xf32>, vector<1x128xf32> -> vector<1x128xf32>
    %iota3A = tpu.iota {dimensions = array<i32: 1>} : vector<1x128xi32>
    %lt3A = arith.constant 20 : i32
    %lt3A_10 = vector.broadcast %lt3A : i32 to vector<1x128xi32>
    %lt3A_11 = arith.cmpi slt, %iota3A, %lt3A_10 : vector<1x128xi32>
    %jit3A = arith.constant -3.000000e+38 : f32
    %broadcast_in_dim3A = vector.broadcast %jit3A : f32 to vector<1x128xf32>
    %select_n3A = arith.select %lt3A_11, %dot_general3A_9, %broadcast_in_dim3A : vector<1x128xi1>, vector<1x128xf32>
    %reduce_max3A = arith.constant dense<0xFF800000> : vector<1xf32>
    %reduce_max3A_12 = vector.multi_reduction <maximumf>, %select_n3A, %reduce_max3A [1] : vector<1x128xf32> to vector<1xf32>
    %broadcast_in_dim3A_13 = vector.shape_cast %reduce_max3A_12 : vector<1xf32> to vector<1x1xf32>
    %sub3A = vector.broadcast %broadcast_in_dim3A_13 : vector<1x1xf32> to vector<1x128xf32>
    %sub3A_14 = arith.subf %select_n3A, %sub3A : vector<1x128xf32>
    %exp3A = math.exp %sub3A_14 : vector<1x128xf32>
    %reduce_sum3A = arith.constant dense<0.000000e+00> : vector<1xf32>
    %reduce_sum3A_15 = vector.multi_reduction <add>, %exp3A, %reduce_sum3A [1] : vector<1x128xf32> to vector<1xf32>
    %broadcast_in_dim3A_16 = vector.shape_cast %reduce_sum3A_15 : vector<1xf32> to vector<1x1xf32>
    %div3A = vector.broadcast %broadcast_in_dim3A_16 : vector<1x1xf32> to vector<1x128xf32>
    %div3A_17 = arith.divf %exp3A, %div3A : vector<1x128xf32>
    %swap3A = arith.constant 0 : index
    %swap3A_18 = arith.constant 0 : index
    %swap3A_19 = arith.constant 0 : index
    %swap3A_20 = vector.load %arg4[%swap3A, %swap3A_18, %swap3A_19] : memref<1x1x128xf32, #tpu.memory_space<vmem>>, vector<1x1x128xf32>
    %swap3A_21 = vector.shape_cast %swap3A_20 : vector<1x1x128xf32> to vector<1x128xf32>
    %swap3A_22 = vector.shape_cast %div3A_17 : vector<1x128xf32> to vector<1x1x128xf32>
    tpu.vector_store %arg4[%swap3A, %swap3A_18, %swap3A_19], %swap3A_22 {strides = array<i32>} : memref<1x1x128xf32, #tpu.memory_space<vmem>>, vector<1x1x128xf32>,
    return
  }
  func.func @transform_0(%arg0: i32, %arg1: memref<8xi32, #tpu.memory_space<smem>>) -> (i32, i32, i32) {
    %c0_i32 = arith.constant 0 : i32
    %c0_i32_0 = arith.constant 0 : i32
    %c0_i32_1 = arith.constant 0 : i32
    return %arg0, %c0_i32, %c0_i32_0 : i32, i32, i32
  }
  func.func @transform_1(%arg0: i32, %arg1: memref<8xi32, #tpu.memory_space<smem>>) -> (i32, i32) {
    %c0_i32 = arith.constant 0 : i32
    %c0_i32_0 = arith.constant 0 : i32
    %c0_i32_1 = arith.constant 0 : i32
    return %c0_i32, %c0_i32_0 : i32, i32
  }
  func.func @transform_2(%arg0: i32, %arg1: memref<8xi32, #tpu.memory_space<smem>>) -> (i32, i32, i32) {
    %c0_i32 = arith.constant 0 : i32
    %c0_i32_0 = arith.constant 0 : i32
    %c0_i32_1 = arith.constant 0 : i32
    return %arg0, %c0_i32, %c0_i32_0 : i32, i32, i32
  }
}

</mosaic_0001>

<sc_bundles>
// kernel: kernel.16.cloned.1.call-start
scs
__scs_entry_jumppad:
0x0: {  	(pc) =	sbr.rel $0x88, $3  }
0x1: {  	(tag) =	ssettag $0x0;
	lr =	simm.s32 $0x1  }
0x2: {  	[smem:$0x3F99] =	sst lr;
	_ =	strace $0xD0000000  }
0x3: {  	_ = 	snop  }
0x4: {  	_ = 	snop  }
0x5: {  	_ = 	snop  }
0x6: {  	_ = 	snop  }
0x7: {  	_ = 	snop  }
__scs_overlays_trampoline_lowered:
0x8: {  	[smem:$0x3FA8] =	sst s0  }
0x9: {  	[smem:$0x3FA9] =	sst s1  }
0xa: {  	[smem:$0x3FAA] =	sst s2  }
0xb: {  	[smem:$0x3FAB] =	sst s3  }
0xc: {  	[smem:$0x3FAC] =	sst s4  }
0xd: {  	[smem:$0x3FAD] =	sst s5  }
0xe: {  	[smem:$0x3FAE] =	sst s6  }
0xf: {  	[smem:$0x3FAF] =	sst s7  }
0x10: {  	[smem:$0x3FB0] =	sst s8  }
0x11: {  	[smem:$0x3FB1] =	sst s9;
	s0 =	simm.s32 @!p0 $0x0  }
0x12: {  	s1 =	sld [smem:$0x3F97];
	s0 =	simm.s32 @p0 $0x1  }
0x13: {  	[smem:$0x3FB2] =	sst s0;
	s0 =	simm.s32 @!p1 $0x0  }
0x14: {  	s2 =	sld [smem:$0x3F96];
	s0 =	simm.s32 @p1 $0x1  }
0x15: {  	[smem:$0x3FB3] =	sst s0;
	s0 =	simm.s32 @!p2 $0x0  }
0x16: {  	s3 =	sld [smem:$0x3FDB];
	s0 =	simm.s32 @p2 $0x1  }
0x17: {  	s4 =	simm.s32 $0x1BF5;
	[smem:$0x3FB5] =	sst s0  }
0x18: {  	s0 =	sld [smem:$0x3F98];
	_ =	swait.ge [sflag:s4], $0x0  }
0x19: {  	s7 =	sld [smem:$0x3F99]  }
0x1a: {  	s8 =	sadd.s32 $0xFFFFE003, lr  }
0x1b: {  	s9 =	sadd.s32 $0xFFFFFEF7, lr;
	s5 =	simm.s32 $0xFFFFFFFF;
	p2 =	slt.u32 s8, $0xFFFFF086  }
0x1c: {  	p1 =	slt.u32 s9, $0xF7A;
	s5 =	simm.s32 @!p2 $0x0  }
0x1d: {  	s5 =	simm.s32 @p1 $0x1;
	p0 =	seq.s32 s7, s2  }
0x1e: {  	s7 =	smul.u32 @!p0 $0xF7A, s2;
	p2 =	seq.s32 @!p0 s5, $0x0  }
0x1f: {  	s9 =	smul.u32 $0xF7A, s1;
	s8 =	simm.s32 @!p0 $0x1BF5;
	p2 =	por !p2, p0  }
0x20: {  	[sflag:s8] =	ssyncset.s32 @!p0 $0xFFFFF086;
	s6 =	sadd.s32 @!p0 s3, s7;
	s7 =	simm.s32 @!p0 $0x108  }
0x21: {  	s3 =	sadd.s32 s3, s9;
	s6 =	sadd.s32 @!p0 $0x88, s6;
	s7 =	simm.s32 @p2 $0x1082  }
0x22: {  	[simem:s7], [sflag:s8] =	dma.local @!p0 [hbm:s6], $0xF7A  }
0x23: {  	s9 =	sor.u32 $0xD0000000, s2;
	s6 =	simm.s32 $0x108;
	_ =	swait.ge @!p0 [sflag:s8], $0x0  }
0x24: {  	s3 =	sadd.s32 $0x88, s3;
	s6 =	simm.s32 @!p1 $0x1082;
	[sflag:s4] =	ssyncset.s32 $0xFFFFF086  }
0x25: {  	[simem:s6], [sflag:s4] =	dma.local [hbm:s3], $0xF7A  }
0x26: {  	[smem:$0x3F99] =	sst s1;
	(tag) =	ssettag s2;
	_ =	strace s9  }
0x27: {  	s1 =	sld [smem:$0x3FA9]  }
0x28: {  	s2 =	sld [smem:$0x3FAA]  }
0x29: {  	s4 =	sld [smem:$0x3FAC]  }
0x2a: {  	p0 =	seq.s32 s5, $0x0;
	s5 =	sld [smem:$0x3FAD]  }
0x2b: {  	s6 =	sld [smem:$0x3FAE]  }
0x2c: {  	s7 =	sld [smem:$0x3FAF]  }
0x2d: {  	s3 =	simm.s32 $0x108;
	s8 =	sld [smem:$0x3FB0]  }
0x2e: {  	s3 =	simm.s32 @!p0 $0x1082;
	s9 =	sld [smem:$0x3FB1]  }
0x2f: {  	lr =	sadd.s32 s0, s3;
	s0 =	sld [smem:$0x3FA8]  }
0x30: {  	s3 =	sld [smem:$0x3FAB]  }
0x31: {  	[smem:$0x3FB4] =	sst s10  }
0x32: {  	s10 =	sld [smem:$0x3FB2];
	_ =	sdelay $0x3  }
0x33: {  	p0 =	seq.s32 s10, $0x1;
	s10 =	sld [smem:$0x3FB4];
	_ =	sdelay $0x3  }
0x34: {  	[smem:$0x3FB4] =	sst s10  }
0x35: {  	s10 =	sld [smem:$0x3FB3];
	_ =	sdelay $0x3  }
0x36: {  	p1 =	seq.s32 s10, $0x1;
	s10 =	sld [smem:$0x3FB4];
	_ =	sdelay $0x3  }
0x37: {  	[smem:$0x3FB4] =	sst s10  }
0x38: {  	s10 =	sld [smem:$0x3FB5]  }
0x39: {  	_ = 	snop;
	(pc) =	sbr.ind lr, $3  }
0x3a: {  	_ = 	snop  }
0x3b: {  	_ = 	snop  }
0x3c: {  	p2 =	seq.s32 s10, $0x1;
	s10 =	sld [smem:$0x3FB4]  }
0x3d: {  	_ =	shalt  }
0x3e: {  	_ =	shalt  }
0x3f: {  	_ =	shalt  }
0x40: {  	_ =	shalt  }
0x41: {  	_ =	shalt  }
0x42: {  	_ =	shalt  }
0x43: {  	_ =	shalt  }
0x44: {  	_ =	shalt  }
0x45: {  	_ =	shalt  }
0x46: {  	_ =	shalt  }
0x47: {  	_ =	shalt  }
0x48: {  	_ =	shalt  }
0x49: {  	_ =	shalt  }
0x4a: {  	_ =	shalt  }
0x4b: {  	_ =	shalt  }
0x4c: {  	_ =	shalt  }
0x4d: {  	_ =	shalt  }
0x4e: {  	_ =	shalt  }
0x4f: {  	_ =	shalt  }
0x50: {  	_ =	shalt  }
0x51: {  	_ =	shalt  }
0x52: {  	_ =	shalt  }
0x53: {  	_ =	shalt  }
0x54: {  	_ =	shalt  }
0x55: {  	_ =	shalt  }
0x56: {  	_ =	shalt  }
0x57: {  	_ =	shalt  }
0x58: {  	_ =	shalt  }
0x59: {  	_ =	shalt  }
0x5a: {  	_ =	shalt  }
0x5b: {  	_ =	shalt  }
0x5c: {  	_ =	shalt  }
0x5d: {  	_ =	shalt  }
0x5e: {  	_ =	shalt  }
0x5f: {  	_ =	shalt  }
0x60: {  	_ =	shalt  }
0x61: {  	_ =	shalt  }
0x62: {  	_ =	shalt  }
0x63: {  	_ =	shalt  }
0x64: {  	_ =	shalt  }
0x65: {  	_ =	shalt  }
0x66: {  	_ =	shalt  }
0x67: {  	_ =	shalt  }
0x68: {  	_ =	shalt  }
0x69: {  	_ =	shalt  }
0x6a: {  	_ =	shalt  }
0x6b: {  	_ =	shalt  }
0x6c: {  	_ =	shalt  }
0x6d: {  	_ =	shalt  }
0x6e: {  	_ =	shalt  }
0x6f: {  	_ =	shalt  }
0x70: {  	_ =	shalt  }
0x71: {  	_ =	shalt  }
0x72: {  	_ =	shalt  }
0x73: {  	_ =	shalt  }
0x74: {  	_ =	shalt  }
0x75: {  	_ =	shalt  }
0x76: {  	_ =	shalt  }
0x77: {  	_ =	shalt  }
0x78: {  	_ =	shalt  }
0x79: {  	_ =	shalt  }
0x7a: {  	_ =	shalt  }
0x7b: {  	_ =	shalt  }
0x7c: {  	_ =	shalt  }
0x7d: {  	_ =	shalt  }
0x7e: {  	_ =	shalt  }
0x7f: {  	_ =	shalt  }
0x80: {  	_ =	shalt  }
0x81: {  	_ =	shalt  }
0x82: {  	_ =	shalt  }
0x83: {  	_ =	shalt  }
0x84: {  	_ =	shalt  }
0x85: {  	_ =	shalt  }
0x86: {  	_ =	shalt  }
0x87: {  	_ =	shalt  }
.Lfunc_end0:
.L_simem_size_0:
called_computation_lowered:
.L_overlay_start_0:
0x88: {  	s2 =	sld [smem:$0x3FD9]  }
0x89: {  	s3 =	sld [smem:$0x3FFE];
	_ =	sdelay $0x1  }
0x8a: {  	s1 =	srdreg.scid  }
0x8b: {  	s0 =	sand.u32 $0x1, s1  }
0x8c: {  	s16 =	sshll.u32 s0, $0xA;
	s2 =	sadd.s32 s3, s2  }
0x8d: {  	s2 =	sadd.s32 s2, s16  }
0x8e: {  	[smem:$0x3FC0] =	sst s2  }
0x8f: {  	_ = 	snop  }
0x90: {  	(tm) =	ssettm $0x1  }
0x91: {  	s17 =	sld [smem:$0x3FFB];
	_ =	sdelay $0x3  }
0x92: {  	_ =	strace s17  }
0x93: {  	s2 =	sld [smem:$0x3FFC];
	_ =	sdelay $0x3  }
0x94: {  	_ =	strace s2  }
0x95: {  	s2 =	sld [smem:$0x3FFD];
	_ =	sdelay $0x3  }
0x96: {  	_ =	strace s2  }
0x97: {  	_ =	strace $0x8FFFFFFF  }
0x98: {  	s18 =	sld [smem:$0x3FDB];
	_ =	sdelay $0x1  }
0x99: {  	s19 =	simm.s32 $_scs_section_size  }
0x9a: {  	s4 =	simm.s32 $_size__tile_overlayer_lowered;
	s5 =	simm.s32 $_tile_overlayer_lowered  }
0x9b: {  	s22 =	simm.s32 $0x1BFF;
	s21 =	sshll.u32 s5, $0x1;
	s2 =	sadd.s32 s19, s18  }
0x9c: {  	s6 =	simm.s32 $0x0;
	s20 =	sshll.u32 s4, $0x1;
	s4 =	sadd.s32 s21, s2  }
0x9d: {  	[timem:s6], [sflag:s22] =	dma.local [hbm:s4], s20  }
0x9e: {  	_ =	swait.ge [sflag:s22], s20  }
0x9f: {  	s3 =	ssub.s32 $0x0, s20;
	[sflag:s22] =	ssyncset.done $0x0  }
0xa0: {  	[sflag:s22] =	ssyncadd.s32 s3;
	_ =	sdelay $0x1  }
0xa1: {  	s23 =	simm.s32 $0x1B8B  }
0xa2: {  	_ =	swait.ge [sflag:s23], $0x1  }
0xa3: {  	[sflag:s23] =	ssyncset.done $0x0  }
0xa4: {  	s25 =	simm.s32 $0x1B8E;
	s24 =	sld [smem:$0x3FFE];
	[sflag:s23] =	ssyncadd.s32 $0xFFFFFFFF  }
0xa5: {  	s26 =	simm.s32 $execute0_lowered;
	[smem:$0x3FD2] =	sst s25  }
0xa6: {  	s4 =	sshll.u32 s26, $0x1;
	_ =	strace $0x80000046;
	[dreg:$0x1] =	wrdreg $0xFFFFFFFF  }
0xa7: {  	s28 =	simm.s32 $_size_execute0_lowered;
	s2 =	sadd.s32 s2, s4;
	[dreg:$0x0] =	wrdreg $0x0  }
0xa8: {  	s4 =	sshll.u32 s28, $0x1;
	[dreg:$0x2] =	wrdreg s2  }
0xa9: {  	[dreg:$0x3] =	wrdreg s4  }
0xaa: {  	[dreg:$0x4] =	wrdreg $0xC0  }
0xab: {  	_ =	task [dreg:s6], $0x5FFFF  }
0xac: {  	[dreg:$0x1] =	wrdreg $0xFFFFFFFF  }
0xad: {  	[dreg:$0x0] =	wrdreg $0x60  }
0xae: {  	[dreg:$0x2] =	wrdreg s24  }
0xaf: {  	[dreg:$0x3] =	wrdreg $0x9  }
0xb0: {  	_ =	task.clear_ibuf [dreg:s6], $0x4FFFF;
	_ =	strace $0x90000046  }
0xb1: {  	s29 =	simm.s32 $0x9;
	_ =	strace $0x80000048  }
0xb2: {  	_ =	swait.ge [sflag:s29], $0x1  }
0xb3: {  	[sflag:s29] =	ssyncadd.s32 $0xFFFFFFFF  }
0xb4: {  	_ =	strace $0x90000048  }
0xb5: {  	_ =	sfence  }
0xb6: {  	s30 =	sld [smem:$0x0];
	_ =	sdelay $0x2  }
0xb7: {  	s31 =	sshll.u32 s1, $0xD;
	s1 =	sshrl.u32 s1, $0x2  }
0xb8: {  	s3 =	sand.u32 $0x4000, s31;
	s1 =	sadd.s32 s1, s30  }
0xb9: {  	s0 =	sor.u32 s3, s0;
	s1 =	sshll.u32 s1, $0x11  }
0xba: {  	s0 =	sor.u32 s1, s0  }
0xbb: {  	s0 =	sadd.s32 $0x8F2B, s0  }
0xbc: {  	[sflag:s0] =	ssyncadd.remote.s32 $0x1  }
0xbd: {  	_ =	sfence.sel $0xFFFF  }
0xbe: {  	[dreg:$0x0] =	wrdreg $0xFFFFFFFF;
	(pc) =	sbr.abs _section_cstart, $3  }
0xbf: {  	[dreg:$0x1] =	wrdreg $0xFFFFFFFF  }
0xc0: {  	_ =	task.clear_ibuf [dreg:s6], $0x2FFFF;
	_ =	strace $0x9FFFFFFF  }
0xc1: {  	(tm) =	ssettm $0x7FFFFFFF  }
tec
execute0_lowered:
.L_overlay_start_1:
0x0: {  	(tag) =	ssettag $0x1  }
0x1: {  	s4 =	rddreg [dreg:$0x0];
	s2 =	simm.s32 $0x0;
	s0 =	stileid.u32  }
0x2: {  	s3 =	srdreg.scid;
	s21 =	simm.s32 $0x2;
	s12 =	smul.u32 $0x180000, s0  }
0x3: {  	s22 =	simm.s32 $0x4100;
	[smem:$0x7FF] =	sst s2;
	s17 =	smul.u32 $0x3000, s0  }
0x4: {  	s14 =	sand.u32 $0x1, s3;
	s16 =	sadd.s32 $0x666A00, s4;
	s30 =	smul.u32 $0x30000, s0  }
0x5: {  	s23 =	sshll.u32 s0, $0x1;
	s15 =	sadd.s32 $0x672A00, s4;
	s13 =	smul.u32 $0xC0000, s14  }
0x6: {  	s3 =	sadd.s32 $0x6A00, s4;
	_ =	strace $0x80000047;
	s19 =	smul.u32 $0x1800, s14  }
0x7: {  	s5 =	sor.u32 s14, s23;
	s6 =	ssub.s32 $0x2, s14;
	s20 =	smul.u32 $0x18000, s14  }
0x8: {  	s23 =	simm.s32 $0x4;
	s9 =	smul.u32 $0x1800, s5;
	s24 =	sshrl.u32 s6, $0x1  }
0x9: {  	s7 =	smul.u32 $0xC0000, s5;
	s6 =	ssub.s32 s6, s24;
	s13 =	sadd.s32 s13, s12  }
0xa: {  	s17 =	sadd.s32 s19, s17;
	s24 =	simm.s32 $0x5;
	s25 =	sshrl.u32 s9, $0x3  }
0xb: {  	s8 =	sor.u32 $0x100, s9;
	s10 =	sor.u32 $0x80, s9;
	s5 =	smax.u32 s6, $0x1  }
0xc: {  	s7 =	sshrl.u32 s7, $0x3;
	s11 =	sadd.s32 $0x1780, s9;
	s13 =	sor.u32 $0x8000, s13  }
0xd: {  	s19 =	sor.u32 $0x200, s17;
	s17 =	sor.u32 $0x180, s17;
	s4 =	sadd.s32 s16, s25  }
0xe: {  	s26 =	sshrl.u32 s10, $0x3;
	s7 =	sadd.s32 s15, s7;
	s8 =	sshrl.u32 s8, $0x3  }
0xf: {  	s28 =	sshll.u32 s10, $0x4;
	s29 =	sshrl.u32 s11, $0x3;
	s18 =	sshll.u32 s11, $0x4  }
0x10: {  	s13 =	sshrl.u32 s13, $0x3;
	s31 =	sshrl.u32 s19, $0x3;
	s17 =	sshrl.u32 s17, $0x3  }
0x11: {  	s19 =	simm.s32 $0x100;
	s25 =	simm.s32 $0x6;
	s6 =	sadd.s32 s16, s26  }
0x12: {  	s8 =	sadd.s32 s16, s8;
	s9 =	sadd.s32 s15, s28;
	s10 =	sadd.s32 s16, s29  }
0x13: {  	s11 =	sadd.s32 $0x17000, s7;
	s12 =	sadd.s32 s15, s18;
	s13 =	sadd.s32 s13, s15  }
0x14: {  	s15 =	sadd.s32 s30, s15;
	s14 =	sadd.s32 s31, s16;
	s16 =	sadd.s32 s17, s16  }
0x15: {  	s17 =	simm.s32 $0x1;
	s18 =	simm.s32 $0x80;
	s15 =	sadd.s32 s20, s15  }
0x16: {  	s26 =	simm.s32 $0x0;
	s20 =	simm.s32 $0x3;
	s15 =	sadd.s32 $0x1800, s15  }
.LBB2_1:
0x17: {  	[tilespmem:s2], [sflag:$0x1] =	stream.linear.gather [hbm4b:s4+s2], $0x80, $0x38;
	[tilespmem:$0x8100] =	vst v63  }
0x18: {  	_ =	swait.ge [sflag:s17], $0x80  }
0x19: {  	[sflag:s17] =	ssyncset.done $0x0  }
0x1a: {  	[sflag:s17] =	ssyncadd.s32 $0xFFFFFF80  }
0x1b: {  	[tilespmem:s18], [sflag:$0x2] =	stream.linear.gather [hbm4b:s6+s2], $0x80, $0x38;
	[tilespmem:$0x8100] =	vst v63  }
0x1c: {  	_ = 	snop  }
0x1d: {  	[tilespmem:s19], [sflag:$0x3] =	stream.indirect.gather [hbm4b:s3+s18], $0x80, s2, s18, $0xb8;
	[tilespmem:$0x8100] =	vst v63  }
0x1e: {  	_ =	swait.ge [sflag:s20], $0x4000  }
0x1f: {  	[sflag:s20] =	ssyncset.done $0x0  }
0x20: {  	[sflag:s20] =	ssyncadd.s32 $0xFFFFC000  }
0x21: {  	[hbm4b:s7+s2] =	stream.linear.scatter [tilespmem:s19], [sflag:$0x5], $0x4000, $0x38;
	[tilespmem:$0x8100] =	vst v63  }
0x22: {  	_ =	swait.ge [sflag:s21], $0x80  }
0x23: {  	[sflag:s21] =	ssyncset.done $0x0  }
0x24: {  	[sflag:s21] =	ssyncadd.s32 $0xFFFFFF80  }
0x25: {  	[tilespmem:s2], [sflag:$0x1] =	stream.linear.gather [hbm4b:s8+s2], $0x80, $0x38;
	[tilespmem:$0x8100] =	vst v63  }
0x26: {  	_ = 	snop  }
0x27: {  	[tilespmem:s22], [sflag:$0x4] =	stream.indirect.gather [hbm4b:s3+s18], $0x80, s18, s18, $0xb8;
	[tilespmem:$0x8100] =	vst v63  }
0x28: {  	_ =	swait.ge [sflag:s23], $0x4000  }
0x29: {  	[sflag:s23] =	ssyncset.done $0x0  }
0x2a: {  	[sflag:s23] =	ssyncadd.s32 $0xFFFFC000  }
0x2b: {  	[hbm4b:s9+s2] =	stream.linear.scatter [tilespmem:s22], [sflag:$0x6], $0x4000, $0x38;
	[tilespmem:$0x8100] =	vst v63  }
0x2c: {  	_ =	swait.ge [sflag:s17], $0x80  }
0x2d: {  	[sflag:s17] =	ssyncset.done $0x0  }
0x2e: {  	s28 =	sadd.s32 $0x0, s16;
	[sflag:s17] =	ssyncadd.s32 $0xFFFFFF80  }
0x2f: {  	[tilespmem:s18], [sflag:$0x2] =	stream.linear.gather [hbm4b:s28+s2], $0x80, $0x38;
	[tilespmem:$0x8100] =	vst v63  }
0x30: {  	_ =	swait.ge [sflag:s24], $0x4000  }
0x31: {  	[sflag:s24] =	ssyncset.done $0x0  }
0x32: {  	[sflag:s24] =	ssyncadd.s32 $0xFFFFC000  }
0x33: {  	[tilespmem:s19], [sflag:$0x3] =	stream.indirect.gather [hbm4b:s3+s18], $0x80, s2, s18, $0xb8;
	[tilespmem:$0x8100] =	vst v63  }
0x34: {  	_ =	swait.ge [sflag:s20], $0x4000  }
0x35: {  	[sflag:s20] =	ssyncset.done $0x0  }
0x36: {  	[sflag:s20] =	ssyncadd.s32 $0xFFFFC000  }
0x37: {  	[hbm4b:s13+s2] =	stream.linear.scatter [tilespmem:s19], [sflag:$0x5], $0x4000, $0x38;
	[tilespmem:$0x8100] =	vst v63  }
0x38: {  	_ =	swait.ge [sflag:s21], $0x80  }
0x39: {  	[sflag:s21] =	ssyncset.done $0x0  }
0x3a: {  	s28 =	sadd.s32 $0x0, s14;
	[sflag:s21] =	ssyncadd.s32 $0xFFFFFF80  }
0x3b: {  	[tilespmem:s2], [sflag:$0x1] =	stream.linear.gather [hbm4b:s28+s2], $0x80, $0x38;
	[tilespmem:$0x8100] =	vst v63  }
0x3c: {  	_ =	swait.ge [sflag:s25], $0x4000  }
0x3d: {  	[sflag:s25] =	ssyncset.done $0x0  }
0x3e: {  	[sflag:s25] =	ssyncadd.s32 $0xFFFFC000  }
0x3f: {  	[tilespmem:s22], [sflag:$0x4] =	stream.indirect.gather [hbm4b:s3+s18], $0x80, s18, s18, $0xb8;
	[tilespmem:$0x8100] =	vst v63  }
0x40: {  	_ =	swait.ge [sflag:s23], $0x4000  }
0x41: {  	s29 =	sadd.s32 $0x1000, s13;
	s30 =	sadd.s32 $0x1000, s15;
	[sflag:s23] =	ssyncset.done $0x0  }
0x42: {  	s31 =	smov.u32 s15;
	s28 =	simm.s32 $0x20;
	[sflag:s23] =	ssyncadd.s32 $0xFFFFC000  }
.LBB2_2:
0x43: {  	[hbm4b:s31+s2] =	stream.linear.scatter [tilespmem:s22], [sflag:$0x6], $0x4000, $0x38;
	[tilespmem:$0x8100] =	vst v63  }
0x44: {  	s0 =	smov.u32 s28;
	s31 =	smov.u32 s30  }
0x45: {  	p0 =	sne.s32 s28, $0x2A0;
	s28 =	sadd.s32 $0x20, s28;
	_ =	swait.ge [sflag:s17], $0x80  }
0x46: {  	[sflag:s17] =	ssyncset.done $0x0  }
0x47: {  	s1 =	sadd.s32 s0, s16;
	[sflag:s17] =	ssyncadd.s32 $0xFFFFFF80  }
0x48: {  	[tilespmem:s18], [sflag:$0x2] =	stream.linear.gather [hbm4b:s1+s2], $0x80, $0x38;
	[tilespmem:$0x8100] =	vst v63  }
0x49: {  	_ =	swait.ge [sflag:s24], $0x4000  }
0x4a: {  	[sflag:s24] =	ssyncset.done $0x0  }
0x4b: {  	[sflag:s24] =	ssyncadd.s32 $0xFFFFC000  }
0x4c: {  	[tilespmem:s19], [sflag:$0x3] =	stream.indirect.gather [hbm4b:s3+s18], $0x80, s2, s18, $0xb8;
	[tilespmem:$0x8100] =	vst v63  }
0x4d: {  	_ =	swait.ge [sflag:s20], $0x4000  }
0x4e: {  	[sflag:s20] =	ssyncset.done $0x0  }
0x4f: {  	[sflag:s20] =	ssyncadd.s32 $0xFFFFC000  }
0x50: {  	[hbm4b:s29+s2] =	stream.linear.scatter [tilespmem:s19], [sflag:$0x5], $0x4000, $0x38;
	[tilespmem:$0x8100] =	vst v63  }
0x51: {  	_ =	swait.ge [sflag:s21], $0x80  }
0x52: {  	[sflag:s21] =	ssyncset.done $0x0  }
0x53: {  	s0 =	sadd.s32 s0, s14;
	[sflag:s21] =	ssyncadd.s32 $0xFFFFFF80  }
0x54: {  	[tilespmem:s2], [sflag:$0x1] =	stream.linear.gather [hbm4b:s0+s2], $0x80, $0x38;
	[tilespmem:$0x8100] =	vst v63  }
0x55: {  	_ =	swait.ge [sflag:s25], $0x4000  }
0x56: {  	[sflag:s25] =	ssyncset.done $0x0  }
.Ltmp0:
0x57: {  	[sflag:s25] =	ssyncadd.s32 $0xFFFFC000;
	(pc) =	sbr.rel @p0 .LBB2_2-.Ltmp0, $4  }
0x58: {  	[tilespmem:s22], [sflag:$0x4] =	stream.indirect.gather [hbm4b:s3+s18], $0x80, s18, s18, $0xb8;
	[tilespmem:$0x8100] =	vst v63  }
0x59: {  	_ =	swait.ge [sflag:s23], $0x4000  }
0x5a: {  	[sflag:s23] =	ssyncset.done $0x0  }
0x5b: {  	s30 =	sadd.s32 $0x1000, s30;
	s29 =	sadd.s32 $0x1000, s29;
	[sflag:s23] =	ssyncadd.s32 $0xFFFFC000  }
0x5c: {  	[hbm4b:s31+s2] =	stream.linear.scatter [tilespmem:s22], [sflag:$0x6], $0x4000, $0x38;
	[tilespmem:$0x8100] =	vst v63  }
0x5d: {  	_ =	swait.ge [sflag:s17], $0x80  }
0x5e: {  	[sflag:s17] =	ssyncset.done $0x0  }
0x5f: {  	[sflag:s17] =	ssyncadd.s32 $0xFFFFFF80  }
0x60: {  	[tilespmem:s18], [sflag:$0x2] =	stream.linear.gather [hbm4b:s10+s2], $0x80, $0x38;
	[tilespmem:$0x8100] =	vst v63  }
0x61: {  	_ =	swait.ge [sflag:s24], $0x4000  }
0x62: {  	[sflag:s24] =	ssyncset.done $0x0  }
0x63: {  	[sflag:s24] =	ssyncadd.s32 $0xFFFFC000  }
0x64: {  	[tilespmem:s19], [sflag:$0x3] =	stream.indirect.gather [hbm4b:s3+s18], $0x80, s2, s18, $0xb8;
	[tilespmem:$0x8100] =	vst v63  }
0x65: {  	_ =	swait.ge [sflag:s20], $0x4000  }
0x66: {  	[sflag:s20] =	ssyncset.done $0x0  }
0x67: {  	[sflag:s20] =	ssyncadd.s32 $0xFFFFC000  }
0x68: {  	[hbm4b:s11+s2] =	stream.linear.scatter [tilespmem:s19], [sflag:$0x5], $0x4000, $0x38;
	[tilespmem:$0x8100] =	vst v63  }
0x69: {  	_ =	swait.ge [sflag:s21], $0x80  }
0x6a: {  	[sflag:s21] =	ssyncset.done $0x0  }
0x6b: {  	[sflag:s21] =	ssyncadd.s32 $0xFFFFFF80  }
0x6c: {  	_ =	swait.ge [sflag:s25], $0x4000  }
0x6d: {  	[sflag:s25] =	ssyncset.done $0x0  }
0x6e: {  	[sflag:s25] =	ssyncadd.s32 $0xFFFFC000  }
0x6f: {  	[tilespmem:s22], [sflag:$0x4] =	stream.indirect.gather [hbm4b:s3+s18], $0x80, s18, s18, $0xb8;
	[tilespmem:$0x8100] =	vst v63  }
0x70: {  	_ =	swait.ge [sflag:s23], $0x4000  }
0x71: {  	[sflag:s23] =	ssyncset.done $0x0  }
0x72: {  	s26 =	sadd.s32 $0x1, s26;
	[sflag:s23] =	ssyncadd.s32 $0xFFFFC000  }
0x73: {  	[hbm4b:s12+s2] =	stream.linear.scatter [tilespmem:s22], [sflag:$0x6], $0x4000, $0x38;
	[tilespmem:$0x8100] =	vst v63  }
0x74: {  	p0 =	sne.s32 s26, s5;
	_ =	swait.ge [sflag:s24], $0x4000  }
.Ltmp1:
0x75: {  	[sflag:s24] =	ssyncset.done $0x0;
	(pc) =	sbr.rel @p0 .LBB2_1-.Ltmp1, $4  }
0x76: {  	[sflag:s24] =	ssyncadd.s32 $0xFFFFC000  }
0x77: {  	_ =	swait.ge [sflag:s25], $0x4000  }
0x78: {  	[sflag:s25] =	ssyncset.done $0x0  }
0x79: {  	[sflag:s25] =	ssyncadd.s32 $0xFFFFC000  }
0x7a: {  	_ =	sfence.sel $0x180000  }
0x7b: {  	[bflag:$0x0] =	sbarrier.arrive $0xFFFF  }
0x7c: {  	_ =	strace $0x90000047  }
0x7d: {  	s0 =	stileid.u32;
	[bflag:$0x2] =	sbarrier.arrive $0xFFFF  }
0x7e: {  	p0 =	sne.s32 s0, $0x0;
	s0 =	rddreg [dreg:$0x1]  }
0x7f: {  	s0 =	sadd.s32 @!p0 $0x100000, s0  }
0x80: {  	[sflag:s0] =	ssyncadd.tile.s32 @!p0 $0x1;
	_ =	shalt  }
.Lfunc_end2:
_tile_overlayer_lowered:
.L_overlay_start_2:
0x81: {  	(tag) =	ssettag $0x2  }
0x82: {  	s0 =	rddreg [dreg:$0x0];
	s2 =	stileid.u32  }
0x83: {  	s1 =	rddreg [dreg:$0x1];
	p0 =	sne.s32 s2, $0x0  }
0x84: {  	s3 =	rddreg [dreg:$0x2];
	[bflag:$0x3] =	sbarrier.arrive $0xFFFF;
	s2 =	simm.s32 @!p0 $0x1C07  }
0x85: {  	[timem:s3], [sflag:s2] =	dma.local @!p0 [hbm:s0], s1  }
0x86: {  	s0 =	simm.s32 @!p0 $0x7  }
0x87: {  	_ =	swait.ge @!p0 [sflag:s0], s1  }
0x88: {  	s1 =	ssub.s32 @!p0 $0x0, s1;
	[sflag:s0] =	ssyncset.done @!p0 $0x0  }
0x89: {  	[sflag:s0] =	ssyncadd.s32 @!p0 s1  }
0x8a: {  	[bflag:$0x3] =	sbarrier.arrive $0xFFFF  }
0x8b: {  	_ =	shalt  }

// kernel: kernel.19.cloned.1.call-start
scs
__scs_entry_jumppad:
0x0: {  	(pc) =	sbr.rel $0x88, $3  }
0x1: {  	(tag) =	ssettag $0x0;
	lr =	simm.s32 $0x1  }
0x2: {  	[smem:$0x3F99] =	sst lr;
	_ =	strace $0xD0000000  }
0x3: {  	_ = 	snop  }
0x4: {  	_ = 	snop  }
0x5: {  	_ = 	snop  }
0x6: {  	_ = 	snop  }
0x7: {  	_ = 	snop  }
__scs_overlays_trampoline_lowered:
0x8: {  	[smem:$0x3FA8] =	sst s0  }
0x9: {  	[smem:$0x3FA9] =	sst s1  }
0xa: {  	[smem:$0x3FAA] =	sst s2  }
0xb: {  	[smem:$0x3FAB] =	sst s3  }
0xc: {  	[smem:$0x3FAC] =	sst s4  }
0xd: {  	[smem:$0x3FAD] =	sst s5  }
0xe: {  	[smem:$0x3FAE] =	sst s6  }
0xf: {  	[smem:$0x3FAF] =	sst s7  }
0x10: {  	[smem:$0x3FB0] =	sst s8  }
0x11: {  	[smem:$0x3FB1] =	sst s9;
	s0 =	simm.s32 @!p0 $0x0  }
0x12: {  	s1 =	sld [smem:$0x3F97];
	s0 =	simm.s32 @p0 $0x1  }
0x13: {  	[smem:$0x3FB2] =	sst s0;
	s0 =	simm.s32 @!p1 $0x0  }
0x14: {  	s2 =	sld [smem:$0x3F96];
	s0 =	simm.s32 @p1 $0x1  }
0x15: {  	[smem:$0x3FB3] =	sst s0;
	s0 =	simm.s32 @!p2 $0x0  }
0x16: {  	s3 =	sld [smem:$0x3FDB];
	s0 =	simm.s32 @p2 $0x1  }
0x17: {  	s4 =	simm.s32 $0x1BF5;
	[smem:$0x3FB5] =	sst s0  }
0x18: {  	s0 =	sld [smem:$0x3F98];
	_ =	swait.ge [sflag:s4], $0x0  }
0x19: {  	s7 =	sld [smem:$0x3F99]  }
0x1a: {  	s8 =	sadd.s32 $0xFFFFE003, lr  }
0x1b: {  	s9 =	sadd.s32 $0xFFFFFEF7, lr;
	s5 =	simm.s32 $0xFFFFFFFF;
	p2 =	slt.u32 s8, $0xFFFFF086  }
0x1c: {  	p1 =	slt.u32 s9, $0xF7A;
	s5 =	simm.s32 @!p2 $0x0  }
0x1d: {  	s5 =	simm.s32 @p1 $0x1;
	p0 =	seq.s32 s7, s2  }
0x1e: {  	s7 =	smul.u32 @!p0 $0xF7A, s2;
	p2 =	seq.s32 @!p0 s5, $0x0  }
0x1f: {  	s9 =	smul.u32 $0xF7A, s1;
	s8 =	simm.s32 @!p0 $0x1BF5;
	p2 =	por !p2, p0  }
0x20: {  	[sflag:s8] =	ssyncset.s32 @!p0 $0xFFFFF086;
	s6 =	sadd.s32 @!p0 s3, s7;
	s7 =	simm.s32 @!p0 $0x108  }
0x21: {  	s3 =	sadd.s32 s3, s9;
	s6 =	sadd.s32 @!p0 $0x88, s6;
	s7 =	simm.s32 @p2 $0x1082  }
0x22: {  	[simem:s7], [sflag:s8] =	dma.local @!p0 [hbm:s6], $0xF7A  }
0x23: {  	s9 =	sor.u32 $0xD0000000, s2;
	s6 =	simm.s32 $0x108;
	_ =	swait.ge @!p0 [sflag:s8], $0x0  }
0x24: {  	s3 =	sadd.s32 $0x88, s3;
	s6 =	simm.s32 @!p1 $0x1082;
	[sflag:s4] =	ssyncset.s32 $0xFFFFF086  }
0x25: {  	[simem:s6], [sflag:s4] =	dma.local [hbm:s3], $0xF7A  }
0x26: {  	[smem:$0x3F99] =	sst s1;
	(tag) =	ssettag s2;
	_ =	strace s9  }
0x27: {  	s1 =	sld [smem:$0x3FA9]  }
0x28: {  	s2 =	sld [smem:$0x3FAA]  }
0x29: {  	s4 =	sld [smem:$0x3FAC]  }
0x2a: {  	p0 =	seq.s32 s5, $0x0;
	s5 =	sld [smem:$0x3FAD]  }
0x2b: {  	s6 =	sld [smem:$0x3FAE]  }
0x2c: {  	s7 =	sld [smem:$0x3FAF]  }
0x2d: {  	s3 =	simm.s32 $0x108;
	s8 =	sld [smem:$0x3FB0]  }
0x2e: {  	s3 =	simm.s32 @!p0 $0x1082;
	s9 =	sld [smem:$0x3FB1]  }
0x2f: {  	lr =	sadd.s32 s0, s3;
	s0 =	sld [smem:$0x3FA8]  }
0x30: {  	s3 =	sld [smem:$0x3FAB]  }
0x31: {  	[smem:$0x3FB4] =	sst s10  }
0x32: {  	s10 =	sld [smem:$0x3FB2];
	_ =	sdelay $0x3  }
0x33: {  	p0 =	seq.s32 s10, $0x1;
	s10 =	sld [smem:$0x3FB4];
	_ =	sdelay $0x3  }
0x34: {  	[smem:$0x3FB4] =	sst s10  }
0x35: {  	s10 =	sld [smem:$0x3FB3];
	_ =	sdelay $0x3  }
0x36: {  	p1 =	seq.s32 s10, $0x1;
	s10 =	sld [smem:$0x3FB4];
	_ =	sdelay $0x3  }
0x37: {  	[smem:$0x3FB4] =	sst s10  }
0x38: {  	s10 =	sld [smem:$0x3FB5]  }
0x39: {  	_ = 	snop;
	(pc) =	sbr.ind lr, $3  }
0x3a: {  	_ = 	snop  }
0x3b: {  	_ = 	snop  }
0x3c: {  	p2 =	seq.s32 s10, $0x1;
	s10 =	sld [smem:$0x3FB4]  }
0x3d: {  	_ =	shalt  }
0x3e: {  	_ =	shalt  }
0x3f: {  	_ =	shalt  }
0x40: {  	_ =	shalt  }
0x41: {  	_ =	shalt  }
0x42: {  	_ =	shalt  }
0x43: {  	_ =	shalt  }
0x44: {  	_ =	shalt  }
0x45: {  	_ =	shalt  }
0x46: {  	_ =	shalt  }
0x47: {  	_ =	shalt  }
0x48: {  	_ =	shalt  }
0x49: {  	_ =	shalt  }
0x4a: {  	_ =	shalt  }
0x4b: {  	_ =	shalt  }
0x4c: {  	_ =	shalt  }
0x4d: {  	_ =	shalt  }
0x4e: {  	_ =	shalt  }
0x4f: {  	_ =	shalt  }
0x50: {  	_ =	shalt  }
0x51: {  	_ =	shalt  }
0x52: {  	_ =	shalt  }
0x53: {  	_ =	shalt  }
0x54: {  	_ =	shalt  }
0x55: {  	_ =	shalt  }
0x56: {  	_ =	shalt  }
0x57: {  	_ =	shalt  }
0x58: {  	_ =	shalt  }
0x59: {  	_ =	shalt  }
0x5a: {  	_ =	shalt  }
0x5b: {  	_ =	shalt  }
0x5c: {  	_ =	shalt  }
0x5d: {  	_ =	shalt  }
0x5e: {  	_ =	shalt  }
0x5f: {  	_ =	shalt  }
0x60: {  	_ =	shalt  }
0x61: {  	_ =	shalt  }
0x62: {  	_ =	shalt  }
0x63: {  	_ =	shalt  }
0x64: {  	_ =	shalt  }
0x65: {  	_ =	shalt  }
0x66: {  	_ =	shalt  }
0x67: {  	_ =	shalt  }
0x68: {  	_ =	shalt  }
0x69: {  	_ =	shalt  }
0x6a: {  	_ =	shalt  }
0x6b: {  	_ =	shalt  }
0x6c: {  	_ =	shalt  }
0x6d: {  	_ =	shalt  }
0x6e: {  	_ =	shalt  }
0x6f: {  	_ =	shalt  }
0x70: {  	_ =	shalt  }
0x71: {  	_ =	shalt  }
0x72: {  	_ =	shalt  }
0x73: {  	_ =	shalt  }
0x74: {  	_ =	shalt  }
0x75: {  	_ =	shalt  }
0x76: {  	_ =	shalt  }
0x77: {  	_ =	shalt  }
0x78: {  	_ =	shalt  }
0x79: {  	_ =	shalt  }
0x7a: {  	_ =	shalt  }
0x7b: {  	_ =	shalt  }
0x7c: {  	_ =	shalt  }
0x7d: {  	_ =	shalt  }
0x7e: {  	_ =	shalt  }
0x7f: {  	_ =	shalt  }
0x80: {  	_ =	shalt  }
0x81: {  	_ =	shalt  }
0x82: {  	_ =	shalt  }
0x83: {  	_ =	shalt  }
0x84: {  	_ =	shalt  }
0x85: {  	_ =	shalt  }
0x86: {  	_ =	shalt  }
0x87: {  	_ =	shalt  }
.Lfunc_end0:
.L_simem_size_0:
called_computation.1_lowered:
.L_overlay_start_0:
0x88: {  	s2 =	sld [smem:$0x3FD9]  }
0x89: {  	s3 =	sld [smem:$0x3FFE];
	_ =	sdelay $0x1  }
0x8a: {  	s1 =	srdreg.scid  }
0x8b: {  	s0 =	sand.u32 $0x1, s1  }
0x8c: {  	s17 =	sshll.u32 s0, $0xA;
	s2 =	sadd.s32 s3, s2  }
0x8d: {  	s2 =	sadd.s32 s2, s17  }
0x8e: {  	[smem:$0x3FC0] =	sst s2  }
0x8f: {  	_ = 	snop  }
0x90: {  	(tm) =	ssettm $0x1  }
0x91: {  	s18 =	sld [smem:$0x3FFB];
	_ =	sdelay $0x3  }
0x92: {  	_ =	strace s18  }
0x93: {  	s2 =	sld [smem:$0x3FFC];
	_ =	sdelay $0x3  }
0x94: {  	_ =	strace s2  }
0x95: {  	s2 =	sld [smem:$0x3FFD];
	_ =	sdelay $0x3  }
0x96: {  	_ =	strace s2  }
0x97: {  	_ =	strace $0x8FFFFFFF  }
0x98: {  	s19 =	sld [smem:$0x3FDB];
	_ =	sdelay $0x1  }
0x99: {  	s20 =	simm.s32 $_scs_section_size  }
0x9a: {  	s4 =	simm.s32 $_size__tile_overlayer_lowered;
	s5 =	simm.s32 $_tile_overlayer_lowered  }
0x9b: {  	s6 =	simm.s32 $0x1BFF;
	s21 =	sshll.u32 s5, $0x1;
	s3 =	sadd.s32 s20, s19  }
0x9c: {  	s22 =	simm.s32 $0x0;
	s4 =	sshll.u32 s4, $0x1;
	s5 =	sadd.s32 s21, s3  }
0x9d: {  	[timem:s22], [sflag:s6] =	dma.local [hbm:s5], s4  }
0x9e: {  	_ =	swait.ge [sflag:s6], s4  }
0x9f: {  	s4 =	ssub.s32 $0x0, s4;
	[sflag:s6] =	ssyncset.done $0x0  }
0xa0: {  	[sflag:s6] =	ssyncadd.s32 s4;
	_ =	sdelay $0x1  }
0xa1: {  	s23 =	simm.s32 $0x1B8B  }
0xa2: {  	_ =	swait.ge [sflag:s23], $0x1  }
0xa3: {  	[sflag:s23] =	ssyncset.done $0x0  }
0xa4: {  	[sflag:s23] =	ssyncadd.s32 $0xFFFFFFFF  }
0xa5: {  	s4 =	sld [smem:$0x0]  }
0xa6: {  	s5 =	sand.u32 $0xFFFFFFFE, s1  }
0xa7: {  	p0 =	sne.s32 s1, s5  }
0xa8: {  	s5 =	sshll.u32 @p0 s5, $0xE  }
0xa9: {  	s5 =	sadd.s32 @p0 $0x11B8D, s5;
	s6 =	sshll.u32 @p0 s4, $0x11  }
0xaa: {  	s5 =	sor.u32 @p0 s6, s5  }
0xab: {  	[sflag:s5] =	ssyncadd.remote.s32 @p0 $0x1;
	_ =	sdelay $0x1  }
0xac: {  	s5 =	simm.s32 @p0 $0x1B8D  }
0xad: {  	_ =	swait.eq @p0 [sflag:s5], $0x1  }
0xae: {  	[sflag:s5] =	ssyncadd.s32 @p0 $0xFFFFFFFF  }
0xaf: {  	s6 =	sshll.u32 @!p0 s1, $0xE  }
0xb0: {  	s6 =	sor.u32 @!p0 $0x4000, s6;
	s5 =	simm.s32 @!p0 $0x1B8D  }
0xb1: {  	s4 =	sshll.u32 @!p0 s4, $0x11;
	s6 =	sadd.s32 @!p0 $0x11B8D, s6;
	_ =	swait.eq @!p0 [sflag:s5], $0x1  }
0xb2: {  	s4 =	sor.u32 @!p0 s4, s6;
	[sflag:s5] =	ssyncadd.s32 @!p0 $0xFFFFFFFF  }
0xb3: {  	s25 =	simm.s32 $0x1B8E;
	s24 =	sld [smem:$0x3FFE];
	[sflag:s4] =	ssyncadd.remote.s32 @!p0 $0x1  }
0xb4: {  	s26 =	simm.s32 $execute0_lowered;
	[smem:$0x3FD2] =	sst s25  }
0xb5: {  	s5 =	sshll.u32 s26, $0x1;
	_ =	strace $0x80000049;
	[dreg:$0x1] =	wrdreg $0xFFFFFFFF  }
0xb6: {  	s28 =	simm.s32 $_size_execute0_lowered;
	s3 =	sadd.s32 s3, s5;
	[dreg:$0x0] =	wrdreg $0x0  }
0xb7: {  	s5 =	sshll.u32 s28, $0x1;
	[dreg:$0x2] =	wrdreg s3  }
0xb8: {  	[dreg:$0x3] =	wrdreg s5  }
0xb9: {  	[dreg:$0x4] =	wrdreg $0xC0  }
0xba: {  	_ =	task [dreg:s22], $0x5FFFF  }
0xbb: {  	[dreg:$0x1] =	wrdreg $0xFFFFFFFF  }
0xbc: {  	[dreg:$0x0] =	wrdreg $0x60  }
0xbd: {  	[dreg:$0x2] =	wrdreg s24  }
0xbe: {  	[dreg:$0x3] =	wrdreg $0xA  }
0xbf: {  	_ =	task.clear_ibuf [dreg:s22], $0x4FFFF;
	_ =	strace $0x90000049  }
0xc0: {  	s29 =	simm.s32 $0xA;
	_ =	strace $0x8000004B  }
0xc1: {  	_ =	swait.ge [sflag:s29], $0x1  }
0xc2: {  	[sflag:s29] =	ssyncadd.s32 $0xFFFFFFFF  }
0xc3: {  	_ =	strace $0x9000004B  }
0xc4: {  	_ =	sfence  }
0xc5: {  	s30 =	sld [smem:$0x0];
	_ =	sdelay $0x2  }
0xc6: {  	s31 =	sshll.u32 s1, $0xD;
	s1 =	sshrl.u32 s1, $0x2  }
0xc7: {  	s4 =	sand.u32 $0x4000, s31;
	s1 =	sadd.s32 s1, s30  }
0xc8: {  	s0 =	sor.u32 s4, s0;
	s1 =	sshll.u32 s1, $0x11  }
0xc9: {  	s0 =	sor.u32 s1, s0  }
0xca: {  	s0 =	sadd.s32 $0x8F2B, s0  }
0xcb: {  	[sflag:s0] =	ssyncadd.remote.s32 $0x1  }
0xcc: {  	_ =	sfence.sel $0xFFFF  }
0xcd: {  	[dreg:$0x0] =	wrdreg $0xFFFFFFFF;
	(pc) =	sbr.abs _section_cstart, $3  }
0xce: {  	[dreg:$0x1] =	wrdreg $0xFFFFFFFF  }
0xcf: {  	_ =	task.clear_ibuf [dreg:s22], $0x2FFFF;
	_ =	strace $0x9FFFFFFF  }
0xd0: {  	(tm) =	ssettm $0x7FFFFFFF  }
0xd1: {  	_ =	shalt  }
tec
execute0_lowered:
.L_overlay_start_1:
0x0: {  	(tag) =	ssettag $0x1  }
0x1: {  	s4 =	rddreg [dreg:$0x0]  }
0x2: {  	s3 =	srdreg.scid;
	s0 =	stileid.u32;
	s2 =	simm.s32 $0x0  }
0x3: {  	s21 =	simm.s32 $0x2;
	s22 =	simm.s32 $0x4100;
	s11 =	smul.u32 $0x180000, s0  }
0x4: {  	s23 =	simm.s32 $0x4;
	s24 =	simm.s32 $0x5;
	s17 =	smul.u32 $0x3000, s0  }
0x5: {  	s25 =	simm.s32 $0x6;
	s14 =	sand.u32 $0x1, s3;
	s30 =	smul.u32 $0x30000, s0  }
0x6: {  	s26 =	sshll.u32 s0, $0x1;
	[smem:$0x7FF] =	sst s2;
	s13 =	smul.u32 $0xC0000, s14  }
0x7: {  	s16 =	sadd.s32 $0x666A00, s4;
	s3 =	sadd.s32 $0x6A00, s4;
	s18 =	smul.u32 $0x1800, s14  }
0x8: {  	s15 =	sadd.s32 $0x972A00, s4;
	s6 =	sor.u32 s14, s26;
	s20 =	smul.u32 $0x18000, s14  }
0x9: {  	_ =	strace $0x8000004A;
	s7 =	ssub.s32 $0x2, s14;
	s5 =	smul.u32 $0x1800, s6  }
0xa: {  	s26 =	simm.s32 $0x0;
	s28 =	sshrl.u32 s7, $0x1;
	s8 =	smul.u32 $0xC0000, s6  }
0xb: {  	s9 =	smul.u32 $0x18000, s6;
	s7 =	ssub.s32 s7, s28;
	s13 =	sadd.s32 s13, s11  }
0xc: {  	s17 =	sadd.s32 s18, s17;
	s18 =	simm.s32 $0x80;
	s5 =	sshrl.u32 s5, $0x3  }
0xd: {  	s29 =	sshrl.u32 s8, $0x3;
	s12 =	sadd.s32 s15, s9;
	s13 =	sor.u32 $0x8000, s13  }
0xe: {  	s19 =	sadd.s32 $0x30200, s17;
	s17 =	sadd.s32 $0x30180, s17;
	s10 =	sadd.s32 s16, s5  }
0xf: {  	s5 =	smax.u32 s7, $0x1;
	s7 =	sadd.s32 s15, s29;
	s9 =	sadd.s32 $0x800, s12  }
0x10: {  	s12 =	sadd.s32 $0x17800, s12;
	s13 =	sshrl.u32 s13, $0x3;
	s31 =	sshrl.u32 s19, $0x3  }
0x11: {  	s17 =	sshrl.u32 s17, $0x3;
	s19 =	simm.s32 $0x100;
	s4 =	sadd.s32 $0x6000, s10  }
0x12: {  	s6 =	sadd.s32 $0x6010, s10;
	s8 =	sadd.s32 $0x6020, s10;
	s10 =	sadd.s32 $0x62F0, s10  }
0x13: {  	s11 =	sadd.s32 $0x17000, s7;
	s13 =	sadd.s32 s13, s15;
	s15 =	sadd.s32 s30, s15  }
0x14: {  	s14 =	sadd.s32 s31, s16;
	s16 =	sadd.s32 s17, s16;
	s15 =	sadd.s32 s20, s15  }
0x15: {  	s17 =	simm.s32 $0x1;
	s20 =	simm.s32 $0x3;
	s15 =	sadd.s32 $0x1800, s15  }
.LBB2_1:
0x16: {  	[tilespmem:s2], [sflag:$0x1] =	stream.linear.gather [hbm4b:s4+s2], $0x80, $0x38;
	[tilespmem:$0x8100] =	vst v63  }
0x17: {  	_ =	swait.ge [sflag:s17], $0x80  }
0x18: {  	[sflag:s17] =	ssyncset.done $0x0  }
0x19: {  	[sflag:s17] =	ssyncadd.s32 $0xFFFFFF80  }
0x1a: {  	[tilespmem:s18], [sflag:$0x2] =	stream.linear.gather [hbm4b:s6+s2], $0x80, $0x38;
	[tilespmem:$0x8100] =	vst v63  }
0x1b: {  	_ = 	snop  }
0x1c: {  	[tilespmem:s19], [sflag:$0x3] =	stream.indirect.gather [hbm4b:s3+s18], $0x80, s2, s18, $0xb8;
	[tilespmem:$0x8100] =	vst v63  }
0x1d: {  	_ =	swait.ge [sflag:s20], $0x4000  }
0x1e: {  	[sflag:s20] =	ssyncset.done $0x0  }
0x1f: {  	[sflag:s20] =	ssyncadd.s32 $0xFFFFC000  }
0x20: {  	[hbm4b:s7+s2] =	stream.linear.scatter [tilespmem:s19], [sflag:$0x5], $0x4000, $0x38;
	[tilespmem:$0x8100] =	vst v63  }
0x21: {  	_ =	swait.ge [sflag:s21], $0x80  }
0x22: {  	[sflag:s21] =	ssyncset.done $0x0  }
0x23: {  	[sflag:s21] =	ssyncadd.s32 $0xFFFFFF80  }
0x24: {  	[tilespmem:s2], [sflag:$0x1] =	stream.linear.gather [hbm4b:s8+s2], $0x80, $0x38;
	[tilespmem:$0x8100] =	vst v63  }
0x25: {  	_ = 	snop  }
0x26: {  	[tilespmem:s22], [sflag:$0x4] =	stream.indirect.gather [hbm4b:s3+s18], $0x80, s18, s18, $0xb8;
	[tilespmem:$0x8100] =	vst v63  }
0x27: {  	_ =	swait.ge [sflag:s23], $0x4000  }
0x28: {  	[sflag:s23] =	ssyncset.done $0x0  }
0x29: {  	[sflag:s23] =	ssyncadd.s32 $0xFFFFC000  }
0x2a: {  	[hbm4b:s9+s2] =	stream.linear.scatter [tilespmem:s22], [sflag:$0x6], $0x4000, $0x38;
	[tilespmem:$0x8100] =	vst v63  }
0x2b: {  	_ =	swait.ge [sflag:s17], $0x80  }
0x2c: {  	[sflag:s17] =	ssyncset.done $0x0  }
0x2d: {  	s28 =	sadd.s32 $0x0, s16;
	[sflag:s17] =	ssyncadd.s32 $0xFFFFFF80  }
0x2e: {  	[tilespmem:s18], [sflag:$0x2] =	stream.linear.gather [hbm4b:s28+s2], $0x80, $0x38;
	[tilespmem:$0x8100] =	vst v63  }
0x2f: {  	_ =	swait.ge [sflag:s24], $0x4000  }
0x30: {  	[sflag:s24] =	ssyncset.done $0x0  }
0x31: {  	[sflag:s24] =	ssyncadd.s32 $0xFFFFC000  }
0x32: {  	[tilespmem:s19], [sflag:$0x3] =	stream.indirect.gather [hbm4b:s3+s18], $0x80, s2, s18, $0xb8;
	[tilespmem:$0x8100] =	vst v63  }
0x33: {  	_ =	swait.ge [sflag:s20], $0x4000  }
0x34: {  	[sflag:s20] =	ssyncset.done $0x0  }
0x35: {  	[sflag:s20] =	ssyncadd.s32 $0xFFFFC000  }
0x36: {  	[hbm4b:s13+s2] =	stream.linear.scatter [tilespmem:s19], [sflag:$0x5], $0x4000, $0x38;
	[tilespmem:$0x8100] =	vst v63  }
0x37: {  	_ =	swait.ge [sflag:s21], $0x80  }
0x38: {  	[sflag:s21] =	ssyncset.done $0x0  }
0x39: {  	s28 =	sadd.s32 $0x0, s14;
	[sflag:s21] =	ssyncadd.s32 $0xFFFFFF80  }
0x3a: {  	[tilespmem:s2], [sflag:$0x1] =	stream.linear.gather [hbm4b:s28+s2], $0x80, $0x38;
	[tilespmem:$0x8100] =	vst v63  }
0x3b: {  	_ =	swait.ge [sflag:s25], $0x4000  }
0x3c: {  	[sflag:s25] =	ssyncset.done $0x0  }
0x3d: {  	[sflag:s25] =	ssyncadd.s32 $0xFFFFC000  }
0x3e: {  	[tilespmem:s22], [sflag:$0x4] =	stream.indirect.gather [hbm4b:s3+s18], $0x80, s18, s18, $0xb8;
	[tilespmem:$0x8100] =	vst v63  }
0x3f: {  	_ =	swait.ge [sflag:s23], $0x4000  }
0x40: {  	s29 =	sadd.s32 $0x1000, s13;
	s30 =	sadd.s32 $0x1000, s15;
	[sflag:s23] =	ssyncset.done $0x0  }
0x41: {  	s31 =	smov.u32 s15;
	s28 =	simm.s32 $0x20;
	[sflag:s23] =	ssyncadd.s32 $0xFFFFC000  }
.LBB2_2:
0x42: {  	[hbm4b:s31+s2] =	stream.linear.scatter [tilespmem:s22], [sflag:$0x6], $0x4000, $0x38;
	[tilespmem:$0x8100] =	vst v63  }
0x43: {  	s0 =	smov.u32 s28;
	s31 =	smov.u32 s30  }
0x44: {  	p0 =	sne.s32 s28, $0x2A0;
	s28 =	sadd.s32 $0x20, s28;
	_ =	swait.ge [sflag:s17], $0x80  }
0x45: {  	[sflag:s17] =	ssyncset.done $0x0  }
0x46: {  	s1 =	sadd.s32 s0, s16;
	[sflag:s17] =	ssyncadd.s32 $0xFFFFFF80  }
0x47: {  	[tilespmem:s18], [sflag:$0x2] =	stream.linear.gather [hbm4b:s1+s2], $0x80, $0x38;
	[tilespmem:$0x8100] =	vst v63  }
0x48: {  	_ =	swait.ge [sflag:s24], $0x4000  }
0x49: {  	[sflag:s24] =	ssyncset.done $0x0  }
0x4a: {  	[sflag:s24] =	ssyncadd.s32 $0xFFFFC000  }
0x4b: {  	[tilespmem:s19], [sflag:$0x3] =	stream.indirect.gather [hbm4b:s3+s18], $0x80, s2, s18, $0xb8;
	[tilespmem:$0x8100] =	vst v63  }
0x4c: {  	_ =	swait.ge [sflag:s20], $0x4000  }
0x4d: {  	[sflag:s20] =	ssyncset.done $0x0  }
0x4e: {  	[sflag:s20] =	ssyncadd.s32 $0xFFFFC000  }
0x4f: {  	[hbm4b:s29+s2] =	stream.linear.scatter [tilespmem:s19], [sflag:$0x5], $0x4000, $0x38;
	[tilespmem:$0x8100] =	vst v63  }
0x50: {  	_ =	swait.ge [sflag:s21], $0x80  }
0x51: {  	[sflag:s21] =	ssyncset.done $0x0  }
0x52: {  	s0 =	sadd.s32 s0, s14;
	[sflag:s21] =	ssyncadd.s32 $0xFFFFFF80  }
0x53: {  	[tilespmem:s2], [sflag:$0x1] =	stream.linear.gather [hbm4b:s0+s2], $0x80, $0x38;
	[tilespmem:$0x8100] =	vst v63  }
0x54: {  	_ =	swait.ge [sflag:s25], $0x4000  }
0x55: {  	[sflag:s25] =	ssyncset.done $0x0  }
.Ltmp0:
0x56: {  	[sflag:s25] =	ssyncadd.s32 $0xFFFFC000;
	(pc) =	sbr.rel @p0 .LBB2_2-.Ltmp0, $4  }
0x57: {  	[tilespmem:s22], [sflag:$0x4] =	stream.indirect.gather [hbm4b:s3+s18], $0x80, s18, s18, $0xb8;
	[tilespmem:$0x8100] =	vst v63  }
0x58: {  	_ =	swait.ge [sflag:s23], $0x4000  }
0x59: {  	[sflag:s23] =	ssyncset.done $0x0  }
0x5a: {  	s30 =	sadd.s32 $0x1000, s30;
	s29 =	sadd.s32 $0x1000, s29;
	[sflag:s23] =	ssyncadd.s32 $0xFFFFC000  }
0x5b: {  	[hbm4b:s31+s2] =	stream.linear.scatter [tilespmem:s22], [sflag:$0x6], $0x4000, $0x38;
	[tilespmem:$0x8100] =	vst v63  }
0x5c: {  	_ =	swait.ge [sflag:s17], $0x80  }
0x5d: {  	[sflag:s17] =	ssyncset.done $0x0  }
0x5e: {  	[sflag:s17] =	ssyncadd.s32 $0xFFFFFF80  }
0x5f: {  	[tilespmem:s18], [sflag:$0x2] =	stream.linear.gather [hbm4b:s10+s2], $0x80, $0x38;
	[tilespmem:$0x8100] =	vst v63  }
0x60: {  	_ =	swait.ge [sflag:s24], $0x4000  }
0x61: {  	[sflag:s24] =	ssyncset.done $0x0  }
0x62: {  	[sflag:s24] =	ssyncadd.s32 $0xFFFFC000  }
0x63: {  	[tilespmem:s19], [sflag:$0x3] =	stream.indirect.gather [hbm4b:s3+s18], $0x80, s2, s18, $0xb8;
	[tilespmem:$0x8100] =	vst v63  }
0x64: {  	_ =	swait.ge [sflag:s20], $0x4000  }
0x65: {  	[sflag:s20] =	ssyncset.done $0x0  }
0x66: {  	[sflag:s20] =	ssyncadd.s32 $0xFFFFC000  }
0x67: {  	[hbm4b:s11+s2] =	stream.linear.scatter [tilespmem:s19], [sflag:$0x5], $0x4000, $0x38;
	[tilespmem:$0x8100] =	vst v63  }
0x68: {  	_ =	swait.ge [sflag:s21], $0x80  }
0x69: {  	[sflag:s21] =	ssyncset.done $0x0  }
0x6a: {  	[sflag:s21] =	ssyncadd.s32 $0xFFFFFF80  }
0x6b: {  	_ =	swait.ge [sflag:s25], $0x4000  }
0x6c: {  	[sflag:s25] =	ssyncset.done $0x0  }
0x6d: {  	[sflag:s25] =	ssyncadd.s32 $0xFFFFC000  }
0x6e: {  	[tilespmem:s22], [sflag:$0x4] =	stream.indirect.gather [hbm4b:s3+s18], $0x80, s18, s18, $0xb8;
	[tilespmem:$0x8100] =	vst v63  }
0x6f: {  	_ =	swait.ge [sflag:s23], $0x4000  }
0x70: {  	[sflag:s23] =	ssyncset.done $0x0  }
0x71: {  	s26 =	sadd.s32 $0x1, s26;
	[sflag:s23] =	ssyncadd.s32 $0xFFFFC000  }
0x72: {  	[hbm4b:s12+s2] =	stream.linear.scatter [tilespmem:s22], [sflag:$0x6], $0x4000, $0x38;
	[tilespmem:$0x8100] =	vst v63  }
0x73: {  	p0 =	sne.s32 s26, s5;
	_ =	swait.ge [sflag:s24], $0x4000  }
.Ltmp1:
0x74: {  	[sflag:s24] =	ssyncset.done $0x0;
	(pc) =	sbr.rel @p0 .LBB2_1-.Ltmp1, $4  }
0x75: {  	[sflag:s24] =	ssyncadd.s32 $0xFFFFC000  }
0x76: {  	_ =	swait.ge [sflag:s25], $0x4000  }
0x77: {  	[sflag:s25] =	ssyncset.done $0x0  }
0x78: {  	[sflag:s25] =	ssyncadd.s32 $0xFFFFC000  }
0x79: {  	_ =	sfence.sel $0x180000  }
0x7a: {  	[bflag:$0x0] =	sbarrier.arrive $0xFFFF  }
0x7b: {  	_ =	strace $0x9000004A  }
0x7c: {  	s0 =	stileid.u32;
	[bflag:$0x2] =	sbarrier.arrive $0xFFFF  }
0x7d: {  	p0 =	sne.s32 s0, $0x0;
	s0 =	rddreg [dreg:$0x1]  }
0x7e: {  	s0 =	sadd.s32 @!p0 $0x100000, s0  }
0x7f: {  	[sflag:s0] =	ssyncadd.tile.s32 @!p0 $0x1;
	_ =	shalt  }
.Lfunc_end2:
_tile_overlayer_lowered:
.L_overlay_start_2:
0x80: {  	(tag) =	ssettag $0x2  }
0x81: {  	s0 =	rddreg [dreg:$0x0];
	s2 =	stileid.u32  }
0x82: {  	s1 =	rddreg [dreg:$0x1];
	p0 =	sne.s32 s2, $0x0  }
0x83: {  	s3 =	rddreg [dreg:$0x2];
	[bflag:$0x3] =	sbarrier.arrive $0xFFFF;
	s2 =	simm.s32 @!p0 $0x1C07  }
0x84: {  	[timem:s3], [sflag:s2] =	dma.local @!p0 [hbm:s0], s1  }
0x85: {  	s0 =	simm.s32 @!p0 $0x7  }
0x86: {  	_ =	swait.ge @!p0 [sflag:s0], s1  }
0x87: {  	s1 =	ssub.s32 @!p0 $0x0, s1;
	[sflag:s0] =	ssyncset.done @!p0 $0x0  }
0x88: {  	[sflag:s0] =	ssyncadd.s32 @!p0 s1  }
0x89: {  	[bflag:$0x3] =	sbarrier.arrive $0xFFFF  }
0x8a: {  	_ =	shalt  }

// kernel: kernel.22.cloned.1.call-start
scs
__scs_entry_jumppad:
0x0: {  	(pc) =	sbr.rel $0x88, $3  }
0x1: {  	(tag) =	ssettag $0x0;
	lr =	simm.s32 $0x1  }
0x2: {  	[smem:$0x3F99] =	sst lr;
	_ =	strace $0xD0000000  }
0x3: {  	_ = 	snop  }
0x4: {  	_ = 	snop  }
0x5: {  	_ = 	snop  }
0x6: {  	_ = 	snop  }
0x7: {  	_ = 	snop  }
__scs_overlays_trampoline_lowered:
0x8: {  	[smem:$0x3FA8] =	sst s0  }
0x9: {  	[smem:$0x3FA9] =	sst s1  }
0xa: {  	[smem:$0x3FAA] =	sst s2  }
0xb: {  	[smem:$0x3FAB] =	sst s3  }
0xc: {  	[smem:$0x3FAC] =	sst s4  }
0xd: {  	[smem:$0x3FAD] =	sst s5  }
0xe: {  	[smem:$0x3FAE] =	sst s6  }
0xf: {  	[smem:$0x3FAF] =	sst s7  }
0x10: {  	[smem:$0x3FB0] =	sst s8  }
0x11: {  	[smem:$0x3FB1] =	sst s9;
	s0 =	simm.s32 @!p0 $0x0  }
0x12: {  	s1 =	sld [smem:$0x3F97];
	s0 =	simm.s32 @p0 $0x1  }
0x13: {  	[smem:$0x3FB2] =	sst s0;
	s0 =	simm.s32 @!p1 $0x0  }
0x14: {  	s2 =	sld [smem:$0x3F96];
	s0 =	simm.s32 @p1 $0x1  }
0x15: {  	[smem:$0x3FB3] =	sst s0;
	s0 =	simm.s32 @!p2 $0x0  }
0x16: {  	s3 =	sld [smem:$0x3FDB];
	s0 =	simm.s32 @p2 $0x1  }
0x17: {  	s4 =	simm.s32 $0x1BF5;
	[smem:$0x3FB5] =	sst s0  }
0x18: {  	s0 =	sld [smem:$0x3F98];
	_ =	swait.ge [sflag:s4], $0x0  }
0x19: {  	s7 =	sld [smem:$0x3F99]  }
0x1a: {  	s8 =	sadd.s32 $0xFFFFE003, lr  }
0x1b: {  	s9 =	sadd.s32 $0xFFFFFEF7, lr;
	s5 =	simm.s32 $0xFFFFFFFF;
	p2 =	slt.u32 s8, $0xFFFFF086  }
0x1c: {  	p1 =	slt.u32 s9, $0xF7A;
	s5 =	simm.s32 @!p2 $0x0  }
0x1d: {  	s5 =	simm.s32 @p1 $0x1;
	p0 =	seq.s32 s7, s2  }
0x1e: {  	s7 =	smul.u32 @!p0 $0xF7A, s2;
	p2 =	seq.s32 @!p0 s5, $0x0  }
0x1f: {  	s9 =	smul.u32 $0xF7A, s1;
	s8 =	simm.s32 @!p0 $0x1BF5;
	p2 =	por !p2, p0  }
0x20: {  	[sflag:s8] =	ssyncset.s32 @!p0 $0xFFFFF086;
	s6 =	sadd.s32 @!p0 s3, s7;
	s7 =	simm.s32 @!p0 $0x108  }
0x21: {  	s3 =	sadd.s32 s3, s9;
	s6 =	sadd.s32 @!p0 $0x88, s6;
	s7 =	simm.s32 @p2 $0x1082  }
0x22: {  	[simem:s7], [sflag:s8] =	dma.local @!p0 [hbm:s6], $0xF7A  }
0x23: {  	s9 =	sor.u32 $0xD0000000, s2;
	s6 =	simm.s32 $0x108;
	_ =	swait.ge @!p0 [sflag:s8], $0x0  }
0x24: {  	s3 =	sadd.s32 $0x88, s3;
	s6 =	simm.s32 @!p1 $0x1082;
	[sflag:s4] =	ssyncset.s32 $0xFFFFF086  }
0x25: {  	[simem:s6], [sflag:s4] =	dma.local [hbm:s3], $0xF7A  }
0x26: {  	[smem:$0x3F99] =	sst s1;
	(tag) =	ssettag s2;
	_ =	strace s9  }
0x27: {  	s1 =	sld [smem:$0x3FA9]  }
0x28: {  	s2 =	sld [smem:$0x3FAA]  }
0x29: {  	s4 =	sld [smem:$0x3FAC]  }
0x2a: {  	p0 =	seq.s32 s5, $0x0;
	s5 =	sld [smem:$0x3FAD]  }
0x2b: {  	s6 =	sld [smem:$0x3FAE]  }
0x2c: {  	s7 =	sld [smem:$0x3FAF]  }
0x2d: {  	s3 =	simm.s32 $0x108;
	s8 =	sld [smem:$0x3FB0]  }
0x2e: {  	s3 =	simm.s32 @!p0 $0x1082;
	s9 =	sld [smem:$0x3FB1]  }
0x2f: {  	lr =	sadd.s32 s0, s3;
	s0 =	sld [smem:$0x3FA8]  }
0x30: {  	s3 =	sld [smem:$0x3FAB]  }
0x31: {  	[smem:$0x3FB4] =	sst s10  }
0x32: {  	s10 =	sld [smem:$0x3FB2];
	_ =	sdelay $0x3  }
0x33: {  	p0 =	seq.s32 s10, $0x1;
	s10 =	sld [smem:$0x3FB4];
	_ =	sdelay $0x3  }
0x34: {  	[smem:$0x3FB4] =	sst s10  }
0x35: {  	s10 =	sld [smem:$0x3FB3];
	_ =	sdelay $0x3  }
0x36: {  	p1 =	seq.s32 s10, $0x1;
	s10 =	sld [smem:$0x3FB4];
	_ =	sdelay $0x3  }
0x37: {  	[smem:$0x3FB4] =	sst s10  }
0x38: {  	s10 =	sld [smem:$0x3FB5]  }
0x39: {  	_ = 	snop;
	(pc) =	sbr.ind lr, $3  }
0x3a: {  	_ = 	snop  }
0x3b: {  	_ = 	snop  }
0x3c: {  	p2 =	seq.s32 s10, $0x1;
	s10 =	sld [smem:$0x3FB4]  }
0x3d: {  	_ =	shalt  }
0x3e: {  	_ =	shalt  }
0x3f: {  	_ =	shalt  }
0x40: {  	_ =	shalt  }
0x41: {  	_ =	shalt  }
0x42: {  	_ =	shalt  }
0x43: {  	_ =	shalt  }
0x44: {  	_ =	shalt  }
0x45: {  	_ =	shalt  }
0x46: {  	_ =	shalt  }
0x47: {  	_ =	shalt  }
0x48: {  	_ =	shalt  }
0x49: {  	_ =	shalt  }
0x4a: {  	_ =	shalt  }
0x4b: {  	_ =	shalt  }
0x4c: {  	_ =	shalt  }
0x4d: {  	_ =	shalt  }
0x4e: {  	_ =	shalt  }
0x4f: {  	_ =	shalt  }
0x50: {  	_ =	shalt  }
0x51: {  	_ =	shalt  }
0x52: {  	_ =	shalt  }
0x53: {  	_ =	shalt  }
0x54: {  	_ =	shalt  }
0x55: {  	_ =	shalt  }
0x56: {  	_ =	shalt  }
0x57: {  	_ =	shalt  }
0x58: {  	_ =	shalt  }
0x59: {  	_ =	shalt  }
0x5a: {  	_ =	shalt  }
0x5b: {  	_ =	shalt  }
0x5c: {  	_ =	shalt  }
0x5d: {  	_ =	shalt  }
0x5e: {  	_ =	shalt  }
0x5f: {  	_ =	shalt  }
0x60: {  	_ =	shalt  }
0x61: {  	_ =	shalt  }
0x62: {  	_ =	shalt  }
0x63: {  	_ =	shalt  }
0x64: {  	_ =	shalt  }
0x65: {  	_ =	shalt  }
0x66: {  	_ =	shalt  }
0x67: {  	_ =	shalt  }
0x68: {  	_ =	shalt  }
0x69: {  	_ =	shalt  }
0x6a: {  	_ =	shalt  }
0x6b: {  	_ =	shalt  }
0x6c: {  	_ =	shalt  }
0x6d: {  	_ =	shalt  }
0x6e: {  	_ =	shalt  }
0x6f: {  	_ =	shalt  }
0x70: {  	_ =	shalt  }
0x71: {  	_ =	shalt  }
0x72: {  	_ =	shalt  }
0x73: {  	_ =	shalt  }
0x74: {  	_ =	shalt  }
0x75: {  	_ =	shalt  }
0x76: {  	_ =	shalt  }
0x77: {  	_ =	shalt  }
0x78: {  	_ =	shalt  }
0x79: {  	_ =	shalt  }
0x7a: {  	_ =	shalt  }
0x7b: {  	_ =	shalt  }
0x7c: {  	_ =	shalt  }
0x7d: {  	_ =	shalt  }
0x7e: {  	_ =	shalt  }
0x7f: {  	_ =	shalt  }
0x80: {  	_ =	shalt  }
0x81: {  	_ =	shalt  }
0x82: {  	_ =	shalt  }
0x83: {  	_ =	shalt  }
0x84: {  	_ =	shalt  }
0x85: {  	_ =	shalt  }
0x86: {  	_ =	shalt  }
0x87: {  	_ =	shalt  }
.Lfunc_end0:
.L_simem_size_0:
called_computation.2_lowered:
.L_overlay_start_0:
0x88: {  	s2 =	sld [smem:$0x3FD9]  }
0x89: {  	s3 =	sld [smem:$0x3FFE];
	_ =	sdelay $0x1  }
0x8a: {  	s1 =	srdreg.scid  }
0x8b: {  	s0 =	sand.u32 $0x1, s1  }
0x8c: {  	s16 =	sshll.u32 s0, $0xA;
	s2 =	sadd.s32 s3, s2  }
0x8d: {  	s2 =	sadd.s32 s2, s16  }
0x8e: {  	[smem:$0x3FC0] =	sst s2  }
0x8f: {  	_ = 	snop  }
0x90: {  	(tm) =	ssettm $0x1  }
0x91: {  	s17 =	sld [smem:$0x3FFB];
	_ =	sdelay $0x3  }
0x92: {  	_ =	strace s17  }
0x93: {  	s2 =	sld [smem:$0x3FFC];
	_ =	sdelay $0x3  }
0x94: {  	_ =	strace s2  }
0x95: {  	s2 =	sld [smem:$0x3FFD];
	_ =	sdelay $0x3  }
0x96: {  	_ =	strace s2  }
0x97: {  	_ =	strace $0x8FFFFFFF  }
0x98: {  	s18 =	sld [smem:$0x3FDB];
	_ =	sdelay $0x1  }
0x99: {  	s19 =	simm.s32 $_scs_section_size  }
0x9a: {  	s4 =	simm.s32 $_size__tile_overlayer_lowered;
	s5 =	simm.s32 $_tile_overlayer_lowered  }
0x9b: {  	s22 =	simm.s32 $0x1BFF;
	s21 =	sshll.u32 s5, $0x1;
	s2 =	sadd.s32 s19, s18  }
0x9c: {  	s6 =	simm.s32 $0x0;
	s20 =	sshll.u32 s4, $0x1;
	s4 =	sadd.s32 s21, s2  }
0x9d: {  	[timem:s6], [sflag:s22] =	dma.local [hbm:s4], s20  }
0x9e: {  	_ =	swait.ge [sflag:s22], s20  }
0x9f: {  	s3 =	ssub.s32 $0x0, s20;
	[sflag:s22] =	ssyncset.done $0x0  }
0xa0: {  	[sflag:s22] =	ssyncadd.s32 s3;
	_ =	sdelay $0x1  }
0xa1: {  	s23 =	simm.s32 $0x1B8B  }
0xa2: {  	_ =	swait.ge [sflag:s23], $0x1  }
0xa3: {  	[sflag:s23] =	ssyncset.done $0x0  }
0xa4: {  	s25 =	simm.s32 $0x1B8E;
	s24 =	sld [smem:$0x3FFE];
	[sflag:s23] =	ssyncadd.s32 $0xFFFFFFFF  }
0xa5: {  	s26 =	simm.s32 $execute0_lowered;
	[smem:$0x3FD2] =	sst s25  }
0xa6: {  	s4 =	sshll.u32 s26, $0x1;
	_ =	strace $0x8000004C;
	[dreg:$0x1] =	wrdreg $0xFFFFFFFF  }
0xa7: {  	s28 =	simm.s32 $_size_execute0_lowered;
	s2 =	sadd.s32 s2, s4;
	[dreg:$0x0] =	wrdreg $0x0  }
0xa8: {  	s4 =	sshll.u32 s28, $0x1;
	[dreg:$0x2] =	wrdreg s2  }
0xa9: {  	[dreg:$0x3] =	wrdreg s4  }
0xaa: {  	[dreg:$0x4] =	wrdreg $0xC0  }
0xab: {  	_ =	task [dreg:s6], $0x5FFFF  }
0xac: {  	[dreg:$0x1] =	wrdreg $0xFFFFFFFF  }
0xad: {  	[dreg:$0x0] =	wrdreg $0x60  }
0xae: {  	[dreg:$0x2] =	wrdreg s24  }
0xaf: {  	[dreg:$0x3] =	wrdreg $0x9  }
0xb0: {  	_ =	task.clear_ibuf [dreg:s6], $0x4FFFF;
	_ =	strace $0x9000004C  }
0xb1: {  	s29 =	simm.s32 $0x9;
	_ =	strace $0x8000004E  }
0xb2: {  	_ =	swait.ge [sflag:s29], $0x1  }
0xb3: {  	[sflag:s29] =	ssyncadd.s32 $0xFFFFFFFF  }
0xb4: {  	_ =	strace $0x9000004E  }
0xb5: {  	_ =	sfence  }
0xb6: {  	s30 =	sld [smem:$0x0];
	_ =	sdelay $0x2  }
0xb7: {  	s31 =	sshll.u32 s1, $0xD;
	s1 =	sshrl.u32 s1, $0x2  }
0xb8: {  	s3 =	sand.u32 $0x4000, s31;
	s1 =	sadd.s32 s1, s30  }
0xb9: {  	s0 =	sor.u32 s3, s0;
	s1 =	sshll.u32 s1, $0x11  }
0xba: {  	s0 =	sor.u32 s1, s0  }
0xbb: {  	s0 =	sadd.s32 $0x8F2B, s0  }
0xbc: {  	[sflag:s0] =	ssyncadd.remote.s32 $0x1  }
0xbd: {  	_ =	sfence.sel $0xFFFF  }
0xbe: {  	[dreg:$0x0] =	wrdreg $0xFFFFFFFF;
	(pc) =	sbr.abs _section_cstart, $3  }
0xbf: {  	[dreg:$0x1] =	wrdreg $0xFFFFFFFF  }
0xc0: {  	_ =	task.clear_ibuf [dreg:s6], $0x2FFFF;
	_ =	strace $0x9FFFFFFF  }
0xc1: {  	(tm) =	ssettm $0x7FFFFFFF  }
tec
execute0_lowered:
.L_overlay_start_1:
0x0: {  	(tag) =	ssettag $0x1  }
0x1: {  	s4 =	rddreg [dreg:$0x0];
	s2 =	simm.s32 $0x0;
	s0 =	stileid.u32  }
0x2: {  	s3 =	srdreg.scid;
	s21 =	simm.s32 $0x2;
	s12 =	smul.u32 $0x180000, s0  }
0x3: {  	s22 =	simm.s32 $0x4100;
	s16 =	sadd.s32 $0x666A00, s4;
	s17 =	smul.u32 $0x3000, s0  }
0x4: {  	s14 =	sand.u32 $0x1, s3;
	s3 =	sadd.s32 $0x646A00, s4;
	s30 =	smul.u32 $0x30000, s0  }
0x5: {  	[smem:$0x7FF] =	sst s2;
	s15 =	sadd.s32 $0x672A00, s4;
	s13 =	smul.u32 $0xC0000, s14  }
0x6: {  	s23 =	sshll.u32 s0, $0x1;
	_ =	strace $0x8000004D;
	s19 =	smul.u32 $0x1800, s14  }
0x7: {  	s5 =	sor.u32 s14, s23;
	s6 =	ssub.s32 $0x2, s14;
	s20 =	smul.u32 $0x18000, s14  }
0x8: {  	s23 =	simm.s32 $0x4;
	s9 =	smul.u32 $0x1800, s5;
	s24 =	sshrl.u32 s6, $0x1  }
0x9: {  	s7 =	smul.u32 $0xC0000, s5;
	s6 =	ssub.s32 s6, s24;
	s13 =	sadd.s32 s13, s12  }
0xa: {  	s17 =	sadd.s32 s19, s17;
	s24 =	simm.s32 $0x5;
	s25 =	sshrl.u32 s9, $0x3  }
0xb: {  	s8 =	sor.u32 $0x100, s9;
	s10 =	sor.u32 $0x80, s9;
	s5 =	smax.u32 s6, $0x1  }
0xc: {  	s7 =	sshrl.u32 s7, $0x3;
	s11 =	sadd.s32 $0x1780, s9;
	s13 =	sor.u32 $0x8000, s13  }
0xd: {  	s19 =	sor.u32 $0x200, s17;
	s17 =	sor.u32 $0x180, s17;
	s4 =	sadd.s32 s16, s25  }
0xe: {  	s26 =	sshrl.u32 s10, $0x3;
	s7 =	sadd.s32 s15, s7;
	s8 =	sshrl.u32 s8, $0x3  }
0xf: {  	s28 =	sshll.u32 s10, $0x4;
	s29 =	sshrl.u32 s11, $0x3;
	s18 =	sshll.u32 s11, $0x4  }
0x10: {  	s13 =	sshrl.u32 s13, $0x3;
	s31 =	sshrl.u32 s19, $0x3;
	s17 =	sshrl.u32 s17, $0x3  }
0x11: {  	s19 =	simm.s32 $0x100;
	s25 =	simm.s32 $0x6;
	s6 =	sadd.s32 s16, s26  }
0x12: {  	s8 =	sadd.s32 s16, s8;
	s9 =	sadd.s32 s15, s28;
	s10 =	sadd.s32 s16, s29  }
0x13: {  	s11 =	sadd.s32 $0x17000, s7;
	s12 =	sadd.s32 s15, s18;
	s13 =	sadd.s32 s13, s15  }
0x14: {  	s15 =	sadd.s32 s30, s15;
	s14 =	sadd.s32 s31, s16;
	s16 =	sadd.s32 s17, s16  }
0x15: {  	s17 =	simm.s32 $0x1;
	s18 =	simm.s32 $0x80;
	s15 =	sadd.s32 s20, s15  }
0x16: {  	s26 =	simm.s32 $0x0;
	s20 =	simm.s32 $0x3;
	s15 =	sadd.s32 $0x1800, s15  }
.LBB2_1:
0x17: {  	[tilespmem:s2], [sflag:$0x1] =	stream.linear.gather [hbm4b:s4+s2], $0x80, $0x38;
	[tilespmem:$0x8100] =	vst v63  }
0x18: {  	_ =	swait.ge [sflag:s17], $0x80  }
0x19: {  	[sflag:s17] =	ssyncset.done $0x0  }
0x1a: {  	[sflag:s17] =	ssyncadd.s32 $0xFFFFFF80  }
0x1b: {  	[tilespmem:s18], [sflag:$0x2] =	stream.linear.gather [hbm4b:s6+s2], $0x80, $0x38;
	[tilespmem:$0x8100] =	vst v63  }
0x1c: {  	_ = 	snop  }
0x1d: {  	[tilespmem:s19], [sflag:$0x3] =	stream.indirect.gather [hbm4b:s3+s18], $0x80, s2, s18, $0xb8;
	[tilespmem:$0x8100] =	vst v63  }
0x1e: {  	_ =	swait.ge [sflag:s20], $0x4000  }
0x1f: {  	[sflag:s20] =	ssyncset.done $0x0  }
0x20: {  	[sflag:s20] =	ssyncadd.s32 $0xFFFFC000  }
0x21: {  	[hbm4b:s7+s2] =	stream.linear.scatter [tilespmem:s19], [sflag:$0x5], $0x4000, $0x38;
	[tilespmem:$0x8100] =	vst v63  }
0x22: {  	_ =	swait.ge [sflag:s21], $0x80  }
0x23: {  	[sflag:s21] =	ssyncset.done $0x0  }
0x24: {  	[sflag:s21] =	ssyncadd.s32 $0xFFFFFF80  }
0x25: {  	[tilespmem:s2], [sflag:$0x1] =	stream.linear.gather [hbm4b:s8+s2], $0x80, $0x38;
	[tilespmem:$0x8100] =	vst v63  }
0x26: {  	_ = 	snop  }
0x27: {  	[tilespmem:s22], [sflag:$0x4] =	stream.indirect.gather [hbm4b:s3+s18], $0x80, s18, s18, $0xb8;
	[tilespmem:$0x8100] =	vst v63  }
0x28: {  	_ =	swait.ge [sflag:s23], $0x4000  }
0x29: {  	[sflag:s23] =	ssyncset.done $0x0  }
0x2a: {  	[sflag:s23] =	ssyncadd.s32 $0xFFFFC000  }
0x2b: {  	[hbm4b:s9+s2] =	stream.linear.scatter [tilespmem:s22], [sflag:$0x6], $0x4000, $0x38;
	[tilespmem:$0x8100] =	vst v63  }
0x2c: {  	_ =	swait.ge [sflag:s17], $0x80  }
0x2d: {  	[sflag:s17] =	ssyncset.done $0x0  }
0x2e: {  	s28 =	sadd.s32 $0x0, s16;
	[sflag:s17] =	ssyncadd.s32 $0xFFFFFF80  }
0x2f: {  	[tilespmem:s18], [sflag:$0x2] =	stream.linear.gather [hbm4b:s28+s2], $0x80, $0x38;
	[tilespmem:$0x8100] =	vst v63  }
0x30: {  	_ =	swait.ge [sflag:s24], $0x4000  }
0x31: {  	[sflag:s24] =	ssyncset.done $0x0  }
0x32: {  	[sflag:s24] =	ssyncadd.s32 $0xFFFFC000  }
0x33: {  	[tilespmem:s19], [sflag:$0x3] =	stream.indirect.gather [hbm4b:s3+s18], $0x80, s2, s18, $0xb8;
	[tilespmem:$0x8100] =	vst v63  }
0x34: {  	_ =	swait.ge [sflag:s20], $0x4000  }
0x35: {  	[sflag:s20] =	ssyncset.done $0x0  }
0x36: {  	[sflag:s20] =	ssyncadd.s32 $0xFFFFC000  }
0x37: {  	[hbm4b:s13+s2] =	stream.linear.scatter [tilespmem:s19], [sflag:$0x5], $0x4000, $0x38;
	[tilespmem:$0x8100] =	vst v63  }
0x38: {  	_ =	swait.ge [sflag:s21], $0x80  }
0x39: {  	[sflag:s21] =	ssyncset.done $0x0  }
0x3a: {  	s28 =	sadd.s32 $0x0, s14;
	[sflag:s21] =	ssyncadd.s32 $0xFFFFFF80  }
0x3b: {  	[tilespmem:s2], [sflag:$0x1] =	stream.linear.gather [hbm4b:s28+s2], $0x80, $0x38;
	[tilespmem:$0x8100] =	vst v63  }
0x3c: {  	_ =	swait.ge [sflag:s25], $0x4000  }
0x3d: {  	[sflag:s25] =	ssyncset.done $0x0  }
0x3e: {  	[sflag:s25] =	ssyncadd.s32 $0xFFFFC000  }
0x3f: {  	[tilespmem:s22], [sflag:$0x4] =	stream.indirect.gather [hbm4b:s3+s18], $0x80, s18, s18, $0xb8;
	[tilespmem:$0x8100] =	vst v63  }
0x40: {  	_ =	swait.ge [sflag:s23], $0x4000  }
0x41: {  	s29 =	sadd.s32 $0x1000, s13;
	s30 =	sadd.s32 $0x1000, s15;
	[sflag:s23] =	ssyncset.done $0x0  }
0x42: {  	s31 =	smov.u32 s15;
	s28 =	simm.s32 $0x20;
	[sflag:s23] =	ssyncadd.s32 $0xFFFFC000  }
.LBB2_2:
0x43: {  	[hbm4b:s31+s2] =	stream.linear.scatter [tilespmem:s22], [sflag:$0x6], $0x4000, $0x38;
	[tilespmem:$0x8100] =	vst v63  }
0x44: {  	s0 =	smov.u32 s28;
	s31 =	smov.u32 s30  }
0x45: {  	p0 =	sne.s32 s28, $0x2A0;
	s28 =	sadd.s32 $0x20, s28;
	_ =	swait.ge [sflag:s17], $0x80  }
0x46: {  	[sflag:s17] =	ssyncset.done $0x0  }
0x47: {  	s1 =	sadd.s32 s0, s16;
	[sflag:s17] =	ssyncadd.s32 $0xFFFFFF80  }
0x48: {  	[tilespmem:s18], [sflag:$0x2] =	stream.linear.gather [hbm4b:s1+s2], $0x80, $0x38;
	[tilespmem:$0x8100] =	vst v63  }
0x49: {  	_ =	swait.ge [sflag:s24], $0x4000  }
0x4a: {  	[sflag:s24] =	ssyncset.done $0x0  }
0x4b: {  	[sflag:s24] =	ssyncadd.s32 $0xFFFFC000  }
0x4c: {  	[tilespmem:s19], [sflag:$0x3] =	stream.indirect.gather [hbm4b:s3+s18], $0x80, s2, s18, $0xb8;
	[tilespmem:$0x8100] =	vst v63  }
0x4d: {  	_ =	swait.ge [sflag:s20], $0x4000  }
0x4e: {  	[sflag:s20] =	ssyncset.done $0x0  }
0x4f: {  	[sflag:s20] =	ssyncadd.s32 $0xFFFFC000  }
0x50: {  	[hbm4b:s29+s2] =	stream.linear.scatter [tilespmem:s19], [sflag:$0x5], $0x4000, $0x38;
	[tilespmem:$0x8100] =	vst v63  }
0x51: {  	_ =	swait.ge [sflag:s21], $0x80  }
0x52: {  	[sflag:s21] =	ssyncset.done $0x0  }
0x53: {  	s0 =	sadd.s32 s0, s14;
	[sflag:s21] =	ssyncadd.s32 $0xFFFFFF80  }
0x54: {  	[tilespmem:s2], [sflag:$0x1] =	stream.linear.gather [hbm4b:s0+s2], $0x80, $0x38;
	[tilespmem:$0x8100] =	vst v63  }
0x55: {  	_ =	swait.ge [sflag:s25], $0x4000  }
0x56: {  	[sflag:s25] =	ssyncset.done $0x0  }
.Ltmp0:
0x57: {  	[sflag:s25] =	ssyncadd.s32 $0xFFFFC000;
	(pc) =	sbr.rel @p0 .LBB2_2-.Ltmp0, $4  }
0x58: {  	[tilespmem:s22], [sflag:$0x4] =	stream.indirect.gather [hbm4b:s3+s18], $0x80, s18, s18, $0xb8;
	[tilespmem:$0x8100] =	vst v63  }
0x59: {  	_ =	swait.ge [sflag:s23], $0x4000  }
0x5a: {  	[sflag:s23] =	ssyncset.done $0x0  }
0x5b: {  	s30 =	sadd.s32 $0x1000, s30;
	s29 =	sadd.s32 $0x1000, s29;
	[sflag:s23] =	ssyncadd.s32 $0xFFFFC000  }
0x5c: {  	[hbm4b:s31+s2] =	stream.linear.scatter [tilespmem:s22], [sflag:$0x6], $0x4000, $0x38;
	[tilespmem:$0x8100] =	vst v63  }
0x5d: {  	_ =	swait.ge [sflag:s17], $0x80  }
0x5e: {  	[sflag:s17] =	ssyncset.done $0x0  }
0x5f: {  	[sflag:s17] =	ssyncadd.s32 $0xFFFFFF80  }
0x60: {  	[tilespmem:s18], [sflag:$0x2] =	stream.linear.gather [hbm4b:s10+s2], $0x80, $0x38;
	[tilespmem:$0x8100] =	vst v63  }
0x61: {  	_ =	swait.ge [sflag:s24], $0x4000  }
0x62: {  	[sflag:s24] =	ssyncset.done $0x0  }
0x63: {  	[sflag:s24] =	ssyncadd.s32 $0xFFFFC000  }
0x64: {  	[tilespmem:s19], [sflag:$0x3] =	stream.indirect.gather [hbm4b:s3+s18], $0x80, s2, s18, $0xb8;
	[tilespmem:$0x8100] =	vst v63  }
0x65: {  	_ =	swait.ge [sflag:s20], $0x4000  }
0x66: {  	[sflag:s20] =	ssyncset.done $0x0  }
0x67: {  	[sflag:s20] =	ssyncadd.s32 $0xFFFFC000  }
0x68: {  	[hbm4b:s11+s2] =	stream.linear.scatter [tilespmem:s19], [sflag:$0x5], $0x4000, $0x38;
	[tilespmem:$0x8100] =	vst v63  }
0x69: {  	_ =	swait.ge [sflag:s21], $0x80  }
0x6a: {  	[sflag:s21] =	ssyncset.done $0x0  }
0x6b: {  	[sflag:s21] =	ssyncadd.s32 $0xFFFFFF80  }
0x6c: {  	_ =	swait.ge [sflag:s25], $0x4000  }
0x6d: {  	[sflag:s25] =	ssyncset.done $0x0  }
0x6e: {  	[sflag:s25] =	ssyncadd.s32 $0xFFFFC000  }
0x6f: {  	[tilespmem:s22], [sflag:$0x4] =	stream.indirect.gather [hbm4b:s3+s18], $0x80, s18, s18, $0xb8;
	[tilespmem:$0x8100] =	vst v63  }
0x70: {  	_ =	swait.ge [sflag:s23], $0x4000  }
0x71: {  	[sflag:s23] =	ssyncset.done $0x0  }
0x72: {  	s26 =	sadd.s32 $0x1, s26;
	[sflag:s23] =	ssyncadd.s32 $0xFFFFC000  }
0x73: {  	[hbm4b:s12+s2] =	stream.linear.scatter [tilespmem:s22], [sflag:$0x6], $0x4000, $0x38;
	[tilespmem:$0x8100] =	vst v63  }
0x74: {  	p0 =	sne.s32 s26, s5;
	_ =	swait.ge [sflag:s24], $0x4000  }
.Ltmp1:
0x75: {  	[sflag:s24] =	ssyncset.done $0x0;
	(pc) =	sbr.rel @p0 .LBB2_1-.Ltmp1, $4  }
0x76: {  	[sflag:s24] =	ssyncadd.s32 $0xFFFFC000  }
0x77: {  	_ =	swait.ge [sflag:s25], $0x4000  }
0x78: {  	[sflag:s25] =	ssyncset.done $0x0  }
0x79: {  	[sflag:s25] =	ssyncadd.s32 $0xFFFFC000  }
0x7a: {  	_ =	sfence.sel $0x180000  }
0x7b: {  	[bflag:$0x0] =	sbarrier.arrive $0xFFFF  }
0x7c: {  	_ =	strace $0x9000004D  }
0x7d: {  	s0 =	stileid.u32;
	[bflag:$0x2] =	sbarrier.arrive $0xFFFF  }
0x7e: {  	p0 =	sne.s32 s0, $0x0;
	s0 =	rddreg [dreg:$0x1]  }
0x7f: {  	s0 =	sadd.s32 @!p0 $0x100000, s0  }
0x80: {  	[sflag:s0] =	ssyncadd.tile.s32 @!p0 $0x1;
	_ =	shalt  }
.Lfunc_end2:
_tile_overlayer_lowered:
.L_overlay_start_2:
0x81: {  	(tag) =	ssettag $0x2  }
0x82: {  	s0 =	rddreg [dreg:$0x0];
	s2 =	stileid.u32  }
0x83: {  	s1 =	rddreg [dreg:$0x1];
	p0 =	sne.s32 s2, $0x0  }
0x84: {  	s3 =	rddreg [dreg:$0x2];
	[bflag:$0x3] =	sbarrier.arrive $0xFFFF;
	s2 =	simm.s32 @!p0 $0x1C07  }
0x85: {  	[timem:s3], [sflag:s2] =	dma.local @!p0 [hbm:s0], s1  }
0x86: {  	s0 =	simm.s32 @!p0 $0x7  }
0x87: {  	_ =	swait.ge @!p0 [sflag:s0], s1  }
0x88: {  	s1 =	ssub.s32 @!p0 $0x0, s1;
	[sflag:s0] =	ssyncset.done @!p0 $0x0  }
0x89: {  	[sflag:s0] =	ssyncadd.s32 @!p0 s1  }
0x8a: {  	[bflag:$0x3] =	sbarrier.arrive $0xFFFF  }
0x8b: {  	_ =	shalt  }

// kernel: kernel.25.cloned.1.call-start
scs
__scs_entry_jumppad:
0x0: {  	(pc) =	sbr.rel $0x88, $3  }
0x1: {  	(tag) =	ssettag $0x0;
	lr =	simm.s32 $0x1  }
0x2: {  	[smem:$0x3F99] =	sst lr;
	_ =	strace $0xD0000000  }
0x3: {  	_ = 	snop  }
0x4: {  	_ = 	snop  }
0x5: {  	_ = 	snop  }
0x6: {  	_ = 	snop  }
0x7: {  	_ = 	snop  }
__scs_overlays_trampoline_lowered:
0x8: {  	[smem:$0x3FA8] =	sst s0  }
0x9: {  	[smem:$0x3FA9] =	sst s1  }
0xa: {  	[smem:$0x3FAA] =	sst s2  }
0xb: {  	[smem:$0x3FAB] =	sst s3  }
0xc: {  	[smem:$0x3FAC] =	sst s4  }
0xd: {  	[smem:$0x3FAD] =	sst s5  }
0xe: {  	[smem:$0x3FAE] =	sst s6  }
0xf: {  	[smem:$0x3FAF] =	sst s7  }
0x10: {  	[smem:$0x3FB0] =	sst s8  }
0x11: {  	[smem:$0x3FB1] =	sst s9;
	s0 =	simm.s32 @!p0 $0x0  }
0x12: {  	s1 =	sld [smem:$0x3F97];
	s0 =	simm.s32 @p0 $0x1  }
0x13: {  	[smem:$0x3FB2] =	sst s0;
	s0 =	simm.s32 @!p1 $0x0  }
0x14: {  	s2 =	sld [smem:$0x3F96];
	s0 =	simm.s32 @p1 $0x1  }
0x15: {  	[smem:$0x3FB3] =	sst s0;
	s0 =	simm.s32 @!p2 $0x0  }
0x16: {  	s3 =	sld [smem:$0x3FDB];
	s0 =	simm.s32 @p2 $0x1  }
0x17: {  	s4 =	simm.s32 $0x1BF5;
	[smem:$0x3FB5] =	sst s0  }
0x18: {  	s0 =	sld [smem:$0x3F98];
	_ =	swait.ge [sflag:s4], $0x0  }
0x19: {  	s7 =	sld [smem:$0x3F99]  }
0x1a: {  	s8 =	sadd.s32 $0xFFFFE003, lr  }
0x1b: {  	s9 =	sadd.s32 $0xFFFFFEF7, lr;
	s5 =	simm.s32 $0xFFFFFFFF;
	p2 =	slt.u32 s8, $0xFFFFF086  }
0x1c: {  	p1 =	slt.u32 s9, $0xF7A;
	s5 =	simm.s32 @!p2 $0x0  }
0x1d: {  	s5 =	simm.s32 @p1 $0x1;
	p0 =	seq.s32 s7, s2  }
0x1e: {  	s7 =	smul.u32 @!p0 $0xF7A, s2;
	p2 =	seq.s32 @!p0 s5, $0x0  }
0x1f: {  	s9 =	smul.u32 $0xF7A, s1;
	s8 =	simm.s32 @!p0 $0x1BF5;
	p2 =	por !p2, p0  }
0x20: {  	[sflag:s8] =	ssyncset.s32 @!p0 $0xFFFFF086;
	s6 =	sadd.s32 @!p0 s3, s7;
	s7 =	simm.s32 @!p0 $0x108  }
0x21: {  	s3 =	sadd.s32 s3, s9;
	s6 =	sadd.s32 @!p0 $0x88, s6;
	s7 =	simm.s32 @p2 $0x1082  }
0x22: {  	[simem:s7], [sflag:s8] =	dma.local @!p0 [hbm:s6], $0xF7A  }
0x23: {  	s9 =	sor.u32 $0xD0000000, s2;
	s6 =	simm.s32 $0x108;
	_ =	swait.ge @!p0 [sflag:s8], $0x0  }
0x24: {  	s3 =	sadd.s32 $0x88, s3;
	s6 =	simm.s32 @!p1 $0x1082;
	[sflag:s4] =	ssyncset.s32 $0xFFFFF086  }
0x25: {  	[simem:s6], [sflag:s4] =	dma.local [hbm:s3], $0xF7A  }
0x26: {  	[smem:$0x3F99] =	sst s1;
	(tag) =	ssettag s2;
	_ =	strace s9  }
0x27: {  	s1 =	sld [smem:$0x3FA9]  }
0x28: {  	s2 =	sld [smem:$0x3FAA]  }
0x29: {  	s4 =	sld [smem:$0x3FAC]  }
0x2a: {  	p0 =	seq.s32 s5, $0x0;
	s5 =	sld [smem:$0x3FAD]  }
0x2b: {  	s6 =	sld [smem:$0x3FAE]  }
0x2c: {  	s7 =	sld [smem:$0x3FAF]  }
0x2d: {  	s3 =	simm.s32 $0x108;
	s8 =	sld [smem:$0x3FB0]  }
0x2e: {  	s3 =	simm.s32 @!p0 $0x1082;
	s9 =	sld [smem:$0x3FB1]  }
0x2f: {  	lr =	sadd.s32 s0, s3;
	s0 =	sld [smem:$0x3FA8]  }
0x30: {  	s3 =	sld [smem:$0x3FAB]  }
0x31: {  	[smem:$0x3FB4] =	sst s10  }
0x32: {  	s10 =	sld [smem:$0x3FB2];
	_ =	sdelay $0x3  }
0x33: {  	p0 =	seq.s32 s10, $0x1;
	s10 =	sld [smem:$0x3FB4];
	_ =	sdelay $0x3  }
0x34: {  	[smem:$0x3FB4] =	sst s10  }
0x35: {  	s10 =	sld [smem:$0x3FB3];
	_ =	sdelay $0x3  }
0x36: {  	p1 =	seq.s32 s10, $0x1;
	s10 =	sld [smem:$0x3FB4];
	_ =	sdelay $0x3  }
0x37: {  	[smem:$0x3FB4] =	sst s10  }
0x38: {  	s10 =	sld [smem:$0x3FB5]  }
0x39: {  	_ = 	snop;
	(pc) =	sbr.ind lr, $3  }
0x3a: {  	_ = 	snop  }
0x3b: {  	_ = 	snop  }
0x3c: {  	p2 =	seq.s32 s10, $0x1;
	s10 =	sld [smem:$0x3FB4]  }
0x3d: {  	_ =	shalt  }
0x3e: {  	_ =	shalt  }
0x3f: {  	_ =	shalt  }
0x40: {  	_ =	shalt  }
0x41: {  	_ =	shalt  }
0x42: {  	_ =	shalt  }
0x43: {  	_ =	shalt  }
0x44: {  	_ =	shalt  }
0x45: {  	_ =	shalt  }
0x46: {  	_ =	shalt  }
0x47: {  	_ =	shalt  }
0x48: {  	_ =	shalt  }
0x49: {  	_ =	shalt  }
0x4a: {  	_ =	shalt  }
0x4b: {  	_ =	shalt  }
0x4c: {  	_ =	shalt  }
0x4d: {  	_ =	shalt  }
0x4e: {  	_ =	shalt  }
0x4f: {  	_ =	shalt  }
0x50: {  	_ =	shalt  }
0x51: {  	_ =	shalt  }
0x52: {  	_ =	shalt  }
0x53: {  	_ =	shalt  }
0x54: {  	_ =	shalt  }
0x55: {  	_ =	shalt  }
0x56: {  	_ =	shalt  }
0x57: {  	_ =	shalt  }
0x58: {  	_ =	shalt  }
0x59: {  	_ =	shalt  }
0x5a: {  	_ =	shalt  }
0x5b: {  	_ =	shalt  }
0x5c: {  	_ =	shalt  }
0x5d: {  	_ =	shalt  }
0x5e: {  	_ =	shalt  }
0x5f: {  	_ =	shalt  }
0x60: {  	_ =	shalt  }
0x61: {  	_ =	shalt  }
0x62: {  	_ =	shalt  }
0x63: {  	_ =	shalt  }
0x64: {  	_ =	shalt  }
0x65: {  	_ =	shalt  }
0x66: {  	_ =	shalt  }
0x67: {  	_ =	shalt  }
0x68: {  	_ =	shalt  }
0x69: {  	_ =	shalt  }
0x6a: {  	_ =	shalt  }
0x6b: {  	_ =	shalt  }
0x6c: {  	_ =	shalt  }
0x6d: {  	_ =	shalt  }
0x6e: {  	_ =	shalt  }
0x6f: {  	_ =	shalt  }
0x70: {  	_ =	shalt  }
0x71: {  	_ =	shalt  }
0x72: {  	_ =	shalt  }
0x73: {  	_ =	shalt  }
0x74: {  	_ =	shalt  }
0x75: {  	_ =	shalt  }
0x76: {  	_ =	shalt  }
0x77: {  	_ =	shalt  }
0x78: {  	_ =	shalt  }
0x79: {  	_ =	shalt  }
0x7a: {  	_ =	shalt  }
0x7b: {  	_ =	shalt  }
0x7c: {  	_ =	shalt  }
0x7d: {  	_ =	shalt  }
0x7e: {  	_ =	shalt  }
0x7f: {  	_ =	shalt  }
0x80: {  	_ =	shalt  }
0x81: {  	_ =	shalt  }
0x82: {  	_ =	shalt  }
0x83: {  	_ =	shalt  }
0x84: {  	_ =	shalt  }
0x85: {  	_ =	shalt  }
0x86: {  	_ =	shalt  }
0x87: {  	_ =	shalt  }
.Lfunc_end0:
.L_simem_size_0:
called_computation.3_lowered:
.L_overlay_start_0:
0x88: {  	s2 =	sld [smem:$0x3FD9]  }
0x89: {  	s3 =	sld [smem:$0x3FFE];
	_ =	sdelay $0x1  }
0x8a: {  	s1 =	srdreg.scid  }
0x8b: {  	s0 =	sand.u32 $0x1, s1  }
0x8c: {  	s17 =	sshll.u32 s0, $0xA;
	s2 =	sadd.s32 s3, s2  }
0x8d: {  	s2 =	sadd.s32 s2, s17  }
0x8e: {  	[smem:$0x3FC0] =	sst s2  }
0x8f: {  	_ = 	snop  }
0x90: {  	(tm) =	ssettm $0x1  }
0x91: {  	s18 =	sld [smem:$0x3FFB];
	_ =	sdelay $0x3  }
0x92: {  	_ =	strace s18  }
0x93: {  	s2 =	sld [smem:$0x3FFC];
	_ =	sdelay $0x3  }
0x94: {  	_ =	strace s2  }
0x95: {  	s2 =	sld [smem:$0x3FFD];
	_ =	sdelay $0x3  }
0x96: {  	_ =	strace s2  }
0x97: {  	_ =	strace $0x8FFFFFFF  }
0x98: {  	s19 =	sld [smem:$0x3FDB];
	_ =	sdelay $0x1  }
0x99: {  	s20 =	simm.s32 $_scs_section_size  }
0x9a: {  	s4 =	simm.s32 $_size__tile_overlayer_lowered;
	s5 =	simm.s32 $_tile_overlayer_lowered  }
0x9b: {  	s6 =	simm.s32 $0x1BFF;
	s21 =	sshll.u32 s5, $0x1;
	s3 =	sadd.s32 s20, s19  }
0x9c: {  	s22 =	simm.s32 $0x0;
	s4 =	sshll.u32 s4, $0x1;
	s5 =	sadd.s32 s21, s3  }
0x9d: {  	[timem:s22], [sflag:s6] =	dma.local [hbm:s5], s4  }
0x9e: {  	_ =	swait.ge [sflag:s6], s4  }
0x9f: {  	s4 =	ssub.s32 $0x0, s4;
	[sflag:s6] =	ssyncset.done $0x0  }
0xa0: {  	[sflag:s6] =	ssyncadd.s32 s4;
	_ =	sdelay $0x1  }
0xa1: {  	s23 =	simm.s32 $0x1B8B  }
0xa2: {  	_ =	swait.ge [sflag:s23], $0x1  }
0xa3: {  	[sflag:s23] =	ssyncset.done $0x0  }
0xa4: {  	[sflag:s23] =	ssyncadd.s32 $0xFFFFFFFF  }
0xa5: {  	s4 =	sld [smem:$0x0]  }
0xa6: {  	s5 =	sand.u32 $0xFFFFFFFE, s1  }
0xa7: {  	p0 =	sne.s32 s1, s5  }
0xa8: {  	s5 =	sshll.u32 @p0 s5, $0xE  }
0xa9: {  	s5 =	sadd.s32 @p0 $0x11B8D, s5;
	s6 =	sshll.u32 @p0 s4, $0x11  }
0xaa: {  	s5 =	sor.u32 @p0 s6, s5  }
0xab: {  	[sflag:s5] =	ssyncadd.remote.s32 @p0 $0x1;
	_ =	sdelay $0x1  }
0xac: {  	s5 =	simm.s32 @p0 $0x1B8D  }
0xad: {  	_ =	swait.eq @p0 [sflag:s5], $0x1  }
0xae: {  	[sflag:s5] =	ssyncadd.s32 @p0 $0xFFFFFFFF  }
0xaf: {  	s6 =	sshll.u32 @!p0 s1, $0xE  }
0xb0: {  	s6 =	sor.u32 @!p0 $0x4000, s6;
	s5 =	simm.s32 @!p0 $0x1B8D  }
0xb1: {  	s4 =	sshll.u32 @!p0 s4, $0x11;
	s6 =	sadd.s32 @!p0 $0x11B8D, s6;
	_ =	swait.eq @!p0 [sflag:s5], $0x1  }
0xb2: {  	s4 =	sor.u32 @!p0 s4, s6;
	[sflag:s5] =	ssyncadd.s32 @!p0 $0xFFFFFFFF  }
0xb3: {  	s25 =	simm.s32 $0x1B8E;
	s24 =	sld [smem:$0x3FFE];
	[sflag:s4] =	ssyncadd.remote.s32 @!p0 $0x1  }
0xb4: {  	s26 =	simm.s32 $execute0_lowered;
	[smem:$0x3FD2] =	sst s25  }
0xb5: {  	s5 =	sshll.u32 s26, $0x1;
	_ =	strace $0x8000004F;
	[dreg:$0x1] =	wrdreg $0xFFFFFFFF  }
0xb6: {  	s28 =	simm.s32 $_size_execute0_lowered;
	s3 =	sadd.s32 s3, s5;
	[dreg:$0x0] =	wrdreg $0x0  }
0xb7: {  	s5 =	sshll.u32 s28, $0x1;
	[dreg:$0x2] =	wrdreg s3  }
0xb8: {  	[dreg:$0x3] =	wrdreg s5  }
0xb9: {  	[dreg:$0x4] =	wrdreg $0xC0  }
0xba: {  	_ =	task [dreg:s22], $0x5FFFF  }
0xbb: {  	[dreg:$0x1] =	wrdreg $0xFFFFFFFF  }
0xbc: {  	[dreg:$0x0] =	wrdreg $0x60  }
0xbd: {  	[dreg:$0x2] =	wrdreg s24  }
0xbe: {  	[dreg:$0x3] =	wrdreg $0xA  }
0xbf: {  	_ =	task.clear_ibuf [dreg:s22], $0x4FFFF;
	_ =	strace $0x9000004F  }
0xc0: {  	s29 =	simm.s32 $0xA;
	_ =	strace $0x80000051  }
0xc1: {  	_ =	swait.ge [sflag:s29], $0x1  }
0xc2: {  	[sflag:s29] =	ssyncadd.s32 $0xFFFFFFFF  }
0xc3: {  	_ =	strace $0x90000051  }
0xc4: {  	_ =	sfence  }
0xc5: {  	s30 =	sld [smem:$0x0];
	_ =	sdelay $0x2  }
0xc6: {  	s31 =	sshll.u32 s1, $0xD;
	s1 =	sshrl.u32 s1, $0x2  }
0xc7: {  	s4 =	sand.u32 $0x4000, s31;
	s1 =	sadd.s32 s1, s30  }
0xc8: {  	s0 =	sor.u32 s4, s0;
	s1 =	sshll.u32 s1, $0x11  }
0xc9: {  	s0 =	sor.u32 s1, s0  }
0xca: {  	s0 =	sadd.s32 $0x8F2B, s0  }
0xcb: {  	[sflag:s0] =	ssyncadd.remote.s32 $0x1  }
0xcc: {  	_ =	sfence.sel $0xFFFF  }
0xcd: {  	[dreg:$0x0] =	wrdreg $0xFFFFFFFF;
	(pc) =	sbr.abs _section_cstart, $3  }
0xce: {  	[dreg:$0x1] =	wrdreg $0xFFFFFFFF  }
0xcf: {  	_ =	task.clear_ibuf [dreg:s22], $0x2FFFF;
	_ =	strace $0x9FFFFFFF  }
0xd0: {  	(tm) =	ssettm $0x7FFFFFFF  }
0xd1: {  	_ =	shalt  }
tec
execute0_lowered:
.L_overlay_start_1:
0x0: {  	(tag) =	ssettag $0x1  }
0x1: {  	s4 =	rddreg [dreg:$0x0]  }
0x2: {  	s3 =	srdreg.scid;
	s0 =	stileid.u32;
	s2 =	simm.s32 $0x0  }
0x3: {  	s21 =	simm.s32 $0x2;
	s22 =	simm.s32 $0x4100;
	s11 =	smul.u32 $0x180000, s0  }
0x4: {  	s23 =	simm.s32 $0x4;
	s24 =	simm.s32 $0x5;
	s17 =	smul.u32 $0x3000, s0  }
0x5: {  	s25 =	simm.s32 $0x6;
	s14 =	sand.u32 $0x1, s3;
	s30 =	smul.u32 $0x30000, s0  }
0x6: {  	s26 =	sshll.u32 s0, $0x1;
	s16 =	sadd.s32 $0x666A00, s4;
	s13 =	smul.u32 $0xC0000, s14  }
0x7: {  	[smem:$0x7FF] =	sst s2;
	s3 =	sadd.s32 $0x646A00, s4;
	s18 =	smul.u32 $0x1800, s14  }
0x8: {  	s15 =	sadd.s32 $0x972A00, s4;
	s6 =	sor.u32 s14, s26;
	s20 =	smul.u32 $0x18000, s14  }
0x9: {  	_ =	strace $0x80000050;
	s7 =	ssub.s32 $0x2, s14;
	s5 =	smul.u32 $0x1800, s6  }
0xa: {  	s26 =	simm.s32 $0x0;
	s28 =	sshrl.u32 s7, $0x1;
	s8 =	smul.u32 $0xC0000, s6  }
0xb: {  	s9 =	smul.u32 $0x18000, s6;
	s7 =	ssub.s32 s7, s28;
	s13 =	sadd.s32 s13, s11  }
0xc: {  	s17 =	sadd.s32 s18, s17;
	s18 =	simm.s32 $0x80;
	s5 =	sshrl.u32 s5, $0x3  }
0xd: {  	s29 =	sshrl.u32 s8, $0x3;
	s12 =	sadd.s32 s15, s9;
	s13 =	sor.u32 $0x8000, s13  }
0xe: {  	s19 =	sadd.s32 $0x30200, s17;
	s17 =	sadd.s32 $0x30180, s17;
	s10 =	sadd.s32 s16, s5  }
0xf: {  	s5 =	smax.u32 s7, $0x1;
	s7 =	sadd.s32 s15, s29;
	s9 =	sadd.s32 $0x800, s12  }
0x10: {  	s12 =	sadd.s32 $0x17800, s12;
	s13 =	sshrl.u32 s13, $0x3;
	s31 =	sshrl.u32 s19, $0x3  }
0x11: {  	s17 =	sshrl.u32 s17, $0x3;
	s19 =	simm.s32 $0x100;
	s4 =	sadd.s32 $0x6000, s10  }
0x12: {  	s6 =	sadd.s32 $0x6010, s10;
	s8 =	sadd.s32 $0x6020, s10;
	s10 =	sadd.s32 $0x62F0, s10  }
0x13: {  	s11 =	sadd.s32 $0x17000, s7;
	s13 =	sadd.s32 s13, s15;
	s15 =	sadd.s32 s30, s15  }
0x14: {  	s14 =	sadd.s32 s31, s16;
	s16 =	sadd.s32 s17, s16;
	s15 =	sadd.s32 s20, s15  }
0x15: {  	s17 =	simm.s32 $0x1;
	s20 =	simm.s32 $0x3;
	s15 =	sadd.s32 $0x1800, s15  }
.LBB2_1:
0x16: {  	[tilespmem:s2], [sflag:$0x1] =	stream.linear.gather [hbm4b:s4+s2], $0x80, $0x38;
	[tilespmem:$0x8100] =	vst v63  }
0x17: {  	_ =	swait.ge [sflag:s17], $0x80  }
0x18: {  	[sflag:s17] =	ssyncset.done $0x0  }
0x19: {  	[sflag:s17] =	ssyncadd.s32 $0xFFFFFF80  }
0x1a: {  	[tilespmem:s18], [sflag:$0x2] =	stream.linear.gather [hbm4b:s6+s2], $0x80, $0x38;
	[tilespmem:$0x8100] =	vst v63  }
0x1b: {  	_ = 	snop  }
0x1c: {  	[tilespmem:s19], [sflag:$0x3] =	stream.indirect.gather [hbm4b:s3+s18], $0x80, s2, s18, $0xb8;
	[tilespmem:$0x8100] =	vst v63  }
0x1d: {  	_ =	swait.ge [sflag:s20], $0x4000  }
0x1e: {  	[sflag:s20] =	ssyncset.done $0x0  }
0x1f: {  	[sflag:s20] =	ssyncadd.s32 $0xFFFFC000  }
0x20: {  	[hbm4b:s7+s2] =	stream.linear.scatter [tilespmem:s19], [sflag:$0x5], $0x4000, $0x38;
	[tilespmem:$0x8100] =	vst v63  }
0x21: {  	_ =	swait.ge [sflag:s21], $0x80  }
0x22: {  	[sflag:s21] =	ssyncset.done $0x0  }
0x23: {  	[sflag:s21] =	ssyncadd.s32 $0xFFFFFF80  }
0x24: {  	[tilespmem:s2], [sflag:$0x1] =	stream.linear.gather [hbm4b:s8+s2], $0x80, $0x38;
	[tilespmem:$0x8100] =	vst v63  }
0x25: {  	_ = 	snop  }
0x26: {  	[tilespmem:s22], [sflag:$0x4] =	stream.indirect.gather [hbm4b:s3+s18], $0x80, s18, s18, $0xb8;
	[tilespmem:$0x8100] =	vst v63  }
0x27: {  	_ =	swait.ge [sflag:s23], $0x4000  }
0x28: {  	[sflag:s23] =	ssyncset.done $0x0  }
0x29: {  	[sflag:s23] =	ssyncadd.s32 $0xFFFFC000  }
0x2a: {  	[hbm4b:s9+s2] =	stream.linear.scatter [tilespmem:s22], [sflag:$0x6], $0x4000, $0x38;
	[tilespmem:$0x8100] =	vst v63  }
0x2b: {  	_ =	swait.ge [sflag:s17], $0x80  }
0x2c: {  	[sflag:s17] =	ssyncset.done $0x0  }
0x2d: {  	s28 =	sadd.s32 $0x0, s16;
	[sflag:s17] =	ssyncadd.s32 $0xFFFFFF80  }
0x2e: {  	[tilespmem:s18], [sflag:$0x2] =	stream.linear.gather [hbm4b:s28+s2], $0x80, $0x38;
	[tilespmem:$0x8100] =	vst v63  }
0x2f: {  	_ =	swait.ge [sflag:s24], $0x4000  }
0x30: {  	[sflag:s24] =	ssyncset.done $0x0  }
0x31: {  	[sflag:s24] =	ssyncadd.s32 $0xFFFFC000  }
0x32: {  	[tilespmem:s19], [sflag:$0x3] =	stream.indirect.gather [hbm4b:s3+s18], $0x80, s2, s18, $0xb8;
	[tilespmem:$0x8100] =	vst v63  }
0x33: {  	_ =	swait.ge [sflag:s20], $0x4000  }
0x34: {  	[sflag:s20] =	ssyncset.done $0x0  }
0x35: {  	[sflag:s20] =	ssyncadd.s32 $0xFFFFC000  }
0x36: {  	[hbm4b:s13+s2] =	stream.linear.scatter [tilespmem:s19], [sflag:$0x5], $0x4000, $0x38;
	[tilespmem:$0x8100] =	vst v63  }
0x37: {  	_ =	swait.ge [sflag:s21], $0x80  }
0x38: {  	[sflag:s21] =	ssyncset.done $0x0  }
0x39: {  	s28 =	sadd.s32 $0x0, s14;
	[sflag:s21] =	ssyncadd.s32 $0xFFFFFF80  }
0x3a: {  	[tilespmem:s2], [sflag:$0x1] =	stream.linear.gather [hbm4b:s28+s2], $0x80, $0x38;
	[tilespmem:$0x8100] =	vst v63  }
0x3b: {  	_ =	swait.ge [sflag:s25], $0x4000  }
0x3c: {  	[sflag:s25] =	ssyncset.done $0x0  }
0x3d: {  	[sflag:s25] =	ssyncadd.s32 $0xFFFFC000  }
0x3e: {  	[tilespmem:s22], [sflag:$0x4] =	stream.indirect.gather [hbm4b:s3+s18], $0x80, s18, s18, $0xb8;
	[tilespmem:$0x8100] =	vst v63  }
0x3f: {  	_ =	swait.ge [sflag:s23], $0x4000  }
0x40: {  	s29 =	sadd.s32 $0x1000, s13;
	s30 =	sadd.s32 $0x1000, s15;
	[sflag:s23] =	ssyncset.done $0x0  }
0x41: {  	s31 =	smov.u32 s15;
	s28 =	simm.s32 $0x20;
	[sflag:s23] =	ssyncadd.s32 $0xFFFFC000  }
.LBB2_2:
0x42: {  	[hbm4b:s31+s2] =	stream.linear.scatter [tilespmem:s22], [sflag:$0x6], $0x4000, $0x38;
	[tilespmem:$0x8100] =	vst v63  }
0x43: {  	s0 =	smov.u32 s28;
	s31 =	smov.u32 s30  }
0x44: {  	p0 =	sne.s32 s28, $0x2A0;
	s28 =	sadd.s32 $0x20, s28;
	_ =	swait.ge [sflag:s17], $0x80  }
0x45: {  	[sflag:s17] =	ssyncset.done $0x0  }
0x46: {  	s1 =	sadd.s32 s0, s16;
	[sflag:s17] =	ssyncadd.s32 $0xFFFFFF80  }
0x47: {  	[tilespmem:s18], [sflag:$0x2] =	stream.linear.gather [hbm4b:s1+s2], $0x80, $0x38;
	[tilespmem:$0x8100] =	vst v63  }
0x48: {  	_ =	swait.ge [sflag:s24], $0x4000  }
0x49: {  	[sflag:s24] =	ssyncset.done $0x0  }
0x4a: {  	[sflag:s24] =	ssyncadd.s32 $0xFFFFC000  }
0x4b: {  	[tilespmem:s19], [sflag:$0x3] =	stream.indirect.gather [hbm4b:s3+s18], $0x80, s2, s18, $0xb8;
	[tilespmem:$0x8100] =	vst v63  }
0x4c: {  	_ =	swait.ge [sflag:s20], $0x4000  }
0x4d: {  	[sflag:s20] =	ssyncset.done $0x0  }
0x4e: {  	[sflag:s20] =	ssyncadd.s32 $0xFFFFC000  }
0x4f: {  	[hbm4b:s29+s2] =	stream.linear.scatter [tilespmem:s19], [sflag:$0x5], $0x4000, $0x38;
	[tilespmem:$0x8100] =	vst v63  }
0x50: {  	_ =	swait.ge [sflag:s21], $0x80  }
0x51: {  	[sflag:s21] =	ssyncset.done $0x0  }
0x52: {  	s0 =	sadd.s32 s0, s14;
	[sflag:s21] =	ssyncadd.s32 $0xFFFFFF80  }
0x53: {  	[tilespmem:s2], [sflag:$0x1] =	stream.linear.gather [hbm4b:s0+s2], $0x80, $0x38;
	[tilespmem:$0x8100] =	vst v63  }
0x54: {  	_ =	swait.ge [sflag:s25], $0x4000  }
0x55: {  	[sflag:s25] =	ssyncset.done $0x0  }
.Ltmp0:
0x56: {  	[sflag:s25] =	ssyncadd.s32 $0xFFFFC000;
	(pc) =	sbr.rel @p0 .LBB2_2-.Ltmp0, $4  }
0x57: {  	[tilespmem:s22], [sflag:$0x4] =	stream.indirect.gather [hbm4b:s3+s18], $0x80, s18, s18, $0xb8;
	[tilespmem:$0x8100] =	vst v63  }
0x58: {  	_ =	swait.ge [sflag:s23], $0x4000  }
0x59: {  	[sflag:s23] =	ssyncset.done $0x0  }
0x5a: {  	s30 =	sadd.s32 $0x1000, s30;
	s29 =	sadd.s32 $0x1000, s29;
	[sflag:s23] =	ssyncadd.s32 $0xFFFFC000  }
0x5b: {  	[hbm4b:s31+s2] =	stream.linear.scatter [tilespmem:s22], [sflag:$0x6], $0x4000, $0x38;
	[tilespmem:$0x8100] =	vst v63  }
0x5c: {  	_ =	swait.ge [sflag:s17], $0x80  }
0x5d: {  	[sflag:s17] =	ssyncset.done $0x0  }
0x5e: {  	[sflag:s17] =	ssyncadd.s32 $0xFFFFFF80  }
0x5f: {  	[tilespmem:s18], [sflag:$0x2] =	stream.linear.gather [hbm4b:s10+s2], $0x80, $0x38;
	[tilespmem:$0x8100] =	vst v63  }
0x60: {  	_ =	swait.ge [sflag:s24], $0x4000  }
0x61: {  	[sflag:s24] =	ssyncset.done $0x0  }
0x62: {  	[sflag:s24] =	ssyncadd.s32 $0xFFFFC000  }
0x63: {  	[tilespmem:s19], [sflag:$0x3] =	stream.indirect.gather [hbm4b:s3+s18], $0x80, s2, s18, $0xb8;
	[tilespmem:$0x8100] =	vst v63  }
0x64: {  	_ =	swait.ge [sflag:s20], $0x4000  }
0x65: {  	[sflag:s20] =	ssyncset.done $0x0  }
0x66: {  	[sflag:s20] =	ssyncadd.s32 $0xFFFFC000  }
0x67: {  	[hbm4b:s11+s2] =	stream.linear.scatter [tilespmem:s19], [sflag:$0x5], $0x4000, $0x38;
	[tilespmem:$0x8100] =	vst v63  }
0x68: {  	_ =	swait.ge [sflag:s21], $0x80  }
0x69: {  	[sflag:s21] =	ssyncset.done $0x0  }
0x6a: {  	[sflag:s21] =	ssyncadd.s32 $0xFFFFFF80  }
0x6b: {  	_ =	swait.ge [sflag:s25], $0x4000  }
0x6c: {  	[sflag:s25] =	ssyncset.done $0x0  }
0x6d: {  	[sflag:s25] =	ssyncadd.s32 $0xFFFFC000  }
0x6e: {  	[tilespmem:s22], [sflag:$0x4] =	stream.indirect.gather [hbm4b:s3+s18], $0x80, s18, s18, $0xb8;
	[tilespmem:$0x8100] =	vst v63  }
0x6f: {  	_ =	swait.ge [sflag:s23], $0x4000  }
0x70: {  	[sflag:s23] =	ssyncset.done $0x0  }
0x71: {  	s26 =	sadd.s32 $0x1, s26;
	[sflag:s23] =	ssyncadd.s32 $0xFFFFC000  }
0x72: {  	[hbm4b:s12+s2] =	stream.linear.scatter [tilespmem:s22], [sflag:$0x6], $0x4000, $0x38;
	[tilespmem:$0x8100] =	vst v63  }
0x73: {  	p0 =	sne.s32 s26, s5;
	_ =	swait.ge [sflag:s24], $0x4000  }
.Ltmp1:
0x74: {  	[sflag:s24] =	ssyncset.done $0x0;
	(pc) =	sbr.rel @p0 .LBB2_1-.Ltmp1, $4  }
0x75: {  	[sflag:s24] =	ssyncadd.s32 $0xFFFFC000  }
0x76: {  	_ =	swait.ge [sflag:s25], $0x4000  }
0x77: {  	[sflag:s25] =	ssyncset.done $0x0  }
0x78: {  	[sflag:s25] =	ssyncadd.s32 $0xFFFFC000  }
0x79: {  	_ =	sfence.sel $0x180000  }
0x7a: {  	[bflag:$0x0] =	sbarrier.arrive $0xFFFF  }
0x7b: {  	_ =	strace $0x90000050  }
0x7c: {  	s0 =	stileid.u32;
	[bflag:$0x2] =	sbarrier.arrive $0xFFFF  }
0x7d: {  	p0 =	sne.s32 s0, $0x0;
	s0 =	rddreg [dreg:$0x1]  }
0x7e: {  	s0 =	sadd.s32 @!p0 $0x100000, s0  }
0x7f: {  	[sflag:s0] =	ssyncadd.tile.s32 @!p0 $0x1;
	_ =	shalt  }
.Lfunc_end2:
_tile_overlayer_lowered:
.L_overlay_start_2:
0x80: {  	(tag) =	ssettag $0x2  }
0x81: {  	s0 =	rddreg [dreg:$0x0];
	s2 =	stileid.u32  }
0x82: {  	s1 =	rddreg [dreg:$0x1];
	p0 =	sne.s32 s2, $0x0  }
0x83: {  	s3 =	rddreg [dreg:$0x2];
	[bflag:$0x3] =	sbarrier.arrive $0xFFFF;
	s2 =	simm.s32 @!p0 $0x1C07  }
0x84: {  	[timem:s3], [sflag:s2] =	dma.local @!p0 [hbm:s0], s1  }
0x85: {  	s0 =	simm.s32 @!p0 $0x7  }
0x86: {  	_ =	swait.ge @!p0 [sflag:s0], s1  }
0x87: {  	s1 =	ssub.s32 @!p0 $0x0, s1;
	[sflag:s0] =	ssyncset.done @!p0 $0x0  }
0x88: {  	[sflag:s0] =	ssyncadd.s32 @!p0 s1  }
0x89: {  	[bflag:$0x3] =	sbarrier.arrive $0xFFFF  }
0x8a: {  	_ =	shalt  }

// kernel: kernel.28.cloned.1.call-start
scs
__scs_entry_jumppad:
0x0: {  	(pc) =	sbr.rel $0x88, $3  }
0x1: {  	(tag) =	ssettag $0x0;
	lr =	simm.s32 $0x1  }
0x2: {  	[smem:$0x3F99] =	sst lr;
	_ =	strace $0xD0000000  }
0x3: {  	_ = 	snop  }
0x4: {  	_ = 	snop  }
0x5: {  	_ = 	snop  }
0x6: {  	_ = 	snop  }
0x7: {  	_ = 	snop  }
__scs_overlays_trampoline_lowered:
0x8: {  	[smem:$0x3FA8] =	sst s0  }
0x9: {  	[smem:$0x3FA9] =	sst s1  }
0xa: {  	[smem:$0x3FAA] =	sst s2  }
0xb: {  	[smem:$0x3FAB] =	sst s3  }
0xc: {  	[smem:$0x3FAC] =	sst s4  }
0xd: {  	[smem:$0x3FAD] =	sst s5  }
0xe: {  	[smem:$0x3FAE] =	sst s6  }
0xf: {  	[smem:$0x3FAF] =	sst s7  }
0x10: {  	[smem:$0x3FB0] =	sst s8  }
0x11: {  	[smem:$0x3FB1] =	sst s9;
	s0 =	simm.s32 @!p0 $0x0  }
0x12: {  	s1 =	sld [smem:$0x3F97];
	s0 =	simm.s32 @p0 $0x1  }
0x13: {  	[smem:$0x3FB2] =	sst s0;
	s0 =	simm.s32 @!p1 $0x0  }
0x14: {  	s2 =	sld [smem:$0x3F96];
	s0 =	simm.s32 @p1 $0x1  }
0x15: {  	[smem:$0x3FB3] =	sst s0;
	s0 =	simm.s32 @!p2 $0x0  }
0x16: {  	s3 =	sld [smem:$0x3FDB];
	s0 =	simm.s32 @p2 $0x1  }
0x17: {  	s4 =	simm.s32 $0x1BF5;
	[smem:$0x3FB5] =	sst s0  }
0x18: {  	s0 =	sld [smem:$0x3F98];
	_ =	swait.ge [sflag:s4], $0x0  }
0x19: {  	s7 =	sld [smem:$0x3F99]  }
0x1a: {  	s8 =	sadd.s32 $0xFFFFE003, lr  }
0x1b: {  	s9 =	sadd.s32 $0xFFFFFEF7, lr;
	s5 =	simm.s32 $0xFFFFFFFF;
	p2 =	slt.u32 s8, $0xFFFFF086  }
0x1c: {  	p1 =	slt.u32 s9, $0xF7A;
	s5 =	simm.s32 @!p2 $0x0  }
0x1d: {  	s5 =	simm.s32 @p1 $0x1;
	p0 =	seq.s32 s7, s2  }
0x1e: {  	s7 =	smul.u32 @!p0 $0xF7A, s2;
	p2 =	seq.s32 @!p0 s5, $0x0  }
0x1f: {  	s9 =	smul.u32 $0xF7A, s1;
	s8 =	simm.s32 @!p0 $0x1BF5;
	p2 =	por !p2, p0  }
0x20: {  	[sflag:s8] =	ssyncset.s32 @!p0 $0xFFFFF086;
	s6 =	sadd.s32 @!p0 s3, s7;
	s7 =	simm.s32 @!p0 $0x108  }
0x21: {  	s3 =	sadd.s32 s3, s9;
	s6 =	sadd.s32 @!p0 $0x88, s6;
	s7 =	simm.s32 @p2 $0x1082  }
0x22: {  	[simem:s7], [sflag:s8] =	dma.local @!p0 [hbm:s6], $0xF7A  }
0x23: {  	s9 =	sor.u32 $0xD0000000, s2;
	s6 =	simm.s32 $0x108;
	_ =	swait.ge @!p0 [sflag:s8], $0x0  }
0x24: {  	s3 =	sadd.s32 $0x88, s3;
	s6 =	simm.s32 @!p1 $0x1082;
	[sflag:s4] =	ssyncset.s32 $0xFFFFF086  }
0x25: {  	[simem:s6], [sflag:s4] =	dma.local [hbm:s3], $0xF7A  }
0x26: {  	[smem:$0x3F99] =	sst s1;
	(tag) =	ssettag s2;
	_ =	strace s9  }
0x27: {  	s1 =	sld [smem:$0x3FA9]  }
0x28: {  	s2 =	sld [smem:$0x3FAA]  }
0x29: {  	s4 =	sld [smem:$0x3FAC]  }
0x2a: {  	p0 =	seq.s32 s5, $0x0;
	s5 =	sld [smem:$0x3FAD]  }
0x2b: {  	s6 =	sld [smem:$0x3FAE]  }
0x2c: {  	s7 =	sld [smem:$0x3FAF]  }
0x2d: {  	s3 =	simm.s32 $0x108;
	s8 =	sld [smem:$0x3FB0]  }
0x2e: {  	s3 =	simm.s32 @!p0 $0x1082;
	s9 =	sld [smem:$0x3FB1]  }
0x2f: {  	lr =	sadd.s32 s0, s3;
	s0 =	sld [smem:$0x3FA8]  }
0x30: {  	s3 =	sld [smem:$0x3FAB]  }
0x31: {  	[smem:$0x3FB4] =	sst s10  }
0x32: {  	s10 =	sld [smem:$0x3FB2];
	_ =	sdelay $0x3  }
0x33: {  	p0 =	seq.s32 s10, $0x1;
	s10 =	sld [smem:$0x3FB4];
	_ =	sdelay $0x3  }
0x34: {  	[smem:$0x3FB4] =	sst s10  }
0x35: {  	s10 =	sld [smem:$0x3FB3];
	_ =	sdelay $0x3  }
0x36: {  	p1 =	seq.s32 s10, $0x1;
	s10 =	sld [smem:$0x3FB4];
	_ =	sdelay $0x3  }
0x37: {  	[smem:$0x3FB4] =	sst s10  }
0x38: {  	s10 =	sld [smem:$0x3FB5]  }
0x39: {  	_ = 	snop;
	(pc) =	sbr.ind lr, $3  }
0x3a: {  	_ = 	snop  }
0x3b: {  	_ = 	snop  }
0x3c: {  	p2 =	seq.s32 s10, $0x1;
	s10 =	sld [smem:$0x3FB4]  }
0x3d: {  	_ =	shalt  }
0x3e: {  	_ =	shalt  }
0x3f: {  	_ =	shalt  }
0x40: {  	_ =	shalt  }
0x41: {  	_ =	shalt  }
0x42: {  	_ =	shalt  }
0x43: {  	_ =	shalt  }
0x44: {  	_ =	shalt  }
0x45: {  	_ =	shalt  }
0x46: {  	_ =	shalt  }
0x47: {  	_ =	shalt  }
0x48: {  	_ =	shalt  }
0x49: {  	_ =	shalt  }
0x4a: {  	_ =	shalt  }
0x4b: {  	_ =	shalt  }
0x4c: {  	_ =	shalt  }
0x4d: {  	_ =	shalt  }
0x4e: {  	_ =	shalt  }
0x4f: {  	_ =	shalt  }
0x50: {  	_ =	shalt  }
0x51: {  	_ =	shalt  }
0x52: {  	_ =	shalt  }
0x53: {  	_ =	shalt  }
0x54: {  	_ =	shalt  }
0x55: {  	_ =	shalt  }
0x56: {  	_ =	shalt  }
0x57: {  	_ =	shalt  }
0x58: {  	_ =	shalt  }
0x59: {  	_ =	shalt  }
0x5a: {  	_ =	shalt  }
0x5b: {  	_ =	shalt  }
0x5c: {  	_ =	shalt  }
0x5d: {  	_ =	shalt  }
0x5e: {  	_ =	shalt  }
0x5f: {  	_ =	shalt  }
0x60: {  	_ =	shalt  }
0x61: {  	_ =	shalt  }
0x62: {  	_ =	shalt  }
0x63: {  	_ =	shalt  }
0x64: {  	_ =	shalt  }
0x65: {  	_ =	shalt  }
0x66: {  	_ =	shalt  }
0x67: {  	_ =	shalt  }
0x68: {  	_ =	shalt  }
0x69: {  	_ =	shalt  }
0x6a: {  	_ =	shalt  }
0x6b: {  	_ =	shalt  }
0x6c: {  	_ =	shalt  }
0x6d: {  	_ =	shalt  }
0x6e: {  	_ =	shalt  }
0x6f: {  	_ =	shalt  }
0x70: {  	_ =	shalt  }
0x71: {  	_ =	shalt  }
0x72: {  	_ =	shalt  }
0x73: {  	_ =	shalt  }
0x74: {  	_ =	shalt  }
0x75: {  	_ =	shalt  }
0x76: {  	_ =	shalt  }
0x77: {  	_ =	shalt  }
0x78: {  	_ =	shalt  }
0x79: {  	_ =	shalt  }
0x7a: {  	_ =	shalt  }
0x7b: {  	_ =	shalt  }
0x7c: {  	_ =	shalt  }
0x7d: {  	_ =	shalt  }
0x7e: {  	_ =	shalt  }
0x7f: {  	_ =	shalt  }
0x80: {  	_ =	shalt  }
0x81: {  	_ =	shalt  }
0x82: {  	_ =	shalt  }
0x83: {  	_ =	shalt  }
0x84: {  	_ =	shalt  }
0x85: {  	_ =	shalt  }
0x86: {  	_ =	shalt  }
0x87: {  	_ =	shalt  }
.Lfunc_end0:
.L_simem_size_0:
called_computation.4_lowered:
.L_overlay_start_0:
0x88: {  	s2 =	sld [smem:$0x3FD9]  }
0x89: {  	s3 =	sld [smem:$0x3FFE];
	_ =	sdelay $0x1  }
0x8a: {  	s1 =	srdreg.scid  }
0x8b: {  	s0 =	sand.u32 $0x1, s1  }
0x8c: {  	s16 =	sshll.u32 s0, $0xA;
	s2 =	sadd.s32 s3, s2  }
0x8d: {  	s2 =	sadd.s32 s2, s16  }
0x8e: {  	[smem:$0x3FC0] =	sst s2  }
0x8f: {  	_ = 	snop  }
0x90: {  	(tm) =	ssettm $0x1  }
0x91: {  	s17 =	sld [smem:$0x3FFB];
	_ =	sdelay $0x3  }
0x92: {  	_ =	strace s17  }
0x93: {  	s2 =	sld [smem:$0x3FFC];
	_ =	sdelay $0x3  }
0x94: {  	_ =	strace s2  }
0x95: {  	s2 =	sld [smem:$0x3FFD];
	_ =	sdelay $0x3  }
0x96: {  	_ =	strace s2  }
0x97: {  	_ =	strace $0x8FFFFFFF  }
0x98: {  	s18 =	sld [smem:$0x3FDB];
	_ =	sdelay $0x1  }
0x99: {  	s19 =	simm.s32 $_scs_section_size  }
0x9a: {  	s4 =	simm.s32 $_size__tile_overlayer_lowered;
	s5 =	simm.s32 $_tile_overlayer_lowered  }
0x9b: {  	s22 =	simm.s32 $0x1BFF;
	s21 =	sshll.u32 s5, $0x1;
	s2 =	sadd.s32 s19, s18  }
0x9c: {  	s6 =	simm.s32 $0x0;
	s20 =	sshll.u32 s4, $0x1;
	s4 =	sadd.s32 s21, s2  }
0x9d: {  	[timem:s6], [sflag:s22] =	dma.local [hbm:s4], s20  }
0x9e: {  	_ =	swait.ge [sflag:s22], s20  }
0x9f: {  	s3 =	ssub.s32 $0x0, s20;
	[sflag:s22] =	ssyncset.done $0x0  }
0xa0: {  	[sflag:s22] =	ssyncadd.s32 s3;
	_ =	sdelay $0x1  }
0xa1: {  	s23 =	simm.s32 $0x1B8B  }
0xa2: {  	_ =	swait.ge [sflag:s23], $0x1  }
0xa3: {  	[sflag:s23] =	ssyncset.done $0x0  }
0xa4: {  	s25 =	simm.s32 $0x1B8E;
	s24 =	sld [smem:$0x3FFE];
	[sflag:s23] =	ssyncadd.s32 $0xFFFFFFFF  }
0xa5: {  	s26 =	simm.s32 $execute0_lowered;
	[smem:$0x3FD2] =	sst s25  }
0xa6: {  	s4 =	sshll.u32 s26, $0x1;
	_ =	strace $0x80000052;
	[dreg:$0x1] =	wrdreg $0xFFFFFFFF  }
0xa7: {  	s28 =	simm.s32 $_size_execute0_lowered;
	s2 =	sadd.s32 s2, s4;
	[dreg:$0x0] =	wrdreg $0x0  }
0xa8: {  	s4 =	sshll.u32 s28, $0x1;
	[dreg:$0x2] =	wrdreg s2  }
0xa9: {  	[dreg:$0x3] =	wrdreg s4  }
0xaa: {  	[dreg:$0x4] =	wrdreg $0xC0  }
0xab: {  	_ =	task [dreg:s6], $0x5FFFF  }
0xac: {  	[dreg:$0x1] =	wrdreg $0xFFFFFFFF  }
0xad: {  	[dreg:$0x0] =	wrdreg $0x60  }
0xae: {  	[dreg:$0x2] =	wrdreg s24  }
0xaf: {  	[dreg:$0x3] =	wrdreg $0x9  }
0xb0: {  	_ =	task.clear_ibuf [dreg:s6], $0x4FFFF;
	_ =	strace $0x90000052  }
0xb1: {  	s29 =	simm.s32 $0x9;
	_ =	strace $0x80000054  }
0xb2: {  	_ =	swait.ge [sflag:s29], $0x1  }
0xb3: {  	[sflag:s29] =	ssyncadd.s32 $0xFFFFFFFF  }
0xb4: {  	_ =	strace $0x90000054  }
0xb5: {  	_ =	sfence  }
0xb6: {  	s30 =	sld [smem:$0x0];
	_ =	sdelay $0x2  }
0xb7: {  	s31 =	sshll.u32 s1, $0xD;
	s1 =	sshrl.u32 s1, $0x2  }
0xb8: {  	s3 =	sand.u32 $0x4000, s31;
	s1 =	sadd.s32 s1, s30  }
0xb9: {  	s0 =	sor.u32 s3, s0;
	s1 =	sshll.u32 s1, $0x11  }
0xba: {  	s0 =	sor.u32 s1, s0  }
0xbb: {  	s0 =	sadd.s32 $0x8F2B, s0  }
0xbc: {  	[sflag:s0] =	ssyncadd.remote.s32 $0x1  }
0xbd: {  	_ =	sfence.sel $0xFFFF  }
0xbe: {  	[dreg:$0x0] =	wrdreg $0xFFFFFFFF;
	(pc) =	sbr.abs _section_cstart, $3  }
0xbf: {  	[dreg:$0x1] =	wrdreg $0xFFFFFFFF  }
0xc0: {  	_ =	task.clear_ibuf [dreg:s6], $0x2FFFF;
	_ =	strace $0x9FFFFFFF  }
0xc1: {  	(tm) =	ssettm $0x7FFFFFFF  }
tec
execute0_lowered:
.L_overlay_start_1:
0x0: {  	(tag) =	ssettag $0x1  }
0x1: {  	s4 =	rddreg [dreg:$0x0];
	s2 =	simm.s32 $0x0;
	s0 =	stileid.u32  }
0x2: {  	s3 =	srdreg.scid;
	s21 =	simm.s32 $0x2;
	s12 =	smul.u32 $0x180000, s0  }
0x3: {  	s22 =	simm.s32 $0x4100;
	s16 =	sadd.s32 $0x666A00, s4;
	s17 =	smul.u32 $0x3000, s0  }
0x4: {  	s14 =	sand.u32 $0x1, s3;
	s3 =	sadd.s32 $0x646A00, s4;
	s30 =	smul.u32 $0x30000, s0  }
0x5: {  	[smem:$0x7FF] =	sst s2;
	s15 =	sadd.s32 $0x672A00, s4;
	s13 =	smul.u32 $0xC0000, s14  }
0x6: {  	s23 =	sshll.u32 s0, $0x1;
	_ =	strace $0x80000053;
	s19 =	smul.u32 $0x1800, s14  }
0x7: {  	s5 =	sor.u32 s14, s23;
	s6 =	ssub.s32 $0x2, s14;
	s20 =	smul.u32 $0x18000, s14  }
0x8: {  	s23 =	simm.s32 $0x4;
	s9 =	smul.u32 $0x1800, s5;
	s24 =	sshrl.u32 s6, $0x1  }
0x9: {  	s7 =	smul.u32 $0xC0000, s5;
	s6 =	ssub.s32 s6, s24;
	s13 =	sadd.s32 s13, s12  }
0xa: {  	s17 =	sadd.s32 s19, s17;
	s24 =	simm.s32 $0x5;
	s25 =	sshrl.u32 s9, $0x3  }
0xb: {  	s8 =	sor.u32 $0x100, s9;
	s10 =	sor.u32 $0x80, s9;
	s5 =	smax.u32 s6, $0x1  }
0xc: {  	s7 =	sshrl.u32 s7, $0x3;
	s11 =	sadd.s32 $0x1780, s9;
	s13 =	sor.u32 $0x8000, s13  }
0xd: {  	s19 =	sor.u32 $0x200, s17;
	s17 =	sor.u32 $0x180, s17;
	s4 =	sadd.s32 s16, s25  }
0xe: {  	s26 =	sshrl.u32 s10, $0x3;
	s7 =	sadd.s32 s15, s7;
	s8 =	sshrl.u32 s8, $0x3  }
0xf: {  	s28 =	sshll.u32 s10, $0x4;
	s29 =	sshrl.u32 s11, $0x3;
	s18 =	sshll.u32 s11, $0x4  }
0x10: {  	s13 =	sshrl.u32 s13, $0x3;
	s31 =	sshrl.u32 s19, $0x3;
	s17 =	sshrl.u32 s17, $0x3  }
0x11: {  	s19 =	simm.s32 $0x100;
	s25 =	simm.s32 $0x6;
	s6 =	sadd.s32 s16, s26  }
0x12: {  	s8 =	sadd.s32 s16, s8;
	s9 =	sadd.s32 s15, s28;
	s10 =	sadd.s32 s16, s29  }
0x13: {  	s11 =	sadd.s32 $0x17000, s7;
	s12 =	sadd.s32 s15, s18;
	s13 =	sadd.s32 s13, s15  }
0x14: {  	s15 =	sadd.s32 s30, s15;
	s14 =	sadd.s32 s31, s16;
	s16 =	sadd.s32 s17, s16  }
0x15: {  	s17 =	simm.s32 $0x1;
	s18 =	simm.s32 $0x80;
	s15 =	sadd.s32 s20, s15  }
0x16: {  	s26 =	simm.s32 $0x0;
	s20 =	simm.s32 $0x3;
	s15 =	sadd.s32 $0x1800, s15  }
.LBB2_1:
0x17: {  	[tilespmem:s2], [sflag:$0x1] =	stream.linear.gather [hbm4b:s4+s2], $0x80, $0x38;
	[tilespmem:$0x8100] =	vst v63  }
0x18: {  	_ =	swait.ge [sflag:s17], $0x80  }
0x19: {  	[sflag:s17] =	ssyncset.done $0x0  }
0x1a: {  	[sflag:s17] =	ssyncadd.s32 $0xFFFFFF80  }
0x1b: {  	[tilespmem:s18], [sflag:$0x2] =	stream.linear.gather [hbm4b:s6+s2], $0x80, $0x38;
	[tilespmem:$0x8100] =	vst v63  }
0x1c: {  	_ = 	snop  }
0x1d: {  	[tilespmem:s19], [sflag:$0x3] =	stream.indirect.gather [hbm4b:s3+s18], $0x80, s2, s18, $0xb8;
	[tilespmem:$0x8100] =	vst v63  }
0x1e: {  	_ =	swait.ge [sflag:s20], $0x4000  }
0x1f: {  	[sflag:s20] =	ssyncset.done $0x0  }
0x20: {  	[sflag:s20] =	ssyncadd.s32 $0xFFFFC000  }
0x21: {  	[hbm4b:s7+s2] =	stream.linear.scatter [tilespmem:s19], [sflag:$0x5], $0x4000, $0x38;
	[tilespmem:$0x8100] =	vst v63  }
0x22: {  	_ =	swait.ge [sflag:s21], $0x80  }
0x23: {  	[sflag:s21] =	ssyncset.done $0x0  }
0x24: {  	[sflag:s21] =	ssyncadd.s32 $0xFFFFFF80  }
0x25: {  	[tilespmem:s2], [sflag:$0x1] =	stream.linear.gather [hbm4b:s8+s2], $0x80, $0x38;
	[tilespmem:$0x8100] =	vst v63  }
0x26: {  	_ = 	snop  }
0x27: {  	[tilespmem:s22], [sflag:$0x4] =	stream.indirect.gather [hbm4b:s3+s18], $0x80, s18, s18, $0xb8;
	[tilespmem:$0x8100] =	vst v63  }
0x28: {  	_ =	swait.ge [sflag:s23], $0x4000  }
0x29: {  	[sflag:s23] =	ssyncset.done $0x0  }
0x2a: {  	[sflag:s23] =	ssyncadd.s32 $0xFFFFC000  }
0x2b: {  	[hbm4b:s9+s2] =	stream.linear.scatter [tilespmem:s22], [sflag:$0x6], $0x4000, $0x38;
	[tilespmem:$0x8100] =	vst v63  }
0x2c: {  	_ =	swait.ge [sflag:s17], $0x80  }
0x2d: {  	[sflag:s17] =	ssyncset.done $0x0  }
0x2e: {  	s28 =	sadd.s32 $0x0, s16;
	[sflag:s17] =	ssyncadd.s32 $0xFFFFFF80  }
0x2f: {  	[tilespmem:s18], [sflag:$0x2] =	stream.linear.gather [hbm4b:s28+s2], $0x80, $0x38;
	[tilespmem:$0x8100] =	vst v63  }
0x30: {  	_ =	swait.ge [sflag:s24], $0x4000  }
0x31: {  	[sflag:s24] =	ssyncset.done $0x0  }
0x32: {  	[sflag:s24] =	ssyncadd.s32 $0xFFFFC000  }
0x33: {  	[tilespmem:s19], [sflag:$0x3] =	stream.indirect.gather [hbm4b:s3+s18], $0x80, s2, s18, $0xb8;
	[tilespmem:$0x8100] =	vst v63  }
0x34: {  	_ =	swait.ge [sflag:s20], $0x4000  }
0x35: {  	[sflag:s20] =	ssyncset.done $0x0  }
0x36: {  	[sflag:s20] =	ssyncadd.s32 $0xFFFFC000  }
0x37: {  	[hbm4b:s13+s2] =	stream.linear.scatter [tilespmem:s19], [sflag:$0x5], $0x4000, $0x38;
	[tilespmem:$0x8100] =	vst v63  }
0x38: {  	_ =	swait.ge [sflag:s21], $0x80  }
0x39: {  	[sflag:s21] =	ssyncset.done $0x0  }
0x3a: {  	s28 =	sadd.s32 $0x0, s14;
	[sflag:s21] =	ssyncadd.s32 $0xFFFFFF80  }
0x3b: {  	[tilespmem:s2], [sflag:$0x1] =	stream.linear.gather [hbm4b:s28+s2], $0x80, $0x38;
	[tilespmem:$0x8100] =	vst v63  }
0x3c: {  	_ =	swait.ge [sflag:s25], $0x4000  }
0x3d: {  	[sflag:s25] =	ssyncset.done $0x0  }
0x3e: {  	[sflag:s25] =	ssyncadd.s32 $0xFFFFC000  }
0x3f: {  	[tilespmem:s22], [sflag:$0x4] =	stream.indirect.gather [hbm4b:s3+s18], $0x80, s18, s18, $0xb8;
	[tilespmem:$0x8100] =	vst v63  }
0x40: {  	_ =	swait.ge [sflag:s23], $0x4000  }
0x41: {  	s29 =	sadd.s32 $0x1000, s13;
	s30 =	sadd.s32 $0x1000, s15;
	[sflag:s23] =	ssyncset.done $0x0  }
0x42: {  	s31 =	smov.u32 s15;
	s28 =	simm.s32 $0x20;
	[sflag:s23] =	ssyncadd.s32 $0xFFFFC000  }
.LBB2_2:
0x43: {  	[hbm4b:s31+s2] =	stream.linear.scatter [tilespmem:s22], [sflag:$0x6], $0x4000, $0x38;
	[tilespmem:$0x8100] =	vst v63  }
0x44: {  	s0 =	smov.u32 s28;
	s31 =	smov.u32 s30  }
0x45: {  	p0 =	sne.s32 s28, $0x2A0;
	s28 =	sadd.s32 $0x20, s28;
	_ =	swait.ge [sflag:s17], $0x80  }
0x46: {  	[sflag:s17] =	ssyncset.done $0x0  }
0x47: {  	s1 =	sadd.s32 s0, s16;
	[sflag:s17] =	ssyncadd.s32 $0xFFFFFF80  }
0x48: {  	[tilespmem:s18], [sflag:$0x2] =	stream.linear.gather [hbm4b:s1+s2], $0x80, $0x38;
	[tilespmem:$0x8100] =	vst v63  }
0x49: {  	_ =	swait.ge [sflag:s24], $0x4000  }
0x4a: {  	[sflag:s24] =	ssyncset.done $0x0  }
0x4b: {  	[sflag:s24] =	ssyncadd.s32 $0xFFFFC000  }
0x4c: {  	[tilespmem:s19], [sflag:$0x3] =	stream.indirect.gather [hbm4b:s3+s18], $0x80, s2, s18, $0xb8;
	[tilespmem:$0x8100] =	vst v63  }
0x4d: {  	_ =	swait.ge [sflag:s20], $0x4000  }
0x4e: {  	[sflag:s20] =	ssyncset.done $0x0  }
0x4f: {  	[sflag:s20] =	ssyncadd.s32 $0xFFFFC000  }
0x50: {  	[hbm4b:s29+s2] =	stream.linear.scatter [tilespmem:s19], [sflag:$0x5], $0x4000, $0x38;
	[tilespmem:$0x8100] =	vst v63  }
0x51: {  	_ =	swait.ge [sflag:s21], $0x80  }
0x52: {  	[sflag:s21] =	ssyncset.done $0x0  }
0x53: {  	s0 =	sadd.s32 s0, s14;
	[sflag:s21] =	ssyncadd.s32 $0xFFFFFF80  }
0x54: {  	[tilespmem:s2], [sflag:$0x1] =	stream.linear.gather [hbm4b:s0+s2], $0x80, $0x38;
	[tilespmem:$0x8100] =	vst v63  }
0x55: {  	_ =	swait.ge [sflag:s25], $0x4000  }
0x56: {  	[sflag:s25] =	ssyncset.done $0x0  }
.Ltmp0:
0x57: {  	[sflag:s25] =	ssyncadd.s32 $0xFFFFC000;
	(pc) =	sbr.rel @p0 .LBB2_2-.Ltmp0, $4  }
0x58: {  	[tilespmem:s22], [sflag:$0x4] =	stream.indirect.gather [hbm4b:s3+s18], $0x80, s18, s18, $0xb8;
	[tilespmem:$0x8100] =	vst v63  }
0x59: {  	_ =	swait.ge [sflag:s23], $0x4000  }
0x5a: {  	[sflag:s23] =	ssyncset.done $0x0  }
0x5b: {  	s30 =	sadd.s32 $0x1000, s30;
	s29 =	sadd.s32 $0x1000, s29;
	[sflag:s23] =	ssyncadd.s32 $0xFFFFC000  }
0x5c: {  	[hbm4b:s31+s2] =	stream.linear.scatter [tilespmem:s22], [sflag:$0x6], $0x4000, $0x38;
	[tilespmem:$0x8100] =	vst v63  }
0x5d: {  	_ =	swait.ge [sflag:s17], $0x80  }
0x5e: {  	[sflag:s17] =	ssyncset.done $0x0  }
0x5f: {  	[sflag:s17] =	ssyncadd.s32 $0xFFFFFF80  }
0x60: {  	[tilespmem:s18], [sflag:$0x2] =	stream.linear.gather [hbm4b:s10+s2], $0x80, $0x38;
	[tilespmem:$0x8100] =	vst v63  }
0x61: {  	_ =	swait.ge [sflag:s24], $0x4000  }
0x62: {  	[sflag:s24] =	ssyncset.done $0x0  }
0x63: {  	[sflag:s24] =	ssyncadd.s32 $0xFFFFC000  }
0x64: {  	[tilespmem:s19], [sflag:$0x3] =	stream.indirect.gather [hbm4b:s3+s18], $0x80, s2, s18, $0xb8;
	[tilespmem:$0x8100] =	vst v63  }
0x65: {  	_ =	swait.ge [sflag:s20], $0x4000  }
0x66: {  	[sflag:s20] =	ssyncset.done $0x0  }
0x67: {  	[sflag:s20] =	ssyncadd.s32 $0xFFFFC000  }
0x68: {  	[hbm4b:s11+s2] =	stream.linear.scatter [tilespmem:s19], [sflag:$0x5], $0x4000, $0x38;
	[tilespmem:$0x8100] =	vst v63  }
0x69: {  	_ =	swait.ge [sflag:s21], $0x80  }
0x6a: {  	[sflag:s21] =	ssyncset.done $0x0  }
0x6b: {  	[sflag:s21] =	ssyncadd.s32 $0xFFFFFF80  }
0x6c: {  	_ =	swait.ge [sflag:s25], $0x4000  }
0x6d: {  	[sflag:s25] =	ssyncset.done $0x0  }
0x6e: {  	[sflag:s25] =	ssyncadd.s32 $0xFFFFC000  }
0x6f: {  	[tilespmem:s22], [sflag:$0x4] =	stream.indirect.gather [hbm4b:s3+s18], $0x80, s18, s18, $0xb8;
	[tilespmem:$0x8100] =	vst v63  }
0x70: {  	_ =	swait.ge [sflag:s23], $0x4000  }
0x71: {  	[sflag:s23] =	ssyncset.done $0x0  }
0x72: {  	s26 =	sadd.s32 $0x1, s26;
	[sflag:s23] =	ssyncadd.s32 $0xFFFFC000  }
0x73: {  	[hbm4b:s12+s2] =	stream.linear.scatter [tilespmem:s22], [sflag:$0x6], $0x4000, $0x38;
	[tilespmem:$0x8100] =	vst v63  }
0x74: {  	p0 =	sne.s32 s26, s5;
	_ =	swait.ge [sflag:s24], $0x4000  }
.Ltmp1:
0x75: {  	[sflag:s24] =	ssyncset.done $0x0;
	(pc) =	sbr.rel @p0 .LBB2_1-.Ltmp1, $4  }
0x76: {  	[sflag:s24] =	ssyncadd.s32 $0xFFFFC000  }
0x77: {  	_ =	swait.ge [sflag:s25], $0x4000  }
0x78: {  	[sflag:s25] =	ssyncset.done $0x0  }
0x79: {  	[sflag:s25] =	ssyncadd.s32 $0xFFFFC000  }
0x7a: {  	_ =	sfence.sel $0x180000  }
0x7b: {  	[bflag:$0x0] =	sbarrier.arrive $0xFFFF  }
0x7c: {  	_ =	strace $0x90000053  }
0x7d: {  	s0 =	stileid.u32;
	[bflag:$0x2] =	sbarrier.arrive $0xFFFF  }
0x7e: {  	p0 =	sne.s32 s0, $0x0;
	s0 =	rddreg [dreg:$0x1]  }
0x7f: {  	s0 =	sadd.s32 @!p0 $0x100000, s0  }
0x80: {  	[sflag:s0] =	ssyncadd.tile.s32 @!p0 $0x1;
	_ =	shalt  }
.Lfunc_end2:
_tile_overlayer_lowered:
.L_overlay_start_2:
0x81: {  	(tag) =	ssettag $0x2  }
0x82: {  	s0 =	rddreg [dreg:$0x0];
	s2 =	stileid.u32  }
0x83: {  	s1 =	rddreg [dreg:$0x1];
	p0 =	sne.s32 s2, $0x0  }
0x84: {  	s3 =	rddreg [dreg:$0x2];
	[bflag:$0x3] =	sbarrier.arrive $0xFFFF;
	s2 =	simm.s32 @!p0 $0x1C07  }
0x85: {  	[timem:s3], [sflag:s2] =	dma.local @!p0 [hbm:s0], s1  }
0x86: {  	s0 =	simm.s32 @!p0 $0x7  }
0x87: {  	_ =	swait.ge @!p0 [sflag:s0], s1  }
0x88: {  	s1 =	ssub.s32 @!p0 $0x0, s1;
	[sflag:s0] =	ssyncset.done @!p0 $0x0  }
0x89: {  	[sflag:s0] =	ssyncadd.s32 @!p0 s1  }
0x8a: {  	[bflag:$0x3] =	sbarrier.arrive $0xFFFF  }
0x8b: {  	_ =	shalt  }

// kernel: kernel.31.cloned.1.call-start
scs
__scs_entry_jumppad:
0x0: {  	(pc) =	sbr.rel $0x88, $3  }
0x1: {  	(tag) =	ssettag $0x0;
	lr =	simm.s32 $0x1  }
0x2: {  	[smem:$0x3F99] =	sst lr;
	_ =	strace $0xD0000000  }
0x3: {  	_ = 	snop  }
0x4: {  	_ = 	snop  }
0x5: {  	_ = 	snop  }
0x6: {  	_ = 	snop  }
0x7: {  	_ = 	snop  }
__scs_overlays_trampoline_lowered:
0x8: {  	[smem:$0x3FA8] =	sst s0  }
0x9: {  	[smem:$0x3FA9] =	sst s1  }
0xa: {  	[smem:$0x3FAA] =	sst s2  }
0xb: {  	[smem:$0x3FAB] =	sst s3  }
0xc: {  	[smem:$0x3FAC] =	sst s4  }
0xd: {  	[smem:$0x3FAD] =	sst s5  }
0xe: {  	[smem:$0x3FAE] =	sst s6  }
0xf: {  	[smem:$0x3FAF] =	sst s7  }
0x10: {  	[smem:$0x3FB0] =	sst s8  }
0x11: {  	[smem:$0x3FB1] =	sst s9;
	s0 =	simm.s32 @!p0 $0x0  }
0x12: {  	s1 =	sld [smem:$0x3F97];
	s0 =	simm.s32 @p0 $0x1  }
0x13: {  	[smem:$0x3FB2] =	sst s0;
	s0 =	simm.s32 @!p1 $0x0  }
0x14: {  	s2 =	sld [smem:$0x3F96];
	s0 =	simm.s32 @p1 $0x1  }
0x15: {  	[smem:$0x3FB3] =	sst s0;
	s0 =	simm.s32 @!p2 $0x0  }
0x16: {  	s3 =	sld [smem:$0x3FDB];
	s0 =	simm.s32 @p2 $0x1  }
0x17: {  	s4 =	simm.s32 $0x1BF5;
	[smem:$0x3FB5] =	sst s0  }
0x18: {  	s0 =	sld [smem:$0x3F98];
	_ =	swait.ge [sflag:s4], $0x0  }
0x19: {  	s7 =	sld [smem:$0x3F99]  }
0x1a: {  	s8 =	sadd.s32 $0xFFFFE003, lr  }
0x1b: {  	s9 =	sadd.s32 $0xFFFFFEF7, lr;
	s5 =	simm.s32 $0xFFFFFFFF;
	p2 =	slt.u32 s8, $0xFFFFF086  }
0x1c: {  	p1 =	slt.u32 s9, $0xF7A;
	s5 =	simm.s32 @!p2 $0x0  }
0x1d: {  	s5 =	simm.s32 @p1 $0x1;
	p0 =	seq.s32 s7, s2  }
0x1e: {  	s7 =	smul.u32 @!p0 $0xF7A, s2;
	p2 =	seq.s32 @!p0 s5, $0x0  }
0x1f: {  	s9 =	smul.u32 $0xF7A, s1;
	s8 =	simm.s32 @!p0 $0x1BF5;
	p2 =	por !p2, p0  }
0x20: {  	[sflag:s8] =	ssyncset.s32 @!p0 $0xFFFFF086;
	s6 =	sadd.s32 @!p0 s3, s7;
	s7 =	simm.s32 @!p0 $0x108  }
0x21: {  	s3 =	sadd.s32 s3, s9;
	s6 =	sadd.s32 @!p0 $0x88, s6;
	s7 =	simm.s32 @p2 $0x1082  }
0x22: {  	[simem:s7], [sflag:s8] =	dma.local @!p0 [hbm:s6], $0xF7A  }
0x23: {  	s9 =	sor.u32 $0xD0000000, s2;
	s6 =	simm.s32 $0x108;
	_ =	swait.ge @!p0 [sflag:s8], $0x0  }
0x24: {  	s3 =	sadd.s32 $0x88, s3;
	s6 =	simm.s32 @!p1 $0x1082;
	[sflag:s4] =	ssyncset.s32 $0xFFFFF086  }
0x25: {  	[simem:s6], [sflag:s4] =	dma.local [hbm:s3], $0xF7A  }
0x26: {  	[smem:$0x3F99] =	sst s1;
	(tag) =	ssettag s2;
	_ =	strace s9  }
0x27: {  	s1 =	sld [smem:$0x3FA9]  }
0x28: {  	s2 =	sld [smem:$0x3FAA]  }
0x29: {  	s4 =	sld [smem:$0x3FAC]  }
0x2a: {  	p0 =	seq.s32 s5, $0x0;
	s5 =	sld [smem:$0x3FAD]  }
0x2b: {  	s6 =	sld [smem:$0x3FAE]  }
0x2c: {  	s7 =	sld [smem:$0x3FAF]  }
0x2d: {  	s3 =	simm.s32 $0x108;
	s8 =	sld [smem:$0x3FB0]  }
0x2e: {  	s3 =	simm.s32 @!p0 $0x1082;
	s9 =	sld [smem:$0x3FB1]  }
0x2f: {  	lr =	sadd.s32 s0, s3;
	s0 =	sld [smem:$0x3FA8]  }
0x30: {  	s3 =	sld [smem:$0x3FAB]  }
0x31: {  	[smem:$0x3FB4] =	sst s10  }
0x32: {  	s10 =	sld [smem:$0x3FB2];
	_ =	sdelay $0x3  }
0x33: {  	p0 =	seq.s32 s10, $0x1;
	s10 =	sld [smem:$0x3FB4];
	_ =	sdelay $0x3  }
0x34: {  	[smem:$0x3FB4] =	sst s10  }
0x35: {  	s10 =	sld [smem:$0x3FB3];
	_ =	sdelay $0x3  }
0x36: {  	p1 =	seq.s32 s10, $0x1;
	s10 =	sld [smem:$0x3FB4];
	_ =	sdelay $0x3  }
0x37: {  	[smem:$0x3FB4] =	sst s10  }
0x38: {  	s10 =	sld [smem:$0x3FB5]  }
0x39: {  	_ = 	snop;
	(pc) =	sbr.ind lr, $3  }
0x3a: {  	_ = 	snop  }
0x3b: {  	_ = 	snop  }
0x3c: {  	p2 =	seq.s32 s10, $0x1;
	s10 =	sld [smem:$0x3FB4]  }
0x3d: {  	_ =	shalt  }
0x3e: {  	_ =	shalt  }
0x3f: {  	_ =	shalt  }
0x40: {  	_ =	shalt  }
0x41: {  	_ =	shalt  }
0x42: {  	_ =	shalt  }
0x43: {  	_ =	shalt  }
0x44: {  	_ =	shalt  }
0x45: {  	_ =	shalt  }
0x46: {  	_ =	shalt  }
0x47: {  	_ =	shalt  }
0x48: {  	_ =	shalt  }
0x49: {  	_ =	shalt  }
0x4a: {  	_ =	shalt  }
0x4b: {  	_ =	shalt  }
0x4c: {  	_ =	shalt  }
0x4d: {  	_ =	shalt  }
0x4e: {  	_ =	shalt  }
0x4f: {  	_ =	shalt  }
0x50: {  	_ =	shalt  }
0x51: {  	_ =	shalt  }
0x52: {  	_ =	shalt  }
0x53: {  	_ =	shalt  }
0x54: {  	_ =	shalt  }
0x55: {  	_ =	shalt  }
0x56: {  	_ =	shalt  }
0x57: {  	_ =	shalt  }
0x58: {  	_ =	shalt  }
0x59: {  	_ =	shalt  }
0x5a: {  	_ =	shalt  }
0x5b: {  	_ =	shalt  }
0x5c: {  	_ =	shalt  }
0x5d: {  	_ =	shalt  }
0x5e: {  	_ =	shalt  }
0x5f: {  	_ =	shalt  }
0x60: {  	_ =	shalt  }
0x61: {  	_ =	shalt  }
0x62: {  	_ =	shalt  }
0x63: {  	_ =	shalt  }
0x64: {  	_ =	shalt  }
0x65: {  	_ =	shalt  }
0x66: {  	_ =	shalt  }
0x67: {  	_ =	shalt  }
0x68: {  	_ =	shalt  }
0x69: {  	_ =	shalt  }
0x6a: {  	_ =	shalt  }
0x6b: {  	_ =	shalt  }
0x6c: {  	_ =	shalt  }
0x6d: {  	_ =	shalt  }
0x6e: {  	_ =	shalt  }
0x6f: {  	_ =	shalt  }
0x70: {  	_ =	shalt  }
0x71: {  	_ =	shalt  }
0x72: {  	_ =	shalt  }
0x73: {  	_ =	shalt  }
0x74: {  	_ =	shalt  }
0x75: {  	_ =	shalt  }
0x76: {  	_ =	shalt  }
0x77: {  	_ =	shalt  }
0x78: {  	_ =	shalt  }
0x79: {  	_ =	shalt  }
0x7a: {  	_ =	shalt  }
0x7b: {  	_ =	shalt  }
0x7c: {  	_ =	shalt  }
0x7d: {  	_ =	shalt  }
0x7e: {  	_ =	shalt  }
0x7f: {  	_ =	shalt  }
0x80: {  	_ =	shalt  }
0x81: {  	_ =	shalt  }
0x82: {  	_ =	shalt  }
0x83: {  	_ =	shalt  }
0x84: {  	_ =	shalt  }
0x85: {  	_ =	shalt  }
0x86: {  	_ =	shalt  }
0x87: {  	_ =	shalt  }
.Lfunc_end0:
.L_simem_size_0:
called_computation.5_lowered:
.L_overlay_start_0:
0x88: {  	s2 =	sld [smem:$0x3FD9]  }
0x89: {  	s3 =	sld [smem:$0x3FFE];
	_ =	sdelay $0x1  }
0x8a: {  	s1 =	srdreg.scid  }
0x8b: {  	s0 =	sand.u32 $0x1, s1  }
0x8c: {  	s17 =	sshll.u32 s0, $0xA;
	s2 =	sadd.s32 s3, s2  }
0x8d: {  	s2 =	sadd.s32 s2, s17  }
0x8e: {  	[smem:$0x3FC0] =	sst s2  }
0x8f: {  	_ = 	snop  }
0x90: {  	(tm) =	ssettm $0x1  }
0x91: {  	s18 =	sld [smem:$0x3FFB];
	_ =	sdelay $0x3  }
0x92: {  	_ =	strace s18  }
0x93: {  	s2 =	sld [smem:$0x3FFC];
	_ =	sdelay $0x3  }
0x94: {  	_ =	strace s2  }
0x95: {  	s2 =	sld [smem:$0x3FFD];
	_ =	sdelay $0x3  }
0x96: {  	_ =	strace s2  }
0x97: {  	_ =	strace $0x8FFFFFFF  }
0x98: {  	s19 =	sld [smem:$0x3FDB];
	_ =	sdelay $0x1  }
0x99: {  	s20 =	simm.s32 $_scs_section_size  }
0x9a: {  	s4 =	simm.s32 $_size__tile_overlayer_lowered;
	s5 =	simm.s32 $_tile_overlayer_lowered  }
0x9b: {  	s6 =	simm.s32 $0x1BFF;
	s21 =	sshll.u32 s5, $0x1;
	s3 =	sadd.s32 s20, s19  }
0x9c: {  	s22 =	simm.s32 $0x0;
	s4 =	sshll.u32 s4, $0x1;
	s5 =	sadd.s32 s21, s3  }
0x9d: {  	[timem:s22], [sflag:s6] =	dma.local [hbm:s5], s4  }
0x9e: {  	_ =	swait.ge [sflag:s6], s4  }
0x9f: {  	s4 =	ssub.s32 $0x0, s4;
	[sflag:s6] =	ssyncset.done $0x0  }
0xa0: {  	[sflag:s6] =	ssyncadd.s32 s4;
	_ =	sdelay $0x1  }
0xa1: {  	s23 =	simm.s32 $0x1B8B  }
0xa2: {  	_ =	swait.ge [sflag:s23], $0x1  }
0xa3: {  	[sflag:s23] =	ssyncset.done $0x0  }
0xa4: {  	[sflag:s23] =	ssyncadd.s32 $0xFFFFFFFF  }
0xa5: {  	s4 =	sld [smem:$0x0]  }
0xa6: {  	s5 =	sand.u32 $0xFFFFFFFE, s1  }
0xa7: {  	p0 =	sne.s32 s1, s5  }
0xa8: {  	s5 =	sshll.u32 @p0 s5, $0xE  }
0xa9: {  	s5 =	sadd.s32 @p0 $0x11B8D, s5;
	s6 =	sshll.u32 @p0 s4, $0x11  }
0xaa: {  	s5 =	sor.u32 @p0 s6, s5  }
0xab: {  	[sflag:s5] =	ssyncadd.remote.s32 @p0 $0x1;
	_ =	sdelay $0x1  }
0xac: {  	s5 =	simm.s32 @p0 $0x1B8D  }
0xad: {  	_ =	swait.eq @p0 [sflag:s5], $0x1  }
0xae: {  	[sflag:s5] =	ssyncadd.s32 @p0 $0xFFFFFFFF  }
0xaf: {  	s6 =	sshll.u32 @!p0 s1, $0xE  }
0xb0: {  	s6 =	sor.u32 @!p0 $0x4000, s6;
	s5 =	simm.s32 @!p0 $0x1B8D  }
0xb1: {  	s4 =	sshll.u32 @!p0 s4, $0x11;
	s6 =	sadd.s32 @!p0 $0x11B8D, s6;
	_ =	swait.eq @!p0 [sflag:s5], $0x1  }
0xb2: {  	s4 =	sor.u32 @!p0 s4, s6;
	[sflag:s5] =	ssyncadd.s32 @!p0 $0xFFFFFFFF  }
0xb3: {  	s25 =	simm.s32 $0x1B8E;
	s24 =	sld [smem:$0x3FFE];
	[sflag:s4] =	ssyncadd.remote.s32 @!p0 $0x1  }
0xb4: {  	s26 =	simm.s32 $execute0_lowered;
	[smem:$0x3FD2] =	sst s25  }
0xb5: {  	s5 =	sshll.u32 s26, $0x1;
	_ =	strace $0x80000055;
	[dreg:$0x1] =	wrdreg $0xFFFFFFFF  }
0xb6: {  	s28 =	simm.s32 $_size_execute0_lowered;
	s3 =	sadd.s32 s3, s5;
	[dreg:$0x0] =	wrdreg $0x0  }
0xb7: {  	s5 =	sshll.u32 s28, $0x1;
	[dreg:$0x2] =	wrdreg s3  }
0xb8: {  	[dreg:$0x3] =	wrdreg s5  }
0xb9: {  	[dreg:$0x4] =	wrdreg $0xC0  }
0xba: {  	_ =	task [dreg:s22], $0x5FFFF  }
0xbb: {  	[dreg:$0x1] =	wrdreg $0xFFFFFFFF  }
0xbc: {  	[dreg:$0x0] =	wrdreg $0x60  }
0xbd: {  	[dreg:$0x2] =	wrdreg s24  }
0xbe: {  	[dreg:$0x3] =	wrdreg $0xA  }
0xbf: {  	_ =	task.clear_ibuf [dreg:s22], $0x4FFFF;
	_ =	strace $0x90000055  }
0xc0: {  	s29 =	simm.s32 $0xA;
	_ =	strace $0x80000057  }
0xc1: {  	_ =	swait.ge [sflag:s29], $0x1  }
0xc2: {  	[sflag:s29] =	ssyncadd.s32 $0xFFFFFFFF  }
0xc3: {  	_ =	strace $0x90000057  }
0xc4: {  	_ =	sfence  }
0xc5: {  	s30 =	sld [smem:$0x0];
	_ =	sdelay $0x2  }
0xc6: {  	s31 =	sshll.u32 s1, $0xD;
	s1 =	sshrl.u32 s1, $0x2  }
0xc7: {  	s4 =	sand.u32 $0x4000, s31;
	s1 =	sadd.s32 s1, s30  }
0xc8: {  	s0 =	sor.u32 s4, s0;
	s1 =	sshll.u32 s1, $0x11  }
0xc9: {  	s0 =	sor.u32 s1, s0  }
0xca: {  	s0 =	sadd.s32 $0x8F2B, s0  }
0xcb: {  	[sflag:s0] =	ssyncadd.remote.s32 $0x1  }
0xcc: {  	_ =	sfence.sel $0xFFFF  }
0xcd: {  	[dreg:$0x0] =	wrdreg $0xFFFFFFFF;
	(pc) =	sbr.abs _section_cstart, $3  }
0xce: {  	[dreg:$0x1] =	wrdreg $0xFFFFFFFF  }
0xcf: {  	_ =	task.clear_ibuf [dreg:s22], $0x2FFFF;
	_ =	strace $0x9FFFFFFF  }
0xd0: {  	(tm) =	ssettm $0x7FFFFFFF  }
0xd1: {  	_ =	shalt  }
tec
execute0_lowered:
.L_overlay_start_1:
0x0: {  	(tag) =	ssettag $0x1  }
0x1: {  	s4 =	rddreg [dreg:$0x0]  }
0x2: {  	s3 =	srdreg.scid;
	s0 =	stileid.u32;
	s2 =	simm.s32 $0x0  }
0x3: {  	s21 =	simm.s32 $0x2;
	s22 =	simm.s32 $0x4100;
	s11 =	smul.u32 $0x180000, s0  }
0x4: {  	s23 =	simm.s32 $0x4;
	s24 =	simm.s32 $0x5;
	s17 =	smul.u32 $0x3000, s0  }
0x5: {  	s25 =	simm.s32 $0x6;
	s14 =	sand.u32 $0x1, s3;
	s30 =	smul.u32 $0x30000, s0  }
0x6: {  	s26 =	sshll.u32 s0, $0x1;
	s16 =	sadd.s32 $0x666A00, s4;
	s13 =	smul.u32 $0xC0000, s14  }
0x7: {  	[smem:$0x7FF] =	sst s2;
	s3 =	sadd.s32 $0x646A00, s4;
	s18 =	smul.u32 $0x1800, s14  }
0x8: {  	s15 =	sadd.s32 $0x972A00, s4;
	s6 =	sor.u32 s14, s26;
	s20 =	smul.u32 $0x18000, s14  }
0x9: {  	_ =	strace $0x80000056;
	s7 =	ssub.s32 $0x2, s14;
	s5 =	smul.u32 $0x1800, s6  }
0xa: {  	s26 =	simm.s32 $0x0;
	s28 =	sshrl.u32 s7, $0x1;
	s8 =	smul.u32 $0xC0000, s6  }
0xb: {  	s9 =	smul.u32 $0x18000, s6;
	s7 =	ssub.s32 s7, s28;
	s13 =	sadd.s32 s13, s11  }
0xc: {  	s17 =	sadd.s32 s18, s17;
	s18 =	simm.s32 $0x80;
	s5 =	sshrl.u32 s5, $0x3  }
0xd: {  	s29 =	sshrl.u32 s8, $0x3;
	s12 =	sadd.s32 s15, s9;
	s13 =	sor.u32 $0x8000, s13  }
0xe: {  	s19 =	sadd.s32 $0x30200, s17;
	s17 =	sadd.s32 $0x30180, s17;
	s10 =	sadd.s32 s16, s5  }
0xf: {  	s5 =	smax.u32 s7, $0x1;
	s7 =	sadd.s32 s15, s29;
	s9 =	sadd.s32 $0x800, s12  }
0x10: {  	s12 =	sadd.s32 $0x17800, s12;
	s13 =	sshrl.u32 s13, $0x3;
	s31 =	sshrl.u32 s19, $0x3  }
0x11: {  	s17 =	sshrl.u32 s17, $0x3;
	s19 =	simm.s32 $0x100;
	s4 =	sadd.s32 $0x6000, s10  }
0x12: {  	s6 =	sadd.s32 $0x6010, s10;
	s8 =	sadd.s32 $0x6020, s10;
	s10 =	sadd.s32 $0x62F0, s10  }
0x13: {  	s11 =	sadd.s32 $0x17000, s7;
	s13 =	sadd.s32 s13, s15;
	s15 =	sadd.s32 s30, s15  }
0x14: {  	s14 =	sadd.s32 s31, s16;
	s16 =	sadd.s32 s17, s16;
	s15 =	sadd.s32 s20, s15  }
0x15: {  	s17 =	simm.s32 $0x1;
	s20 =	simm.s32 $0x3;
	s15 =	sadd.s32 $0x1800, s15  }
.LBB2_1:
0x16: {  	[tilespmem:s2], [sflag:$0x1] =	stream.linear.gather [hbm4b:s4+s2], $0x80, $0x38;
	[tilespmem:$0x8100] =	vst v63  }
0x17: {  	_ =	swait.ge [sflag:s17], $0x80  }
0x18: {  	[sflag:s17] =	ssyncset.done $0x0  }
0x19: {  	[sflag:s17] =	ssyncadd.s32 $0xFFFFFF80  }
0x1a: {  	[tilespmem:s18], [sflag:$0x2] =	stream.linear.gather [hbm4b:s6+s2], $0x80, $0x38;
	[tilespmem:$0x8100] =	vst v63  }
0x1b: {  	_ = 	snop  }
0x1c: {  	[tilespmem:s19], [sflag:$0x3] =	stream.indirect.gather [hbm4b:s3+s18], $0x80, s2, s18, $0xb8;
	[tilespmem:$0x8100] =	vst v63  }
0x1d: {  	_ =	swait.ge [sflag:s20], $0x4000  }
0x1e: {  	[sflag:s20] =	ssyncset.done $0x0  }
0x1f: {  	[sflag:s20] =	ssyncadd.s32 $0xFFFFC000  }
0x20: {  	[hbm4b:s7+s2] =	stream.linear.scatter [tilespmem:s19], [sflag:$0x5], $0x4000, $0x38;
	[tilespmem:$0x8100] =	vst v63  }
0x21: {  	_ =	swait.ge [sflag:s21], $0x80  }
0x22: {  	[sflag:s21] =	ssyncset.done $0x0  }
0x23: {  	[sflag:s21] =	ssyncadd.s32 $0xFFFFFF80  }
0x24: {  	[tilespmem:s2], [sflag:$0x1] =	stream.linear.gather [hbm4b:s8+s2], $0x80, $0x38;
	[tilespmem:$0x8100] =	vst v63  }
0x25: {  	_ = 	snop  }
0x26: {  	[tilespmem:s22], [sflag:$0x4] =	stream.indirect.gather [hbm4b:s3+s18], $0x80, s18, s18, $0xb8;
	[tilespmem:$0x8100] =	vst v63  }
0x27: {  	_ =	swait.ge [sflag:s23], $0x4000  }
0x28: {  	[sflag:s23] =	ssyncset.done $0x0  }
0x29: {  	[sflag:s23] =	ssyncadd.s32 $0xFFFFC000  }
0x2a: {  	[hbm4b:s9+s2] =	stream.linear.scatter [tilespmem:s22], [sflag:$0x6], $0x4000, $0x38;
	[tilespmem:$0x8100] =	vst v63  }
0x2b: {  	_ =	swait.ge [sflag:s17], $0x80  }
0x2c: {  	[sflag:s17] =	ssyncset.done $0x0  }
0x2d: {  	s28 =	sadd.s32 $0x0, s16;
	[sflag:s17] =	ssyncadd.s32 $0xFFFFFF80  }
0x2e: {  	[tilespmem:s18], [sflag:$0x2] =	stream.linear.gather [hbm4b:s28+s2], $0x80, $0x38;
	[tilespmem:$0x8100] =	vst v63  }
0x2f: {  	_ =	swait.ge [sflag:s24], $0x4000  }
0x30: {  	[sflag:s24] =	ssyncset.done $0x0  }
0x31: {  	[sflag:s24] =	ssyncadd.s32 $0xFFFFC000  }
0x32: {  	[tilespmem:s19], [sflag:$0x3] =	stream.indirect.gather [hbm4b:s3+s18], $0x80, s2, s18, $0xb8;
	[tilespmem:$0x8100] =	vst v63  }
0x33: {  	_ =	swait.ge [sflag:s20], $0x4000  }
0x34: {  	[sflag:s20] =	ssyncset.done $0x0  }
0x35: {  	[sflag:s20] =	ssyncadd.s32 $0xFFFFC000  }
0x36: {  	[hbm4b:s13+s2] =	stream.linear.scatter [tilespmem:s19], [sflag:$0x5], $0x4000, $0x38;
	[tilespmem:$0x8100] =	vst v63  }
0x37: {  	_ =	swait.ge [sflag:s21], $0x80  }
0x38: {  	[sflag:s21] =	ssyncset.done $0x0  }
0x39: {  	s28 =	sadd.s32 $0x0, s14;
	[sflag:s21] =	ssyncadd.s32 $0xFFFFFF80  }
0x3a: {  	[tilespmem:s2], [sflag:$0x1] =	stream.linear.gather [hbm4b:s28+s2], $0x80, $0x38;
	[tilespmem:$0x8100] =	vst v63  }
0x3b: {  	_ =	swait.ge [sflag:s25], $0x4000  }
0x3c: {  	[sflag:s25] =	ssyncset.done $0x0  }
0x3d: {  	[sflag:s25] =	ssyncadd.s32 $0xFFFFC000  }
0x3e: {  	[tilespmem:s22], [sflag:$0x4] =	stream.indirect.gather [hbm4b:s3+s18], $0x80, s18, s18, $0xb8;
	[tilespmem:$0x8100] =	vst v63  }
0x3f: {  	_ =	swait.ge [sflag:s23], $0x4000  }
0x40: {  	s29 =	sadd.s32 $0x1000, s13;
	s30 =	sadd.s32 $0x1000, s15;
	[sflag:s23] =	ssyncset.done $0x0  }
0x41: {  	s31 =	smov.u32 s15;
	s28 =	simm.s32 $0x20;
	[sflag:s23] =	ssyncadd.s32 $0xFFFFC000  }
.LBB2_2:
0x42: {  	[hbm4b:s31+s2] =	stream.linear.scatter [tilespmem:s22], [sflag:$0x6], $0x4000, $0x38;
	[tilespmem:$0x8100] =	vst v63  }
0x43: {  	s0 =	smov.u32 s28;
	s31 =	smov.u32 s30  }
0x44: {  	p0 =	sne.s32 s28, $0x2A0;
	s28 =	sadd.s32 $0x20, s28;
	_ =	swait.ge [sflag:s17], $0x80  }
0x45: {  	[sflag:s17] =	ssyncset.done $0x0  }
0x46: {  	s1 =	sadd.s32 s0, s16;
	[sflag:s17] =	ssyncadd.s32 $0xFFFFFF80  }
0x47: {  	[tilespmem:s18], [sflag:$0x2] =	stream.linear.gather [hbm4b:s1+s2], $0x80, $0x38;
	[tilespmem:$0x8100] =	vst v63  }
0x48: {  	_ =	swait.ge [sflag:s24], $0x4000  }
0x49: {  	[sflag:s24] =	ssyncset.done $0x0  }
0x4a: {  	[sflag:s24] =	ssyncadd.s32 $0xFFFFC000  }
0x4b: {  	[tilespmem:s19], [sflag:$0x3] =	stream.indirect.gather [hbm4b:s3+s18], $0x80, s2, s18, $0xb8;
	[tilespmem:$0x8100] =	vst v63  }
0x4c: {  	_ =	swait.ge [sflag:s20], $0x4000  }
0x4d: {  	[sflag:s20] =	ssyncset.done $0x0  }
0x4e: {  	[sflag:s20] =	ssyncadd.s32 $0xFFFFC000  }
0x4f: {  	[hbm4b:s29+s2] =	stream.linear.scatter [tilespmem:s19], [sflag:$0x5], $0x4000, $0x38;
	[tilespmem:$0x8100] =	vst v63  }
0x50: {  	_ =	swait.ge [sflag:s21], $0x80  }
0x51: {  	[sflag:s21] =	ssyncset.done $0x0  }
0x52: {  	s0 =	sadd.s32 s0, s14;
	[sflag:s21] =	ssyncadd.s32 $0xFFFFFF80  }
0x53: {  	[tilespmem:s2], [sflag:$0x1] =	stream.linear.gather [hbm4b:s0+s2], $0x80, $0x38;
	[tilespmem:$0x8100] =	vst v63  }
0x54: {  	_ =	swait.ge [sflag:s25], $0x4000  }
0x55: {  	[sflag:s25] =	ssyncset.done $0x0  }
.Ltmp0:
0x56: {  	[sflag:s25] =	ssyncadd.s32 $0xFFFFC000;
	(pc) =	sbr.rel @p0 .LBB2_2-.Ltmp0, $4  }
0x57: {  	[tilespmem:s22], [sflag:$0x4] =	stream.indirect.gather [hbm4b:s3+s18], $0x80, s18, s18, $0xb8;
	[tilespmem:$0x8100] =	vst v63  }
0x58: {  	_ =	swait.ge [sflag:s23], $0x4000  }
0x59: {  	[sflag:s23] =	ssyncset.done $0x0  }
0x5a: {  	s30 =	sadd.s32 $0x1000, s30;
	s29 =	sadd.s32 $0x1000, s29;
	[sflag:s23] =	ssyncadd.s32 $0xFFFFC000  }
0x5b: {  	[hbm4b:s31+s2] =	stream.linear.scatter [tilespmem:s22], [sflag:$0x6], $0x4000, $0x38;
	[tilespmem:$0x8100] =	vst v63  }
0x5c: {  	_ =	swait.ge [sflag:s17], $0x80  }
0x5d: {  	[sflag:s17] =	ssyncset.done $0x0  }
0x5e: {  	[sflag:s17] =	ssyncadd.s32 $0xFFFFFF80  }
0x5f: {  	[tilespmem:s18], [sflag:$0x2] =	stream.linear.gather [hbm4b:s10+s2], $0x80, $0x38;
	[tilespmem:$0x8100] =	vst v63  }
0x60: {  	_ =	swait.ge [sflag:s24], $0x4000  }
0x61: {  	[sflag:s24] =	ssyncset.done $0x0  }
0x62: {  	[sflag:s24] =	ssyncadd.s32 $0xFFFFC000  }
0x63: {  	[tilespmem:s19], [sflag:$0x3] =	stream.indirect.gather [hbm4b:s3+s18], $0x80, s2, s18, $0xb8;
	[tilespmem:$0x8100] =	vst v63  }
0x64: {  	_ =	swait.ge [sflag:s20], $0x4000  }
0x65: {  	[sflag:s20] =	ssyncset.done $0x0  }
0x66: {  	[sflag:s20] =	ssyncadd.s32 $0xFFFFC000  }
0x67: {  	[hbm4b:s11+s2] =	stream.linear.scatter [tilespmem:s19], [sflag:$0x5], $0x4000, $0x38;
	[tilespmem:$0x8100] =	vst v63  }
0x68: {  	_ =	swait.ge [sflag:s21], $0x80  }
0x69: {  	[sflag:s21] =	ssyncset.done $0x0  }
0x6a: {  	[sflag:s21] =	ssyncadd.s32 $0xFFFFFF80  }
0x6b: {  	_ =	swait.ge [sflag:s25], $0x4000  }
0x6c: {  	[sflag:s25] =	ssyncset.done $0x0  }
0x6d: {  	[sflag:s25] =	ssyncadd.s32 $0xFFFFC000  }
0x6e: {  	[tilespmem:s22], [sflag:$0x4] =	stream.indirect.gather [hbm4b:s3+s18], $0x80, s18, s18, $0xb8;
	[tilespmem:$0x8100] =	vst v63  }
0x6f: {  	_ =	swait.ge [sflag:s23], $0x4000  }
0x70: {  	[sflag:s23] =	ssyncset.done $0x0  }
0x71: {  	s26 =	sadd.s32 $0x1, s26;
	[sflag:s23] =	ssyncadd.s32 $0xFFFFC000  }
0x72: {  	[hbm4b:s12+s2] =	stream.linear.scatter [tilespmem:s22], [sflag:$0x6], $0x4000, $0x38;
	[tilespmem:$0x8100] =	vst v63  }
0x73: {  	p0 =	sne.s32 s26, s5;
	_ =	swait.ge [sflag:s24], $0x4000  }
.Ltmp1:
0x74: {  	[sflag:s24] =	ssyncset.done $0x0;
	(pc) =	sbr.rel @p0 .LBB2_1-.Ltmp1, $4  }
0x75: {  	[sflag:s24] =	ssyncadd.s32 $0xFFFFC000  }
0x76: {  	_ =	swait.ge [sflag:s25], $0x4000  }
0x77: {  	[sflag:s25] =	ssyncset.done $0x0  }
0x78: {  	[sflag:s25] =	ssyncadd.s32 $0xFFFFC000  }
0x79: {  	_ =	sfence.sel $0x180000  }
0x7a: {  	[bflag:$0x0] =	sbarrier.arrive $0xFFFF  }
0x7b: {  	_ =	strace $0x90000056  }
0x7c: {  	s0 =	stileid.u32;
	[bflag:$0x2] =	sbarrier.arrive $0xFFFF  }
0x7d: {  	p0 =	sne.s32 s0, $0x0;
	s0 =	rddreg [dreg:$0x1]  }
0x7e: {  	s0 =	sadd.s32 @!p0 $0x100000, s0  }
0x7f: {  	[sflag:s0] =	ssyncadd.tile.s32 @!p0 $0x1;
	_ =	shalt  }
.Lfunc_end2:
_tile_overlayer_lowered:
.L_overlay_start_2:
0x80: {  	(tag) =	ssettag $0x2  }
0x81: {  	s0 =	rddreg [dreg:$0x0];
	s2 =	stileid.u32  }
0x82: {  	s1 =	rddreg [dreg:$0x1];
	p0 =	sne.s32 s2, $0x0  }
0x83: {  	s3 =	rddreg [dreg:$0x2];
	[bflag:$0x3] =	sbarrier.arrive $0xFFFF;
	s2 =	simm.s32 @!p0 $0x1C07  }
0x84: {  	[timem:s3], [sflag:s2] =	dma.local @!p0 [hbm:s0], s1  }
0x85: {  	s0 =	simm.s32 @!p0 $0x7  }
0x86: {  	_ =	swait.ge @!p0 [sflag:s0], s1  }
0x87: {  	s1 =	ssub.s32 @!p0 $0x0, s1;
	[sflag:s0] =	ssyncset.done @!p0 $0x0  }
0x88: {  	[sflag:s0] =	ssyncadd.s32 @!p0 s1  }
0x89: {  	[bflag:$0x3] =	sbarrier.arrive $0xFFFF  }
0x8a: {  	_ =	shalt  }

</sc_bundles>
